<compile_context>
chip_gen: v7x
topology: tpu7x:2x2x1
jax: 0.10.2.dev20260603
libtpu: 0.0.44.dev20260713+nightly
codegen_flags: <defaults>
</compile_context>

<pallas_src>
import functools

import jax
import jax.numpy as jnp
from jax import lax
from jax.experimental import pallas as pl
from jax.experimental.pallas import tpu as pltpu
from jax.experimental.pallas import tpu_sc as plsc

GRID_N = 8
NGRID = GRID_N ** 3
KNN = 8
CD = 64
HID = 64
NLAYERS = 3
XPAD = 16
HEND = XPAD + CD
F = 128
BIGF = 3.0e38

SC_CORES = 2
SC_SUBCORES = 16
SC_WORKERS = SC_CORES * SC_SUBCORES

ROWT = 512
PT = 512


def _silu(v):
    return v * jax.nn.sigmoid(v)


def _mm(a, b):
    return jnp.dot(a, b, preferred_element_type=jnp.float32,
                   precision=lax.Precision.HIGHEST)


_mmh = _mm



def _knn_body(coords_ref, ct_ref, nbr_ref, *, T, bconst):
    b = bconst
    t = pl.program_id(0)
    R = coords_ref.shape[0]
    cols = lax.broadcasted_iota(jnp.int32, (R, T), 1)
    rows_local = t * R + lax.broadcasted_iota(jnp.int32, (R, T), 0)
    d2 = jnp.zeros((R, T), jnp.float32)
    for d in range(3):
        diff = coords_ref[:, d][:, None] - ct_ref[0, d, :][None, :]
        d2 = d2 + diff * diff
    key = (lax.bitcast_convert_type(d2, jnp.int32) & ~0x1FFF) | cols
    key = jnp.where(rows_local == cols, jnp.int32(0x7FFFFFFF), key)
    picks = []
    for _ in range(KNN):
        mval = jnp.min(key, axis=1, keepdims=True)
        picks.append(mval & 0x1FFF)
        key = jnp.where(key == mval, jnp.int32(0x7FFFFFFF), key)
    nbr_ref[...] = jnp.concatenate(picks, axis=1) + b * T


def _knn(coords_pad, ct, bconst, T):
    ntile = T // ROWT
    return pl.pallas_call(
        functools.partial(_knn_body, T=T, bconst=bconst),
        grid=(ntile,),
        in_specs=[
            pl.BlockSpec((ROWT, 8), lambda t, b=bconst: (b * (T // ROWT) + t, 0)),
            pl.BlockSpec((1, 8, T), lambda t, b=bconst: (b, 0, 0)),
        ],
        out_specs=pl.BlockSpec((ROWT, KNN), lambda t: (t, 0)),
        out_shape=jax.ShapeDtypeStruct((T, KNN), jnp.int32),
    )(coords_pad, ct)



def _sc_gather(xh, idx3, E, chunk, nchunk):
    mesh = plsc.VectorSubcoreMesh(
        core_axis_name="c", subcore_axis_name="s",
        num_cores=SC_CORES, num_subcores=SC_SUBCORES)

    @functools.partial(
        pl.kernel,
        out_type=jax.ShapeDtypeStruct((E, F), jnp.float32),
        mesh=mesh,
        compiler_params=pltpu.CompilerParams(use_tc_tiling_on_sc=False),
        scratch_types=[
            pltpu.VMEM((nchunk, chunk), jnp.int32),
            pltpu.VMEM((chunk, F), jnp.float32),
            pltpu.VMEM((chunk, F), jnp.float32),
            pltpu.SemaphoreType.DMA,
            pltpu.SemaphoreType.DMA,
        ],
    )
    def k(table_hbm, idx_hbm, out_hbm, idx_v, rows_a, rows_b, sem_a, sem_b):
        wid = lax.axis_index("s") * SC_CORES + lax.axis_index("c")
        base = wid * (nchunk * chunk)
        pltpu.sync_copy(idx_hbm.at[wid], idx_v)
        bufs = [(rows_a, sem_a), (rows_b, sem_b)]
        handles = [None, None]
        handles[0] = pltpu.async_copy(table_hbm.at[idx_v.at[0]], rows_a, sem_a)
        for c in range(nchunk):
            if c + 1 < nchunk:
                buf, sem = bufs[(c + 1) % 2]
                handles[(c + 1) % 2] = pltpu.async_copy(
                    table_hbm.at[idx_v.at[c + 1]], buf, sem)
            handles[c % 2].wait()
            pltpu.sync_copy(bufs[c % 2][0],
                            out_hbm.at[pl.ds(base + c * chunk, chunk)])

    return k(xh, idx3)



def _layer_body(g_ref, xh_ref, we1a_ref, we1b_ref, we1d_ref, be1_ref,
                we2_ref, be2_ref, wc_ref, bc_ref, wn1a_ref, wn1b_ref,
                bn1_ref, wn2_ref, bn2_ref, out_ref):
    P = xh_ref.shape[0]
    E = P * KNN
    xh = xh_ref[...]
    xc = xh[:, 0:XPAD]
    hc = xh[:, XPAD:HEND]

    hcw = _mm(hc, we1b_ref[...]) + be1_ref[...]
    acc_m = jnp.zeros((P, HID), jnp.float32)
    acc_dx = jnp.zeros((P, XPAD), jnp.float32)
    for k in range(KNN):
        xr = g_ref[k, :, 0:XPAD]
        hr = g_ref[k, :, XPAD:HEND]
        rel = xr - xc
        dist = jnp.sqrt(jnp.sum(rel * rel, axis=1, keepdims=True))
        a1 = _silu(_mm(hr, we1a_ref[...]) + hcw + dist * we1d_ref[...])
        m = _silu(_mm(a1, we2_ref[...]) + be2_ref[...])
        coef = jnp.sum(m * wc_ref[...], axis=1, keepdims=True) + bc_ref[0, 0]
        acc_dx = acc_dx + coef * (rel / (dist + 1e-8))
        acc_m = acc_m + m
    ma = acc_m * (1.0 / KNN)
    dx = acc_dx * (1.0 / KNN)
    n1 = _silu(_mm(hc, wn1a_ref[...]) + _mm(ma, wn1b_ref[...]) + bn1_ref[...])
    hn = hc + _mm(n1, wn2_ref[...]) + bn2_ref[...]
    out_ref[...] = jnp.concatenate(
        [xc + dx, hn, jnp.zeros((P, F - HEND), jnp.float32)], axis=1)


def _layer(g, xh, we1a, we1b, we1d, be1, we2, be2, wc, bc,
           wn1a, wn1b, bn1, wn2, bn2, Nh, toff):
    ntile = Nh // PT
    wspec = lambda shape: pl.BlockSpec(shape, lambda i: tuple(0 for _ in shape))
    return pl.pallas_call(
        _layer_body,
        grid=(ntile,),
        in_specs=[
            pl.BlockSpec((KNN, PT, F), lambda i: (0, i, 0)),
            pl.BlockSpec((PT, F), lambda i, o=toff: (o + i, 0)),
            wspec((HID, HID)), wspec((HID, HID)), wspec((1, HID)),
            wspec((1, HID)), wspec((HID, HID)), wspec((1, HID)),
            wspec((1, HID)), wspec((1, 1)), wspec((HID, HID)),
            wspec((HID, HID)), wspec((1, HID)), wspec((HID, CD)),
            wspec((1, CD)),
        ],
        out_specs=pl.BlockSpec((PT, F), lambda i: (i, 0)),
        out_shape=jax.ShapeDtypeStruct((Nh, F), jnp.float32),
    )(g, xh, we1a, we1b, we1d, be1, we2, be2, wc, bc,
      wn1a, wn1b, bn1, wn2, bn2)



def _readout_body(xh_ref, wf1_ref, bf1_ref, wf2_ref, bf2_ref, sel_ref,
                  out_ref):
    xh = xh_ref[...]
    x = xh[:, 0:XPAD]
    h = xh[:, XPAD:HEND]
    a = jnp.maximum(_mm(h, wf1_ref[...]) + bf1_ref[...], 0.0)
    pred = _mm(a, wf2_ref[...]) + bf2_ref[...]
    out_ref[...] = _mm(x, sel_ref[...]) - pred


def _readout(xh, wf1, bf1, wf2, bf2, sel, B, T, n_points, odim):
    qtile = 512
    ntile = n_points // qtile
    wspec = lambda shape: pl.BlockSpec(shape, lambda b, t: tuple(0 for _ in shape))
    return pl.pallas_call(
        _readout_body,
        grid=(B, ntile),
        in_specs=[
            pl.BlockSpec((qtile, F), lambda b, t: (b * (T // qtile) + t, 0)),
            wspec((CD, HID)), wspec((1, HID)), wspec((HID, odim)),
            wspec((1, odim)), wspec((XPAD, odim)),
        ],
        out_specs=pl.BlockSpec((qtile, odim), lambda b, t: (b * ntile + t, 0)),
        out_shape=jax.ShapeDtypeStruct((B * n_points, odim), jnp.float32),
    )(xh, wf1, bf1, wf2, bf2, sel)



def kernel(query_points, codes, We1, be1, We2, be2, Wc, bc, Wn1, bn1,
           Wn2, bn2, Wf1, bf1, Wf2, bf2):
    B, n_points, _ = query_points.shape
    T = n_points + NGRID
    N = B * T
    E = N * KNN
    odim = Wf2.shape[1]

    lin = jnp.linspace(-1.0, 1.0, GRID_N)
    gx, gy, gz = jnp.meshgrid(lin, lin, lin, indexing="ij")
    grid_points = jnp.stack([gx, gy, gz], axis=-1).reshape(-1, 3)
    grid_points = grid_points.astype(jnp.float32)

    coords = jnp.concatenate(
        [query_points, jnp.broadcast_to(grid_points[None], (B, NGRID, 3))],
        axis=1)
    coords_flat = coords.reshape(N, 3)
    coords_pad = jnp.pad(coords_flat, ((0, 0), (0, XPAD - 3)))
    coords8 = jnp.pad(coords_flat, ((0, 0), (0, 5)))
    ct = jnp.pad(coords.transpose(0, 2, 1), ((0, 0), (0, 5), (0, 0)))

    nbr_halves = [_knn(coords8, ct, bb, T) for bb in range(B)]

    h0 = jnp.concatenate(
        [jnp.zeros((B, n_points, CD), jnp.float32), codes], axis=1)
    xh = jnp.concatenate(
        [coords_pad, h0.reshape(N, CD),
         jnp.zeros((N, F - HEND), jnp.float32)], axis=1)

    Eh = T * KNN
    per_w = Eh // SC_WORKERS
    chunk = 384
    nchunk = per_w // chunk
    idx3_halves = [nb.T.reshape(SC_WORKERS, nchunk, chunk)
                   for nb in nbr_halves]

    for l in range(NLAYERS):
        wargs = (
            We1[l, 0:HID], We1[l, HID:2 * HID], We1[l, 2 * HID:2 * HID + 1],
            be1[l][None, :],
            We2[l], be2[l][None, :], Wc[l].T, bc[l][None, :],
            Wn1[l, 0:CD], Wn1[l, CD:CD + HID], bn1[l][None, :],
            Wn2[l], bn2[l][None, :])
        gs = [_sc_gather(xh, idx3_halves[bb], Eh, chunk, nchunk)
              .reshape(KNN, T, F) for bb in range(B)]
        outs = [_layer(gs[bb], xh, *wargs, T, bb * (T // PT))
                for bb in range(B)]
        xh = jnp.concatenate(outs, axis=0)

    di = lax.broadcasted_iota(jnp.int32, (XPAD, odim), 0)
    ji = lax.broadcasted_iota(jnp.int32, (XPAD, odim), 1)
    sel = (di == ji % 3).astype(jnp.float32)

    y = _readout(xh, Wf1, bf1[None, :], Wf2, bf2[None, :], sel,
                 B, T, n_points, odim)
    return y.reshape(B, n_points, odim // 3, 3)

# --- scband reference (transcript-rebuilt; emitter-appended) ---
"""Pipeline reference for scband-egnnvector-field-79173427135042 (READ-ONLY COPY).

The authoritative reference and input builder live on the scoring server;
editing this copy changes nothing except your own understanding.
"""

import jax, jax.numpy as jnp
import numpy as np

GRID_SIZE = 8
HIDDEN = 64
NUM_LAYERS = 3
K = 8
N_ATOM = 5
CODE_DIM = 64
B = 2
N_POINTS = 4096


def _init_linear(key, fan_in, fan_out):
    k1, k2 = jax.random.split(key)
    lim = 1.0 / np.sqrt(fan_in)
    W = jax.random.uniform(k1, (fan_in, fan_out), minval=-lim, maxval=lim, dtype=jnp.float32)
    b = jax.random.uniform(k2, (fan_out,), minval=-lim, maxval=lim, dtype=jnp.float32)
    return W, b


def setup_inputs(seed: int = 0):
    key = jax.random.key(seed)
    ks = jax.random.split(key, 8)
    inp = {}
    inp['query_points'] = jax.random.normal(ks[0], (B, N_POINTS, 3), dtype=jnp.float32)
    inp['codes'] = jax.random.normal(ks[1], (B, GRID_SIZE ** 3, CODE_DIM), dtype=jnp.float32)
    We1 = []; be1 = []; We2 = []; be2 = []; Wc = []; bc = []
    Wn1 = []; bn1 = []; Wn2 = []; bn2 = []
    for l in range(NUM_LAYERS):
        kk = jax.random.split(jax.random.fold_in(ks[2], l), 5)
        w, b = _init_linear(kk[0], 2 * CODE_DIM + 1, HIDDEN); We1.append(w); be1.append(b)
        w, b = _init_linear(kk[1], HIDDEN, HIDDEN); We2.append(w); be2.append(b)
        w, b = _init_linear(kk[2], HIDDEN, 1); Wc.append(w); bc.append(b)
        w, b = _init_linear(kk[3], CODE_DIM + HIDDEN, HIDDEN); Wn1.append(w); bn1.append(b)
        w, b = _init_linear(kk[4], HIDDEN, CODE_DIM); Wn2.append(w); bn2.append(b)
    inp['We1'] = jnp.stack(We1); inp['be1'] = jnp.stack(be1)
    inp['We2'] = jnp.stack(We2); inp['be2'] = jnp.stack(be2)
    inp['Wc'] = jnp.stack(Wc); inp['bc'] = jnp.stack(bc)
    inp['Wn1'] = jnp.stack(Wn1); inp['bn1'] = jnp.stack(bn1)
    inp['Wn2'] = jnp.stack(Wn2); inp['bn2'] = jnp.stack(bn2)
    inp['Wf1'], inp['bf1'] = _init_linear(ks[3], CODE_DIM, HIDDEN)
    inp['Wf2'], inp['bf2'] = _init_linear(ks[4], HIDDEN, N_ATOM * 3)
    return inp


def _silu(v):
    return v * jax.nn.sigmoid(v)


def _forward(query_points, codes, We1, be1, We2, be2, Wc, bc, Wn1, bn1, Wn2, bn2, Wf1, bf1, Wf2, bf2):
    Bsz = query_points.shape[0]
    n_points = query_points.shape[1]
    # grid points buffer (create_grid_coords): regular grid in [-1, 1]^3
    lin = jnp.linspace(-1.0, 1.0, GRID_SIZE)
    gx, gy, gz = jnp.meshgrid(lin, lin, lin, indexing='ij')
    grid_points = jnp.stack([gx, gy, gz], axis=-1).reshape(-1, 3).astype(jnp.float32)
    n_grid = grid_points.shape[0]
    T = n_points + n_grid
    N = Bsz * T
    query_features = jnp.zeros((Bsz, n_points, CODE_DIM), dtype=jnp.float32)
    node_features = jnp.concatenate([query_features, codes], axis=1).reshape(-1, CODE_DIM)
    grid_coords = jnp.broadcast_to(grid_points[None], (Bsz, n_grid, 3))
    node_coords = jnp.concatenate([query_points, grid_coords], axis=1).reshape(-1, 3)
    # knn_graph per batch (loop=False, flow source_to_target)
    cb = jax.lax.stop_gradient(node_coords.reshape(Bsz, T, 3))
    sq = jnp.sum(cb * cb, axis=-1)
    d2 = sq[:, :, None] + sq[:, None, :] - 2.0 * jnp.einsum('bid,bjd->bij', cb, cb)
    d2 = jnp.where(jnp.eye(T, dtype=bool)[None], jnp.inf, d2)
    _, nbr = jax.lax.top_k(-d2, K)  # [B, T, K] neighbor (source) indices
    offs = (jnp.arange(Bsz) * T)[:, None, None]
    row = (nbr + offs).reshape(-1)  # sources (neighbors)
    col = jnp.broadcast_to(jnp.arange(T)[None, :, None] + offs, (Bsz, T, K)).reshape(-1)  # targets
    h = node_features
    x = node_coords
    ones_e = jnp.ones((row.shape[0],), dtype=jnp.float32)
    deg = jax.ops.segment_sum(ones_e, col, num_segments=N)
    deg = jnp.maximum(deg, 1.0)[:, None]
    for l in range(NUM_LAYERS):
        rel = x[row] - x[col]
        dist = jnp.sqrt(jnp.sum(rel * rel, axis=-1, keepdims=True))
        edge_input = jnp.concatenate([h[row], h[col], dist], axis=-1)
        m = _silu(edge_input @ We1[l] + be1[l])
        m = _silu(m @ We2[l] + be2[l])
        coef = m @ Wc[l] + bc[l]
        direction = rel / (dist + 1e-08)
        coord_msg = coef * direction
        delta_x = jax.ops.segment_sum(coord_msg, col, num_segments=N) / deg
        x = x + delta_x
        m_aggr = jax.ops.segment_sum(m, col, num_segments=N) / deg
        h_delta = _silu(jnp.concatenate([h, m_aggr], axis=-1) @ Wn1[l] + bn1[l]) @ Wn2[l] + bn2[l]
        h = h + h_delta
    h_query = h.reshape(Bsz, T, CODE_DIM)[:, :n_points]
    x_query = x.reshape(Bsz, T, 3)[:, :n_points]
    pred = jax.nn.relu(h_query @ Wf1 + bf1) @ Wf2 + bf2
    pred = pred.reshape(Bsz, n_points, N_ATOM, 3)
    return x_query[:, :, None, :] - pred


def reference(query_points, codes, We1, be1, We2, be2, Wc, bc, Wn1, bn1, Wn2, bn2, Wf1, bf1, Wf2, bf2):
    return _forward(query_points, codes, We1, be1, We2, be2, Wc, bc, Wn1, bn1, Wn2, bn2, Wf1, bf1, Wf2, bf2)

if __name__ == "__main__":
    import jax
    _d = setup_inputs()
    print(jax.jit(kernel)(*tuple(_d.values())))

</pallas_src>

<mosaic_0001>
#map = affine_map<(d0, d1) -> (0, 0)>
#map1 = affine_map<(d0, d1) -> (0, 0, 0)>
module attributes {stable_mosaic.version = 14 : i64} {
  func.func @k(%arg0: i32, %arg1: i32, %arg2: memref<9216x128xf32, #tpu.memory_space<hbm>>, %arg3: memref<32x3x384xi32, #tpu.memory_space<hbm>>, %arg4: memref<36864x128xf32, #tpu.memory_space<hbm>>, %arg5: memref<3x384xi32, #tpu.memory_space<vmem>>, %arg6: memref<384x128xf32, #tpu.memory_space<vmem>>, %arg7: memref<384x128xf32, #tpu.memory_space<vmem>>, %arg8: memref<!tpu.dma_semaphore, #tpu.memory_space<semaphore_mem>>, %arg9: memref<!tpu.dma_semaphore, #tpu.memory_space<semaphore_mem>>) attributes {dimension_semantics = [#tpu.dimension_semantics<core_parallel>, #tpu.dimension_semantics<subcore_parallel>], iteration_bounds = array<i64: 2, 16>, scalar_prefetch = 0 : i64, scratch_operands = 5 : i64, tpu.core_type = #tpu.core_type<sc_vector_subcore>, window_params = [{transform_indices = #map}, {transform_indices = #map1}, {transform_indices = #map}]} {
    %mul3A = arith.constant 2 : i32
    %mul3A_0 = arith.muli %arg1, %mul3A : i32
    %add3A = arith.addi %mul3A_0, %arg0 : i32
    %mul3A_1 = arith.constant 1152 : i32
    %mul3A_2 = arith.muli %add3A, %mul3A_1 : i32
    "tpu.region"() ({
      %run_scoped3A = tpu.sem_alloc : memref<!tpu.dma_semaphore, #tpu.memory_space<semaphore_mem>>
      %dma_start3A_49 = arith.constant 0 : i32
      %dma_start3A_50 = arith.constant 0 : i32
      %dma_start3A_51 = tpu.memref_slice %arg3[%add3A, %dma_start3A_49, %dma_start3A_50] : memref<32x3x384xi32, #tpu.memory_space<hbm>> -> memref<1x3x384xi32, #tpu.memory_space<hbm>>
      %dma_start3A_52 = tpu.memref_squeeze %dma_start3A_51 : memref<1x3x384xi32, #tpu.memory_space<hbm>> -> memref<3x384xi32, #tpu.memory_space<hbm>>
      %dma_start3A_53 = arith.constant 0 : i32
      %dma_start3A_54 = arith.constant 0 : i32
      %dma_start3A_55 = tpu.memref_slice %arg3[%add3A, %dma_start3A_53, %dma_start3A_54] : memref<32x3x384xi32, #tpu.memory_space<hbm>> -> memref<1x3x384xi32, #tpu.memory_space<hbm>>
      %dma_start3A_56 = tpu.memref_squeeze %dma_start3A_55 : memref<1x3x384xi32, #tpu.memory_space<hbm>> -> memref<3x384xi32, #tpu.memory_space<hbm>>
      tpu.enqueue_dma source(%dma_start3A_56 : memref<3x384xi32, #tpu.memory_space<hbm>>) target(%arg5 : memref<3x384xi32, #tpu.memory_space<vmem>>) target_semaphore(%run_scoped3A : memref<!tpu.dma_semaphore, #tpu.memory_space<semaphore_mem>>)
      %dma_wait3A_57 = arith.constant 0 : i32
      %dma_wait3A_58 = arith.constant 0 : i32
      %dma_wait3A_59 = tpu.memref_slice %arg3[%add3A, %dma_wait3A_57, %dma_wait3A_58] : memref<32x3x384xi32, #tpu.memory_space<hbm>> -> memref<1x3x384xi32, #tpu.memory_space<hbm>>
      %dma_wait3A_60 = tpu.memref_squeeze %dma_wait3A_59 : memref<1x3x384xi32, #tpu.memory_space<hbm>> -> memref<3x384xi32, #tpu.memory_space<hbm>>
      %dma_wait3A_61 = arith.constant 0 : i32
      %dma_wait3A_62 = arith.constant 0 : i32
      %dma_wait3A_63 = tpu.memref_slice %arg3[%add3A, %dma_wait3A_61, %dma_wait3A_62] : memref<32x3x384xi32, #tpu.memory_space<hbm>> -> memref<1x3x384xi32, #tpu.memory_space<hbm>>
      %dma_wait3A_64 = tpu.memref_squeeze %dma_wait3A_63 : memref<1x3x384xi32, #tpu.memory_space<hbm>> -> memref<3x384xi32, #tpu.memory_space<hbm>>
      tpu.wait_dma2 semaphore(%run_scoped3A : memref<!tpu.dma_semaphore, #tpu.memory_space<semaphore_mem>>) src(%dma_wait3A_64 : memref<3x384xi32, #tpu.memory_space<hbm>>) dst(%arg5 : memref<3x384xi32, #tpu.memory_space<vmem>>)
      tpu.yield
    }) : () -> ()
    %dma_start3A = arith.constant 0 : i32
    %dma_start3A_3 = arith.constant 0 : i32
    %dma_start3A_4 = tpu.memref_slice %arg5[%dma_start3A, %dma_start3A_3] : memref<3x384xi32, #tpu.memory_space<vmem>> -> memref<1x384xi32, #tpu.memory_space<vmem>>
    %dma_start3A_5 = tpu.memref_squeeze %dma_start3A_4 : memref<1x384xi32, #tpu.memory_space<vmem>> -> memref<384xi32, #tpu.memory_space<vmem>>
    %dma_start3A_6 = arith.constant 0 : i32
    %dma_start3A_7 = arith.constant 0 : i32
    %dma_start3A_8 = tpu.memref_slice %arg2[%dma_start3A_6, %dma_start3A_7] : memref<9216x128xf32, #tpu.memory_space<hbm>> -> memref<9216x128xf32, #tpu.memory_space<hbm>>
    tpu.enqueue_indirect_dma source(%dma_start3A_8 : memref<9216x128xf32, #tpu.memory_space<hbm>>) target(%arg6 : memref<384x128xf32, #tpu.memory_space<vmem>>) offsets(%dma_start3A_5 : memref<384xi32, #tpu.memory_space<vmem>>) semaphore(%arg8 : memref<!tpu.dma_semaphore, #tpu.memory_space<semaphore_mem>>)
    %dma_start3A_9 = arith.constant 1 : i32
    %dma_start3A_10 = arith.constant 0 : i32
    %dma_start3A_11 = tpu.memref_slice %arg5[%dma_start3A_9, %dma_start3A_10] : memref<3x384xi32, #tpu.memory_space<vmem>> -> memref<1x384xi32, #tpu.memory_space<vmem>>
    %dma_start3A_12 = tpu.memref_squeeze %dma_start3A_11 : memref<1x384xi32, #tpu.memory_space<vmem>> -> memref<384xi32, #tpu.memory_space<vmem>>
    %dma_start3A_13 = arith.constant 0 : i32
    %dma_start3A_14 = arith.constant 0 : i32
    %dma_start3A_15 = tpu.memref_slice %arg2[%dma_start3A_13, %dma_start3A_14] : memref<9216x128xf32, #tpu.memory_space<hbm>> -> memref<9216x128xf32, #tpu.memory_space<hbm>>
    tpu.enqueue_indirect_dma source(%dma_start3A_15 : memref<9216x128xf32, #tpu.memory_space<hbm>>) target(%arg7 : memref<384x128xf32, #tpu.memory_space<vmem>>) offsets(%dma_start3A_12 : memref<384xi32, #tpu.memory_space<vmem>>) semaphore(%arg9 : memref<!tpu.dma_semaphore, #tpu.memory_space<semaphore_mem>>)
    %dma_wait3A = arith.constant 0 : i32
    %dma_wait3A_16 = arith.constant 0 : i32
    %dma_wait3A_17 = tpu.memref_slice %arg5[%dma_wait3A, %dma_wait3A_16] : memref<3x384xi32, #tpu.memory_space<vmem>> -> memref<1x384xi32, #tpu.memory_space<vmem>>
    %dma_wait3A_18 = tpu.memref_squeeze %dma_wait3A_17 : memref<1x384xi32, #tpu.memory_space<vmem>> -> memref<384xi32, #tpu.memory_space<vmem>>
    %dma_wait3A_19 = arith.constant 0 : i32
    %dma_wait3A_20 = arith.constant 0 : i32
    %dma_wait3A_21 = tpu.memref_slice %arg2[%dma_wait3A_19, %dma_wait3A_20] : memref<9216x128xf32, #tpu.memory_space<hbm>> -> memref<9216x128xf32, #tpu.memory_space<hbm>>
    tpu.wait_indirect_dma semaphore(%arg8 : memref<!tpu.dma_semaphore, #tpu.memory_space<semaphore_mem>>) src(%dma_wait3A_21 : memref<9216x128xf32, #tpu.memory_space<hbm>>) dst(%arg6 : memref<384x128xf32, #tpu.memory_space<vmem>>)
    %add3A_22 = arith.constant 0 : i32
    %add3A_23 = arith.addi %mul3A_2, %add3A_22 : i32
    "tpu.region"() ({
      %run_scoped3A = tpu.sem_alloc : memref<!tpu.dma_semaphore, #tpu.memory_space<semaphore_mem>>
      %dma_start3A_49 = arith.constant 0 : i32
      %dma_start3A_50 = tpu.memref_slice %arg4[%add3A_23, %dma_start3A_49] : memref<36864x128xf32, #tpu.memory_space<hbm>> -> memref<384x128xf32, #tpu.memory_space<hbm>>
      %dma_start3A_51 = arith.constant 0 : i32
      %dma_start3A_52 = tpu.memref_slice %arg4[%add3A_23, %dma_start3A_51] : memref<36864x128xf32, #tpu.memory_space<hbm>> -> memref<384x128xf32, #tpu.memory_space<hbm>>
      tpu.enqueue_dma source(%arg6 : memref<384x128xf32, #tpu.memory_space<vmem>>) target(%dma_start3A_52 : memref<384x128xf32, #tpu.memory_space<hbm>>) target_semaphore(%run_scoped3A : memref<!tpu.dma_semaphore, #tpu.memory_space<semaphore_mem>>)
      %dma_wait3A_53 = arith.constant 0 : i32
      %dma_wait3A_54 = tpu.memref_slice %arg4[%add3A_23, %dma_wait3A_53] : memref<36864x128xf32, #tpu.memory_space<hbm>> -> memref<384x128xf32, #tpu.memory_space<hbm>>
      %dma_wait3A_55 = arith.constant 0 : i32
      %dma_wait3A_56 = tpu.memref_slice %arg4[%add3A_23, %dma_wait3A_55] : memref<36864x128xf32, #tpu.memory_space<hbm>> -> memref<384x128xf32, #tpu.memory_space<hbm>>
      tpu.wait_dma2 semaphore(%run_scoped3A : memref<!tpu.dma_semaphore, #tpu.memory_space<semaphore_mem>>) src(%arg6 : memref<384x128xf32, #tpu.memory_space<vmem>>) dst(%dma_wait3A_56 : memref<384x128xf32, #tpu.memory_space<hbm>>)
      tpu.yield
    }) : () -> ()
    %dma_start3A_24 = arith.constant 2 : i32
    %dma_start3A_25 = arith.constant 0 : i32
    %dma_start3A_26 = tpu.memref_slice %arg5[%dma_start3A_24, %dma_start3A_25] : memref<3x384xi32, #tpu.memory_space<vmem>> -> memref<1x384xi32, #tpu.memory_space<vmem>>
    %dma_start3A_27 = tpu.memref_squeeze %dma_start3A_26 : memref<1x384xi32, #tpu.memory_space<vmem>> -> memref<384xi32, #tpu.memory_space<vmem>>
    %dma_start3A_28 = arith.constant 0 : i32
    %dma_start3A_29 = arith.constant 0 : i32
    %dma_start3A_30 = tpu.memref_slice %arg2[%dma_start3A_28, %dma_start3A_29] : memref<9216x128xf32, #tpu.memory_space<hbm>> -> memref<9216x128xf32, #tpu.memory_space<hbm>>
    tpu.enqueue_indirect_dma source(%dma_start3A_30 : memref<9216x128xf32, #tpu.memory_space<hbm>>) target(%arg6 : memref<384x128xf32, #tpu.memory_space<vmem>>) offsets(%dma_start3A_27 : memref<384xi32, #tpu.memory_space<vmem>>) semaphore(%arg8 : memref<!tpu.dma_semaphore, #tpu.memory_space<semaphore_mem>>)
    %dma_wait3A_31 = arith.constant 1 : i32
    %dma_wait3A_32 = arith.constant 0 : i32
    %dma_wait3A_33 = tpu.memref_slice %arg5[%dma_wait3A_31, %dma_wait3A_32] : memref<3x384xi32, #tpu.memory_space<vmem>> -> memref<1x384xi32, #tpu.memory_space<vmem>>
    %dma_wait3A_34 = tpu.memref_squeeze %dma_wait3A_33 : memref<1x384xi32, #tpu.memory_space<vmem>> -> memref<384xi32, #tpu.memory_space<vmem>>
    %dma_wait3A_35 = arith.constant 0 : i32
    %dma_wait3A_36 = arith.constant 0 : i32
    %dma_wait3A_37 = tpu.memref_slice %arg2[%dma_wait3A_35, %dma_wait3A_36] : memref<9216x128xf32, #tpu.memory_space<hbm>> -> memref<9216x128xf32, #tpu.memory_space<hbm>>
    tpu.wait_indirect_dma semaphore(%arg9 : memref<!tpu.dma_semaphore, #tpu.memory_space<semaphore_mem>>) src(%dma_wait3A_37 : memref<9216x128xf32, #tpu.memory_space<hbm>>) dst(%arg7 : memref<384x128xf32, #tpu.memory_space<vmem>>)
    %add3A_38 = arith.constant 384 : i32
    %add3A_39 = arith.addi %mul3A_2, %add3A_38 : i32
    "tpu.region"() ({
      %run_scoped3A = tpu.sem_alloc : memref<!tpu.dma_semaphore, #tpu.memory_space<semaphore_mem>>
      %dma_start3A_49 = arith.constant 0 : i32
      %dma_start3A_50 = tpu.memref_slice %arg4[%add3A_39, %dma_start3A_49] : memref<36864x128xf32, #tpu.memory_space<hbm>> -> memref<384x128xf32, #tpu.memory_space<hbm>>
      %dma_start3A_51 = arith.constant 0 : i32
      %dma_start3A_52 = tpu.memref_slice %arg4[%add3A_39, %dma_start3A_51] : memref<36864x128xf32, #tpu.memory_space<hbm>> -> memref<384x128xf32, #tpu.memory_space<hbm>>
      tpu.enqueue_dma source(%arg7 : memref<384x128xf32, #tpu.memory_space<vmem>>) target(%dma_start3A_52 : memref<384x128xf32, #tpu.memory_space<hbm>>) target_semaphore(%run_scoped3A : memref<!tpu.dma_semaphore, #tpu.memory_space<semaphore_mem>>)
      %dma_wait3A_53 = arith.constant 0 : i32
      %dma_wait3A_54 = tpu.memref_slice %arg4[%add3A_39, %dma_wait3A_53] : memref<36864x128xf32, #tpu.memory_space<hbm>> -> memref<384x128xf32, #tpu.memory_space<hbm>>
      %dma_wait3A_55 = arith.constant 0 : i32
      %dma_wait3A_56 = tpu.memref_slice %arg4[%add3A_39, %dma_wait3A_55] : memref<36864x128xf32, #tpu.memory_space<hbm>> -> memref<384x128xf32, #tpu.memory_space<hbm>>
      tpu.wait_dma2 semaphore(%run_scoped3A : memref<!tpu.dma_semaphore, #tpu.memory_space<semaphore_mem>>) src(%arg7 : memref<384x128xf32, #tpu.memory_space<vmem>>) dst(%dma_wait3A_56 : memref<384x128xf32, #tpu.memory_space<hbm>>)
      tpu.yield
    }) : () -> ()
    %dma_wait3A_40 = arith.constant 2 : i32
    %dma_wait3A_41 = arith.constant 0 : i32
    %dma_wait3A_42 = tpu.memref_slice %arg5[%dma_wait3A_40, %dma_wait3A_41] : memref<3x384xi32, #tpu.memory_space<vmem>> -> memref<1x384xi32, #tpu.memory_space<vmem>>
    %dma_wait3A_43 = tpu.memref_squeeze %dma_wait3A_42 : memref<1x384xi32, #tpu.memory_space<vmem>> -> memref<384xi32, #tpu.memory_space<vmem>>
    %dma_wait3A_44 = arith.constant 0 : i32
    %dma_wait3A_45 = arith.constant 0 : i32
    %dma_wait3A_46 = tpu.memref_slice %arg2[%dma_wait3A_44, %dma_wait3A_45] : memref<9216x128xf32, #tpu.memory_space<hbm>> -> memref<9216x128xf32, #tpu.memory_space<hbm>>
    tpu.wait_indirect_dma semaphore(%arg8 : memref<!tpu.dma_semaphore, #tpu.memory_space<semaphore_mem>>) src(%dma_wait3A_46 : memref<9216x128xf32, #tpu.memory_space<hbm>>) dst(%arg6 : memref<384x128xf32, #tpu.memory_space<vmem>>)
    %add3A_47 = arith.constant 768 : i32
    %add3A_48 = arith.addi %mul3A_2, %add3A_47 : i32
    "tpu.region"() ({
      %run_scoped3A = tpu.sem_alloc : memref<!tpu.dma_semaphore, #tpu.memory_space<semaphore_mem>>
      %dma_start3A_49 = arith.constant 0 : i32
      %dma_start3A_50 = tpu.memref_slice %arg4[%add3A_48, %dma_start3A_49] : memref<36864x128xf32, #tpu.memory_space<hbm>> -> memref<384x128xf32, #tpu.memory_space<hbm>>
      %dma_start3A_51 = arith.constant 0 : i32
      %dma_start3A_52 = tpu.memref_slice %arg4[%add3A_48, %dma_start3A_51] : memref<36864x128xf32, #tpu.memory_space<hbm>> -> memref<384x128xf32, #tpu.memory_space<hbm>>
      tpu.enqueue_dma source(%arg6 : memref<384x128xf32, #tpu.memory_space<vmem>>) target(%dma_start3A_52 : memref<384x128xf32, #tpu.memory_space<hbm>>) target_semaphore(%run_scoped3A : memref<!tpu.dma_semaphore, #tpu.memory_space<semaphore_mem>>)
      %dma_wait3A_53 = arith.constant 0 : i32
      %dma_wait3A_54 = tpu.memref_slice %arg4[%add3A_48, %dma_wait3A_53] : memref<36864x128xf32, #tpu.memory_space<hbm>> -> memref<384x128xf32, #tpu.memory_space<hbm>>
      %dma_wait3A_55 = arith.constant 0 : i32
      %dma_wait3A_56 = tpu.memref_slice %arg4[%add3A_48, %dma_wait3A_55] : memref<36864x128xf32, #tpu.memory_space<hbm>> -> memref<384x128xf32, #tpu.memory_space<hbm>>
      tpu.wait_dma2 semaphore(%run_scoped3A : memref<!tpu.dma_semaphore, #tpu.memory_space<semaphore_mem>>) src(%arg6 : memref<384x128xf32, #tpu.memory_space<vmem>>) dst(%dma_wait3A_56 : memref<384x128xf32, #tpu.memory_space<hbm>>)
      tpu.yield
    }) : () -> ()
    return
  }
}

#map = affine_map<(d0, d1) -> (0, 0)>
#map1 = affine_map<(d0, d1) -> (0, 0, 0)>
module attributes {stable_mosaic.version = 14 : i64} {
  func.func @k(%arg0: i32, %arg1: i32, %arg2: memref<9216x128xf32, #tpu.memory_space<hbm>>, %arg3: memref<32x3x384xi32, #tpu.memory_space<hbm>>, %arg4: memref<36864x128xf32, #tpu.memory_space<hbm>>, %arg5: memref<3x384xi32, #tpu.memory_space<vmem>>, %arg6: memref<384x128xf32, #tpu.memory_space<vmem>>, %arg7: memref<384x128xf32, #tpu.memory_space<vmem>>, %arg8: memref<!tpu.dma_semaphore, #tpu.memory_space<semaphore_mem>>, %arg9: memref<!tpu.dma_semaphore, #tpu.memory_space<semaphore_mem>>) attributes {dimension_semantics = [#tpu.dimension_semantics<core_parallel>, #tpu.dimension_semantics<subcore_parallel>], iteration_bounds = array<i64: 2, 16>, scalar_prefetch = 0 : i64, scratch_operands = 5 : i64, tpu.core_type = #tpu.core_type<sc_vector_subcore>, window_params = [{transform_indices = #map}, {transform_indices = #map1}, {transform_indices = #map}]} {
    %mul3A = arith.constant 2 : i32
    %mul3A_0 = arith.muli %arg1, %mul3A : i32
    %add3A = arith.addi %mul3A_0, %arg0 : i32
    %mul3A_1 = arith.constant 1152 : i32
    %mul3A_2 = arith.muli %add3A, %mul3A_1 : i32
    "tpu.region"() ({
      %run_scoped3A = tpu.sem_alloc : memref<!tpu.dma_semaphore, #tpu.memory_space<semaphore_mem>>
      %dma_start3A_49 = arith.constant 0 : i32
      %dma_start3A_50 = arith.constant 0 : i32
      %dma_start3A_51 = tpu.memref_slice %arg3[%add3A, %dma_start3A_49, %dma_start3A_50] : memref<32x3x384xi32, #tpu.memory_space<hbm>> -> memref<1x3x384xi32, #tpu.memory_space<hbm>>
      %dma_start3A_52 = tpu.memref_squeeze %dma_start3A_51 : memref<1x3x384xi32, #tpu.memory_space<hbm>> -> memref<3x384xi32, #tpu.memory_space<hbm>>
      %dma_start3A_53 = arith.constant 0 : i32
      %dma_start3A_54 = arith.constant 0 : i32
      %dma_start3A_55 = tpu.memref_slice %arg3[%add3A, %dma_start3A_53, %dma_start3A_54] : memref<32x3x384xi32, #tpu.memory_space<hbm>> -> memref<1x3x384xi32, #tpu.memory_space<hbm>>
      %dma_start3A_56 = tpu.memref_squeeze %dma_start3A_55 : memref<1x3x384xi32, #tpu.memory_space<hbm>> -> memref<3x384xi32, #tpu.memory_space<hbm>>
      tpu.enqueue_dma source(%dma_start3A_56 : memref<3x384xi32, #tpu.memory_space<hbm>>) target(%arg5 : memref<3x384xi32, #tpu.memory_space<vmem>>) target_semaphore(%run_scoped3A : memref<!tpu.dma_semaphore, #tpu.memory_space<semaphore_mem>>)
      %dma_wait3A_57 = arith.constant 0 : i32
      %dma_wait3A_58 = arith.constant 0 : i32
      %dma_wait3A_59 = tpu.memref_slice %arg3[%add3A, %dma_wait3A_57, %dma_wait3A_58] : memref<32x3x384xi32, #tpu.memory_space<hbm>> -> memref<1x3x384xi32, #tpu.memory_space<hbm>>
      %dma_wait3A_60 = tpu.memref_squeeze %dma_wait3A_59 : memref<1x3x384xi32, #tpu.memory_space<hbm>> -> memref<3x384xi32, #tpu.memory_space<hbm>>
      %dma_wait3A_61 = arith.constant 0 : i32
      %dma_wait3A_62 = arith.constant 0 : i32
      %dma_wait3A_63 = tpu.memref_slice %arg3[%add3A, %dma_wait3A_61, %dma_wait3A_62] : memref<32x3x384xi32, #tpu.memory_space<hbm>> -> memref<1x3x384xi32, #tpu.memory_space<hbm>>
      %dma_wait3A_64 = tpu.memref_squeeze %dma_wait3A_63 : memref<1x3x384xi32, #tpu.memory_space<hbm>> -> memref<3x384xi32, #tpu.memory_space<hbm>>
      tpu.wait_dma2 semaphore(%run_scoped3A : memref<!tpu.dma_semaphore, #tpu.memory_space<semaphore_mem>>) src(%dma_wait3A_64 : memref<3x384xi32, #tpu.memory_space<hbm>>) dst(%arg5 : memref<3x384xi32, #tpu.memory_space<vmem>>)
      tpu.yield
    }) : () -> ()
    %dma_start3A = arith.constant 0 : i32
    %dma_start3A_3 = arith.constant 0 : i32
    %dma_start3A_4 = tpu.memref_slice %arg5[%dma_start3A, %dma_start3A_3] : memref<3x384xi32, #tpu.memory_space<vmem>> -> memref<1x384xi32, #tpu.memory_space<vmem>>
    %dma_start3A_5 = tpu.memref_squeeze %dma_start3A_4 : memref<1x384xi32, #tpu.memory_space<vmem>> -> memref<384xi32, #tpu.memory_space<vmem>>
    %dma_start3A_6 = arith.constant 0 : i32
    %dma_start3A_7 = arith.constant 0 : i32
    %dma_start3A_8 = tpu.memref_slice %arg2[%dma_start3A_6, %dma_start3A_7] : memref<9216x128xf32, #tpu.memory_space<hbm>> -> memref<9216x128xf32, #tpu.memory_space<hbm>>
    tpu.enqueue_indirect_dma source(%dma_start3A_8 : memref<9216x128xf32, #tpu.memory_space<hbm>>) target(%arg6 : memref<384x128xf32, #tpu.memory_space<vmem>>) offsets(%dma_start3A_5 : memref<384xi32, #tpu.memory_space<vmem>>) semaphore(%arg8 : memref<!tpu.dma_semaphore, #tpu.memory_space<semaphore_mem>>)
    %dma_start3A_9 = arith.constant 1 : i32
    %dma_start3A_10 = arith.constant 0 : i32
    %dma_start3A_11 = tpu.memref_slice %arg5[%dma_start3A_9, %dma_start3A_10] : memref<3x384xi32, #tpu.memory_space<vmem>> -> memref<1x384xi32, #tpu.memory_space<vmem>>
    %dma_start3A_12 = tpu.memref_squeeze %dma_start3A_11 : memref<1x384xi32, #tpu.memory_space<vmem>> -> memref<384xi32, #tpu.memory_space<vmem>>
    %dma_start3A_13 = arith.constant 0 : i32
    %dma_start3A_14 = arith.constant 0 : i32
    %dma_start3A_15 = tpu.memref_slice %arg2[%dma_start3A_13, %dma_start3A_14] : memref<9216x128xf32, #tpu.memory_space<hbm>> -> memref<9216x128xf32, #tpu.memory_space<hbm>>
    tpu.enqueue_indirect_dma source(%dma_start3A_15 : memref<9216x128xf32, #tpu.memory_space<hbm>>) target(%arg7 : memref<384x128xf32, #tpu.memory_space<vmem>>) offsets(%dma_start3A_12 : memref<384xi32, #tpu.memory_space<vmem>>) semaphore(%arg9 : memref<!tpu.dma_semaphore, #tpu.memory_space<semaphore_mem>>)
    %dma_wait3A = arith.constant 0 : i32
    %dma_wait3A_16 = arith.constant 0 : i32
    %dma_wait3A_17 = tpu.memref_slice %arg5[%dma_wait3A, %dma_wait3A_16] : memref<3x384xi32, #tpu.memory_space<vmem>> -> memref<1x384xi32, #tpu.memory_space<vmem>>
    %dma_wait3A_18 = tpu.memref_squeeze %dma_wait3A_17 : memref<1x384xi32, #tpu.memory_space<vmem>> -> memref<384xi32, #tpu.memory_space<vmem>>
    %dma_wait3A_19 = arith.constant 0 : i32
    %dma_wait3A_20 = arith.constant 0 : i32
    %dma_wait3A_21 = tpu.memref_slice %arg2[%dma_wait3A_19, %dma_wait3A_20] : memref<9216x128xf32, #tpu.memory_space<hbm>> -> memref<9216x128xf32, #tpu.memory_space<hbm>>
    tpu.wait_indirect_dma semaphore(%arg8 : memref<!tpu.dma_semaphore, #tpu.memory_space<semaphore_mem>>) src(%dma_wait3A_21 : memref<9216x128xf32, #tpu.memory_space<hbm>>) dst(%arg6 : memref<384x128xf32, #tpu.memory_space<vmem>>)
    %add3A_22 = arith.constant 0 : i32
    %add3A_23 = arith.addi %mul3A_2, %add3A_22 : i32
    "tpu.region"() ({
      %run_scoped3A = tpu.sem_alloc : memref<!tpu.dma_semaphore, #tpu.memory_space<semaphore_mem>>
      %dma_start3A_49 = arith.constant 0 : i32
      %dma_start3A_50 = tpu.memref_slice %arg4[%add3A_23, %dma_start3A_49] : memref<36864x128xf32, #tpu.memory_space<hbm>> -> memref<384x128xf32, #tpu.memory_space<hbm>>
      %dma_start3A_51 = arith.constant 0 : i32
      %dma_start3A_52 = tpu.memref_slice %arg4[%add3A_23, %dma_start3A_51] : memref<36864x128xf32, #tpu.memory_space<hbm>> -> memref<384x128xf32, #tpu.memory_space<hbm>>
      tpu.enqueue_dma source(%arg6 : memref<384x128xf32, #tpu.memory_space<vmem>>) target(%dma_start3A_52 : memref<384x128xf32, #tpu.memory_space<hbm>>) target_semaphore(%run_scoped3A : memref<!tpu.dma_semaphore, #tpu.memory_space<semaphore_mem>>)
      %dma_wait3A_53 = arith.constant 0 : i32
      %dma_wait3A_54 = tpu.memref_slice %arg4[%add3A_23, %dma_wait3A_53] : memref<36864x128xf32, #tpu.memory_space<hbm>> -> memref<384x128xf32, #tpu.memory_space<hbm>>
      %dma_wait3A_55 = arith.constant 0 : i32
      %dma_wait3A_56 = tpu.memref_slice %arg4[%add3A_23, %dma_wait3A_55] : memref<36864x128xf32, #tpu.memory_space<hbm>> -> memref<384x128xf32, #tpu.memory_space<hbm>>
      tpu.wait_dma2 semaphore(%run_scoped3A : memref<!tpu.dma_semaphore, #tpu.memory_space<semaphore_mem>>) src(%arg6 : memref<384x128xf32, #tpu.memory_space<vmem>>) dst(%dma_wait3A_56 : memref<384x128xf32, #tpu.memory_space<hbm>>)
      tpu.yield
    }) : () -> ()
    %dma_start3A_24 = arith.constant 2 : i32
    %dma_start3A_25 = arith.constant 0 : i32
    %dma_start3A_26 = tpu.memref_slice %arg5[%dma_start3A_24, %dma_start3A_25] : memref<3x384xi32, #tpu.memory_space<vmem>> -> memref<1x384xi32, #tpu.memory_space<vmem>>
    %dma_start3A_27 = tpu.memref_squeeze %dma_start3A_26 : memref<1x384xi32, #tpu.memory_space<vmem>> -> memref<384xi32, #tpu.memory_space<vmem>>
    %dma_start3A_28 = arith.constant 0 : i32
    %dma_start3A_29 = arith.constant 0 : i32
    %dma_start3A_30 = tpu.memref_slice %arg2[%dma_start3A_28, %dma_start3A_29] : memref<9216x128xf32, #tpu.memory_space<hbm>> -> memref<9216x128xf32, #tpu.memory_space<hbm>>
    tpu.enqueue_indirect_dma source(%dma_start3A_30 : memref<9216x128xf32, #tpu.memory_space<hbm>>) target(%arg6 : memref<384x128xf32, #tpu.memory_space<vmem>>) offsets(%dma_start3A_27 : memref<384xi32, #tpu.memory_space<vmem>>) semaphore(%arg8 : memref<!tpu.dma_semaphore, #tpu.memory_space<semaphore_mem>>)
    %dma_wait3A_31 = arith.constant 1 : i32
    %dma_wait3A_32 = arith.constant 0 : i32
    %dma_wait3A_33 = tpu.memref_slice %arg5[%dma_wait3A_31, %dma_wait3A_32] : memref<3x384xi32, #tpu.memory_space<vmem>> -> memref<1x384xi32, #tpu.memory_space<vmem>>
    %dma_wait3A_34 = tpu.memref_squeeze %dma_wait3A_33 : memref<1x384xi32, #tpu.memory_space<vmem>> -> memref<384xi32, #tpu.memory_space<vmem>>
    %dma_wait3A_35 = arith.constant 0 : i32
    %dma_wait3A_36 = arith.constant 0 : i32
    %dma_wait3A_37 = tpu.memref_slice %arg2[%dma_wait3A_35, %dma_wait3A_36] : memref<9216x128xf32, #tpu.memory_space<hbm>> -> memref<9216x128xf32, #tpu.memory_space<hbm>>
    tpu.wait_indirect_dma semaphore(%arg9 : memref<!tpu.dma_semaphore, #tpu.memory_space<semaphore_mem>>) src(%dma_wait3A_37 : memref<9216x128xf32, #tpu.memory_space<hbm>>) dst(%arg7 : memref<384x128xf32, #tpu.memory_space<vmem>>)
    %add3A_38 = arith.constant 384 : i32
    %add3A_39 = arith.addi %mul3A_2, %add3A_38 : i32
    "tpu.region"() ({
      %run_scoped3A = tpu.sem_alloc : memref<!tpu.dma_semaphore, #tpu.memory_space<semaphore_mem>>
      %dma_start3A_49 = arith.constant 0 : i32
      %dma_start3A_50 = tpu.memref_slice %arg4[%add3A_39, %dma_start3A_49] : memref<36864x128xf32, #tpu.memory_space<hbm>> -> memref<384x128xf32, #tpu.memory_space<hbm>>
      %dma_start3A_51 = arith.constant 0 : i32
      %dma_start3A_52 = tpu.memref_slice %arg4[%add3A_39, %dma_start3A_51] : memref<36864x128xf32, #tpu.memory_space<hbm>> -> memref<384x128xf32, #tpu.memory_space<hbm>>
      tpu.enqueue_dma source(%arg7 : memref<384x128xf32, #tpu.memory_space<vmem>>) target(%dma_start3A_52 : memref<384x128xf32, #tpu.memory_space<hbm>>) target_semaphore(%run_scoped3A : memref<!tpu.dma_semaphore, #tpu.memory_space<semaphore_mem>>)
      %dma_wait3A_53 = arith.constant 0 : i32
      %dma_wait3A_54 = tpu.memref_slice %arg4[%add3A_39, %dma_wait3A_53] : memref<36864x128xf32, #tpu.memory_space<hbm>> -> memref<384x128xf32, #tpu.memory_space<hbm>>
      %dma_wait3A_55 = arith.constant 0 : i32
      %dma_wait3A_56 = tpu.memref_slice %arg4[%add3A_39, %dma_wait3A_55] : memref<36864x128xf32, #tpu.memory_space<hbm>> -> memref<384x128xf32, #tpu.memory_space<hbm>>
      tpu.wait_dma2 semaphore(%run_scoped3A : memref<!tpu.dma_semaphore, #tpu.memory_space<semaphore_mem>>) src(%arg7 : memref<384x128xf32, #tpu.memory_space<vmem>>) dst(%dma_wait3A_56 : memref<384x128xf32, #tpu.memory_space<hbm>>)
      tpu.yield
    }) : () -> ()
    %dma_wait3A_40 = arith.constant 2 : i32
    %dma_wait3A_41 = arith.constant 0 : i32
    %dma_wait3A_42 = tpu.memref_slice %arg5[%dma_wait3A_40, %dma_wait3A_41] : memref<3x384xi32, #tpu.memory_space<vmem>> -> memref<1x384xi32, #tpu.memory_space<vmem>>
    %dma_wait3A_43 = tpu.memref_squeeze %dma_wait3A_42 : memref<1x384xi32, #tpu.memory_space<vmem>> -> memref<384xi32, #tpu.memory_space<vmem>>
    %dma_wait3A_44 = arith.constant 0 : i32
    %dma_wait3A_45 = arith.constant 0 : i32
    %dma_wait3A_46 = tpu.memref_slice %arg2[%dma_wait3A_44, %dma_wait3A_45] : memref<9216x128xf32, #tpu.memory_space<hbm>> -> memref<9216x128xf32, #tpu.memory_space<hbm>>
    tpu.wait_indirect_dma semaphore(%arg8 : memref<!tpu.dma_semaphore, #tpu.memory_space<semaphore_mem>>) src(%dma_wait3A_46 : memref<9216x128xf32, #tpu.memory_space<hbm>>) dst(%arg6 : memref<384x128xf32, #tpu.memory_space<vmem>>)
    %add3A_47 = arith.constant 768 : i32
    %add3A_48 = arith.addi %mul3A_2, %add3A_47 : i32
    "tpu.region"() ({
      %run_scoped3A = tpu.sem_alloc : memref<!tpu.dma_semaphore, #tpu.memory_space<semaphore_mem>>
      %dma_start3A_49 = arith.constant 0 : i32
      %dma_start3A_50 = tpu.memref_slice %arg4[%add3A_48, %dma_start3A_49] : memref<36864x128xf32, #tpu.memory_space<hbm>> -> memref<384x128xf32, #tpu.memory_space<hbm>>
      %dma_start3A_51 = arith.constant 0 : i32
      %dma_start3A_52 = tpu.memref_slice %arg4[%add3A_48, %dma_start3A_51] : memref<36864x128xf32, #tpu.memory_space<hbm>> -> memref<384x128xf32, #tpu.memory_space<hbm>>
      tpu.enqueue_dma source(%arg6 : memref<384x128xf32, #tpu.memory_space<vmem>>) target(%dma_start3A_52 : memref<384x128xf32, #tpu.memory_space<hbm>>) target_semaphore(%run_scoped3A : memref<!tpu.dma_semaphore, #tpu.memory_space<semaphore_mem>>)
      %dma_wait3A_53 = arith.constant 0 : i32
      %dma_wait3A_54 = tpu.memref_slice %arg4[%add3A_48, %dma_wait3A_53] : memref<36864x128xf32, #tpu.memory_space<hbm>> -> memref<384x128xf32, #tpu.memory_space<hbm>>
      %dma_wait3A_55 = arith.constant 0 : i32
      %dma_wait3A_56 = tpu.memref_slice %arg4[%add3A_48, %dma_wait3A_55] : memref<36864x128xf32, #tpu.memory_space<hbm>> -> memref<384x128xf32, #tpu.memory_space<hbm>>
      tpu.wait_dma2 semaphore(%run_scoped3A : memref<!tpu.dma_semaphore, #tpu.memory_space<semaphore_mem>>) src(%arg6 : memref<384x128xf32, #tpu.memory_space<vmem>>) dst(%dma_wait3A_56 : memref<384x128xf32, #tpu.memory_space<hbm>>)
      tpu.yield
    }) : () -> ()
    return
  }
}

#map = affine_map<(d0, d1) -> (0, 0)>
#map1 = affine_map<(d0, d1) -> (0, 0, 0)>
module attributes {stable_mosaic.version = 14 : i64} {
  func.func @k(%arg0: i32, %arg1: i32, %arg2: memref<9216x128xf32, #tpu.memory_space<hbm>>, %arg3: memref<32x3x384xi32, #tpu.memory_space<hbm>>, %arg4: memref<36864x128xf32, #tpu.memory_space<hbm>>, %arg5: memref<3x384xi32, #tpu.memory_space<vmem>>, %arg6: memref<384x128xf32, #tpu.memory_space<vmem>>, %arg7: memref<384x128xf32, #tpu.memory_space<vmem>>, %arg8: memref<!tpu.dma_semaphore, #tpu.memory_space<semaphore_mem>>, %arg9: memref<!tpu.dma_semaphore, #tpu.memory_space<semaphore_mem>>) attributes {dimension_semantics = [#tpu.dimension_semantics<core_parallel>, #tpu.dimension_semantics<subcore_parallel>], iteration_bounds = array<i64: 2, 16>, scalar_prefetch = 0 : i64, scratch_operands = 5 : i64, tpu.core_type = #tpu.core_type<sc_vector_subcore>, window_params = [{transform_indices = #map}, {transform_indices = #map1}, {transform_indices = #map}]} {
    %mul3A = arith.constant 2 : i32
    %mul3A_0 = arith.muli %arg1, %mul3A : i32
    %add3A = arith.addi %mul3A_0, %arg0 : i32
    %mul3A_1 = arith.constant 1152 : i32
    %mul3A_2 = arith.muli %add3A, %mul3A_1 : i32
    "tpu.region"() ({
      %run_scoped3A = tpu.sem_alloc : memref<!tpu.dma_semaphore, #tpu.memory_space<semaphore_mem>>
      %dma_start3A_49 = arith.constant 0 : i32
      %dma_start3A_50 = arith.constant 0 : i32
      %dma_start3A_51 = tpu.memref_slice %arg3[%add3A, %dma_start3A_49, %dma_start3A_50] : memref<32x3x384xi32, #tpu.memory_space<hbm>> -> memref<1x3x384xi32, #tpu.memory_space<hbm>>
      %dma_start3A_52 = tpu.memref_squeeze %dma_start3A_51 : memref<1x3x384xi32, #tpu.memory_space<hbm>> -> memref<3x384xi32, #tpu.memory_space<hbm>>
      %dma_start3A_53 = arith.constant 0 : i32
      %dma_start3A_54 = arith.constant 0 : i32
      %dma_start3A_55 = tpu.memref_slice %arg3[%add3A, %dma_start3A_53, %dma_start3A_54] : memref<32x3x384xi32, #tpu.memory_space<hbm>> -> memref<1x3x384xi32, #tpu.memory_space<hbm>>
      %dma_start3A_56 = tpu.memref_squeeze %dma_start3A_55 : memref<1x3x384xi32, #tpu.memory_space<hbm>> -> memref<3x384xi32, #tpu.memory_space<hbm>>
      tpu.enqueue_dma source(%dma_start3A_56 : memref<3x384xi32, #tpu.memory_space<hbm>>) target(%arg5 : memref<3x384xi32, #tpu.memory_space<vmem>>) target_semaphore(%run_scoped3A : memref<!tpu.dma_semaphore, #tpu.memory_space<semaphore_mem>>)
      %dma_wait3A_57 = arith.constant 0 : i32
      %dma_wait3A_58 = arith.constant 0 : i32
      %dma_wait3A_59 = tpu.memref_slice %arg3[%add3A, %dma_wait3A_57, %dma_wait3A_58] : memref<32x3x384xi32, #tpu.memory_space<hbm>> -> memref<1x3x384xi32, #tpu.memory_space<hbm>>
      %dma_wait3A_60 = tpu.memref_squeeze %dma_wait3A_59 : memref<1x3x384xi32, #tpu.memory_space<hbm>> -> memref<3x384xi32, #tpu.memory_space<hbm>>
      %dma_wait3A_61 = arith.constant 0 : i32
      %dma_wait3A_62 = arith.constant 0 : i32
      %dma_wait3A_63 = tpu.memref_slice %arg3[%add3A, %dma_wait3A_61, %dma_wait3A_62] : memref<32x3x384xi32, #tpu.memory_space<hbm>> -> memref<1x3x384xi32, #tpu.memory_space<hbm>>
      %dma_wait3A_64 = tpu.memref_squeeze %dma_wait3A_63 : memref<1x3x384xi32, #tpu.memory_space<hbm>> -> memref<3x384xi32, #tpu.memory_space<hbm>>
      tpu.wait_dma2 semaphore(%run_scoped3A : memref<!tpu.dma_semaphore, #tpu.memory_space<semaphore_mem>>) src(%dma_wait3A_64 : memref<3x384xi32, #tpu.memory_space<hbm>>) dst(%arg5 : memref<3x384xi32, #tpu.memory_space<vmem>>)
      tpu.yield
    }) : () -> ()
    %dma_start3A = arith.constant 0 : i32
    %dma_start3A_3 = arith.constant 0 : i32
    %dma_start3A_4 = tpu.memref_slice %arg5[%dma_start3A, %dma_start3A_3] : memref<3x384xi32, #tpu.memory_space<vmem>> -> memref<1x384xi32, #tpu.memory_space<vmem>>
    %dma_start3A_5 = tpu.memref_squeeze %dma_start3A_4 : memref<1x384xi32, #tpu.memory_space<vmem>> -> memref<384xi32, #tpu.memory_space<vmem>>
    %dma_start3A_6 = arith.constant 0 : i32
    %dma_start3A_7 = arith.constant 0 : i32
    %dma_start3A_8 = tpu.memref_slice %arg2[%dma_start3A_6, %dma_start3A_7] : memref<9216x128xf32, #tpu.memory_space<hbm>> -> memref<9216x128xf32, #tpu.memory_space<hbm>>
    tpu.enqueue_indirect_dma source(%dma_start3A_8 : memref<9216x128xf32, #tpu.memory_space<hbm>>) target(%arg6 : memref<384x128xf32, #tpu.memory_space<vmem>>) offsets(%dma_start3A_5 : memref<384xi32, #tpu.memory_space<vmem>>) semaphore(%arg8 : memref<!tpu.dma_semaphore, #tpu.memory_space<semaphore_mem>>)
    %dma_start3A_9 = arith.constant 1 : i32
    %dma_start3A_10 = arith.constant 0 : i32
    %dma_start3A_11 = tpu.memref_slice %arg5[%dma_start3A_9, %dma_start3A_10] : memref<3x384xi32, #tpu.memory_space<vmem>> -> memref<1x384xi32, #tpu.memory_space<vmem>>
    %dma_start3A_12 = tpu.memref_squeeze %dma_start3A_11 : memref<1x384xi32, #tpu.memory_space<vmem>> -> memref<384xi32, #tpu.memory_space<vmem>>
    %dma_start3A_13 = arith.constant 0 : i32
    %dma_start3A_14 = arith.constant 0 : i32
    %dma_start3A_15 = tpu.memref_slice %arg2[%dma_start3A_13, %dma_start3A_14] : memref<9216x128xf32, #tpu.memory_space<hbm>> -> memref<9216x128xf32, #tpu.memory_space<hbm>>
    tpu.enqueue_indirect_dma source(%dma_start3A_15 : memref<9216x128xf32, #tpu.memory_space<hbm>>) target(%arg7 : memref<384x128xf32, #tpu.memory_space<vmem>>) offsets(%dma_start3A_12 : memref<384xi32, #tpu.memory_space<vmem>>) semaphore(%arg9 : memref<!tpu.dma_semaphore, #tpu.memory_space<semaphore_mem>>)
    %dma_wait3A = arith.constant 0 : i32
    %dma_wait3A_16 = arith.constant 0 : i32
    %dma_wait3A_17 = tpu.memref_slice %arg5[%dma_wait3A, %dma_wait3A_16] : memref<3x384xi32, #tpu.memory_space<vmem>> -> memref<1x384xi32, #tpu.memory_space<vmem>>
    %dma_wait3A_18 = tpu.memref_squeeze %dma_wait3A_17 : memref<1x384xi32, #tpu.memory_space<vmem>> -> memref<384xi32, #tpu.memory_space<vmem>>
    %dma_wait3A_19 = arith.constant 0 : i32
    %dma_wait3A_20 = arith.constant 0 : i32
    %dma_wait3A_21 = tpu.memref_slice %arg2[%dma_wait3A_19, %dma_wait3A_20] : memref<9216x128xf32, #tpu.memory_space<hbm>> -> memref<9216x128xf32, #tpu.memory_space<hbm>>
    tpu.wait_indirect_dma semaphore(%arg8 : memref<!tpu.dma_semaphore, #tpu.memory_space<semaphore_mem>>) src(%dma_wait3A_21 : memref<9216x128xf32, #tpu.memory_space<hbm>>) dst(%arg6 : memref<384x128xf32, #tpu.memory_space<vmem>>)
    %add3A_22 = arith.constant 0 : i32
    %add3A_23 = arith.addi %mul3A_2, %add3A_22 : i32
    "tpu.region"() ({
      %run_scoped3A = tpu.sem_alloc : memref<!tpu.dma_semaphore, #tpu.memory_space<semaphore_mem>>
      %dma_start3A_49 = arith.constant 0 : i32
      %dma_start3A_50 = tpu.memref_slice %arg4[%add3A_23, %dma_start3A_49] : memref<36864x128xf32, #tpu.memory_space<hbm>> -> memref<384x128xf32, #tpu.memory_space<hbm>>
      %dma_start3A_51 = arith.constant 0 : i32
      %dma_start3A_52 = tpu.memref_slice %arg4[%add3A_23, %dma_start3A_51] : memref<36864x128xf32, #tpu.memory_space<hbm>> -> memref<384x128xf32, #tpu.memory_space<hbm>>
      tpu.enqueue_dma source(%arg6 : memref<384x128xf32, #tpu.memory_space<vmem>>) target(%dma_start3A_52 : memref<384x128xf32, #tpu.memory_space<hbm>>) target_semaphore(%run_scoped3A : memref<!tpu.dma_semaphore, #tpu.memory_space<semaphore_mem>>)
      %dma_wait3A_53 = arith.constant 0 : i32
      %dma_wait3A_54 = tpu.memref_slice %arg4[%add3A_23, %dma_wait3A_53] : memref<36864x128xf32, #tpu.memory_space<hbm>> -> memref<384x128xf32, #tpu.memory_space<hbm>>
      %dma_wait3A_55 = arith.constant 0 : i32
      %dma_wait3A_56 = tpu.memref_slice %arg4[%add3A_23, %dma_wait3A_55] : memref<36864x128xf32, #tpu.memory_space<hbm>> -> memref<384x128xf32, #tpu.memory_space<hbm>>
      tpu.wait_dma2 semaphore(%run_scoped3A : memref<!tpu.dma_semaphore, #tpu.memory_space<semaphore_mem>>) src(%arg6 : memref<384x128xf32, #tpu.memory_space<vmem>>) dst(%dma_wait3A_56 : memref<384x128xf32, #tpu.memory_space<hbm>>)
      tpu.yield
    }) : () -> ()
    %dma_start3A_24 = arith.constant 2 : i32
    %dma_start3A_25 = arith.constant 0 : i32
    %dma_start3A_26 = tpu.memref_slice %arg5[%dma_start3A_24, %dma_start3A_25] : memref<3x384xi32, #tpu.memory_space<vmem>> -> memref<1x384xi32, #tpu.memory_space<vmem>>
    %dma_start3A_27 = tpu.memref_squeeze %dma_start3A_26 : memref<1x384xi32, #tpu.memory_space<vmem>> -> memref<384xi32, #tpu.memory_space<vmem>>
    %dma_start3A_28 = arith.constant 0 : i32
    %dma_start3A_29 = arith.constant 0 : i32
    %dma_start3A_30 = tpu.memref_slice %arg2[%dma_start3A_28, %dma_start3A_29] : memref<9216x128xf32, #tpu.memory_space<hbm>> -> memref<9216x128xf32, #tpu.memory_space<hbm>>
    tpu.enqueue_indirect_dma source(%dma_start3A_30 : memref<9216x128xf32, #tpu.memory_space<hbm>>) target(%arg6 : memref<384x128xf32, #tpu.memory_space<vmem>>) offsets(%dma_start3A_27 : memref<384xi32, #tpu.memory_space<vmem>>) semaphore(%arg8 : memref<!tpu.dma_semaphore, #tpu.memory_space<semaphore_mem>>)
    %dma_wait3A_31 = arith.constant 1 : i32
    %dma_wait3A_32 = arith.constant 0 : i32
    %dma_wait3A_33 = tpu.memref_slice %arg5[%dma_wait3A_31, %dma_wait3A_32] : memref<3x384xi32, #tpu.memory_space<vmem>> -> memref<1x384xi32, #tpu.memory_space<vmem>>
    %dma_wait3A_34 = tpu.memref_squeeze %dma_wait3A_33 : memref<1x384xi32, #tpu.memory_space<vmem>> -> memref<384xi32, #tpu.memory_space<vmem>>
    %dma_wait3A_35 = arith.constant 0 : i32
    %dma_wait3A_36 = arith.constant 0 : i32
    %dma_wait3A_37 = tpu.memref_slice %arg2[%dma_wait3A_35, %dma_wait3A_36] : memref<9216x128xf32, #tpu.memory_space<hbm>> -> memref<9216x128xf32, #tpu.memory_space<hbm>>
    tpu.wait_indirect_dma semaphore(%arg9 : memref<!tpu.dma_semaphore, #tpu.memory_space<semaphore_mem>>) src(%dma_wait3A_37 : memref<9216x128xf32, #tpu.memory_space<hbm>>) dst(%arg7 : memref<384x128xf32, #tpu.memory_space<vmem>>)
    %add3A_38 = arith.constant 384 : i32
    %add3A_39 = arith.addi %mul3A_2, %add3A_38 : i32
    "tpu.region"() ({
      %run_scoped3A = tpu.sem_alloc : memref<!tpu.dma_semaphore, #tpu.memory_space<semaphore_mem>>
      %dma_start3A_49 = arith.constant 0 : i32
      %dma_start3A_50 = tpu.memref_slice %arg4[%add3A_39, %dma_start3A_49] : memref<36864x128xf32, #tpu.memory_space<hbm>> -> memref<384x128xf32, #tpu.memory_space<hbm>>
      %dma_start3A_51 = arith.constant 0 : i32
      %dma_start3A_52 = tpu.memref_slice %arg4[%add3A_39, %dma_start3A_51] : memref<36864x128xf32, #tpu.memory_space<hbm>> -> memref<384x128xf32, #tpu.memory_space<hbm>>
      tpu.enqueue_dma source(%arg7 : memref<384x128xf32, #tpu.memory_space<vmem>>) target(%dma_start3A_52 : memref<384x128xf32, #tpu.memory_space<hbm>>) target_semaphore(%run_scoped3A : memref<!tpu.dma_semaphore, #tpu.memory_space<semaphore_mem>>)
      %dma_wait3A_53 = arith.constant 0 : i32
      %dma_wait3A_54 = tpu.memref_slice %arg4[%add3A_39, %dma_wait3A_53] : memref<36864x128xf32, #tpu.memory_space<hbm>> -> memref<384x128xf32, #tpu.memory_space<hbm>>
      %dma_wait3A_55 = arith.constant 0 : i32
      %dma_wait3A_56 = tpu.memref_slice %arg4[%add3A_39, %dma_wait3A_55] : memref<36864x128xf32, #tpu.memory_space<hbm>> -> memref<384x128xf32, #tpu.memory_space<hbm>>
      tpu.wait_dma2 semaphore(%run_scoped3A : memref<!tpu.dma_semaphore, #tpu.memory_space<semaphore_mem>>) src(%arg7 : memref<384x128xf32, #tpu.memory_space<vmem>>) dst(%dma_wait3A_56 : memref<384x128xf32, #tpu.memory_space<hbm>>)
      tpu.yield
    }) : () -> ()
    %dma_wait3A_40 = arith.constant 2 : i32
    %dma_wait3A_41 = arith.constant 0 : i32
    %dma_wait3A_42 = tpu.memref_slice %arg5[%dma_wait3A_40, %dma_wait3A_41] : memref<3x384xi32, #tpu.memory_space<vmem>> -> memref<1x384xi32, #tpu.memory_space<vmem>>
    %dma_wait3A_43 = tpu.memref_squeeze %dma_wait3A_42 : memref<1x384xi32, #tpu.memory_space<vmem>> -> memref<384xi32, #tpu.memory_space<vmem>>
    %dma_wait3A_44 = arith.constant 0 : i32
    %dma_wait3A_45 = arith.constant 0 : i32
    %dma_wait3A_46 = tpu.memref_slice %arg2[%dma_wait3A_44, %dma_wait3A_45] : memref<9216x128xf32, #tpu.memory_space<hbm>> -> memref<9216x128xf32, #tpu.memory_space<hbm>>
    tpu.wait_indirect_dma semaphore(%arg8 : memref<!tpu.dma_semaphore, #tpu.memory_space<semaphore_mem>>) src(%dma_wait3A_46 : memref<9216x128xf32, #tpu.memory_space<hbm>>) dst(%arg6 : memref<384x128xf32, #tpu.memory_space<vmem>>)
    %add3A_47 = arith.constant 768 : i32
    %add3A_48 = arith.addi %mul3A_2, %add3A_47 : i32
    "tpu.region"() ({
      %run_scoped3A = tpu.sem_alloc : memref<!tpu.dma_semaphore, #tpu.memory_space<semaphore_mem>>
      %dma_start3A_49 = arith.constant 0 : i32
      %dma_start3A_50 = tpu.memref_slice %arg4[%add3A_48, %dma_start3A_49] : memref<36864x128xf32, #tpu.memory_space<hbm>> -> memref<384x128xf32, #tpu.memory_space<hbm>>
      %dma_start3A_51 = arith.constant 0 : i32
      %dma_start3A_52 = tpu.memref_slice %arg4[%add3A_48, %dma_start3A_51] : memref<36864x128xf32, #tpu.memory_space<hbm>> -> memref<384x128xf32, #tpu.memory_space<hbm>>
      tpu.enqueue_dma source(%arg6 : memref<384x128xf32, #tpu.memory_space<vmem>>) target(%dma_start3A_52 : memref<384x128xf32, #tpu.memory_space<hbm>>) target_semaphore(%run_scoped3A : memref<!tpu.dma_semaphore, #tpu.memory_space<semaphore_mem>>)
      %dma_wait3A_53 = arith.constant 0 : i32
      %dma_wait3A_54 = tpu.memref_slice %arg4[%add3A_48, %dma_wait3A_53] : memref<36864x128xf32, #tpu.memory_space<hbm>> -> memref<384x128xf32, #tpu.memory_space<hbm>>
      %dma_wait3A_55 = arith.constant 0 : i32
      %dma_wait3A_56 = tpu.memref_slice %arg4[%add3A_48, %dma_wait3A_55] : memref<36864x128xf32, #tpu.memory_space<hbm>> -> memref<384x128xf32, #tpu.memory_space<hbm>>
      tpu.wait_dma2 semaphore(%run_scoped3A : memref<!tpu.dma_semaphore, #tpu.memory_space<semaphore_mem>>) src(%arg6 : memref<384x128xf32, #tpu.memory_space<vmem>>) dst(%dma_wait3A_56 : memref<384x128xf32, #tpu.memory_space<hbm>>)
      tpu.yield
    }) : () -> ()
    return
  }
}

#map = affine_map<(d0, d1) -> (0, 0)>
#map1 = affine_map<(d0, d1) -> (0, 0, 0)>
module attributes {stable_mosaic.version = 14 : i64} {
  func.func @k(%arg0: i32, %arg1: i32, %arg2: memref<9216x128xf32, #tpu.memory_space<hbm>>, %arg3: memref<32x3x384xi32, #tpu.memory_space<hbm>>, %arg4: memref<36864x128xf32, #tpu.memory_space<hbm>>, %arg5: memref<3x384xi32, #tpu.memory_space<vmem>>, %arg6: memref<384x128xf32, #tpu.memory_space<vmem>>, %arg7: memref<384x128xf32, #tpu.memory_space<vmem>>, %arg8: memref<!tpu.dma_semaphore, #tpu.memory_space<semaphore_mem>>, %arg9: memref<!tpu.dma_semaphore, #tpu.memory_space<semaphore_mem>>) attributes {dimension_semantics = [#tpu.dimension_semantics<core_parallel>, #tpu.dimension_semantics<subcore_parallel>], iteration_bounds = array<i64: 2, 16>, scalar_prefetch = 0 : i64, scratch_operands = 5 : i64, tpu.core_type = #tpu.core_type<sc_vector_subcore>, window_params = [{transform_indices = #map}, {transform_indices = #map1}, {transform_indices = #map}]} {
    %mul3A = arith.constant 2 : i32
    %mul3A_0 = arith.muli %arg1, %mul3A : i32
    %add3A = arith.addi %mul3A_0, %arg0 : i32
    %mul3A_1 = arith.constant 1152 : i32
    %mul3A_2 = arith.muli %add3A, %mul3A_1 : i32
    "tpu.region"() ({
      %run_scoped3A = tpu.sem_alloc : memref<!tpu.dma_semaphore, #tpu.memory_space<semaphore_mem>>
      %dma_start3A_49 = arith.constant 0 : i32
      %dma_start3A_50 = arith.constant 0 : i32
      %dma_start3A_51 = tpu.memref_slice %arg3[%add3A, %dma_start3A_49, %dma_start3A_50] : memref<32x3x384xi32, #tpu.memory_space<hbm>> -> memref<1x3x384xi32, #tpu.memory_space<hbm>>
      %dma_start3A_52 = tpu.memref_squeeze %dma_start3A_51 : memref<1x3x384xi32, #tpu.memory_space<hbm>> -> memref<3x384xi32, #tpu.memory_space<hbm>>
      %dma_start3A_53 = arith.constant 0 : i32
      %dma_start3A_54 = arith.constant 0 : i32
      %dma_start3A_55 = tpu.memref_slice %arg3[%add3A, %dma_start3A_53, %dma_start3A_54] : memref<32x3x384xi32, #tpu.memory_space<hbm>> -> memref<1x3x384xi32, #tpu.memory_space<hbm>>
      %dma_start3A_56 = tpu.memref_squeeze %dma_start3A_55 : memref<1x3x384xi32, #tpu.memory_space<hbm>> -> memref<3x384xi32, #tpu.memory_space<hbm>>
      tpu.enqueue_dma source(%dma_start3A_56 : memref<3x384xi32, #tpu.memory_space<hbm>>) target(%arg5 : memref<3x384xi32, #tpu.memory_space<vmem>>) target_semaphore(%run_scoped3A : memref<!tpu.dma_semaphore, #tpu.memory_space<semaphore_mem>>)
      %dma_wait3A_57 = arith.constant 0 : i32
      %dma_wait3A_58 = arith.constant 0 : i32
      %dma_wait3A_59 = tpu.memref_slice %arg3[%add3A, %dma_wait3A_57, %dma_wait3A_58] : memref<32x3x384xi32, #tpu.memory_space<hbm>> -> memref<1x3x384xi32, #tpu.memory_space<hbm>>
      %dma_wait3A_60 = tpu.memref_squeeze %dma_wait3A_59 : memref<1x3x384xi32, #tpu.memory_space<hbm>> -> memref<3x384xi32, #tpu.memory_space<hbm>>
      %dma_wait3A_61 = arith.constant 0 : i32
      %dma_wait3A_62 = arith.constant 0 : i32
      %dma_wait3A_63 = tpu.memref_slice %arg3[%add3A, %dma_wait3A_61, %dma_wait3A_62] : memref<32x3x384xi32, #tpu.memory_space<hbm>> -> memref<1x3x384xi32, #tpu.memory_space<hbm>>
      %dma_wait3A_64 = tpu.memref_squeeze %dma_wait3A_63 : memref<1x3x384xi32, #tpu.memory_space<hbm>> -> memref<3x384xi32, #tpu.memory_space<hbm>>
      tpu.wait_dma2 semaphore(%run_scoped3A : memref<!tpu.dma_semaphore, #tpu.memory_space<semaphore_mem>>) src(%dma_wait3A_64 : memref<3x384xi32, #tpu.memory_space<hbm>>) dst(%arg5 : memref<3x384xi32, #tpu.memory_space<vmem>>)
      tpu.yield
    }) : () -> ()
    %dma_start3A = arith.constant 0 : i32
    %dma_start3A_3 = arith.constant 0 : i32
    %dma_start3A_4 = tpu.memref_slice %arg5[%dma_start3A, %dma_start3A_3] : memref<3x384xi32, #tpu.memory_space<vmem>> -> memref<1x384xi32, #tpu.memory_space<vmem>>
    %dma_start3A_5 = tpu.memref_squeeze %dma_start3A_4 : memref<1x384xi32, #tpu.memory_space<vmem>> -> memref<384xi32, #tpu.memory_space<vmem>>
    %dma_start3A_6 = arith.constant 0 : i32
    %dma_start3A_7 = arith.constant 0 : i32
    %dma_start3A_8 = tpu.memref_slice %arg2[%dma_start3A_6, %dma_start3A_7] : memref<9216x128xf32, #tpu.memory_space<hbm>> -> memref<9216x128xf32, #tpu.memory_space<hbm>>
    tpu.enqueue_indirect_dma source(%dma_start3A_8 : memref<9216x128xf32, #tpu.memory_space<hbm>>) target(%arg6 : memref<384x128xf32, #tpu.memory_space<vmem>>) offsets(%dma_start3A_5 : memref<384xi32, #tpu.memory_space<vmem>>) semaphore(%arg8 : memref<!tpu.dma_semaphore, #tpu.memory_space<semaphore_mem>>)
    %dma_start3A_9 = arith.constant 1 : i32
    %dma_start3A_10 = arith.constant 0 : i32
    %dma_start3A_11 = tpu.memref_slice %arg5[%dma_start3A_9, %dma_start3A_10] : memref<3x384xi32, #tpu.memory_space<vmem>> -> memref<1x384xi32, #tpu.memory_space<vmem>>
    %dma_start3A_12 = tpu.memref_squeeze %dma_start3A_11 : memref<1x384xi32, #tpu.memory_space<vmem>> -> memref<384xi32, #tpu.memory_space<vmem>>
    %dma_start3A_13 = arith.constant 0 : i32
    %dma_start3A_14 = arith.constant 0 : i32
    %dma_start3A_15 = tpu.memref_slice %arg2[%dma_start3A_13, %dma_start3A_14] : memref<9216x128xf32, #tpu.memory_space<hbm>> -> memref<9216x128xf32, #tpu.memory_space<hbm>>
    tpu.enqueue_indirect_dma source(%dma_start3A_15 : memref<9216x128xf32, #tpu.memory_space<hbm>>) target(%arg7 : memref<384x128xf32, #tpu.memory_space<vmem>>) offsets(%dma_start3A_12 : memref<384xi32, #tpu.memory_space<vmem>>) semaphore(%arg9 : memref<!tpu.dma_semaphore, #tpu.memory_space<semaphore_mem>>)
    %dma_wait3A = arith.constant 0 : i32
    %dma_wait3A_16 = arith.constant 0 : i32
    %dma_wait3A_17 = tpu.memref_slice %arg5[%dma_wait3A, %dma_wait3A_16] : memref<3x384xi32, #tpu.memory_space<vmem>> -> memref<1x384xi32, #tpu.memory_space<vmem>>
    %dma_wait3A_18 = tpu.memref_squeeze %dma_wait3A_17 : memref<1x384xi32, #tpu.memory_space<vmem>> -> memref<384xi32, #tpu.memory_space<vmem>>
    %dma_wait3A_19 = arith.constant 0 : i32
    %dma_wait3A_20 = arith.constant 0 : i32
    %dma_wait3A_21 = tpu.memref_slice %arg2[%dma_wait3A_19, %dma_wait3A_20] : memref<9216x128xf32, #tpu.memory_space<hbm>> -> memref<9216x128xf32, #tpu.memory_space<hbm>>
    tpu.wait_indirect_dma semaphore(%arg8 : memref<!tpu.dma_semaphore, #tpu.memory_space<semaphore_mem>>) src(%dma_wait3A_21 : memref<9216x128xf32, #tpu.memory_space<hbm>>) dst(%arg6 : memref<384x128xf32, #tpu.memory_space<vmem>>)
    %add3A_22 = arith.constant 0 : i32
    %add3A_23 = arith.addi %mul3A_2, %add3A_22 : i32
    "tpu.region"() ({
      %run_scoped3A = tpu.sem_alloc : memref<!tpu.dma_semaphore, #tpu.memory_space<semaphore_mem>>
      %dma_start3A_49 = arith.constant 0 : i32
      %dma_start3A_50 = tpu.memref_slice %arg4[%add3A_23, %dma_start3A_49] : memref<36864x128xf32, #tpu.memory_space<hbm>> -> memref<384x128xf32, #tpu.memory_space<hbm>>
      %dma_start3A_51 = arith.constant 0 : i32
      %dma_start3A_52 = tpu.memref_slice %arg4[%add3A_23, %dma_start3A_51] : memref<36864x128xf32, #tpu.memory_space<hbm>> -> memref<384x128xf32, #tpu.memory_space<hbm>>
      tpu.enqueue_dma source(%arg6 : memref<384x128xf32, #tpu.memory_space<vmem>>) target(%dma_start3A_52 : memref<384x128xf32, #tpu.memory_space<hbm>>) target_semaphore(%run_scoped3A : memref<!tpu.dma_semaphore, #tpu.memory_space<semaphore_mem>>)
      %dma_wait3A_53 = arith.constant 0 : i32
      %dma_wait3A_54 = tpu.memref_slice %arg4[%add3A_23, %dma_wait3A_53] : memref<36864x128xf32, #tpu.memory_space<hbm>> -> memref<384x128xf32, #tpu.memory_space<hbm>>
      %dma_wait3A_55 = arith.constant 0 : i32
      %dma_wait3A_56 = tpu.memref_slice %arg4[%add3A_23, %dma_wait3A_55] : memref<36864x128xf32, #tpu.memory_space<hbm>> -> memref<384x128xf32, #tpu.memory_space<hbm>>
      tpu.wait_dma2 semaphore(%run_scoped3A : memref<!tpu.dma_semaphore, #tpu.memory_space<semaphore_mem>>) src(%arg6 : memref<384x128xf32, #tpu.memory_space<vmem>>) dst(%dma_wait3A_56 : memref<384x128xf32, #tpu.memory_space<hbm>>)
      tpu.yield
    }) : () -> ()
    %dma_start3A_24 = arith.constant 2 : i32
    %dma_start3A_25 = arith.constant 0 : i32
    %dma_start3A_26 = tpu.memref_slice %arg5[%dma_start3A_24, %dma_start3A_25] : memref<3x384xi32, #tpu.memory_space<vmem>> -> memref<1x384xi32, #tpu.memory_space<vmem>>
    %dma_start3A_27 = tpu.memref_squeeze %dma_start3A_26 : memref<1x384xi32, #tpu.memory_space<vmem>> -> memref<384xi32, #tpu.memory_space<vmem>>
    %dma_start3A_28 = arith.constant 0 : i32
    %dma_start3A_29 = arith.constant 0 : i32
    %dma_start3A_30 = tpu.memref_slice %arg2[%dma_start3A_28, %dma_start3A_29] : memref<9216x128xf32, #tpu.memory_space<hbm>> -> memref<9216x128xf32, #tpu.memory_space<hbm>>
    tpu.enqueue_indirect_dma source(%dma_start3A_30 : memref<9216x128xf32, #tpu.memory_space<hbm>>) target(%arg6 : memref<384x128xf32, #tpu.memory_space<vmem>>) offsets(%dma_start3A_27 : memref<384xi32, #tpu.memory_space<vmem>>) semaphore(%arg8 : memref<!tpu.dma_semaphore, #tpu.memory_space<semaphore_mem>>)
    %dma_wait3A_31 = arith.constant 1 : i32
    %dma_wait3A_32 = arith.constant 0 : i32
    %dma_wait3A_33 = tpu.memref_slice %arg5[%dma_wait3A_31, %dma_wait3A_32] : memref<3x384xi32, #tpu.memory_space<vmem>> -> memref<1x384xi32, #tpu.memory_space<vmem>>
    %dma_wait3A_34 = tpu.memref_squeeze %dma_wait3A_33 : memref<1x384xi32, #tpu.memory_space<vmem>> -> memref<384xi32, #tpu.memory_space<vmem>>
    %dma_wait3A_35 = arith.constant 0 : i32
    %dma_wait3A_36 = arith.constant 0 : i32
    %dma_wait3A_37 = tpu.memref_slice %arg2[%dma_wait3A_35, %dma_wait3A_36] : memref<9216x128xf32, #tpu.memory_space<hbm>> -> memref<9216x128xf32, #tpu.memory_space<hbm>>
    tpu.wait_indirect_dma semaphore(%arg9 : memref<!tpu.dma_semaphore, #tpu.memory_space<semaphore_mem>>) src(%dma_wait3A_37 : memref<9216x128xf32, #tpu.memory_space<hbm>>) dst(%arg7 : memref<384x128xf32, #tpu.memory_space<vmem>>)
    %add3A_38 = arith.constant 384 : i32
    %add3A_39 = arith.addi %mul3A_2, %add3A_38 : i32
    "tpu.region"() ({
      %run_scoped3A = tpu.sem_alloc : memref<!tpu.dma_semaphore, #tpu.memory_space<semaphore_mem>>
      %dma_start3A_49 = arith.constant 0 : i32
      %dma_start3A_50 = tpu.memref_slice %arg4[%add3A_39, %dma_start3A_49] : memref<36864x128xf32, #tpu.memory_space<hbm>> -> memref<384x128xf32, #tpu.memory_space<hbm>>
      %dma_start3A_51 = arith.constant 0 : i32
      %dma_start3A_52 = tpu.memref_slice %arg4[%add3A_39, %dma_start3A_51] : memref<36864x128xf32, #tpu.memory_space<hbm>> -> memref<384x128xf32, #tpu.memory_space<hbm>>
      tpu.enqueue_dma source(%arg7 : memref<384x128xf32, #tpu.memory_space<vmem>>) target(%dma_start3A_52 : memref<384x128xf32, #tpu.memory_space<hbm>>) target_semaphore(%run_scoped3A : memref<!tpu.dma_semaphore, #tpu.memory_space<semaphore_mem>>)
      %dma_wait3A_53 = arith.constant 0 : i32
      %dma_wait3A_54 = tpu.memref_slice %arg4[%add3A_39, %dma_wait3A_53] : memref<36864x128xf32, #tpu.memory_space<hbm>> -> memref<384x128xf32, #tpu.memory_space<hbm>>
      %dma_wait3A_55 = arith.constant 0 : i32
      %dma_wait3A_56 = tpu.memref_slice %arg4[%add3A_39, %dma_wait3A_55] : memref<36864x128xf32, #tpu.memory_space<hbm>> -> memref<384x128xf32, #tpu.memory_space<hbm>>
      tpu.wait_dma2 semaphore(%run_scoped3A : memref<!tpu.dma_semaphore, #tpu.memory_space<semaphore_mem>>) src(%arg7 : memref<384x128xf32, #tpu.memory_space<vmem>>) dst(%dma_wait3A_56 : memref<384x128xf32, #tpu.memory_space<hbm>>)
      tpu.yield
    }) : () -> ()
    %dma_wait3A_40 = arith.constant 2 : i32
    %dma_wait3A_41 = arith.constant 0 : i32
    %dma_wait3A_42 = tpu.memref_slice %arg5[%dma_wait3A_40, %dma_wait3A_41] : memref<3x384xi32, #tpu.memory_space<vmem>> -> memref<1x384xi32, #tpu.memory_space<vmem>>
    %dma_wait3A_43 = tpu.memref_squeeze %dma_wait3A_42 : memref<1x384xi32, #tpu.memory_space<vmem>> -> memref<384xi32, #tpu.memory_space<vmem>>
    %dma_wait3A_44 = arith.constant 0 : i32
    %dma_wait3A_45 = arith.constant 0 : i32
    %dma_wait3A_46 = tpu.memref_slice %arg2[%dma_wait3A_44, %dma_wait3A_45] : memref<9216x128xf32, #tpu.memory_space<hbm>> -> memref<9216x128xf32, #tpu.memory_space<hbm>>
    tpu.wait_indirect_dma semaphore(%arg8 : memref<!tpu.dma_semaphore, #tpu.memory_space<semaphore_mem>>) src(%dma_wait3A_46 : memref<9216x128xf32, #tpu.memory_space<hbm>>) dst(%arg6 : memref<384x128xf32, #tpu.memory_space<vmem>>)
    %add3A_47 = arith.constant 768 : i32
    %add3A_48 = arith.addi %mul3A_2, %add3A_47 : i32
    "tpu.region"() ({
      %run_scoped3A = tpu.sem_alloc : memref<!tpu.dma_semaphore, #tpu.memory_space<semaphore_mem>>
      %dma_start3A_49 = arith.constant 0 : i32
      %dma_start3A_50 = tpu.memref_slice %arg4[%add3A_48, %dma_start3A_49] : memref<36864x128xf32, #tpu.memory_space<hbm>> -> memref<384x128xf32, #tpu.memory_space<hbm>>
      %dma_start3A_51 = arith.constant 0 : i32
      %dma_start3A_52 = tpu.memref_slice %arg4[%add3A_48, %dma_start3A_51] : memref<36864x128xf32, #tpu.memory_space<hbm>> -> memref<384x128xf32, #tpu.memory_space<hbm>>
      tpu.enqueue_dma source(%arg6 : memref<384x128xf32, #tpu.memory_space<vmem>>) target(%dma_start3A_52 : memref<384x128xf32, #tpu.memory_space<hbm>>) target_semaphore(%run_scoped3A : memref<!tpu.dma_semaphore, #tpu.memory_space<semaphore_mem>>)
      %dma_wait3A_53 = arith.constant 0 : i32
      %dma_wait3A_54 = tpu.memref_slice %arg4[%add3A_48, %dma_wait3A_53] : memref<36864x128xf32, #tpu.memory_space<hbm>> -> memref<384x128xf32, #tpu.memory_space<hbm>>
      %dma_wait3A_55 = arith.constant 0 : i32
      %dma_wait3A_56 = tpu.memref_slice %arg4[%add3A_48, %dma_wait3A_55] : memref<36864x128xf32, #tpu.memory_space<hbm>> -> memref<384x128xf32, #tpu.memory_space<hbm>>
      tpu.wait_dma2 semaphore(%run_scoped3A : memref<!tpu.dma_semaphore, #tpu.memory_space<semaphore_mem>>) src(%arg6 : memref<384x128xf32, #tpu.memory_space<vmem>>) dst(%dma_wait3A_56 : memref<384x128xf32, #tpu.memory_space<hbm>>)
      tpu.yield
    }) : () -> ()
    return
  }
}

#map = affine_map<(d0, d1) -> (0, 0)>
#map1 = affine_map<(d0, d1) -> (0, 0, 0)>
module attributes {stable_mosaic.version = 14 : i64} {
  func.func @k(%arg0: i32, %arg1: i32, %arg2: memref<9216x128xf32, #tpu.memory_space<hbm>>, %arg3: memref<32x3x384xi32, #tpu.memory_space<hbm>>, %arg4: memref<36864x128xf32, #tpu.memory_space<hbm>>, %arg5: memref<3x384xi32, #tpu.memory_space<vmem>>, %arg6: memref<384x128xf32, #tpu.memory_space<vmem>>, %arg7: memref<384x128xf32, #tpu.memory_space<vmem>>, %arg8: memref<!tpu.dma_semaphore, #tpu.memory_space<semaphore_mem>>, %arg9: memref<!tpu.dma_semaphore, #tpu.memory_space<semaphore_mem>>) attributes {dimension_semantics = [#tpu.dimension_semantics<core_parallel>, #tpu.dimension_semantics<subcore_parallel>], iteration_bounds = array<i64: 2, 16>, scalar_prefetch = 0 : i64, scratch_operands = 5 : i64, tpu.core_type = #tpu.core_type<sc_vector_subcore>, window_params = [{transform_indices = #map}, {transform_indices = #map1}, {transform_indices = #map}]} {
    %mul3A = arith.constant 2 : i32
    %mul3A_0 = arith.muli %arg1, %mul3A : i32
    %add3A = arith.addi %mul3A_0, %arg0 : i32
    %mul3A_1 = arith.constant 1152 : i32
    %mul3A_2 = arith.muli %add3A, %mul3A_1 : i32
    "tpu.region"() ({
      %run_scoped3A = tpu.sem_alloc : memref<!tpu.dma_semaphore, #tpu.memory_space<semaphore_mem>>
      %dma_start3A_49 = arith.constant 0 : i32
      %dma_start3A_50 = arith.constant 0 : i32
      %dma_start3A_51 = tpu.memref_slice %arg3[%add3A, %dma_start3A_49, %dma_start3A_50] : memref<32x3x384xi32, #tpu.memory_space<hbm>> -> memref<1x3x384xi32, #tpu.memory_space<hbm>>
      %dma_start3A_52 = tpu.memref_squeeze %dma_start3A_51 : memref<1x3x384xi32, #tpu.memory_space<hbm>> -> memref<3x384xi32, #tpu.memory_space<hbm>>
      %dma_start3A_53 = arith.constant 0 : i32
      %dma_start3A_54 = arith.constant 0 : i32
      %dma_start3A_55 = tpu.memref_slice %arg3[%add3A, %dma_start3A_53, %dma_start3A_54] : memref<32x3x384xi32, #tpu.memory_space<hbm>> -> memref<1x3x384xi32, #tpu.memory_space<hbm>>
      %dma_start3A_56 = tpu.memref_squeeze %dma_start3A_55 : memref<1x3x384xi32, #tpu.memory_space<hbm>> -> memref<3x384xi32, #tpu.memory_space<hbm>>
      tpu.enqueue_dma source(%dma_start3A_56 : memref<3x384xi32, #tpu.memory_space<hbm>>) target(%arg5 : memref<3x384xi32, #tpu.memory_space<vmem>>) target_semaphore(%run_scoped3A : memref<!tpu.dma_semaphore, #tpu.memory_space<semaphore_mem>>)
      %dma_wait3A_57 = arith.constant 0 : i32
      %dma_wait3A_58 = arith.constant 0 : i32
      %dma_wait3A_59 = tpu.memref_slice %arg3[%add3A, %dma_wait3A_57, %dma_wait3A_58] : memref<32x3x384xi32, #tpu.memory_space<hbm>> -> memref<1x3x384xi32, #tpu.memory_space<hbm>>
      %dma_wait3A_60 = tpu.memref_squeeze %dma_wait3A_59 : memref<1x3x384xi32, #tpu.memory_space<hbm>> -> memref<3x384xi32, #tpu.memory_space<hbm>>
      %dma_wait3A_61 = arith.constant 0 : i32
      %dma_wait3A_62 = arith.constant 0 : i32
      %dma_wait3A_63 = tpu.memref_slice %arg3[%add3A, %dma_wait3A_61, %dma_wait3A_62] : memref<32x3x384xi32, #tpu.memory_space<hbm>> -> memref<1x3x384xi32, #tpu.memory_space<hbm>>
      %dma_wait3A_64 = tpu.memref_squeeze %dma_wait3A_63 : memref<1x3x384xi32, #tpu.memory_space<hbm>> -> memref<3x384xi32, #tpu.memory_space<hbm>>
      tpu.wait_dma2 semaphore(%run_scoped3A : memref<!tpu.dma_semaphore, #tpu.memory_space<semaphore_mem>>) src(%dma_wait3A_64 : memref<3x384xi32, #tpu.memory_space<hbm>>) dst(%arg5 : memref<3x384xi32, #tpu.memory_space<vmem>>)
      tpu.yield
    }) : () -> ()
    %dma_start3A = arith.constant 0 : i32
    %dma_start3A_3 = arith.constant 0 : i32
    %dma_start3A_4 = tpu.memref_slice %arg5[%dma_start3A, %dma_start3A_3] : memref<3x384xi32, #tpu.memory_space<vmem>> -> memref<1x384xi32, #tpu.memory_space<vmem>>
    %dma_start3A_5 = tpu.memref_squeeze %dma_start3A_4 : memref<1x384xi32, #tpu.memory_space<vmem>> -> memref<384xi32, #tpu.memory_space<vmem>>
    %dma_start3A_6 = arith.constant 0 : i32
    %dma_start3A_7 = arith.constant 0 : i32
    %dma_start3A_8 = tpu.memref_slice %arg2[%dma_start3A_6, %dma_start3A_7] : memref<9216x128xf32, #tpu.memory_space<hbm>> -> memref<9216x128xf32, #tpu.memory_space<hbm>>
    tpu.enqueue_indirect_dma source(%dma_start3A_8 : memref<9216x128xf32, #tpu.memory_space<hbm>>) target(%arg6 : memref<384x128xf32, #tpu.memory_space<vmem>>) offsets(%dma_start3A_5 : memref<384xi32, #tpu.memory_space<vmem>>) semaphore(%arg8 : memref<!tpu.dma_semaphore, #tpu.memory_space<semaphore_mem>>)
    %dma_start3A_9 = arith.constant 1 : i32
    %dma_start3A_10 = arith.constant 0 : i32
    %dma_start3A_11 = tpu.memref_slice %arg5[%dma_start3A_9, %dma_start3A_10] : memref<3x384xi32, #tpu.memory_space<vmem>> -> memref<1x384xi32, #tpu.memory_space<vmem>>
    %dma_start3A_12 = tpu.memref_squeeze %dma_start3A_11 : memref<1x384xi32, #tpu.memory_space<vmem>> -> memref<384xi32, #tpu.memory_space<vmem>>
    %dma_start3A_13 = arith.constant 0 : i32
    %dma_start3A_14 = arith.constant 0 : i32
    %dma_start3A_15 = tpu.memref_slice %arg2[%dma_start3A_13, %dma_start3A_14] : memref<9216x128xf32, #tpu.memory_space<hbm>> -> memref<9216x128xf32, #tpu.memory_space<hbm>>
    tpu.enqueue_indirect_dma source(%dma_start3A_15 : memref<9216x128xf32, #tpu.memory_space<hbm>>) target(%arg7 : memref<384x128xf32, #tpu.memory_space<vmem>>) offsets(%dma_start3A_12 : memref<384xi32, #tpu.memory_space<vmem>>) semaphore(%arg9 : memref<!tpu.dma_semaphore, #tpu.memory_space<semaphore_mem>>)
    %dma_wait3A = arith.constant 0 : i32
    %dma_wait3A_16 = arith.constant 0 : i32
    %dma_wait3A_17 = tpu.memref_slice %arg5[%dma_wait3A, %dma_wait3A_16] : memref<3x384xi32, #tpu.memory_space<vmem>> -> memref<1x384xi32, #tpu.memory_space<vmem>>
    %dma_wait3A_18 = tpu.memref_squeeze %dma_wait3A_17 : memref<1x384xi32, #tpu.memory_space<vmem>> -> memref<384xi32, #tpu.memory_space<vmem>>
    %dma_wait3A_19 = arith.constant 0 : i32
    %dma_wait3A_20 = arith.constant 0 : i32
    %dma_wait3A_21 = tpu.memref_slice %arg2[%dma_wait3A_19, %dma_wait3A_20] : memref<9216x128xf32, #tpu.memory_space<hbm>> -> memref<9216x128xf32, #tpu.memory_space<hbm>>
    tpu.wait_indirect_dma semaphore(%arg8 : memref<!tpu.dma_semaphore, #tpu.memory_space<semaphore_mem>>) src(%dma_wait3A_21 : memref<9216x128xf32, #tpu.memory_space<hbm>>) dst(%arg6 : memref<384x128xf32, #tpu.memory_space<vmem>>)
    %add3A_22 = arith.constant 0 : i32
    %add3A_23 = arith.addi %mul3A_2, %add3A_22 : i32
    "tpu.region"() ({
      %run_scoped3A = tpu.sem_alloc : memref<!tpu.dma_semaphore, #tpu.memory_space<semaphore_mem>>
      %dma_start3A_49 = arith.constant 0 : i32
      %dma_start3A_50 = tpu.memref_slice %arg4[%add3A_23, %dma_start3A_49] : memref<36864x128xf32, #tpu.memory_space<hbm>> -> memref<384x128xf32, #tpu.memory_space<hbm>>
      %dma_start3A_51 = arith.constant 0 : i32
      %dma_start3A_52 = tpu.memref_slice %arg4[%add3A_23, %dma_start3A_51] : memref<36864x128xf32, #tpu.memory_space<hbm>> -> memref<384x128xf32, #tpu.memory_space<hbm>>
      tpu.enqueue_dma source(%arg6 : memref<384x128xf32, #tpu.memory_space<vmem>>) target(%dma_start3A_52 : memref<384x128xf32, #tpu.memory_space<hbm>>) target_semaphore(%run_scoped3A : memref<!tpu.dma_semaphore, #tpu.memory_space<semaphore_mem>>)
      %dma_wait3A_53 = arith.constant 0 : i32
      %dma_wait3A_54 = tpu.memref_slice %arg4[%add3A_23, %dma_wait3A_53] : memref<36864x128xf32, #tpu.memory_space<hbm>> -> memref<384x128xf32, #tpu.memory_space<hbm>>
      %dma_wait3A_55 = arith.constant 0 : i32
      %dma_wait3A_56 = tpu.memref_slice %arg4[%add3A_23, %dma_wait3A_55] : memref<36864x128xf32, #tpu.memory_space<hbm>> -> memref<384x128xf32, #tpu.memory_space<hbm>>
      tpu.wait_dma2 semaphore(%run_scoped3A : memref<!tpu.dma_semaphore, #tpu.memory_space<semaphore_mem>>) src(%arg6 : memref<384x128xf32, #tpu.memory_space<vmem>>) dst(%dma_wait3A_56 : memref<384x128xf32, #tpu.memory_space<hbm>>)
      tpu.yield
    }) : () -> ()
    %dma_start3A_24 = arith.constant 2 : i32
    %dma_start3A_25 = arith.constant 0 : i32
    %dma_start3A_26 = tpu.memref_slice %arg5[%dma_start3A_24, %dma_start3A_25] : memref<3x384xi32, #tpu.memory_space<vmem>> -> memref<1x384xi32, #tpu.memory_space<vmem>>
    %dma_start3A_27 = tpu.memref_squeeze %dma_start3A_26 : memref<1x384xi32, #tpu.memory_space<vmem>> -> memref<384xi32, #tpu.memory_space<vmem>>
    %dma_start3A_28 = arith.constant 0 : i32
    %dma_start3A_29 = arith.constant 0 : i32
    %dma_start3A_30 = tpu.memref_slice %arg2[%dma_start3A_28, %dma_start3A_29] : memref<9216x128xf32, #tpu.memory_space<hbm>> -> memref<9216x128xf32, #tpu.memory_space<hbm>>
    tpu.enqueue_indirect_dma source(%dma_start3A_30 : memref<9216x128xf32, #tpu.memory_space<hbm>>) target(%arg6 : memref<384x128xf32, #tpu.memory_space<vmem>>) offsets(%dma_start3A_27 : memref<384xi32, #tpu.memory_space<vmem>>) semaphore(%arg8 : memref<!tpu.dma_semaphore, #tpu.memory_space<semaphore_mem>>)
    %dma_wait3A_31 = arith.constant 1 : i32
    %dma_wait3A_32 = arith.constant 0 : i32
    %dma_wait3A_33 = tpu.memref_slice %arg5[%dma_wait3A_31, %dma_wait3A_32] : memref<3x384xi32, #tpu.memory_space<vmem>> -> memref<1x384xi32, #tpu.memory_space<vmem>>
    %dma_wait3A_34 = tpu.memref_squeeze %dma_wait3A_33 : memref<1x384xi32, #tpu.memory_space<vmem>> -> memref<384xi32, #tpu.memory_space<vmem>>
    %dma_wait3A_35 = arith.constant 0 : i32
    %dma_wait3A_36 = arith.constant 0 : i32
    %dma_wait3A_37 = tpu.memref_slice %arg2[%dma_wait3A_35, %dma_wait3A_36] : memref<9216x128xf32, #tpu.memory_space<hbm>> -> memref<9216x128xf32, #tpu.memory_space<hbm>>
    tpu.wait_indirect_dma semaphore(%arg9 : memref<!tpu.dma_semaphore, #tpu.memory_space<semaphore_mem>>) src(%dma_wait3A_37 : memref<9216x128xf32, #tpu.memory_space<hbm>>) dst(%arg7 : memref<384x128xf32, #tpu.memory_space<vmem>>)
    %add3A_38 = arith.constant 384 : i32
    %add3A_39 = arith.addi %mul3A_2, %add3A_38 : i32
    "tpu.region"() ({
      %run_scoped3A = tpu.sem_alloc : memref<!tpu.dma_semaphore, #tpu.memory_space<semaphore_mem>>
      %dma_start3A_49 = arith.constant 0 : i32
      %dma_start3A_50 = tpu.memref_slice %arg4[%add3A_39, %dma_start3A_49] : memref<36864x128xf32, #tpu.memory_space<hbm>> -> memref<384x128xf32, #tpu.memory_space<hbm>>
      %dma_start3A_51 = arith.constant 0 : i32
      %dma_start3A_52 = tpu.memref_slice %arg4[%add3A_39, %dma_start3A_51] : memref<36864x128xf32, #tpu.memory_space<hbm>> -> memref<384x128xf32, #tpu.memory_space<hbm>>
      tpu.enqueue_dma source(%arg7 : memref<384x128xf32, #tpu.memory_space<vmem>>) target(%dma_start3A_52 : memref<384x128xf32, #tpu.memory_space<hbm>>) target_semaphore(%run_scoped3A : memref<!tpu.dma_semaphore, #tpu.memory_space<semaphore_mem>>)
      %dma_wait3A_53 = arith.constant 0 : i32
      %dma_wait3A_54 = tpu.memref_slice %arg4[%add3A_39, %dma_wait3A_53] : memref<36864x128xf32, #tpu.memory_space<hbm>> -> memref<384x128xf32, #tpu.memory_space<hbm>>
      %dma_wait3A_55 = arith.constant 0 : i32
      %dma_wait3A_56 = tpu.memref_slice %arg4[%add3A_39, %dma_wait3A_55] : memref<36864x128xf32, #tpu.memory_space<hbm>> -> memref<384x128xf32, #tpu.memory_space<hbm>>
      tpu.wait_dma2 semaphore(%run_scoped3A : memref<!tpu.dma_semaphore, #tpu.memory_space<semaphore_mem>>) src(%arg7 : memref<384x128xf32, #tpu.memory_space<vmem>>) dst(%dma_wait3A_56 : memref<384x128xf32, #tpu.memory_space<hbm>>)
      tpu.yield
    }) : () -> ()
    %dma_wait3A_40 = arith.constant 2 : i32
    %dma_wait3A_41 = arith.constant 0 : i32
    %dma_wait3A_42 = tpu.memref_slice %arg5[%dma_wait3A_40, %dma_wait3A_41] : memref<3x384xi32, #tpu.memory_space<vmem>> -> memref<1x384xi32, #tpu.memory_space<vmem>>
    %dma_wait3A_43 = tpu.memref_squeeze %dma_wait3A_42 : memref<1x384xi32, #tpu.memory_space<vmem>> -> memref<384xi32, #tpu.memory_space<vmem>>
    %dma_wait3A_44 = arith.constant 0 : i32
    %dma_wait3A_45 = arith.constant 0 : i32
    %dma_wait3A_46 = tpu.memref_slice %arg2[%dma_wait3A_44, %dma_wait3A_45] : memref<9216x128xf32, #tpu.memory_space<hbm>> -> memref<9216x128xf32, #tpu.memory_space<hbm>>
    tpu.wait_indirect_dma semaphore(%arg8 : memref<!tpu.dma_semaphore, #tpu.memory_space<semaphore_mem>>) src(%dma_wait3A_46 : memref<9216x128xf32, #tpu.memory_space<hbm>>) dst(%arg6 : memref<384x128xf32, #tpu.memory_space<vmem>>)
    %add3A_47 = arith.constant 768 : i32
    %add3A_48 = arith.addi %mul3A_2, %add3A_47 : i32
    "tpu.region"() ({
      %run_scoped3A = tpu.sem_alloc : memref<!tpu.dma_semaphore, #tpu.memory_space<semaphore_mem>>
      %dma_start3A_49 = arith.constant 0 : i32
      %dma_start3A_50 = tpu.memref_slice %arg4[%add3A_48, %dma_start3A_49] : memref<36864x128xf32, #tpu.memory_space<hbm>> -> memref<384x128xf32, #tpu.memory_space<hbm>>
      %dma_start3A_51 = arith.constant 0 : i32
      %dma_start3A_52 = tpu.memref_slice %arg4[%add3A_48, %dma_start3A_51] : memref<36864x128xf32, #tpu.memory_space<hbm>> -> memref<384x128xf32, #tpu.memory_space<hbm>>
      tpu.enqueue_dma source(%arg6 : memref<384x128xf32, #tpu.memory_space<vmem>>) target(%dma_start3A_52 : memref<384x128xf32, #tpu.memory_space<hbm>>) target_semaphore(%run_scoped3A : memref<!tpu.dma_semaphore, #tpu.memory_space<semaphore_mem>>)
      %dma_wait3A_53 = arith.constant 0 : i32
      %dma_wait3A_54 = tpu.memref_slice %arg4[%add3A_48, %dma_wait3A_53] : memref<36864x128xf32, #tpu.memory_space<hbm>> -> memref<384x128xf32, #tpu.memory_space<hbm>>
      %dma_wait3A_55 = arith.constant 0 : i32
      %dma_wait3A_56 = tpu.memref_slice %arg4[%add3A_48, %dma_wait3A_55] : memref<36864x128xf32, #tpu.memory_space<hbm>> -> memref<384x128xf32, #tpu.memory_space<hbm>>
      tpu.wait_dma2 semaphore(%run_scoped3A : memref<!tpu.dma_semaphore, #tpu.memory_space<semaphore_mem>>) src(%arg6 : memref<384x128xf32, #tpu.memory_space<vmem>>) dst(%dma_wait3A_56 : memref<384x128xf32, #tpu.memory_space<hbm>>)
      tpu.yield
    }) : () -> ()
    return
  }
}

#map = affine_map<(d0, d1) -> (0, 0)>
#map1 = affine_map<(d0, d1) -> (0, 0, 0)>
module attributes {stable_mosaic.version = 14 : i64} {
  func.func @k(%arg0: i32, %arg1: i32, %arg2: memref<9216x128xf32, #tpu.memory_space<hbm>>, %arg3: memref<32x3x384xi32, #tpu.memory_space<hbm>>, %arg4: memref<36864x128xf32, #tpu.memory_space<hbm>>, %arg5: memref<3x384xi32, #tpu.memory_space<vmem>>, %arg6: memref<384x128xf32, #tpu.memory_space<vmem>>, %arg7: memref<384x128xf32, #tpu.memory_space<vmem>>, %arg8: memref<!tpu.dma_semaphore, #tpu.memory_space<semaphore_mem>>, %arg9: memref<!tpu.dma_semaphore, #tpu.memory_space<semaphore_mem>>) attributes {dimension_semantics = [#tpu.dimension_semantics<core_parallel>, #tpu.dimension_semantics<subcore_parallel>], iteration_bounds = array<i64: 2, 16>, scalar_prefetch = 0 : i64, scratch_operands = 5 : i64, tpu.core_type = #tpu.core_type<sc_vector_subcore>, window_params = [{transform_indices = #map}, {transform_indices = #map1}, {transform_indices = #map}]} {
    %mul3A = arith.constant 2 : i32
    %mul3A_0 = arith.muli %arg1, %mul3A : i32
    %add3A = arith.addi %mul3A_0, %arg0 : i32
    %mul3A_1 = arith.constant 1152 : i32
    %mul3A_2 = arith.muli %add3A, %mul3A_1 : i32
    "tpu.region"() ({
      %run_scoped3A = tpu.sem_alloc : memref<!tpu.dma_semaphore, #tpu.memory_space<semaphore_mem>>
      %dma_start3A_49 = arith.constant 0 : i32
      %dma_start3A_50 = arith.constant 0 : i32
      %dma_start3A_51 = tpu.memref_slice %arg3[%add3A, %dma_start3A_49, %dma_start3A_50] : memref<32x3x384xi32, #tpu.memory_space<hbm>> -> memref<1x3x384xi32, #tpu.memory_space<hbm>>
      %dma_start3A_52 = tpu.memref_squeeze %dma_start3A_51 : memref<1x3x384xi32, #tpu.memory_space<hbm>> -> memref<3x384xi32, #tpu.memory_space<hbm>>
      %dma_start3A_53 = arith.constant 0 : i32
      %dma_start3A_54 = arith.constant 0 : i32
      %dma_start3A_55 = tpu.memref_slice %arg3[%add3A, %dma_start3A_53, %dma_start3A_54] : memref<32x3x384xi32, #tpu.memory_space<hbm>> -> memref<1x3x384xi32, #tpu.memory_space<hbm>>
      %dma_start3A_56 = tpu.memref_squeeze %dma_start3A_55 : memref<1x3x384xi32, #tpu.memory_space<hbm>> -> memref<3x384xi32, #tpu.memory_space<hbm>>
      tpu.enqueue_dma source(%dma_start3A_56 : memref<3x384xi32, #tpu.memory_space<hbm>>) target(%arg5 : memref<3x384xi32, #tpu.memory_space<vmem>>) target_semaphore(%run_scoped3A : memref<!tpu.dma_semaphore, #tpu.memory_space<semaphore_mem>>)
      %dma_wait3A_57 = arith.constant 0 : i32
      %dma_wait3A_58 = arith.constant 0 : i32
      %dma_wait3A_59 = tpu.memref_slice %arg3[%add3A, %dma_wait3A_57, %dma_wait3A_58] : memref<32x3x384xi32, #tpu.memory_space<hbm>> -> memref<1x3x384xi32, #tpu.memory_space<hbm>>
      %dma_wait3A_60 = tpu.memref_squeeze %dma_wait3A_59 : memref<1x3x384xi32, #tpu.memory_space<hbm>> -> memref<3x384xi32, #tpu.memory_space<hbm>>
      %dma_wait3A_61 = arith.constant 0 : i32
      %dma_wait3A_62 = arith.constant 0 : i32
      %dma_wait3A_63 = tpu.memref_slice %arg3[%add3A, %dma_wait3A_61, %dma_wait3A_62] : memref<32x3x384xi32, #tpu.memory_space<hbm>> -> memref<1x3x384xi32, #tpu.memory_space<hbm>>
      %dma_wait3A_64 = tpu.memref_squeeze %dma_wait3A_63 : memref<1x3x384xi32, #tpu.memory_space<hbm>> -> memref<3x384xi32, #tpu.memory_space<hbm>>
      tpu.wait_dma2 semaphore(%run_scoped3A : memref<!tpu.dma_semaphore, #tpu.memory_space<semaphore_mem>>) src(%dma_wait3A_64 : memref<3x384xi32, #tpu.memory_space<hbm>>) dst(%arg5 : memref<3x384xi32, #tpu.memory_space<vmem>>)
      tpu.yield
    }) : () -> ()
    %dma_start3A = arith.constant 0 : i32
    %dma_start3A_3 = arith.constant 0 : i32
    %dma_start3A_4 = tpu.memref_slice %arg5[%dma_start3A, %dma_start3A_3] : memref<3x384xi32, #tpu.memory_space<vmem>> -> memref<1x384xi32, #tpu.memory_space<vmem>>
    %dma_start3A_5 = tpu.memref_squeeze %dma_start3A_4 : memref<1x384xi32, #tpu.memory_space<vmem>> -> memref<384xi32, #tpu.memory_space<vmem>>
    %dma_start3A_6 = arith.constant 0 : i32
    %dma_start3A_7 = arith.constant 0 : i32
    %dma_start3A_8 = tpu.memref_slice %arg2[%dma_start3A_6, %dma_start3A_7] : memref<9216x128xf32, #tpu.memory_space<hbm>> -> memref<9216x128xf32, #tpu.memory_space<hbm>>
    tpu.enqueue_indirect_dma source(%dma_start3A_8 : memref<9216x128xf32, #tpu.memory_space<hbm>>) target(%arg6 : memref<384x128xf32, #tpu.memory_space<vmem>>) offsets(%dma_start3A_5 : memref<384xi32, #tpu.memory_space<vmem>>) semaphore(%arg8 : memref<!tpu.dma_semaphore, #tpu.memory_space<semaphore_mem>>)
    %dma_start3A_9 = arith.constant 1 : i32
    %dma_start3A_10 = arith.constant 0 : i32
    %dma_start3A_11 = tpu.memref_slice %arg5[%dma_start3A_9, %dma_start3A_10] : memref<3x384xi32, #tpu.memory_space<vmem>> -> memref<1x384xi32, #tpu.memory_space<vmem>>
    %dma_start3A_12 = tpu.memref_squeeze %dma_start3A_11 : memref<1x384xi32, #tpu.memory_space<vmem>> -> memref<384xi32, #tpu.memory_space<vmem>>
    %dma_start3A_13 = arith.constant 0 : i32
    %dma_start3A_14 = arith.constant 0 : i32
    %dma_start3A_15 = tpu.memref_slice %arg2[%dma_start3A_13, %dma_start3A_14] : memref<9216x128xf32, #tpu.memory_space<hbm>> -> memref<9216x128xf32, #tpu.memory_space<hbm>>
    tpu.enqueue_indirect_dma source(%dma_start3A_15 : memref<9216x128xf32, #tpu.memory_space<hbm>>) target(%arg7 : memref<384x128xf32, #tpu.memory_space<vmem>>) offsets(%dma_start3A_12 : memref<384xi32, #tpu.memory_space<vmem>>) semaphore(%arg9 : memref<!tpu.dma_semaphore, #tpu.memory_space<semaphore_mem>>)
    %dma_wait3A = arith.constant 0 : i32
    %dma_wait3A_16 = arith.constant 0 : i32
    %dma_wait3A_17 = tpu.memref_slice %arg5[%dma_wait3A, %dma_wait3A_16] : memref<3x384xi32, #tpu.memory_space<vmem>> -> memref<1x384xi32, #tpu.memory_space<vmem>>
    %dma_wait3A_18 = tpu.memref_squeeze %dma_wait3A_17 : memref<1x384xi32, #tpu.memory_space<vmem>> -> memref<384xi32, #tpu.memory_space<vmem>>
    %dma_wait3A_19 = arith.constant 0 : i32
    %dma_wait3A_20 = arith.constant 0 : i32
    %dma_wait3A_21 = tpu.memref_slice %arg2[%dma_wait3A_19, %dma_wait3A_20] : memref<9216x128xf32, #tpu.memory_space<hbm>> -> memref<9216x128xf32, #tpu.memory_space<hbm>>
    tpu.wait_indirect_dma semaphore(%arg8 : memref<!tpu.dma_semaphore, #tpu.memory_space<semaphore_mem>>) src(%dma_wait3A_21 : memref<9216x128xf32, #tpu.memory_space<hbm>>) dst(%arg6 : memref<384x128xf32, #tpu.memory_space<vmem>>)
    %add3A_22 = arith.constant 0 : i32
    %add3A_23 = arith.addi %mul3A_2, %add3A_22 : i32
    "tpu.region"() ({
      %run_scoped3A = tpu.sem_alloc : memref<!tpu.dma_semaphore, #tpu.memory_space<semaphore_mem>>
      %dma_start3A_49 = arith.constant 0 : i32
      %dma_start3A_50 = tpu.memref_slice %arg4[%add3A_23, %dma_start3A_49] : memref<36864x128xf32, #tpu.memory_space<hbm>> -> memref<384x128xf32, #tpu.memory_space<hbm>>
      %dma_start3A_51 = arith.constant 0 : i32
      %dma_start3A_52 = tpu.memref_slice %arg4[%add3A_23, %dma_start3A_51] : memref<36864x128xf32, #tpu.memory_space<hbm>> -> memref<384x128xf32, #tpu.memory_space<hbm>>
      tpu.enqueue_dma source(%arg6 : memref<384x128xf32, #tpu.memory_space<vmem>>) target(%dma_start3A_52 : memref<384x128xf32, #tpu.memory_space<hbm>>) target_semaphore(%run_scoped3A : memref<!tpu.dma_semaphore, #tpu.memory_space<semaphore_mem>>)
      %dma_wait3A_53 = arith.constant 0 : i32
      %dma_wait3A_54 = tpu.memref_slice %arg4[%add3A_23, %dma_wait3A_53] : memref<36864x128xf32, #tpu.memory_space<hbm>> -> memref<384x128xf32, #tpu.memory_space<hbm>>
      %dma_wait3A_55 = arith.constant 0 : i32
      %dma_wait3A_56 = tpu.memref_slice %arg4[%add3A_23, %dma_wait3A_55] : memref<36864x128xf32, #tpu.memory_space<hbm>> -> memref<384x128xf32, #tpu.memory_space<hbm>>
      tpu.wait_dma2 semaphore(%run_scoped3A : memref<!tpu.dma_semaphore, #tpu.memory_space<semaphore_mem>>) src(%arg6 : memref<384x128xf32, #tpu.memory_space<vmem>>) dst(%dma_wait3A_56 : memref<384x128xf32, #tpu.memory_space<hbm>>)
      tpu.yield
    }) : () -> ()
    %dma_start3A_24 = arith.constant 2 : i32
    %dma_start3A_25 = arith.constant 0 : i32
    %dma_start3A_26 = tpu.memref_slice %arg5[%dma_start3A_24, %dma_start3A_25] : memref<3x384xi32, #tpu.memory_space<vmem>> -> memref<1x384xi32, #tpu.memory_space<vmem>>
    %dma_start3A_27 = tpu.memref_squeeze %dma_start3A_26 : memref<1x384xi32, #tpu.memory_space<vmem>> -> memref<384xi32, #tpu.memory_space<vmem>>
    %dma_start3A_28 = arith.constant 0 : i32
    %dma_start3A_29 = arith.constant 0 : i32
    %dma_start3A_30 = tpu.memref_slice %arg2[%dma_start3A_28, %dma_start3A_29] : memref<9216x128xf32, #tpu.memory_space<hbm>> -> memref<9216x128xf32, #tpu.memory_space<hbm>>
    tpu.enqueue_indirect_dma source(%dma_start3A_30 : memref<9216x128xf32, #tpu.memory_space<hbm>>) target(%arg6 : memref<384x128xf32, #tpu.memory_space<vmem>>) offsets(%dma_start3A_27 : memref<384xi32, #tpu.memory_space<vmem>>) semaphore(%arg8 : memref<!tpu.dma_semaphore, #tpu.memory_space<semaphore_mem>>)
    %dma_wait3A_31 = arith.constant 1 : i32
    %dma_wait3A_32 = arith.constant 0 : i32
    %dma_wait3A_33 = tpu.memref_slice %arg5[%dma_wait3A_31, %dma_wait3A_32] : memref<3x384xi32, #tpu.memory_space<vmem>> -> memref<1x384xi32, #tpu.memory_space<vmem>>
    %dma_wait3A_34 = tpu.memref_squeeze %dma_wait3A_33 : memref<1x384xi32, #tpu.memory_space<vmem>> -> memref<384xi32, #tpu.memory_space<vmem>>
    %dma_wait3A_35 = arith.constant 0 : i32
    %dma_wait3A_36 = arith.constant 0 : i32
    %dma_wait3A_37 = tpu.memref_slice %arg2[%dma_wait3A_35, %dma_wait3A_36] : memref<9216x128xf32, #tpu.memory_space<hbm>> -> memref<9216x128xf32, #tpu.memory_space<hbm>>
    tpu.wait_indirect_dma semaphore(%arg9 : memref<!tpu.dma_semaphore, #tpu.memory_space<semaphore_mem>>) src(%dma_wait3A_37 : memref<9216x128xf32, #tpu.memory_space<hbm>>) dst(%arg7 : memref<384x128xf32, #tpu.memory_space<vmem>>)
    %add3A_38 = arith.constant 384 : i32
    %add3A_39 = arith.addi %mul3A_2, %add3A_38 : i32
    "tpu.region"() ({
      %run_scoped3A = tpu.sem_alloc : memref<!tpu.dma_semaphore, #tpu.memory_space<semaphore_mem>>
      %dma_start3A_49 = arith.constant 0 : i32
      %dma_start3A_50 = tpu.memref_slice %arg4[%add3A_39, %dma_start3A_49] : memref<36864x128xf32, #tpu.memory_space<hbm>> -> memref<384x128xf32, #tpu.memory_space<hbm>>
      %dma_start3A_51 = arith.constant 0 : i32
      %dma_start3A_52 = tpu.memref_slice %arg4[%add3A_39, %dma_start3A_51] : memref<36864x128xf32, #tpu.memory_space<hbm>> -> memref<384x128xf32, #tpu.memory_space<hbm>>
      tpu.enqueue_dma source(%arg7 : memref<384x128xf32, #tpu.memory_space<vmem>>) target(%dma_start3A_52 : memref<384x128xf32, #tpu.memory_space<hbm>>) target_semaphore(%run_scoped3A : memref<!tpu.dma_semaphore, #tpu.memory_space<semaphore_mem>>)
      %dma_wait3A_53 = arith.constant 0 : i32
      %dma_wait3A_54 = tpu.memref_slice %arg4[%add3A_39, %dma_wait3A_53] : memref<36864x128xf32, #tpu.memory_space<hbm>> -> memref<384x128xf32, #tpu.memory_space<hbm>>
      %dma_wait3A_55 = arith.constant 0 : i32
      %dma_wait3A_56 = tpu.memref_slice %arg4[%add3A_39, %dma_wait3A_55] : memref<36864x128xf32, #tpu.memory_space<hbm>> -> memref<384x128xf32, #tpu.memory_space<hbm>>
      tpu.wait_dma2 semaphore(%run_scoped3A : memref<!tpu.dma_semaphore, #tpu.memory_space<semaphore_mem>>) src(%arg7 : memref<384x128xf32, #tpu.memory_space<vmem>>) dst(%dma_wait3A_56 : memref<384x128xf32, #tpu.memory_space<hbm>>)
      tpu.yield
    }) : () -> ()
    %dma_wait3A_40 = arith.constant 2 : i32
    %dma_wait3A_41 = arith.constant 0 : i32
    %dma_wait3A_42 = tpu.memref_slice %arg5[%dma_wait3A_40, %dma_wait3A_41] : memref<3x384xi32, #tpu.memory_space<vmem>> -> memref<1x384xi32, #tpu.memory_space<vmem>>
    %dma_wait3A_43 = tpu.memref_squeeze %dma_wait3A_42 : memref<1x384xi32, #tpu.memory_space<vmem>> -> memref<384xi32, #tpu.memory_space<vmem>>
    %dma_wait3A_44 = arith.constant 0 : i32
    %dma_wait3A_45 = arith.constant 0 : i32
    %dma_wait3A_46 = tpu.memref_slice %arg2[%dma_wait3A_44, %dma_wait3A_45] : memref<9216x128xf32, #tpu.memory_space<hbm>> -> memref<9216x128xf32, #tpu.memory_space<hbm>>
    tpu.wait_indirect_dma semaphore(%arg8 : memref<!tpu.dma_semaphore, #tpu.memory_space<semaphore_mem>>) src(%dma_wait3A_46 : memref<9216x128xf32, #tpu.memory_space<hbm>>) dst(%arg6 : memref<384x128xf32, #tpu.memory_space<vmem>>)
    %add3A_47 = arith.constant 768 : i32
    %add3A_48 = arith.addi %mul3A_2, %add3A_47 : i32
    "tpu.region"() ({
      %run_scoped3A = tpu.sem_alloc : memref<!tpu.dma_semaphore, #tpu.memory_space<semaphore_mem>>
      %dma_start3A_49 = arith.constant 0 : i32
      %dma_start3A_50 = tpu.memref_slice %arg4[%add3A_48, %dma_start3A_49] : memref<36864x128xf32, #tpu.memory_space<hbm>> -> memref<384x128xf32, #tpu.memory_space<hbm>>
      %dma_start3A_51 = arith.constant 0 : i32
      %dma_start3A_52 = tpu.memref_slice %arg4[%add3A_48, %dma_start3A_51] : memref<36864x128xf32, #tpu.memory_space<hbm>> -> memref<384x128xf32, #tpu.memory_space<hbm>>
      tpu.enqueue_dma source(%arg6 : memref<384x128xf32, #tpu.memory_space<vmem>>) target(%dma_start3A_52 : memref<384x128xf32, #tpu.memory_space<hbm>>) target_semaphore(%run_scoped3A : memref<!tpu.dma_semaphore, #tpu.memory_space<semaphore_mem>>)
      %dma_wait3A_53 = arith.constant 0 : i32
      %dma_wait3A_54 = tpu.memref_slice %arg4[%add3A_48, %dma_wait3A_53] : memref<36864x128xf32, #tpu.memory_space<hbm>> -> memref<384x128xf32, #tpu.memory_space<hbm>>
      %dma_wait3A_55 = arith.constant 0 : i32
      %dma_wait3A_56 = tpu.memref_slice %arg4[%add3A_48, %dma_wait3A_55] : memref<36864x128xf32, #tpu.memory_space<hbm>> -> memref<384x128xf32, #tpu.memory_space<hbm>>
      tpu.wait_dma2 semaphore(%run_scoped3A : memref<!tpu.dma_semaphore, #tpu.memory_space<semaphore_mem>>) src(%arg6 : memref<384x128xf32, #tpu.memory_space<vmem>>) dst(%dma_wait3A_56 : memref<384x128xf32, #tpu.memory_space<hbm>>)
      tpu.yield
    }) : () -> ()
    return
  }
}

module attributes {stable_mosaic.version = 14 : i64} {
  func.func @_knn_body(%arg0: i32, %arg1: memref<512x8xf32, #tpu.memory_space<vmem>>, %arg2: memref<1x8x4608xf32, #tpu.memory_space<vmem>>, %arg3: memref<512x8xi32, #tpu.memory_space<vmem>>) attributes {dimension_semantics = [#tpu.dimension_semantics<arbitrary>], iteration_bounds = array<i64: 9>, scalar_prefetch = 0 : i64, scratch_operands = 0 : i64, tpu.core_type = #tpu.core_type<tc>, window_params = [{transform_indices = @transform_0, window_bounds = array<i64: 512, 8>}, {transform_indices = @transform_1, window_bounds = array<i64: 1, 8, 4608>}, {transform_indices = @transform_2, window_bounds = array<i64: 512, 8>}]} {
    %iota3A = tpu.iota {dimensions = array<i32: 1>} : vector<512x4608xi32>
    %mul3A = arith.constant 512 : i32
    %mul3A_0 = arith.muli %arg0, %mul3A : i32
    %iota3A_1 = tpu.iota {dimensions = array<i32: 0>} : vector<512x4608xi32>
    %add3A = vector.broadcast %mul3A_0 : i32 to vector<512x4608xi32>
    %add3A_2 = arith.addi %add3A, %iota3A_1 : vector<512x4608xi32>
    %broadcast_in_dim3A = arith.constant 0.000000e+00 : f32
    %broadcast_in_dim3A_3 = vector.broadcast %broadcast_in_dim3A : f32 to vector<512x4608xf32>
    %get3A = arith.constant 0 : index
    %get3A_4 = arith.constant 0 : index
    %get3A_5 = vector.load %arg1[%get3A, %get3A_4] : memref<512x8xf32, #tpu.memory_space<vmem>>, vector<512x1xf32>
    %get3A_6 = vector.shape_cast %get3A_5 : vector<512x1xf32> to vector<512xf32>
    %broadcast_in_dim3A_7 = vector.shape_cast %get3A_6 : vector<512xf32> to vector<512x1xf32>
    %get3A_8 = arith.constant 0 : index
    %get3A_9 = arith.constant 0 : index
    %get3A_10 = arith.constant 0 : index
    %get3A_11 = vector.load %arg2[%get3A_8, %get3A_9, %get3A_10] : memref<1x8x4608xf32, #tpu.memory_space<vmem>>, vector<1x1x4608xf32>
    %get3A_12 = vector.shape_cast %get3A_11 : vector<1x1x4608xf32> to vector<4608xf32>
    %broadcast_in_dim3A_13 = vector.shape_cast %get3A_12 : vector<4608xf32> to vector<1x4608xf32>
    %sub3A = vector.broadcast %broadcast_in_dim3A_7 : vector<512x1xf32> to vector<512x4608xf32>
    %sub3A_14 = vector.broadcast %broadcast_in_dim3A_13 : vector<1x4608xf32> to vector<512x4608xf32>
    %sub3A_15 = arith.subf %sub3A, %sub3A_14 : vector<512x4608xf32>
    %mul3A_16 = arith.mulf %sub3A_15, %sub3A_15 : vector<512x4608xf32>
    %add3A_17 = arith.addf %broadcast_in_dim3A_3, %mul3A_16 : vector<512x4608xf32>
    %get3A_18 = arith.constant 0 : index
    %get3A_19 = arith.constant 1 : index
    %get3A_20 = vector.load %arg1[%get3A_18, %get3A_19] : memref<512x8xf32, #tpu.memory_space<vmem>>, vector<512x1xf32>
    %get3A_21 = vector.shape_cast %get3A_20 : vector<512x1xf32> to vector<512xf32>
    %broadcast_in_dim3A_22 = vector.shape_cast %get3A_21 : vector<512xf32> to vector<512x1xf32>
    %get3A_23 = arith.constant 0 : index
    %get3A_24 = arith.constant 1 : index
    %get3A_25 = arith.constant 0 : index
    %get3A_26 = vector.load %arg2[%get3A_23, %get3A_24, %get3A_25] : memref<1x8x4608xf32, #tpu.memory_space<vmem>>, vector<1x1x4608xf32>
    %get3A_27 = vector.shape_cast %get3A_26 : vector<1x1x4608xf32> to vector<4608xf32>
    %broadcast_in_dim3A_28 = vector.shape_cast %get3A_27 : vector<4608xf32> to vector<1x4608xf32>
    %sub3A_29 = vector.broadcast %broadcast_in_dim3A_22 : vector<512x1xf32> to vector<512x4608xf32>
    %sub3A_30 = vector.broadcast %broadcast_in_dim3A_28 : vector<1x4608xf32> to vector<512x4608xf32>
    %sub3A_31 = arith.subf %sub3A_29, %sub3A_30 : vector<512x4608xf32>
    %mul3A_32 = arith.mulf %sub3A_31, %sub3A_31 : vector<512x4608xf32>
    %add3A_33 = arith.addf %add3A_17, %mul3A_32 : vector<512x4608xf32>
    %get3A_34 = arith.constant 0 : index
    %get3A_35 = arith.constant 2 : index
    %get3A_36 = vector.load %arg1[%get3A_34, %get3A_35] : memref<512x8xf32, #tpu.memory_space<vmem>>, vector<512x1xf32>
    %get3A_37 = vector.shape_cast %get3A_36 : vector<512x1xf32> to vector<512xf32>
    %broadcast_in_dim3A_38 = vector.shape_cast %get3A_37 : vector<512xf32> to vector<512x1xf32>
    %get3A_39 = arith.constant 0 : index
    %get3A_40 = arith.constant 2 : index
    %get3A_41 = arith.constant 0 : index
    %get3A_42 = vector.load %arg2[%get3A_39, %get3A_40, %get3A_41] : memref<1x8x4608xf32, #tpu.memory_space<vmem>>, vector<1x1x4608xf32>
    %get3A_43 = vector.shape_cast %get3A_42 : vector<1x1x4608xf32> to vector<4608xf32>
    %broadcast_in_dim3A_44 = vector.shape_cast %get3A_43 : vector<4608xf32> to vector<1x4608xf32>
    %sub3A_45 = vector.broadcast %broadcast_in_dim3A_38 : vector<512x1xf32> to vector<512x4608xf32>
    %sub3A_46 = vector.broadcast %broadcast_in_dim3A_44 : vector<1x4608xf32> to vector<512x4608xf32>
    %sub3A_47 = arith.subf %sub3A_45, %sub3A_46 : vector<512x4608xf32>
    %mul3A_48 = arith.mulf %sub3A_47, %sub3A_47 : vector<512x4608xf32>
    %add3A_49 = arith.addf %add3A_33, %mul3A_48 : vector<512x4608xf32>
    %bitcast_convert_type3A = tpu.bitcast %add3A_49 : vector<512x4608xf32> -> vector<512x4608xi32>
    %and3A = arith.constant -8192 : i32
    %and3A_50 = vector.broadcast %and3A : i32 to vector<512x4608xi32>
    %and3A_51 = arith.andi %bitcast_convert_type3A, %and3A_50 : vector<512x4608xi32>
    %or3A = arith.ori %and3A_51, %iota3A : vector<512x4608xi32>
    %eq3A = arith.cmpi eq, %add3A_2, %iota3A : vector<512x4608xi32>
    %jit3A = arith.constant 2147483647 : i32
    %broadcast_in_dim3A_52 = vector.broadcast %jit3A : i32 to vector<512x4608xi32>
    %select_n3A = arith.select %eq3A, %broadcast_in_dim3A_52, %or3A : vector<512x4608xi1>, vector<512x4608xi32>
    %reduce_min3A = arith.constant dense<2147483647> : vector<512xi32>
    %reduce_min3A_53 = vector.multi_reduction <minsi>, %select_n3A, %reduce_min3A [1] : vector<512x4608xi32> to vector<512xi32>
    %broadcast_in_dim3A_54 = vector.shape_cast %reduce_min3A_53 : vector<512xi32> to vector<512x1xi32>
    %and3A_55 = arith.constant 8191 : i32
    %and3A_56 = vector.broadcast %and3A_55 : i32 to vector<512x1xi32>
    %and3A_57 = arith.andi %broadcast_in_dim3A_54, %and3A_56 : vector<512x1xi32>
    %eq3A_58 = vector.broadcast %broadcast_in_dim3A_54 : vector<512x1xi32> to vector<512x4608xi32>
    %eq3A_59 = arith.cmpi eq, %select_n3A, %eq3A_58 : vector<512x4608xi32>
    %jit3A_60 = arith.constant 2147483647 : i32
    %broadcast_in_dim3A_61 = vector.broadcast %jit3A_60 : i32 to vector<512x4608xi32>
    %select_n3A_62 = arith.select %eq3A_59, %broadcast_in_dim3A_61, %select_n3A : vector<512x4608xi1>, vector<512x4608xi32>
    %reduce_min3A_63 = arith.constant dense<2147483647> : vector<512xi32>
    %reduce_min3A_64 = vector.multi_reduction <minsi>, %select_n3A_62, %reduce_min3A_63 [1] : vector<512x4608xi32> to vector<512xi32>
    %broadcast_in_dim3A_65 = vector.shape_cast %reduce_min3A_64 : vector<512xi32> to vector<512x1xi32>
    %and3A_66 = arith.constant 8191 : i32
    %and3A_67 = vector.broadcast %and3A_66 : i32 to vector<512x1xi32>
    %and3A_68 = arith.andi %broadcast_in_dim3A_65, %and3A_67 : vector<512x1xi32>
    %eq3A_69 = vector.broadcast %broadcast_in_dim3A_65 : vector<512x1xi32> to vector<512x4608xi32>
    %eq3A_70 = arith.cmpi eq, %select_n3A_62, %eq3A_69 : vector<512x4608xi32>
    %jit3A_71 = arith.constant 2147483647 : i32
    %broadcast_in_dim3A_72 = vector.broadcast %jit3A_71 : i32 to vector<512x4608xi32>
    %select_n3A_73 = arith.select %eq3A_70, %broadcast_in_dim3A_72, %select_n3A_62 : vector<512x4608xi1>, vector<512x4608xi32>
    %reduce_min3A_74 = arith.constant dense<2147483647> : vector<512xi32>
    %reduce_min3A_75 = vector.multi_reduction <minsi>, %select_n3A_73, %reduce_min3A_74 [1] : vector<512x4608xi32> to vector<512xi32>
    %broadcast_in_dim3A_76 = vector.shape_cast %reduce_min3A_75 : vector<512xi32> to vector<512x1xi32>
    %and3A_77 = arith.constant 8191 : i32
    %and3A_78 = vector.broadcast %and3A_77 : i32 to vector<512x1xi32>
    %and3A_79 = arith.andi %broadcast_in_dim3A_76, %and3A_78 : vector<512x1xi32>
    %eq3A_80 = vector.broadcast %broadcast_in_dim3A_76 : vector<512x1xi32> to vector<512x4608xi32>
    %eq3A_81 = arith.cmpi eq, %select_n3A_73, %eq3A_80 : vector<512x4608xi32>
    %jit3A_82 = arith.constant 2147483647 : i32
    %broadcast_in_dim3A_83 = vector.broadcast %jit3A_82 : i32 to vector<512x4608xi32>
    %select_n3A_84 = arith.select %eq3A_81, %broadcast_in_dim3A_83, %select_n3A_73 : vector<512x4608xi1>, vector<512x4608xi32>
    %reduce_min3A_85 = arith.constant dense<2147483647> : vector<512xi32>
    %reduce_min3A_86 = vector.multi_reduction <minsi>, %select_n3A_84, %reduce_min3A_85 [1] : vector<512x4608xi32> to vector<512xi32>
    %broadcast_in_dim3A_87 = vector.shape_cast %reduce_min3A_86 : vector<512xi32> to vector<512x1xi32>
    %and3A_88 = arith.constant 8191 : i32
    %and3A_89 = vector.broadcast %and3A_88 : i32 to vector<512x1xi32>
    %and3A_90 = arith.andi %broadcast_in_dim3A_87, %and3A_89 : vector<512x1xi32>
    %eq3A_91 = vector.broadcast %broadcast_in_dim3A_87 : vector<512x1xi32> to vector<512x4608xi32>
    %eq3A_92 = arith.cmpi eq, %select_n3A_84, %eq3A_91 : vector<512x4608xi32>
    %jit3A_93 = arith.constant 2147483647 : i32
    %broadcast_in_dim3A_94 = vector.broadcast %jit3A_93 : i32 to vector<512x4608xi32>
    %select_n3A_95 = arith.select %eq3A_92, %broadcast_in_dim3A_94, %select_n3A_84 : vector<512x4608xi1>, vector<512x4608xi32>
    %reduce_min3A_96 = arith.constant dense<2147483647> : vector<512xi32>
    %reduce_min3A_97 = vector.multi_reduction <minsi>, %select_n3A_95, %reduce_min3A_96 [1] : vector<512x4608xi32> to vector<512xi32>
    %broadcast_in_dim3A_98 = vector.shape_cast %reduce_min3A_97 : vector<512xi32> to vector<512x1xi32>
    %and3A_99 = arith.constant 8191 : i32
    %and3A_100 = vector.broadcast %and3A_99 : i32 to vector<512x1xi32>
    %and3A_101 = arith.andi %broadcast_in_dim3A_98, %and3A_100 : vector<512x1xi32>
    %eq3A_102 = vector.broadcast %broadcast_in_dim3A_98 : vector<512x1xi32> to vector<512x4608xi32>
    %eq3A_103 = arith.cmpi eq, %select_n3A_95, %eq3A_102 : vector<512x4608xi32>
    %jit3A_104 = arith.constant 2147483647 : i32
    %broadcast_in_dim3A_105 = vector.broadcast %jit3A_104 : i32 to vector<512x4608xi32>
    %select_n3A_106 = arith.select %eq3A_103, %broadcast_in_dim3A_105, %select_n3A_95 : vector<512x4608xi1>, vector<512x4608xi32>
    %reduce_min3A_107 = arith.constant dense<2147483647> : vector<512xi32>
    %reduce_min3A_108 = vector.multi_reduction <minsi>, %select_n3A_106, %reduce_min3A_107 [1] : vector<512x4608xi32> to vector<512xi32>
    %broadcast_in_dim3A_109 = vector.shape_cast %reduce_min3A_108 : vector<512xi32> to vector<512x1xi32>
    %and3A_110 = arith.constant 8191 : i32
    %and3A_111 = vector.broadcast %and3A_110 : i32 to vector<512x1xi32>
    %and3A_112 = arith.andi %broadcast_in_dim3A_109, %and3A_111 : vector<512x1xi32>
    %eq3A_113 = vector.broadcast %broadcast_in_dim3A_109 : vector<512x1xi32> to vector<512x4608xi32>
    %eq3A_114 = arith.cmpi eq, %select_n3A_106, %eq3A_113 : vector<512x4608xi32>
    %jit3A_115 = arith.constant 2147483647 : i32
    %broadcast_in_dim3A_116 = vector.broadcast %jit3A_115 : i32 to vector<512x4608xi32>
    %select_n3A_117 = arith.select %eq3A_114, %broadcast_in_dim3A_116, %select_n3A_106 : vector<512x4608xi1>, vector<512x4608xi32>
    %reduce_min3A_118 = arith.constant dense<2147483647> : vector<512xi32>
    %reduce_min3A_119 = vector.multi_reduction <minsi>, %select_n3A_117, %reduce_min3A_118 [1] : vector<512x4608xi32> to vector<512xi32>
    %broadcast_in_dim3A_120 = vector.shape_cast %reduce_min3A_119 : vector<512xi32> to vector<512x1xi32>
    %and3A_121 = arith.constant 8191 : i32
    %and3A_122 = vector.broadcast %and3A_121 : i32 to vector<512x1xi32>
    %and3A_123 = arith.andi %broadcast_in_dim3A_120, %and3A_122 : vector<512x1xi32>
    %eq3A_124 = vector.broadcast %broadcast_in_dim3A_120 : vector<512x1xi32> to vector<512x4608xi32>
    %eq3A_125 = arith.cmpi eq, %select_n3A_117, %eq3A_124 : vector<512x4608xi32>
    %jit3A_126 = arith.constant 2147483647 : i32
    %broadcast_in_dim3A_127 = vector.broadcast %jit3A_126 : i32 to vector<512x4608xi32>
    %select_n3A_128 = arith.select %eq3A_125, %broadcast_in_dim3A_127, %select_n3A_117 : vector<512x4608xi1>, vector<512x4608xi32>
    %reduce_min3A_129 = arith.constant dense<2147483647> : vector<512xi32>
    %reduce_min3A_130 = vector.multi_reduction <minsi>, %select_n3A_128, %reduce_min3A_129 [1] : vector<512x4608xi32> to vector<512xi32>
    %broadcast_in_dim3A_131 = vector.shape_cast %reduce_min3A_130 : vector<512xi32> to vector<512x1xi32>
    %and3A_132 = arith.constant 8191 : i32
    %and3A_133 = vector.broadcast %and3A_132 : i32 to vector<512x1xi32>
    %and3A_134 = arith.andi %broadcast_in_dim3A_131, %and3A_133 : vector<512x1xi32>
    %concatenate3A = tpu.concatenate %and3A_57, %and3A_68, %and3A_79, %and3A_90, %and3A_101, %and3A_112, %and3A_123, %and3A_134 in 1 : vector<512x1xi32>, vector<512x1xi32>, vector<512x1xi32>, vector<512x1xi32>, vector<512x1xi32>, vector<512x1xi32>, vector<512x1xi32>, vector<512x1xi32> -> vector<512x8xi32>
    %add3A_135 = arith.constant 4608 : i32
    %add3A_136 = vector.broadcast %add3A_135 : i32 to vector<512x8xi32>
    %add3A_137 = arith.addi %concatenate3A, %add3A_136 : vector<512x8xi32>
    %swap3A = arith.constant 0 : index
    %swap3A_138 = arith.constant 0 : index
    %swap3A_139 = vector.load %arg3[%swap3A, %swap3A_138] : memref<512x8xi32, #tpu.memory_space<vmem>>, vector<512x8xi32>
    tpu.vector_store %arg3[%swap3A, %swap3A_138], %add3A_137 {strides = array<i32>} : memref<512x8xi32, #tpu.memory_space<vmem>>, vector<512x8xi32>,
    return
  }
  func.func @transform_0(%arg0: i32) -> (i32, i32) {
    %add3A = arith.constant 9 : i32
    %add3A_0 = arith.addi %add3A, %arg0 : i32
    %c0_i32 = arith.constant 0 : i32
    %c0_i32_1 = arith.constant 0 : i32
    return %add3A_0, %c0_i32 : i32, i32
  }
  func.func @transform_1(%arg0: i32) -> (i32, i32, i32) {
    %c1_i32 = arith.constant 1 : i32
    %c0_i32 = arith.constant 0 : i32
    %c0_i32_0 = arith.constant 0 : i32
    %c0_i32_1 = arith.constant 0 : i32
    return %c1_i32, %c0_i32, %c0_i32_0 : i32, i32, i32
  }
  func.func @transform_2(%arg0: i32) -> (i32, i32) {
    %c0_i32 = arith.constant 0 : i32
    %c0_i32_0 = arith.constant 0 : i32
    return %arg0, %c0_i32 : i32, i32
  }
}

module attributes {stable_mosaic.version = 14 : i64} {
  func.func @_knn_body(%arg0: i32, %arg1: memref<512x8xf32, #tpu.memory_space<vmem>>, %arg2: memref<1x8x4608xf32, #tpu.memory_space<vmem>>, %arg3: memref<512x8xi32, #tpu.memory_space<vmem>>) attributes {dimension_semantics = [#tpu.dimension_semantics<arbitrary>], iteration_bounds = array<i64: 9>, scalar_prefetch = 0 : i64, scratch_operands = 0 : i64, tpu.core_type = #tpu.core_type<tc>, window_params = [{transform_indices = @transform_0, window_bounds = array<i64: 512, 8>}, {transform_indices = @transform_1, window_bounds = array<i64: 1, 8, 4608>}, {transform_indices = @transform_2, window_bounds = array<i64: 512, 8>}]} {
    %iota3A = tpu.iota {dimensions = array<i32: 1>} : vector<512x4608xi32>
    %mul3A = arith.constant 512 : i32
    %mul3A_0 = arith.muli %arg0, %mul3A : i32
    %iota3A_1 = tpu.iota {dimensions = array<i32: 0>} : vector<512x4608xi32>
    %add3A = vector.broadcast %mul3A_0 : i32 to vector<512x4608xi32>
    %add3A_2 = arith.addi %add3A, %iota3A_1 : vector<512x4608xi32>
    %broadcast_in_dim3A = arith.constant 0.000000e+00 : f32
    %broadcast_in_dim3A_3 = vector.broadcast %broadcast_in_dim3A : f32 to vector<512x4608xf32>
    %get3A = arith.constant 0 : index
    %get3A_4 = arith.constant 0 : index
    %get3A_5 = vector.load %arg1[%get3A, %get3A_4] : memref<512x8xf32, #tpu.memory_space<vmem>>, vector<512x1xf32>
    %get3A_6 = vector.shape_cast %get3A_5 : vector<512x1xf32> to vector<512xf32>
    %broadcast_in_dim3A_7 = vector.shape_cast %get3A_6 : vector<512xf32> to vector<512x1xf32>
    %get3A_8 = arith.constant 0 : index
    %get3A_9 = arith.constant 0 : index
    %get3A_10 = arith.constant 0 : index
    %get3A_11 = vector.load %arg2[%get3A_8, %get3A_9, %get3A_10] : memref<1x8x4608xf32, #tpu.memory_space<vmem>>, vector<1x1x4608xf32>
    %get3A_12 = vector.shape_cast %get3A_11 : vector<1x1x4608xf32> to vector<4608xf32>
    %broadcast_in_dim3A_13 = vector.shape_cast %get3A_12 : vector<4608xf32> to vector<1x4608xf32>
    %sub3A = vector.broadcast %broadcast_in_dim3A_7 : vector<512x1xf32> to vector<512x4608xf32>
    %sub3A_14 = vector.broadcast %broadcast_in_dim3A_13 : vector<1x4608xf32> to vector<512x4608xf32>
    %sub3A_15 = arith.subf %sub3A, %sub3A_14 : vector<512x4608xf32>
    %mul3A_16 = arith.mulf %sub3A_15, %sub3A_15 : vector<512x4608xf32>
    %add3A_17 = arith.addf %broadcast_in_dim3A_3, %mul3A_16 : vector<512x4608xf32>
    %get3A_18 = arith.constant 0 : index
    %get3A_19 = arith.constant 1 : index
    %get3A_20 = vector.load %arg1[%get3A_18, %get3A_19] : memref<512x8xf32, #tpu.memory_space<vmem>>, vector<512x1xf32>
    %get3A_21 = vector.shape_cast %get3A_20 : vector<512x1xf32> to vector<512xf32>
    %broadcast_in_dim3A_22 = vector.shape_cast %get3A_21 : vector<512xf32> to vector<512x1xf32>
    %get3A_23 = arith.constant 0 : index
    %get3A_24 = arith.constant 1 : index
    %get3A_25 = arith.constant 0 : index
    %get3A_26 = vector.load %arg2[%get3A_23, %get3A_24, %get3A_25] : memref<1x8x4608xf32, #tpu.memory_space<vmem>>, vector<1x1x4608xf32>
    %get3A_27 = vector.shape_cast %get3A_26 : vector<1x1x4608xf32> to vector<4608xf32>
    %broadcast_in_dim3A_28 = vector.shape_cast %get3A_27 : vector<4608xf32> to vector<1x4608xf32>
    %sub3A_29 = vector.broadcast %broadcast_in_dim3A_22 : vector<512x1xf32> to vector<512x4608xf32>
    %sub3A_30 = vector.broadcast %broadcast_in_dim3A_28 : vector<1x4608xf32> to vector<512x4608xf32>
    %sub3A_31 = arith.subf %sub3A_29, %sub3A_30 : vector<512x4608xf32>
    %mul3A_32 = arith.mulf %sub3A_31, %sub3A_31 : vector<512x4608xf32>
    %add3A_33 = arith.addf %add3A_17, %mul3A_32 : vector<512x4608xf32>
    %get3A_34 = arith.constant 0 : index
    %get3A_35 = arith.constant 2 : index
    %get3A_36 = vector.load %arg1[%get3A_34, %get3A_35] : memref<512x8xf32, #tpu.memory_space<vmem>>, vector<512x1xf32>
    %get3A_37 = vector.shape_cast %get3A_36 : vector<512x1xf32> to vector<512xf32>
    %broadcast_in_dim3A_38 = vector.shape_cast %get3A_37 : vector<512xf32> to vector<512x1xf32>
    %get3A_39 = arith.constant 0 : index
    %get3A_40 = arith.constant 2 : index
    %get3A_41 = arith.constant 0 : index
    %get3A_42 = vector.load %arg2[%get3A_39, %get3A_40, %get3A_41] : memref<1x8x4608xf32, #tpu.memory_space<vmem>>, vector<1x1x4608xf32>
    %get3A_43 = vector.shape_cast %get3A_42 : vector<1x1x4608xf32> to vector<4608xf32>
    %broadcast_in_dim3A_44 = vector.shape_cast %get3A_43 : vector<4608xf32> to vector<1x4608xf32>
    %sub3A_45 = vector.broadcast %broadcast_in_dim3A_38 : vector<512x1xf32> to vector<512x4608xf32>
    %sub3A_46 = vector.broadcast %broadcast_in_dim3A_44 : vector<1x4608xf32> to vector<512x4608xf32>
    %sub3A_47 = arith.subf %sub3A_45, %sub3A_46 : vector<512x4608xf32>
    %mul3A_48 = arith.mulf %sub3A_47, %sub3A_47 : vector<512x4608xf32>
    %add3A_49 = arith.addf %add3A_33, %mul3A_48 : vector<512x4608xf32>
    %bitcast_convert_type3A = tpu.bitcast %add3A_49 : vector<512x4608xf32> -> vector<512x4608xi32>
    %and3A = arith.constant -8192 : i32
    %and3A_50 = vector.broadcast %and3A : i32 to vector<512x4608xi32>
    %and3A_51 = arith.andi %bitcast_convert_type3A, %and3A_50 : vector<512x4608xi32>
    %or3A = arith.ori %and3A_51, %iota3A : vector<512x4608xi32>
    %eq3A = arith.cmpi eq, %add3A_2, %iota3A : vector<512x4608xi32>
    %jit3A = arith.constant 2147483647 : i32
    %broadcast_in_dim3A_52 = vector.broadcast %jit3A : i32 to vector<512x4608xi32>
    %select_n3A = arith.select %eq3A, %broadcast_in_dim3A_52, %or3A : vector<512x4608xi1>, vector<512x4608xi32>
    %reduce_min3A = arith.constant dense<2147483647> : vector<512xi32>
    %reduce_min3A_53 = vector.multi_reduction <minsi>, %select_n3A, %reduce_min3A [1] : vector<512x4608xi32> to vector<512xi32>
    %broadcast_in_dim3A_54 = vector.shape_cast %reduce_min3A_53 : vector<512xi32> to vector<512x1xi32>
    %and3A_55 = arith.constant 8191 : i32
    %and3A_56 = vector.broadcast %and3A_55 : i32 to vector<512x1xi32>
    %and3A_57 = arith.andi %broadcast_in_dim3A_54, %and3A_56 : vector<512x1xi32>
    %eq3A_58 = vector.broadcast %broadcast_in_dim3A_54 : vector<512x1xi32> to vector<512x4608xi32>
    %eq3A_59 = arith.cmpi eq, %select_n3A, %eq3A_58 : vector<512x4608xi32>
    %jit3A_60 = arith.constant 2147483647 : i32
    %broadcast_in_dim3A_61 = vector.broadcast %jit3A_60 : i32 to vector<512x4608xi32>
    %select_n3A_62 = arith.select %eq3A_59, %broadcast_in_dim3A_61, %select_n3A : vector<512x4608xi1>, vector<512x4608xi32>
    %reduce_min3A_63 = arith.constant dense<2147483647> : vector<512xi32>
    %reduce_min3A_64 = vector.multi_reduction <minsi>, %select_n3A_62, %reduce_min3A_63 [1] : vector<512x4608xi32> to vector<512xi32>
    %broadcast_in_dim3A_65 = vector.shape_cast %reduce_min3A_64 : vector<512xi32> to vector<512x1xi32>
    %and3A_66 = arith.constant 8191 : i32
    %and3A_67 = vector.broadcast %and3A_66 : i32 to vector<512x1xi32>
    %and3A_68 = arith.andi %broadcast_in_dim3A_65, %and3A_67 : vector<512x1xi32>
    %eq3A_69 = vector.broadcast %broadcast_in_dim3A_65 : vector<512x1xi32> to vector<512x4608xi32>
    %eq3A_70 = arith.cmpi eq, %select_n3A_62, %eq3A_69 : vector<512x4608xi32>
    %jit3A_71 = arith.constant 2147483647 : i32
    %broadcast_in_dim3A_72 = vector.broadcast %jit3A_71 : i32 to vector<512x4608xi32>
    %select_n3A_73 = arith.select %eq3A_70, %broadcast_in_dim3A_72, %select_n3A_62 : vector<512x4608xi1>, vector<512x4608xi32>
    %reduce_min3A_74 = arith.constant dense<2147483647> : vector<512xi32>
    %reduce_min3A_75 = vector.multi_reduction <minsi>, %select_n3A_73, %reduce_min3A_74 [1] : vector<512x4608xi32> to vector<512xi32>
    %broadcast_in_dim3A_76 = vector.shape_cast %reduce_min3A_75 : vector<512xi32> to vector<512x1xi32>
    %and3A_77 = arith.constant 8191 : i32
    %and3A_78 = vector.broadcast %and3A_77 : i32 to vector<512x1xi32>
    %and3A_79 = arith.andi %broadcast_in_dim3A_76, %and3A_78 : vector<512x1xi32>
    %eq3A_80 = vector.broadcast %broadcast_in_dim3A_76 : vector<512x1xi32> to vector<512x4608xi32>
    %eq3A_81 = arith.cmpi eq, %select_n3A_73, %eq3A_80 : vector<512x4608xi32>
    %jit3A_82 = arith.constant 2147483647 : i32
    %broadcast_in_dim3A_83 = vector.broadcast %jit3A_82 : i32 to vector<512x4608xi32>
    %select_n3A_84 = arith.select %eq3A_81, %broadcast_in_dim3A_83, %select_n3A_73 : vector<512x4608xi1>, vector<512x4608xi32>
    %reduce_min3A_85 = arith.constant dense<2147483647> : vector<512xi32>
    %reduce_min3A_86 = vector.multi_reduction <minsi>, %select_n3A_84, %reduce_min3A_85 [1] : vector<512x4608xi32> to vector<512xi32>
    %broadcast_in_dim3A_87 = vector.shape_cast %reduce_min3A_86 : vector<512xi32> to vector<512x1xi32>
    %and3A_88 = arith.constant 8191 : i32
    %and3A_89 = vector.broadcast %and3A_88 : i32 to vector<512x1xi32>
    %and3A_90 = arith.andi %broadcast_in_dim3A_87, %and3A_89 : vector<512x1xi32>
    %eq3A_91 = vector.broadcast %broadcast_in_dim3A_87 : vector<512x1xi32> to vector<512x4608xi32>
    %eq3A_92 = arith.cmpi eq, %select_n3A_84, %eq3A_91 : vector<512x4608xi32>
    %jit3A_93 = arith.constant 2147483647 : i32
    %broadcast_in_dim3A_94 = vector.broadcast %jit3A_93 : i32 to vector<512x4608xi32>
    %select_n3A_95 = arith.select %eq3A_92, %broadcast_in_dim3A_94, %select_n3A_84 : vector<512x4608xi1>, vector<512x4608xi32>
    %reduce_min3A_96 = arith.constant dense<2147483647> : vector<512xi32>
    %reduce_min3A_97 = vector.multi_reduction <minsi>, %select_n3A_95, %reduce_min3A_96 [1] : vector<512x4608xi32> to vector<512xi32>
    %broadcast_in_dim3A_98 = vector.shape_cast %reduce_min3A_97 : vector<512xi32> to vector<512x1xi32>
    %and3A_99 = arith.constant 8191 : i32
    %and3A_100 = vector.broadcast %and3A_99 : i32 to vector<512x1xi32>
    %and3A_101 = arith.andi %broadcast_in_dim3A_98, %and3A_100 : vector<512x1xi32>
    %eq3A_102 = vector.broadcast %broadcast_in_dim3A_98 : vector<512x1xi32> to vector<512x4608xi32>
    %eq3A_103 = arith.cmpi eq, %select_n3A_95, %eq3A_102 : vector<512x4608xi32>
    %jit3A_104 = arith.constant 2147483647 : i32
    %broadcast_in_dim3A_105 = vector.broadcast %jit3A_104 : i32 to vector<512x4608xi32>
    %select_n3A_106 = arith.select %eq3A_103, %broadcast_in_dim3A_105, %select_n3A_95 : vector<512x4608xi1>, vector<512x4608xi32>
    %reduce_min3A_107 = arith.constant dense<2147483647> : vector<512xi32>
    %reduce_min3A_108 = vector.multi_reduction <minsi>, %select_n3A_106, %reduce_min3A_107 [1] : vector<512x4608xi32> to vector<512xi32>
    %broadcast_in_dim3A_109 = vector.shape_cast %reduce_min3A_108 : vector<512xi32> to vector<512x1xi32>
    %and3A_110 = arith.constant 8191 : i32
    %and3A_111 = vector.broadcast %and3A_110 : i32 to vector<512x1xi32>
    %and3A_112 = arith.andi %broadcast_in_dim3A_109, %and3A_111 : vector<512x1xi32>
    %eq3A_113 = vector.broadcast %broadcast_in_dim3A_109 : vector<512x1xi32> to vector<512x4608xi32>
    %eq3A_114 = arith.cmpi eq, %select_n3A_106, %eq3A_113 : vector<512x4608xi32>
    %jit3A_115 = arith.constant 2147483647 : i32
    %broadcast_in_dim3A_116 = vector.broadcast %jit3A_115 : i32 to vector<512x4608xi32>
    %select_n3A_117 = arith.select %eq3A_114, %broadcast_in_dim3A_116, %select_n3A_106 : vector<512x4608xi1>, vector<512x4608xi32>
    %reduce_min3A_118 = arith.constant dense<2147483647> : vector<512xi32>
    %reduce_min3A_119 = vector.multi_reduction <minsi>, %select_n3A_117, %reduce_min3A_118 [1] : vector<512x4608xi32> to vector<512xi32>
    %broadcast_in_dim3A_120 = vector.shape_cast %reduce_min3A_119 : vector<512xi32> to vector<512x1xi32>
    %and3A_121 = arith.constant 8191 : i32
    %and3A_122 = vector.broadcast %and3A_121 : i32 to vector<512x1xi32>
    %and3A_123 = arith.andi %broadcast_in_dim3A_120, %and3A_122 : vector<512x1xi32>
    %eq3A_124 = vector.broadcast %broadcast_in_dim3A_120 : vector<512x1xi32> to vector<512x4608xi32>
    %eq3A_125 = arith.cmpi eq, %select_n3A_117, %eq3A_124 : vector<512x4608xi32>
    %jit3A_126 = arith.constant 2147483647 : i32
    %broadcast_in_dim3A_127 = vector.broadcast %jit3A_126 : i32 to vector<512x4608xi32>
    %select_n3A_128 = arith.select %eq3A_125, %broadcast_in_dim3A_127, %select_n3A_117 : vector<512x4608xi1>, vector<512x4608xi32>
    %reduce_min3A_129 = arith.constant dense<2147483647> : vector<512xi32>
    %reduce_min3A_130 = vector.multi_reduction <minsi>, %select_n3A_128, %reduce_min3A_129 [1] : vector<512x4608xi32> to vector<512xi32>
    %broadcast_in_dim3A_131 = vector.shape_cast %reduce_min3A_130 : vector<512xi32> to vector<512x1xi32>
    %and3A_132 = arith.constant 8191 : i32
    %and3A_133 = vector.broadcast %and3A_132 : i32 to vector<512x1xi32>
    %and3A_134 = arith.andi %broadcast_in_dim3A_131, %and3A_133 : vector<512x1xi32>
    %concatenate3A = tpu.concatenate %and3A_57, %and3A_68, %and3A_79, %and3A_90, %and3A_101, %and3A_112, %and3A_123, %and3A_134 in 1 : vector<512x1xi32>, vector<512x1xi32>, vector<512x1xi32>, vector<512x1xi32>, vector<512x1xi32>, vector<512x1xi32>, vector<512x1xi32>, vector<512x1xi32> -> vector<512x8xi32>
    %add3A_135 = arith.constant 0 : i32
    %add3A_136 = vector.broadcast %add3A_135 : i32 to vector<512x8xi32>
    %add3A_137 = arith.addi %concatenate3A, %add3A_136 : vector<512x8xi32>
    %swap3A = arith.constant 0 : index
    %swap3A_138 = arith.constant 0 : index
    %swap3A_139 = vector.load %arg3[%swap3A, %swap3A_138] : memref<512x8xi32, #tpu.memory_space<vmem>>, vector<512x8xi32>
    tpu.vector_store %arg3[%swap3A, %swap3A_138], %add3A_137 {strides = array<i32>} : memref<512x8xi32, #tpu.memory_space<vmem>>, vector<512x8xi32>,
    return
  }
  func.func @transform_0(%arg0: i32) -> (i32, i32) {
    %add3A = arith.constant 0 : i32
    %add3A_0 = arith.addi %add3A, %arg0 : i32
    %c0_i32 = arith.constant 0 : i32
    %c0_i32_1 = arith.constant 0 : i32
    return %add3A_0, %c0_i32 : i32, i32
  }
  func.func @transform_1(%arg0: i32) -> (i32, i32, i32) {
    %c0_i32 = arith.constant 0 : i32
    %c0_i32_0 = arith.constant 0 : i32
    %c0_i32_1 = arith.constant 0 : i32
    %c0_i32_2 = arith.constant 0 : i32
    return %c0_i32, %c0_i32_0, %c0_i32_1 : i32, i32, i32
  }
  func.func @transform_2(%arg0: i32) -> (i32, i32) {
    %c0_i32 = arith.constant 0 : i32
    %c0_i32_0 = arith.constant 0 : i32
    return %arg0, %c0_i32 : i32, i32
  }
}

module attributes {stable_mosaic.version = 14 : i64} {
  func.func @_layer_body(%arg0: i32, %arg1: memref<8x512x128xf32, #tpu.memory_space<vmem>>, %arg2: memref<512x128xf32, #tpu.memory_space<vmem>>, %arg3: memref<64x64xf32, #tpu.memory_space<vmem>>, %arg4: memref<64x64xf32, #tpu.memory_space<vmem>>, %arg5: memref<1x64xf32, #tpu.memory_space<vmem>>, %arg6: memref<1x64xf32, #tpu.memory_space<vmem>>, %arg7: memref<64x64xf32, #tpu.memory_space<vmem>>, %arg8: memref<1x64xf32, #tpu.memory_space<vmem>>, %arg9: memref<1x64xf32, #tpu.memory_space<vmem>>, %arg10: memref<1x1xf32, #tpu.memory_space<vmem>>, %arg11: memref<64x64xf32, #tpu.memory_space<vmem>>, %arg12: memref<64x64xf32, #tpu.memory_space<vmem>>, %arg13: memref<1x64xf32, #tpu.memory_space<vmem>>, %arg14: memref<64x64xf32, #tpu.memory_space<vmem>>, %arg15: memref<1x64xf32, #tpu.memory_space<vmem>>, %arg16: memref<512x128xf32, #tpu.memory_space<vmem>>) attributes {dimension_semantics = [#tpu.dimension_semantics<arbitrary>], iteration_bounds = array<i64: 9>, scalar_prefetch = 0 : i64, scratch_operands = 0 : i64, tpu.core_type = #tpu.core_type<tc>, window_params = [{transform_indices = @transform_0, window_bounds = array<i64: 8, 512, 128>}, {transform_indices = @transform_1, window_bounds = array<i64: 512, 128>}, {pipeline_mode = #tpu.pipeline_mode<synchronous>, transform_indices = @transform_2, window_bounds = array<i64: 64, 64>}, {pipeline_mode = #tpu.pipeline_mode<synchronous>, transform_indices = @transform_3, window_bounds = array<i64: 64, 64>}, {pipeline_mode = #tpu.pipeline_mode<synchronous>, transform_indices = @transform_4, window_bounds = array<i64: 1, 64>}, {pipeline_mode = #tpu.pipeline_mode<synchronous>, transform_indices = @transform_5, window_bounds = array<i64: 1, 64>}, {pipeline_mode = #tpu.pipeline_mode<synchronous>, transform_indices = @transform_6, window_bounds = array<i64: 64, 64>}, {pipeline_mode = #tpu.pipeline_mode<synchronous>, transform_indices = @transform_7, window_bounds = array<i64: 1, 64>}, {pipeline_mode = #tpu.pipeline_mode<synchronous>, transform_indices = @transform_8, window_bounds = array<i64: 1, 64>}, {pipeline_mode = #tpu.pipeline_mode<synchronous>, transform_indices = @transform_9, window_bounds = array<i64: 1, 1>}, {pipeline_mode = #tpu.pipeline_mode<synchronous>, transform_indices = @transform_10, window_bounds = array<i64: 64, 64>}, {pipeline_mode = #tpu.pipeline_mode<synchronous>, transform_indices = @transform_11, window_bounds = array<i64: 64, 64>}, {pipeline_mode = #tpu.pipeline_mode<synchronous>, transform_indices = @transform_12, window_bounds = array<i64: 1, 64>}, {pipeline_mode = #tpu.pipeline_mode<synchronous>, transform_indices = @transform_13, window_bounds = array<i64: 64, 64>}, {pipeline_mode = #tpu.pipeline_mode<synchronous>, transform_indices = @transform_14, window_bounds = array<i64: 1, 64>}, {transform_indices = @transform_15, window_bounds = array<i64: 512, 128>}]} {
    %get3A = arith.constant 0 : index
    %get3A_0 = arith.constant 0 : index
    %get3A_1 = vector.load %arg2[%get3A, %get3A_0] : memref<512x128xf32, #tpu.memory_space<vmem>>, vector<512x128xf32>
    %slice3A = vector.extract_strided_slice %get3A_1 {offsets = [0, 0], sizes = [512, 16], strides = [1, 1]} : vector<512x128xf32> to vector<512x16xf32>
    %slice3A_2 = vector.extract_strided_slice %get3A_1 {offsets = [0, 16], sizes = [512, 64], strides = [1, 1]} : vector<512x128xf32> to vector<512x64xf32>
    %get3A_3 = arith.constant 0 : index
    %get3A_4 = arith.constant 0 : index
    %get3A_5 = vector.load %arg4[%get3A_3, %get3A_4] : memref<64x64xf32, #tpu.memory_space<vmem>>, vector<64x64xf32>
    %dot_general3A = arith.constant dense<0.000000e+00> : vector<512x64xf32>
    %dot_general3A_6 = tpu.matmul %slice3A_2, %get3A_5, %dot_general3A {dimension_numbers = #tpu.dot_dimension_numbers<[1], [0], [0], [1], [0, 0, 1, 1], [], []>, precision = #tpu.contract_precision<fp32>, transpose_lhs_hint = false} : vector<512x64xf32>, vector<64x64xf32>, vector<512x64xf32> -> vector<512x64xf32>
    %get3A_7 = arith.constant 0 : index
    %get3A_8 = arith.constant 0 : index
    %get3A_9 = vector.load %arg6[%get3A_7, %get3A_8] : memref<1x64xf32, #tpu.memory_space<vmem>>, vector<1x64xf32>
    %add3A = vector.broadcast %get3A_9 : vector<1x64xf32> to vector<512x64xf32>
    %add3A_10 = arith.addf %dot_general3A_6, %add3A : vector<512x64xf32>
    %broadcast_in_dim3A = arith.constant 0.000000e+00 : f32
    %broadcast_in_dim3A_11 = vector.broadcast %broadcast_in_dim3A : f32 to vector<512x64xf32>
    %broadcast_in_dim3A_12 = arith.constant 0.000000e+00 : f32
    %broadcast_in_dim3A_13 = vector.broadcast %broadcast_in_dim3A_12 : f32 to vector<512x16xf32>
    %get3A_14 = arith.constant 0 : index
    %get3A_15 = arith.constant 0 : index
    %get3A_16 = arith.constant 0 : index
    %get3A_17 = vector.load %arg1[%get3A_14, %get3A_15, %get3A_16] : memref<8x512x128xf32, #tpu.memory_space<vmem>>, vector<1x512x16xf32>
    %get3A_18 = vector.shape_cast %get3A_17 : vector<1x512x16xf32> to vector<512x16xf32>
    %get3A_19 = arith.constant 0 : index
    %get3A_20 = arith.constant 0 : index
    %get3A_21 = arith.constant 16 : index
    %get3A_22 = vector.load %arg1[%get3A_19, %get3A_20, %get3A_21] : memref<8x512x128xf32, #tpu.memory_space<vmem>>, vector<1x512x64xf32>
    %get3A_23 = vector.shape_cast %get3A_22 : vector<1x512x64xf32> to vector<512x64xf32>
    %sub3A = arith.subf %get3A_18, %slice3A : vector<512x16xf32>
    %mul3A = arith.mulf %sub3A, %sub3A : vector<512x16xf32>
    %reduce_sum3A = arith.constant dense<0.000000e+00> : vector<512xf32>
    %reduce_sum3A_24 = vector.multi_reduction <add>, %mul3A, %reduce_sum3A [1] : vector<512x16xf32> to vector<512xf32>
    %broadcast_in_dim3A_25 = vector.shape_cast %reduce_sum3A_24 : vector<512xf32> to vector<512x1xf32>
    %sqrt3A = math.sqrt %broadcast_in_dim3A_25 : vector<512x1xf32>
    %get3A_26 = arith.constant 0 : index
    %get3A_27 = arith.constant 0 : index
    %get3A_28 = vector.load %arg3[%get3A_26, %get3A_27] : memref<64x64xf32, #tpu.memory_space<vmem>>, vector<64x64xf32>
    %dot_general3A_29 = arith.constant dense<0.000000e+00> : vector<512x64xf32>
    %dot_general3A_30 = tpu.matmul %get3A_23, %get3A_28, %dot_general3A_29 {dimension_numbers = #tpu.dot_dimension_numbers<[1], [0], [0], [1], [0, 0, 1, 1], [], []>, precision = #tpu.contract_precision<fp32>, transpose_lhs_hint = false} : vector<512x64xf32>, vector<64x64xf32>, vector<512x64xf32> -> vector<512x64xf32>
    %add3A_31 = arith.addf %dot_general3A_30, %add3A_10 : vector<512x64xf32>
    %get3A_32 = arith.constant 0 : index
    %get3A_33 = arith.constant 0 : index
    %get3A_34 = vector.load %arg5[%get3A_32, %get3A_33] : memref<1x64xf32, #tpu.memory_space<vmem>>, vector<1x64xf32>
    %mul3A_35 = vector.broadcast %sqrt3A : vector<512x1xf32> to vector<512x64xf32>
    %mul3A_36 = vector.broadcast %get3A_34 : vector<1x64xf32> to vector<512x64xf32>
    %mul3A_37 = arith.mulf %mul3A_35, %mul3A_36 : vector<512x64xf32>
    %add3A_38 = arith.addf %add3A_31, %mul3A_37 : vector<512x64xf32>
    %logistic3A = arith.negf %add3A_38 : vector<512x64xf32>
    %logistic3A_39 = math.exp %logistic3A : vector<512x64xf32>
    %logistic3A_40 = arith.constant 1.000000e+00 : f32
    %logistic3A_41 = vector.broadcast %logistic3A_40 : f32 to vector<512x64xf32>
    %logistic3A_42 = arith.addf %logistic3A_41, %logistic3A_39 : vector<512x64xf32>
    %logistic3A_43 = arith.divf %logistic3A_41, %logistic3A_42 : vector<512x64xf32>
    %mul3A_44 = arith.mulf %add3A_38, %logistic3A_43 : vector<512x64xf32>
    %get3A_45 = arith.constant 0 : index
    %get3A_46 = arith.constant 0 : index
    %get3A_47 = vector.load %arg7[%get3A_45, %get3A_46] : memref<64x64xf32, #tpu.memory_space<vmem>>, vector<64x64xf32>
    %dot_general3A_48 = arith.constant dense<0.000000e+00> : vector<512x64xf32>
    %dot_general3A_49 = tpu.matmul %mul3A_44, %get3A_47, %dot_general3A_48 {dimension_numbers = #tpu.dot_dimension_numbers<[1], [0], [0], [1], [0, 0, 1, 1], [], []>, precision = #tpu.contract_precision<fp32>, transpose_lhs_hint = false} : vector<512x64xf32>, vector<64x64xf32>, vector<512x64xf32> -> vector<512x64xf32>
    %get3A_50 = arith.constant 0 : index
    %get3A_51 = arith.constant 0 : index
    %get3A_52 = vector.load %arg8[%get3A_50, %get3A_51] : memref<1x64xf32, #tpu.memory_space<vmem>>, vector<1x64xf32>
    %add3A_53 = vector.broadcast %get3A_52 : vector<1x64xf32> to vector<512x64xf32>
    %add3A_54 = arith.addf %dot_general3A_49, %add3A_53 : vector<512x64xf32>
    %logistic3A_55 = arith.negf %add3A_54 : vector<512x64xf32>
    %logistic3A_56 = math.exp %logistic3A_55 : vector<512x64xf32>
    %logistic3A_57 = arith.constant 1.000000e+00 : f32
    %logistic3A_58 = vector.broadcast %logistic3A_57 : f32 to vector<512x64xf32>
    %logistic3A_59 = arith.addf %logistic3A_58, %logistic3A_56 : vector<512x64xf32>
    %logistic3A_60 = arith.divf %logistic3A_58, %logistic3A_59 : vector<512x64xf32>
    %mul3A_61 = arith.mulf %add3A_54, %logistic3A_60 : vector<512x64xf32>
    %get3A_62 = arith.constant 0 : index
    %get3A_63 = arith.constant 0 : index
    %get3A_64 = vector.load %arg9[%get3A_62, %get3A_63] : memref<1x64xf32, #tpu.memory_space<vmem>>, vector<1x64xf32>
    %mul3A_65 = vector.broadcast %get3A_64 : vector<1x64xf32> to vector<512x64xf32>
    %mul3A_66 = arith.mulf %mul3A_61, %mul3A_65 : vector<512x64xf32>
    %reduce_sum3A_67 = arith.constant dense<0.000000e+00> : vector<512xf32>
    %reduce_sum3A_68 = vector.multi_reduction <add>, %mul3A_66, %reduce_sum3A_67 [1] : vector<512x64xf32> to vector<512xf32>
    %broadcast_in_dim3A_69 = vector.shape_cast %reduce_sum3A_68 : vector<512xf32> to vector<512x1xf32>
    %get3A_70 = arith.constant 0 : index
    %get3A_71 = arith.constant 0 : index
    %get3A_72 = vector.load %arg10[%get3A_70, %get3A_71] : memref<1x1xf32, #tpu.memory_space<vmem>>, vector<1x1xf32>
    %get3A_73 = vector.extract %get3A_72[0, 0] : f32 from vector<1x1xf32>
    %add3A_74 = vector.broadcast %get3A_73 : f32 to vector<512x1xf32>
    %add3A_75 = arith.addf %broadcast_in_dim3A_69, %add3A_74 : vector<512x1xf32>
    %add3A_76 = arith.constant 9.99999993E-9 : f32
    %add3A_77 = vector.broadcast %add3A_76 : f32 to vector<512x1xf32>
    %add3A_78 = arith.addf %sqrt3A, %add3A_77 : vector<512x1xf32>
    %div3A = vector.broadcast %add3A_78 : vector<512x1xf32> to vector<512x16xf32>
    %div3A_79 = arith.divf %sub3A, %div3A : vector<512x16xf32>
    %mul3A_80 = vector.broadcast %add3A_75 : vector<512x1xf32> to vector<512x16xf32>
    %mul3A_81 = arith.mulf %mul3A_80, %div3A_79 : vector<512x16xf32>
    %add3A_82 = arith.addf %broadcast_in_dim3A_13, %mul3A_81 : vector<512x16xf32>
    %add3A_83 = arith.addf %broadcast_in_dim3A_11, %mul3A_61 : vector<512x64xf32>
    %get3A_84 = arith.constant 1 : index
    %get3A_85 = arith.constant 0 : index
    %get3A_86 = arith.constant 0 : index
    %get3A_87 = vector.load %arg1[%get3A_84, %get3A_85, %get3A_86] : memref<8x512x128xf32, #tpu.memory_space<vmem>>, vector<1x512x16xf32>
    %get3A_88 = vector.shape_cast %get3A_87 : vector<1x512x16xf32> to vector<512x16xf32>
    %get3A_89 = arith.constant 1 : index
    %get3A_90 = arith.constant 0 : index
    %get3A_91 = arith.constant 16 : index
    %get3A_92 = vector.load %arg1[%get3A_89, %get3A_90, %get3A_91] : memref<8x512x128xf32, #tpu.memory_space<vmem>>, vector<1x512x64xf32>
    %get3A_93 = vector.shape_cast %get3A_92 : vector<1x512x64xf32> to vector<512x64xf32>
    %sub3A_94 = arith.subf %get3A_88, %slice3A : vector<512x16xf32>
    %mul3A_95 = arith.mulf %sub3A_94, %sub3A_94 : vector<512x16xf32>
    %reduce_sum3A_96 = arith.constant dense<0.000000e+00> : vector<512xf32>
    %reduce_sum3A_97 = vector.multi_reduction <add>, %mul3A_95, %reduce_sum3A_96 [1] : vector<512x16xf32> to vector<512xf32>
    %broadcast_in_dim3A_98 = vector.shape_cast %reduce_sum3A_97 : vector<512xf32> to vector<512x1xf32>
    %sqrt3A_99 = math.sqrt %broadcast_in_dim3A_98 : vector<512x1xf32>
    %get3A_100 = arith.constant 0 : index
    %get3A_101 = arith.constant 0 : index
    %get3A_102 = vector.load %arg3[%get3A_100, %get3A_101] : memref<64x64xf32, #tpu.memory_space<vmem>>, vector<64x64xf32>
    %dot_general3A_103 = arith.constant dense<0.000000e+00> : vector<512x64xf32>
    %dot_general3A_104 = tpu.matmul %get3A_93, %get3A_102, %dot_general3A_103 {dimension_numbers = #tpu.dot_dimension_numbers<[1], [0], [0], [1], [0, 0, 1, 1], [], []>, precision = #tpu.contract_precision<fp32>, transpose_lhs_hint = false} : vector<512x64xf32>, vector<64x64xf32>, vector<512x64xf32> -> vector<512x64xf32>
    %add3A_105 = arith.addf %dot_general3A_104, %add3A_10 : vector<512x64xf32>
    %get3A_106 = arith.constant 0 : index
    %get3A_107 = arith.constant 0 : index
    %get3A_108 = vector.load %arg5[%get3A_106, %get3A_107] : memref<1x64xf32, #tpu.memory_space<vmem>>, vector<1x64xf32>
    %mul3A_109 = vector.broadcast %sqrt3A_99 : vector<512x1xf32> to vector<512x64xf32>
    %mul3A_110 = vector.broadcast %get3A_108 : vector<1x64xf32> to vector<512x64xf32>
    %mul3A_111 = arith.mulf %mul3A_109, %mul3A_110 : vector<512x64xf32>
    %add3A_112 = arith.addf %add3A_105, %mul3A_111 : vector<512x64xf32>
    %logistic3A_113 = arith.negf %add3A_112 : vector<512x64xf32>
    %logistic3A_114 = math.exp %logistic3A_113 : vector<512x64xf32>
    %logistic3A_115 = arith.constant 1.000000e+00 : f32
    %logistic3A_116 = vector.broadcast %logistic3A_115 : f32 to vector<512x64xf32>
    %logistic3A_117 = arith.addf %logistic3A_116, %logistic3A_114 : vector<512x64xf32>
    %logistic3A_118 = arith.divf %logistic3A_116, %logistic3A_117 : vector<512x64xf32>
    %mul3A_119 = arith.mulf %add3A_112, %logistic3A_118 : vector<512x64xf32>
    %get3A_120 = arith.constant 0 : index
    %get3A_121 = arith.constant 0 : index
    %get3A_122 = vector.load %arg7[%get3A_120, %get3A_121] : memref<64x64xf32, #tpu.memory_space<vmem>>, vector<64x64xf32>
    %dot_general3A_123 = arith.constant dense<0.000000e+00> : vector<512x64xf32>
    %dot_general3A_124 = tpu.matmul %mul3A_119, %get3A_122, %dot_general3A_123 {dimension_numbers = #tpu.dot_dimension_numbers<[1], [0], [0], [1], [0, 0, 1, 1], [], []>, precision = #tpu.contract_precision<fp32>, transpose_lhs_hint = false} : vector<512x64xf32>, vector<64x64xf32>, vector<512x64xf32> -> vector<512x64xf32>
    %get3A_125 = arith.constant 0 : index
    %get3A_126 = arith.constant 0 : index
    %get3A_127 = vector.load %arg8[%get3A_125, %get3A_126] : memref<1x64xf32, #tpu.memory_space<vmem>>, vector<1x64xf32>
    %add3A_128 = vector.broadcast %get3A_127 : vector<1x64xf32> to vector<512x64xf32>
    %add3A_129 = arith.addf %dot_general3A_124, %add3A_128 : vector<512x64xf32>
    %logistic3A_130 = arith.negf %add3A_129 : vector<512x64xf32>
    %logistic3A_131 = math.exp %logistic3A_130 : vector<512x64xf32>
    %logistic3A_132 = arith.constant 1.000000e+00 : f32
    %logistic3A_133 = vector.broadcast %logistic3A_132 : f32 to vector<512x64xf32>
    %logistic3A_134 = arith.addf %logistic3A_133, %logistic3A_131 : vector<512x64xf32>
    %logistic3A_135 = arith.divf %logistic3A_133, %logistic3A_134 : vector<512x64xf32>
    %mul3A_136 = arith.mulf %add3A_129, %logistic3A_135 : vector<512x64xf32>
    %get3A_137 = arith.constant 0 : index
    %get3A_138 = arith.constant 0 : index
    %get3A_139 = vector.load %arg9[%get3A_137, %get3A_138] : memref<1x64xf32, #tpu.memory_space<vmem>>, vector<1x64xf32>
    %mul3A_140 = vector.broadcast %get3A_139 : vector<1x64xf32> to vector<512x64xf32>
    %mul3A_141 = arith.mulf %mul3A_136, %mul3A_140 : vector<512x64xf32>
    %reduce_sum3A_142 = arith.constant dense<0.000000e+00> : vector<512xf32>
    %reduce_sum3A_143 = vector.multi_reduction <add>, %mul3A_141, %reduce_sum3A_142 [1] : vector<512x64xf32> to vector<512xf32>
    %broadcast_in_dim3A_144 = vector.shape_cast %reduce_sum3A_143 : vector<512xf32> to vector<512x1xf32>
    %get3A_145 = arith.constant 0 : index
    %get3A_146 = arith.constant 0 : index
    %get3A_147 = vector.load %arg10[%get3A_145, %get3A_146] : memref<1x1xf32, #tpu.memory_space<vmem>>, vector<1x1xf32>
    %get3A_148 = vector.extract %get3A_147[0, 0] : f32 from vector<1x1xf32>
    %add3A_149 = vector.broadcast %get3A_148 : f32 to vector<512x1xf32>
    %add3A_150 = arith.addf %broadcast_in_dim3A_144, %add3A_149 : vector<512x1xf32>
    %add3A_151 = arith.constant 9.99999993E-9 : f32
    %add3A_152 = vector.broadcast %add3A_151 : f32 to vector<512x1xf32>
    %add3A_153 = arith.addf %sqrt3A_99, %add3A_152 : vector<512x1xf32>
    %div3A_154 = vector.broadcast %add3A_153 : vector<512x1xf32> to vector<512x16xf32>
    %div3A_155 = arith.divf %sub3A_94, %div3A_154 : vector<512x16xf32>
    %mul3A_156 = vector.broadcast %add3A_150 : vector<512x1xf32> to vector<512x16xf32>
    %mul3A_157 = arith.mulf %mul3A_156, %div3A_155 : vector<512x16xf32>
    %add3A_158 = arith.addf %add3A_82, %mul3A_157 : vector<512x16xf32>
    %add3A_159 = arith.addf %add3A_83, %mul3A_136 : vector<512x64xf32>
    %get3A_160 = arith.constant 2 : index
    %get3A_161 = arith.constant 0 : index
    %get3A_162 = arith.constant 0 : index
    %get3A_163 = vector.load %arg1[%get3A_160, %get3A_161, %get3A_162] : memref<8x512x128xf32, #tpu.memory_space<vmem>>, vector<1x512x16xf32>
    %get3A_164 = vector.shape_cast %get3A_163 : vector<1x512x16xf32> to vector<512x16xf32>
    %get3A_165 = arith.constant 2 : index
    %get3A_166 = arith.constant 0 : index
    %get3A_167 = arith.constant 16 : index
    %get3A_168 = vector.load %arg1[%get3A_165, %get3A_166, %get3A_167] : memref<8x512x128xf32, #tpu.memory_space<vmem>>, vector<1x512x64xf32>
    %get3A_169 = vector.shape_cast %get3A_168 : vector<1x512x64xf32> to vector<512x64xf32>
    %sub3A_170 = arith.subf %get3A_164, %slice3A : vector<512x16xf32>
    %mul3A_171 = arith.mulf %sub3A_170, %sub3A_170 : vector<512x16xf32>
    %reduce_sum3A_172 = arith.constant dense<0.000000e+00> : vector<512xf32>
    %reduce_sum3A_173 = vector.multi_reduction <add>, %mul3A_171, %reduce_sum3A_172 [1] : vector<512x16xf32> to vector<512xf32>
    %broadcast_in_dim3A_174 = vector.shape_cast %reduce_sum3A_173 : vector<512xf32> to vector<512x1xf32>
    %sqrt3A_175 = math.sqrt %broadcast_in_dim3A_174 : vector<512x1xf32>
    %get3A_176 = arith.constant 0 : index
    %get3A_177 = arith.constant 0 : index
    %get3A_178 = vector.load %arg3[%get3A_176, %get3A_177] : memref<64x64xf32, #tpu.memory_space<vmem>>, vector<64x64xf32>
    %dot_general3A_179 = arith.constant dense<0.000000e+00> : vector<512x64xf32>
    %dot_general3A_180 = tpu.matmul %get3A_169, %get3A_178, %dot_general3A_179 {dimension_numbers = #tpu.dot_dimension_numbers<[1], [0], [0], [1], [0, 0, 1, 1], [], []>, precision = #tpu.contract_precision<fp32>, transpose_lhs_hint = false} : vector<512x64xf32>, vector<64x64xf32>, vector<512x64xf32> -> vector<512x64xf32>
    %add3A_181 = arith.addf %dot_general3A_180, %add3A_10 : vector<512x64xf32>
    %get3A_182 = arith.constant 0 : index
    %get3A_183 = arith.constant 0 : index
    %get3A_184 = vector.load %arg5[%get3A_182, %get3A_183] : memref<1x64xf32, #tpu.memory_space<vmem>>, vector<1x64xf32>
    %mul3A_185 = vector.broadcast %sqrt3A_175 : vector<512x1xf32> to vector<512x64xf32>
    %mul3A_186 = vector.broadcast %get3A_184 : vector<1x64xf32> to vector<512x64xf32>
    %mul3A_187 = arith.mulf %mul3A_185, %mul3A_186 : vector<512x64xf32>
    %add3A_188 = arith.addf %add3A_181, %mul3A_187 : vector<512x64xf32>
    %logistic3A_189 = arith.negf %add3A_188 : vector<512x64xf32>
    %logistic3A_190 = math.exp %logistic3A_189 : vector<512x64xf32>
    %logistic3A_191 = arith.constant 1.000000e+00 : f32
    %logistic3A_192 = vector.broadcast %logistic3A_191 : f32 to vector<512x64xf32>
    %logistic3A_193 = arith.addf %logistic3A_192, %logistic3A_190 : vector<512x64xf32>
    %logistic3A_194 = arith.divf %logistic3A_192, %logistic3A_193 : vector<512x64xf32>
    %mul3A_195 = arith.mulf %add3A_188, %logistic3A_194 : vector<512x64xf32>
    %get3A_196 = arith.constant 0 : index
    %get3A_197 = arith.constant 0 : index
    %get3A_198 = vector.load %arg7[%get3A_196, %get3A_197] : memref<64x64xf32, #tpu.memory_space<vmem>>, vector<64x64xf32>
    %dot_general3A_199 = arith.constant dense<0.000000e+00> : vector<512x64xf32>
    %dot_general3A_200 = tpu.matmul %mul3A_195, %get3A_198, %dot_general3A_199 {dimension_numbers = #tpu.dot_dimension_numbers<[1], [0], [0], [1], [0, 0, 1, 1], [], []>, precision = #tpu.contract_precision<fp32>, transpose_lhs_hint = false} : vector<512x64xf32>, vector<64x64xf32>, vector<512x64xf32> -> vector<512x64xf32>
    %get3A_201 = arith.constant 0 : index
    %get3A_202 = arith.constant 0 : index
    %get3A_203 = vector.load %arg8[%get3A_201, %get3A_202] : memref<1x64xf32, #tpu.memory_space<vmem>>, vector<1x64xf32>
    %add3A_204 = vector.broadcast %get3A_203 : vector<1x64xf32> to vector<512x64xf32>
    %add3A_205 = arith.addf %dot_general3A_200, %add3A_204 : vector<512x64xf32>
    %logistic3A_206 = arith.negf %add3A_205 : vector<512x64xf32>
    %logistic3A_207 = math.exp %logistic3A_206 : vector<512x64xf32>
    %logistic3A_208 = arith.constant 1.000000e+00 : f32
    %logistic3A_209 = vector.broadcast %logistic3A_208 : f32 to vector<512x64xf32>
    %logistic3A_210 = arith.addf %logistic3A_209, %logistic3A_207 : vector<512x64xf32>
    %logistic3A_211 = arith.divf %logistic3A_209, %logistic3A_210 : vector<512x64xf32>
    %mul3A_212 = arith.mulf %add3A_205, %logistic3A_211 : vector<512x64xf32>
    %get3A_213 = arith.constant 0 : index
    %get3A_214 = arith.constant 0 : index
    %get3A_215 = vector.load %arg9[%get3A_213, %get3A_214] : memref<1x64xf32, #tpu.memory_space<vmem>>, vector<1x64xf32>
    %mul3A_216 = vector.broadcast %get3A_215 : vector<1x64xf32> to vector<512x64xf32>
    %mul3A_217 = arith.mulf %mul3A_212, %mul3A_216 : vector<512x64xf32>
    %reduce_sum3A_218 = arith.constant dense<0.000000e+00> : vector<512xf32>
    %reduce_sum3A_219 = vector.multi_reduction <add>, %mul3A_217, %reduce_sum3A_218 [1] : vector<512x64xf32> to vector<512xf32>
    %broadcast_in_dim3A_220 = vector.shape_cast %reduce_sum3A_219 : vector<512xf32> to vector<512x1xf32>
    %get3A_221 = arith.constant 0 : index
    %get3A_222 = arith.constant 0 : index
    %get3A_223 = vector.load %arg10[%get3A_221, %get3A_222] : memref<1x1xf32, #tpu.memory_space<vmem>>, vector<1x1xf32>
    %get3A_224 = vector.extract %get3A_223[0, 0] : f32 from vector<1x1xf32>
    %add3A_225 = vector.broadcast %get3A_224 : f32 to vector<512x1xf32>
    %add3A_226 = arith.addf %broadcast_in_dim3A_220, %add3A_225 : vector<512x1xf32>
    %add3A_227 = arith.constant 9.99999993E-9 : f32
    %add3A_228 = vector.broadcast %add3A_227 : f32 to vector<512x1xf32>
    %add3A_229 = arith.addf %sqrt3A_175, %add3A_228 : vector<512x1xf32>
    %div3A_230 = vector.broadcast %add3A_229 : vector<512x1xf32> to vector<512x16xf32>
    %div3A_231 = arith.divf %sub3A_170, %div3A_230 : vector<512x16xf32>
    %mul3A_232 = vector.broadcast %add3A_226 : vector<512x1xf32> to vector<512x16xf32>
    %mul3A_233 = arith.mulf %mul3A_232, %div3A_231 : vector<512x16xf32>
    %add3A_234 = arith.addf %add3A_158, %mul3A_233 : vector<512x16xf32>
    %add3A_235 = arith.addf %add3A_159, %mul3A_212 : vector<512x64xf32>
    %get3A_236 = arith.constant 3 : index
    %get3A_237 = arith.constant 0 : index
    %get3A_238 = arith.constant 0 : index
    %get3A_239 = vector.load %arg1[%get3A_236, %get3A_237, %get3A_238] : memref<8x512x128xf32, #tpu.memory_space<vmem>>, vector<1x512x16xf32>
    %get3A_240 = vector.shape_cast %get3A_239 : vector<1x512x16xf32> to vector<512x16xf32>
    %get3A_241 = arith.constant 3 : index
    %get3A_242 = arith.constant 0 : index
    %get3A_243 = arith.constant 16 : index
    %get3A_244 = vector.load %arg1[%get3A_241, %get3A_242, %get3A_243] : memref<8x512x128xf32, #tpu.memory_space<vmem>>, vector<1x512x64xf32>
    %get3A_245 = vector.shape_cast %get3A_244 : vector<1x512x64xf32> to vector<512x64xf32>
    %sub3A_246 = arith.subf %get3A_240, %slice3A : vector<512x16xf32>
    %mul3A_247 = arith.mulf %sub3A_246, %sub3A_246 : vector<512x16xf32>
    %reduce_sum3A_248 = arith.constant dense<0.000000e+00> : vector<512xf32>
    %reduce_sum3A_249 = vector.multi_reduction <add>, %mul3A_247, %reduce_sum3A_248 [1] : vector<512x16xf32> to vector<512xf32>
    %broadcast_in_dim3A_250 = vector.shape_cast %reduce_sum3A_249 : vector<512xf32> to vector<512x1xf32>
    %sqrt3A_251 = math.sqrt %broadcast_in_dim3A_250 : vector<512x1xf32>
    %get3A_252 = arith.constant 0 : index
    %get3A_253 = arith.constant 0 : index
    %get3A_254 = vector.load %arg3[%get3A_252, %get3A_253] : memref<64x64xf32, #tpu.memory_space<vmem>>, vector<64x64xf32>
    %dot_general3A_255 = arith.constant dense<0.000000e+00> : vector<512x64xf32>
    %dot_general3A_256 = tpu.matmul %get3A_245, %get3A_254, %dot_general3A_255 {dimension_numbers = #tpu.dot_dimension_numbers<[1], [0], [0], [1], [0, 0, 1, 1], [], []>, precision = #tpu.contract_precision<fp32>, transpose_lhs_hint = false} : vector<512x64xf32>, vector<64x64xf32>, vector<512x64xf32> -> vector<512x64xf32>
    %add3A_257 = arith.addf %dot_general3A_256, %add3A_10 : vector<512x64xf32>
    %get3A_258 = arith.constant 0 : index
    %get3A_259 = arith.constant 0 : index
    %get3A_260 = vector.load %arg5[%get3A_258, %get3A_259] : memref<1x64xf32, #tpu.memory_space<vmem>>, vector<1x64xf32>
    %mul3A_261 = vector.broadcast %sqrt3A_251 : vector<512x1xf32> to vector<512x64xf32>
    %mul3A_262 = vector.broadcast %get3A_260 : vector<1x64xf32> to vector<512x64xf32>
    %mul3A_263 = arith.mulf %mul3A_261, %mul3A_262 : vector<512x64xf32>
    %add3A_264 = arith.addf %add3A_257, %mul3A_263 : vector<512x64xf32>
    %logistic3A_265 = arith.negf %add3A_264 : vector<512x64xf32>
    %logistic3A_266 = math.exp %logistic3A_265 : vector<512x64xf32>
    %logistic3A_267 = arith.constant 1.000000e+00 : f32
    %logistic3A_268 = vector.broadcast %logistic3A_267 : f32 to vector<512x64xf32>
    %logistic3A_269 = arith.addf %logistic3A_268, %logistic3A_266 : vector<512x64xf32>
    %logistic3A_270 = arith.divf %logistic3A_268, %logistic3A_269 : vector<512x64xf32>
    %mul3A_271 = arith.mulf %add3A_264, %logistic3A_270 : vector<512x64xf32>
    %get3A_272 = arith.constant 0 : index
    %get3A_273 = arith.constant 0 : index
    %get3A_274 = vector.load %arg7[%get3A_272, %get3A_273] : memref<64x64xf32, #tpu.memory_space<vmem>>, vector<64x64xf32>
    %dot_general3A_275 = arith.constant dense<0.000000e+00> : vector<512x64xf32>
    %dot_general3A_276 = tpu.matmul %mul3A_271, %get3A_274, %dot_general3A_275 {dimension_numbers = #tpu.dot_dimension_numbers<[1], [0], [0], [1], [0, 0, 1, 1], [], []>, precision = #tpu.contract_precision<fp32>, transpose_lhs_hint = false} : vector<512x64xf32>, vector<64x64xf32>, vector<512x64xf32> -> vector<512x64xf32>
    %get3A_277 = arith.constant 0 : index
    %get3A_278 = arith.constant 0 : index
    %get3A_279 = vector.load %arg8[%get3A_277, %get3A_278] : memref<1x64xf32, #tpu.memory_space<vmem>>, vector<1x64xf32>
    %add3A_280 = vector.broadcast %get3A_279 : vector<1x64xf32> to vector<512x64xf32>
    %add3A_281 = arith.addf %dot_general3A_276, %add3A_280 : vector<512x64xf32>
    %logistic3A_282 = arith.negf %add3A_281 : vector<512x64xf32>
    %logistic3A_283 = math.exp %logistic3A_282 : vector<512x64xf32>
    %logistic3A_284 = arith.constant 1.000000e+00 : f32
    %logistic3A_285 = vector.broadcast %logistic3A_284 : f32 to vector<512x64xf32>
    %logistic3A_286 = arith.addf %logistic3A_285, %logistic3A_283 : vector<512x64xf32>
    %logistic3A_287 = arith.divf %logistic3A_285, %logistic3A_286 : vector<512x64xf32>
    %mul3A_288 = arith.mulf %add3A_281, %logistic3A_287 : vector<512x64xf32>
    %get3A_289 = arith.constant 0 : index
    %get3A_290 = arith.constant 0 : index
    %get3A_291 = vector.load %arg9[%get3A_289, %get3A_290] : memref<1x64xf32, #tpu.memory_space<vmem>>, vector<1x64xf32>
    %mul3A_292 = vector.broadcast %get3A_291 : vector<1x64xf32> to vector<512x64xf32>
    %mul3A_293 = arith.mulf %mul3A_288, %mul3A_292 : vector<512x64xf32>
    %reduce_sum3A_294 = arith.constant dense<0.000000e+00> : vector<512xf32>
    %reduce_sum3A_295 = vector.multi_reduction <add>, %mul3A_293, %reduce_sum3A_294 [1] : vector<512x64xf32> to vector<512xf32>
    %broadcast_in_dim3A_296 = vector.shape_cast %reduce_sum3A_295 : vector<512xf32> to vector<512x1xf32>
    %get3A_297 = arith.constant 0 : index
    %get3A_298 = arith.constant 0 : index
    %get3A_299 = vector.load %arg10[%get3A_297, %get3A_298] : memref<1x1xf32, #tpu.memory_space<vmem>>, vector<1x1xf32>
    %get3A_300 = vector.extract %get3A_299[0, 0] : f32 from vector<1x1xf32>
    %add3A_301 = vector.broadcast %get3A_300 : f32 to vector<512x1xf32>
    %add3A_302 = arith.addf %broadcast_in_dim3A_296, %add3A_301 : vector<512x1xf32>
    %add3A_303 = arith.constant 9.99999993E-9 : f32
    %add3A_304 = vector.broadcast %add3A_303 : f32 to vector<512x1xf32>
    %add3A_305 = arith.addf %sqrt3A_251, %add3A_304 : vector<512x1xf32>
    %div3A_306 = vector.broadcast %add3A_305 : vector<512x1xf32> to vector<512x16xf32>
    %div3A_307 = arith.divf %sub3A_246, %div3A_306 : vector<512x16xf32>
    %mul3A_308 = vector.broadcast %add3A_302 : vector<512x1xf32> to vector<512x16xf32>
    %mul3A_309 = arith.mulf %mul3A_308, %div3A_307 : vector<512x16xf32>
    %add3A_310 = arith.addf %add3A_234, %mul3A_309 : vector<512x16xf32>
    %add3A_311 = arith.addf %add3A_235, %mul3A_288 : vector<512x64xf32>
    %get3A_312 = arith.constant 4 : index
    %get3A_313 = arith.constant 0 : index
    %get3A_314 = arith.constant 0 : index
    %get3A_315 = vector.load %arg1[%get3A_312, %get3A_313, %get3A_314] : memref<8x512x128xf32, #tpu.memory_space<vmem>>, vector<1x512x16xf32>
    %get3A_316 = vector.shape_cast %get3A_315 : vector<1x512x16xf32> to vector<512x16xf32>
    %get3A_317 = arith.constant 4 : index
    %get3A_318 = arith.constant 0 : index
    %get3A_319 = arith.constant 16 : index
    %get3A_320 = vector.load %arg1[%get3A_317, %get3A_318, %get3A_319] : memref<8x512x128xf32, #tpu.memory_space<vmem>>, vector<1x512x64xf32>
    %get3A_321 = vector.shape_cast %get3A_320 : vector<1x512x64xf32> to vector<512x64xf32>
    %sub3A_322 = arith.subf %get3A_316, %slice3A : vector<512x16xf32>
    %mul3A_323 = arith.mulf %sub3A_322, %sub3A_322 : vector<512x16xf32>
    %reduce_sum3A_324 = arith.constant dense<0.000000e+00> : vector<512xf32>
    %reduce_sum3A_325 = vector.multi_reduction <add>, %mul3A_323, %reduce_sum3A_324 [1] : vector<512x16xf32> to vector<512xf32>
    %broadcast_in_dim3A_326 = vector.shape_cast %reduce_sum3A_325 : vector<512xf32> to vector<512x1xf32>
    %sqrt3A_327 = math.sqrt %broadcast_in_dim3A_326 : vector<512x1xf32>
    %get3A_328 = arith.constant 0 : index
    %get3A_329 = arith.constant 0 : index
    %get3A_330 = vector.load %arg3[%get3A_328, %get3A_329] : memref<64x64xf32, #tpu.memory_space<vmem>>, vector<64x64xf32>
    %dot_general3A_331 = arith.constant dense<0.000000e+00> : vector<512x64xf32>
    %dot_general3A_332 = tpu.matmul %get3A_321, %get3A_330, %dot_general3A_331 {dimension_numbers = #tpu.dot_dimension_numbers<[1], [0], [0], [1], [0, 0, 1, 1], [], []>, precision = #tpu.contract_precision<fp32>, transpose_lhs_hint = false} : vector<512x64xf32>, vector<64x64xf32>, vector<512x64xf32> -> vector<512x64xf32>
    %add3A_333 = arith.addf %dot_general3A_332, %add3A_10 : vector<512x64xf32>
    %get3A_334 = arith.constant 0 : index
    %get3A_335 = arith.constant 0 : index
    %get3A_336 = vector.load %arg5[%get3A_334, %get3A_335] : memref<1x64xf32, #tpu.memory_space<vmem>>, vector<1x64xf32>
    %mul3A_337 = vector.broadcast %sqrt3A_327 : vector<512x1xf32> to vector<512x64xf32>
    %mul3A_338 = vector.broadcast %get3A_336 : vector<1x64xf32> to vector<512x64xf32>
    %mul3A_339 = arith.mulf %mul3A_337, %mul3A_338 : vector<512x64xf32>
    %add3A_340 = arith.addf %add3A_333, %mul3A_339 : vector<512x64xf32>
    %logistic3A_341 = arith.negf %add3A_340 : vector<512x64xf32>
    %logistic3A_342 = math.exp %logistic3A_341 : vector<512x64xf32>
    %logistic3A_343 = arith.constant 1.000000e+00 : f32
    %logistic3A_344 = vector.broadcast %logistic3A_343 : f32 to vector<512x64xf32>
    %logistic3A_345 = arith.addf %logistic3A_344, %logistic3A_342 : vector<512x64xf32>
    %logistic3A_346 = arith.divf %logistic3A_344, %logistic3A_345 : vector<512x64xf32>
    %mul3A_347 = arith.mulf %add3A_340, %logistic3A_346 : vector<512x64xf32>
    %get3A_348 = arith.constant 0 : index
    %get3A_349 = arith.constant 0 : index
    %get3A_350 = vector.load %arg7[%get3A_348, %get3A_349] : memref<64x64xf32, #tpu.memory_space<vmem>>, vector<64x64xf32>
    %dot_general3A_351 = arith.constant dense<0.000000e+00> : vector<512x64xf32>
    %dot_general3A_352 = tpu.matmul %mul3A_347, %get3A_350, %dot_general3A_351 {dimension_numbers = #tpu.dot_dimension_numbers<[1], [0], [0], [1], [0, 0, 1, 1], [], []>, precision = #tpu.contract_precision<fp32>, transpose_lhs_hint = false} : vector<512x64xf32>, vector<64x64xf32>, vector<512x64xf32> -> vector<512x64xf32>
    %get3A_353 = arith.constant 0 : index
    %get3A_354 = arith.constant 0 : index
    %get3A_355 = vector.load %arg8[%get3A_353, %get3A_354] : memref<1x64xf32, #tpu.memory_space<vmem>>, vector<1x64xf32>
    %add3A_356 = vector.broadcast %get3A_355 : vector<1x64xf32> to vector<512x64xf32>
    %add3A_357 = arith.addf %dot_general3A_352, %add3A_356 : vector<512x64xf32>
    %logistic3A_358 = arith.negf %add3A_357 : vector<512x64xf32>
    %logistic3A_359 = math.exp %logistic3A_358 : vector<512x64xf32>
    %logistic3A_360 = arith.constant 1.000000e+00 : f32
    %logistic3A_361 = vector.broadcast %logistic3A_360 : f32 to vector<512x64xf32>
    %logistic3A_362 = arith.addf %logistic3A_361, %logistic3A_359 : vector<512x64xf32>
    %logistic3A_363 = arith.divf %logistic3A_361, %logistic3A_362 : vector<512x64xf32>
    %mul3A_364 = arith.mulf %add3A_357, %logistic3A_363 : vector<512x64xf32>
    %get3A_365 = arith.constant 0 : index
    %get3A_366 = arith.constant 0 : index
    %get3A_367 = vector.load %arg9[%get3A_365, %get3A_366] : memref<1x64xf32, #tpu.memory_space<vmem>>, vector<1x64xf32>
    %mul3A_368 = vector.broadcast %get3A_367 : vector<1x64xf32> to vector<512x64xf32>
    %mul3A_369 = arith.mulf %mul3A_364, %mul3A_368 : vector<512x64xf32>
    %reduce_sum3A_370 = arith.constant dense<0.000000e+00> : vector<512xf32>
    %reduce_sum3A_371 = vector.multi_reduction <add>, %mul3A_369, %reduce_sum3A_370 [1] : vector<512x64xf32> to vector<512xf32>
    %broadcast_in_dim3A_372 = vector.shape_cast %reduce_sum3A_371 : vector<512xf32> to vector<512x1xf32>
    %get3A_373 = arith.constant 0 : index
    %get3A_374 = arith.constant 0 : index
    %get3A_375 = vector.load %arg10[%get3A_373, %get3A_374] : memref<1x1xf32, #tpu.memory_space<vmem>>, vector<1x1xf32>
    %get3A_376 = vector.extract %get3A_375[0, 0] : f32 from vector<1x1xf32>
    %add3A_377 = vector.broadcast %get3A_376 : f32 to vector<512x1xf32>
    %add3A_378 = arith.addf %broadcast_in_dim3A_372, %add3A_377 : vector<512x1xf32>
    %add3A_379 = arith.constant 9.99999993E-9 : f32
    %add3A_380 = vector.broadcast %add3A_379 : f32 to vector<512x1xf32>
    %add3A_381 = arith.addf %sqrt3A_327, %add3A_380 : vector<512x1xf32>
    %div3A_382 = vector.broadcast %add3A_381 : vector<512x1xf32> to vector<512x16xf32>
    %div3A_383 = arith.divf %sub3A_322, %div3A_382 : vector<512x16xf32>
    %mul3A_384 = vector.broadcast %add3A_378 : vector<512x1xf32> to vector<512x16xf32>
    %mul3A_385 = arith.mulf %mul3A_384, %div3A_383 : vector<512x16xf32>
    %add3A_386 = arith.addf %add3A_310, %mul3A_385 : vector<512x16xf32>
    %add3A_387 = arith.addf %add3A_311, %mul3A_364 : vector<512x64xf32>
    %get3A_388 = arith.constant 5 : index
    %get3A_389 = arith.constant 0 : index
    %get3A_390 = arith.constant 0 : index
    %get3A_391 = vector.load %arg1[%get3A_388, %get3A_389, %get3A_390] : memref<8x512x128xf32, #tpu.memory_space<vmem>>, vector<1x512x16xf32>
    %get3A_392 = vector.shape_cast %get3A_391 : vector<1x512x16xf32> to vector<512x16xf32>
    %get3A_393 = arith.constant 5 : index
    %get3A_394 = arith.constant 0 : index
    %get3A_395 = arith.constant 16 : index
    %get3A_396 = vector.load %arg1[%get3A_393, %get3A_394, %get3A_395] : memref<8x512x128xf32, #tpu.memory_space<vmem>>, vector<1x512x64xf32>
    %get3A_397 = vector.shape_cast %get3A_396 : vector<1x512x64xf32> to vector<512x64xf32>
    %sub3A_398 = arith.subf %get3A_392, %slice3A : vector<512x16xf32>
    %mul3A_399 = arith.mulf %sub3A_398, %sub3A_398 : vector<512x16xf32>
    %reduce_sum3A_400 = arith.constant dense<0.000000e+00> : vector<512xf32>
    %reduce_sum3A_401 = vector.multi_reduction <add>, %mul3A_399, %reduce_sum3A_400 [1] : vector<512x16xf32> to vector<512xf32>
    %broadcast_in_dim3A_402 = vector.shape_cast %reduce_sum3A_401 : vector<512xf32> to vector<512x1xf32>
    %sqrt3A_403 = math.sqrt %broadcast_in_dim3A_402 : vector<512x1xf32>
    %get3A_404 = arith.constant 0 : index
    %get3A_405 = arith.constant 0 : index
    %get3A_406 = vector.load %arg3[%get3A_404, %get3A_405] : memref<64x64xf32, #tpu.memory_space<vmem>>, vector<64x64xf32>
    %dot_general3A_407 = arith.constant dense<0.000000e+00> : vector<512x64xf32>
    %dot_general3A_408 = tpu.matmul %get3A_397, %get3A_406, %dot_general3A_407 {dimension_numbers = #tpu.dot_dimension_numbers<[1], [0], [0], [1], [0, 0, 1, 1], [], []>, precision = #tpu.contract_precision<fp32>, transpose_lhs_hint = false} : vector<512x64xf32>, vector<64x64xf32>, vector<512x64xf32> -> vector<512x64xf32>
    %add3A_409 = arith.addf %dot_general3A_408, %add3A_10 : vector<512x64xf32>
    %get3A_410 = arith.constant 0 : index
    %get3A_411 = arith.constant 0 : index
    %get3A_412 = vector.load %arg5[%get3A_410, %get3A_411] : memref<1x64xf32, #tpu.memory_space<vmem>>, vector<1x64xf32>
    %mul3A_413 = vector.broadcast %sqrt3A_403 : vector<512x1xf32> to vector<512x64xf32>
    %mul3A_414 = vector.broadcast %get3A_412 : vector<1x64xf32> to vector<512x64xf32>
    %mul3A_415 = arith.mulf %mul3A_413, %mul3A_414 : vector<512x64xf32>
    %add3A_416 = arith.addf %add3A_409, %mul3A_415 : vector<512x64xf32>
    %logistic3A_417 = arith.negf %add3A_416 : vector<512x64xf32>
    %logistic3A_418 = math.exp %logistic3A_417 : vector<512x64xf32>
    %logistic3A_419 = arith.constant 1.000000e+00 : f32
    %logistic3A_420 = vector.broadcast %logistic3A_419 : f32 to vector<512x64xf32>
    %logistic3A_421 = arith.addf %logistic3A_420, %logistic3A_418 : vector<512x64xf32>
    %logistic3A_422 = arith.divf %logistic3A_420, %logistic3A_421 : vector<512x64xf32>
    %mul3A_423 = arith.mulf %add3A_416, %logistic3A_422 : vector<512x64xf32>
    %get3A_424 = arith.constant 0 : index
    %get3A_425 = arith.constant 0 : index
    %get3A_426 = vector.load %arg7[%get3A_424, %get3A_425] : memref<64x64xf32, #tpu.memory_space<vmem>>, vector<64x64xf32>
    %dot_general3A_427 = arith.constant dense<0.000000e+00> : vector<512x64xf32>
    %dot_general3A_428 = tpu.matmul %mul3A_423, %get3A_426, %dot_general3A_427 {dimension_numbers = #tpu.dot_dimension_numbers<[1], [0], [0], [1], [0, 0, 1, 1], [], []>, precision = #tpu.contract_precision<fp32>, transpose_lhs_hint = false} : vector<512x64xf32>, vector<64x64xf32>, vector<512x64xf32> -> vector<512x64xf32>
    %get3A_429 = arith.constant 0 : index
    %get3A_430 = arith.constant 0 : index
    %get3A_431 = vector.load %arg8[%get3A_429, %get3A_430] : memref<1x64xf32, #tpu.memory_space<vmem>>, vector<1x64xf32>
    %add3A_432 = vector.broadcast %get3A_431 : vector<1x64xf32> to vector<512x64xf32>
    %add3A_433 = arith.addf %dot_general3A_428, %add3A_432 : vector<512x64xf32>
    %logistic3A_434 = arith.negf %add3A_433 : vector<512x64xf32>
    %logistic3A_435 = math.exp %logistic3A_434 : vector<512x64xf32>
    %logistic3A_436 = arith.constant 1.000000e+00 : f32
    %logistic3A_437 = vector.broadcast %logistic3A_436 : f32 to vector<512x64xf32>
    %logistic3A_438 = arith.addf %logistic3A_437, %logistic3A_435 : vector<512x64xf32>
    %logistic3A_439 = arith.divf %logistic3A_437, %logistic3A_438 : vector<512x64xf32>
    %mul3A_440 = arith.mulf %add3A_433, %logistic3A_439 : vector<512x64xf32>
    %get3A_441 = arith.constant 0 : index
    %get3A_442 = arith.constant 0 : index
    %get3A_443 = vector.load %arg9[%get3A_441, %get3A_442] : memref<1x64xf32, #tpu.memory_space<vmem>>, vector<1x64xf32>
    %mul3A_444 = vector.broadcast %get3A_443 : vector<1x64xf32> to vector<512x64xf32>
    %mul3A_445 = arith.mulf %mul3A_440, %mul3A_444 : vector<512x64xf32>
    %reduce_sum3A_446 = arith.constant dense<0.000000e+00> : vector<512xf32>
    %reduce_sum3A_447 = vector.multi_reduction <add>, %mul3A_445, %reduce_sum3A_446 [1] : vector<512x64xf32> to vector<512xf32>
    %broadcast_in_dim3A_448 = vector.shape_cast %reduce_sum3A_447 : vector<512xf32> to vector<512x1xf32>
    %get3A_449 = arith.constant 0 : index
    %get3A_450 = arith.constant 0 : index
    %get3A_451 = vector.load %arg10[%get3A_449, %get3A_450] : memref<1x1xf32, #tpu.memory_space<vmem>>, vector<1x1xf32>
    %get3A_452 = vector.extract %get3A_451[0, 0] : f32 from vector<1x1xf32>
    %add3A_453 = vector.broadcast %get3A_452 : f32 to vector<512x1xf32>
    %add3A_454 = arith.addf %broadcast_in_dim3A_448, %add3A_453 : vector<512x1xf32>
    %add3A_455 = arith.constant 9.99999993E-9 : f32
    %add3A_456 = vector.broadcast %add3A_455 : f32 to vector<512x1xf32>
    %add3A_457 = arith.addf %sqrt3A_403, %add3A_456 : vector<512x1xf32>
    %div3A_458 = vector.broadcast %add3A_457 : vector<512x1xf32> to vector<512x16xf32>
    %div3A_459 = arith.divf %sub3A_398, %div3A_458 : vector<512x16xf32>
    %mul3A_460 = vector.broadcast %add3A_454 : vector<512x1xf32> to vector<512x16xf32>
    %mul3A_461 = arith.mulf %mul3A_460, %div3A_459 : vector<512x16xf32>
    %add3A_462 = arith.addf %add3A_386, %mul3A_461 : vector<512x16xf32>
    %add3A_463 = arith.addf %add3A_387, %mul3A_440 : vector<512x64xf32>
    %get3A_464 = arith.constant 6 : index
    %get3A_465 = arith.constant 0 : index
    %get3A_466 = arith.constant 0 : index
    %get3A_467 = vector.load %arg1[%get3A_464, %get3A_465, %get3A_466] : memref<8x512x128xf32, #tpu.memory_space<vmem>>, vector<1x512x16xf32>
    %get3A_468 = vector.shape_cast %get3A_467 : vector<1x512x16xf32> to vector<512x16xf32>
    %get3A_469 = arith.constant 6 : index
    %get3A_470 = arith.constant 0 : index
    %get3A_471 = arith.constant 16 : index
    %get3A_472 = vector.load %arg1[%get3A_469, %get3A_470, %get3A_471] : memref<8x512x128xf32, #tpu.memory_space<vmem>>, vector<1x512x64xf32>
    %get3A_473 = vector.shape_cast %get3A_472 : vector<1x512x64xf32> to vector<512x64xf32>
    %sub3A_474 = arith.subf %get3A_468, %slice3A : vector<512x16xf32>
    %mul3A_475 = arith.mulf %sub3A_474, %sub3A_474 : vector<512x16xf32>
    %reduce_sum3A_476 = arith.constant dense<0.000000e+00> : vector<512xf32>
    %reduce_sum3A_477 = vector.multi_reduction <add>, %mul3A_475, %reduce_sum3A_476 [1] : vector<512x16xf32> to vector<512xf32>
    %broadcast_in_dim3A_478 = vector.shape_cast %reduce_sum3A_477 : vector<512xf32> to vector<512x1xf32>
    %sqrt3A_479 = math.sqrt %broadcast_in_dim3A_478 : vector<512x1xf32>
    %get3A_480 = arith.constant 0 : index
    %get3A_481 = arith.constant 0 : index
    %get3A_482 = vector.load %arg3[%get3A_480, %get3A_481] : memref<64x64xf32, #tpu.memory_space<vmem>>, vector<64x64xf32>
    %dot_general3A_483 = arith.constant dense<0.000000e+00> : vector<512x64xf32>
    %dot_general3A_484 = tpu.matmul %get3A_473, %get3A_482, %dot_general3A_483 {dimension_numbers = #tpu.dot_dimension_numbers<[1], [0], [0], [1], [0, 0, 1, 1], [], []>, precision = #tpu.contract_precision<fp32>, transpose_lhs_hint = false} : vector<512x64xf32>, vector<64x64xf32>, vector<512x64xf32> -> vector<512x64xf32>
    %add3A_485 = arith.addf %dot_general3A_484, %add3A_10 : vector<512x64xf32>
    %get3A_486 = arith.constant 0 : index
    %get3A_487 = arith.constant 0 : index
    %get3A_488 = vector.load %arg5[%get3A_486, %get3A_487] : memref<1x64xf32, #tpu.memory_space<vmem>>, vector<1x64xf32>
    %mul3A_489 = vector.broadcast %sqrt3A_479 : vector<512x1xf32> to vector<512x64xf32>
    %mul3A_490 = vector.broadcast %get3A_488 : vector<1x64xf32> to vector<512x64xf32>
    %mul3A_491 = arith.mulf %mul3A_489, %mul3A_490 : vector<512x64xf32>
    %add3A_492 = arith.addf %add3A_485, %mul3A_491 : vector<512x64xf32>
    %logistic3A_493 = arith.negf %add3A_492 : vector<512x64xf32>
    %logistic3A_494 = math.exp %logistic3A_493 : vector<512x64xf32>
    %logistic3A_495 = arith.constant 1.000000e+00 : f32
    %logistic3A_496 = vector.broadcast %logistic3A_495 : f32 to vector<512x64xf32>
    %logistic3A_497 = arith.addf %logistic3A_496, %logistic3A_494 : vector<512x64xf32>
    %logistic3A_498 = arith.divf %logistic3A_496, %logistic3A_497 : vector<512x64xf32>
    %mul3A_499 = arith.mulf %add3A_492, %logistic3A_498 : vector<512x64xf32>
    %get3A_500 = arith.constant 0 : index
    %get3A_501 = arith.constant 0 : index
    %get3A_502 = vector.load %arg7[%get3A_500, %get3A_501] : memref<64x64xf32, #tpu.memory_space<vmem>>, vector<64x64xf32>
    %dot_general3A_503 = arith.constant dense<0.000000e+00> : vector<512x64xf32>
    %dot_general3A_504 = tpu.matmul %mul3A_499, %get3A_502, %dot_general3A_503 {dimension_numbers = #tpu.dot_dimension_numbers<[1], [0], [0], [1], [0, 0, 1, 1], [], []>, precision = #tpu.contract_precision<fp32>, transpose_lhs_hint = false} : vector<512x64xf32>, vector<64x64xf32>, vector<512x64xf32> -> vector<512x64xf32>
    %get3A_505 = arith.constant 0 : index
    %get3A_506 = arith.constant 0 : index
    %get3A_507 = vector.load %arg8[%get3A_505, %get3A_506] : memref<1x64xf32, #tpu.memory_space<vmem>>, vector<1x64xf32>
    %add3A_508 = vector.broadcast %get3A_507 : vector<1x64xf32> to vector<512x64xf32>
    %add3A_509 = arith.addf %dot_general3A_504, %add3A_508 : vector<512x64xf32>
    %logistic3A_510 = arith.negf %add3A_509 : vector<512x64xf32>
    %logistic3A_511 = math.exp %logistic3A_510 : vector<512x64xf32>
    %logistic3A_512 = arith.constant 1.000000e+00 : f32
    %logistic3A_513 = vector.broadcast %logistic3A_512 : f32 to vector<512x64xf32>
    %logistic3A_514 = arith.addf %logistic3A_513, %logistic3A_511 : vector<512x64xf32>
    %logistic3A_515 = arith.divf %logistic3A_513, %logistic3A_514 : vector<512x64xf32>
    %mul3A_516 = arith.mulf %add3A_509, %logistic3A_515 : vector<512x64xf32>
    %get3A_517 = arith.constant 0 : index
    %get3A_518 = arith.constant 0 : index
    %get3A_519 = vector.load %arg9[%get3A_517, %get3A_518] : memref<1x64xf32, #tpu.memory_space<vmem>>, vector<1x64xf32>
    %mul3A_520 = vector.broadcast %get3A_519 : vector<1x64xf32> to vector<512x64xf32>
    %mul3A_521 = arith.mulf %mul3A_516, %mul3A_520 : vector<512x64xf32>
    %reduce_sum3A_522 = arith.constant dense<0.000000e+00> : vector<512xf32>
    %reduce_sum3A_523 = vector.multi_reduction <add>, %mul3A_521, %reduce_sum3A_522 [1] : vector<512x64xf32> to vector<512xf32>
    %broadcast_in_dim3A_524 = vector.shape_cast %reduce_sum3A_523 : vector<512xf32> to vector<512x1xf32>
    %get3A_525 = arith.constant 0 : index
    %get3A_526 = arith.constant 0 : index
    %get3A_527 = vector.load %arg10[%get3A_525, %get3A_526] : memref<1x1xf32, #tpu.memory_space<vmem>>, vector<1x1xf32>
    %get3A_528 = vector.extract %get3A_527[0, 0] : f32 from vector<1x1xf32>
    %add3A_529 = vector.broadcast %get3A_528 : f32 to vector<512x1xf32>
    %add3A_530 = arith.addf %broadcast_in_dim3A_524, %add3A_529 : vector<512x1xf32>
    %add3A_531 = arith.constant 9.99999993E-9 : f32
    %add3A_532 = vector.broadcast %add3A_531 : f32 to vector<512x1xf32>
    %add3A_533 = arith.addf %sqrt3A_479, %add3A_532 : vector<512x1xf32>
    %div3A_534 = vector.broadcast %add3A_533 : vector<512x1xf32> to vector<512x16xf32>
    %div3A_535 = arith.divf %sub3A_474, %div3A_534 : vector<512x16xf32>
    %mul3A_536 = vector.broadcast %add3A_530 : vector<512x1xf32> to vector<512x16xf32>
    %mul3A_537 = arith.mulf %mul3A_536, %div3A_535 : vector<512x16xf32>
    %add3A_538 = arith.addf %add3A_462, %mul3A_537 : vector<512x16xf32>
    %add3A_539 = arith.addf %add3A_463, %mul3A_516 : vector<512x64xf32>
    %get3A_540 = arith.constant 7 : index
    %get3A_541 = arith.constant 0 : index
    %get3A_542 = arith.constant 0 : index
    %get3A_543 = vector.load %arg1[%get3A_540, %get3A_541, %get3A_542] : memref<8x512x128xf32, #tpu.memory_space<vmem>>, vector<1x512x16xf32>
    %get3A_544 = vector.shape_cast %get3A_543 : vector<1x512x16xf32> to vector<512x16xf32>
    %get3A_545 = arith.constant 7 : index
    %get3A_546 = arith.constant 0 : index
    %get3A_547 = arith.constant 16 : index
    %get3A_548 = vector.load %arg1[%get3A_545, %get3A_546, %get3A_547] : memref<8x512x128xf32, #tpu.memory_space<vmem>>, vector<1x512x64xf32>
    %get3A_549 = vector.shape_cast %get3A_548 : vector<1x512x64xf32> to vector<512x64xf32>
    %sub3A_550 = arith.subf %get3A_544, %slice3A : vector<512x16xf32>
    %mul3A_551 = arith.mulf %sub3A_550, %sub3A_550 : vector<512x16xf32>
    %reduce_sum3A_552 = arith.constant dense<0.000000e+00> : vector<512xf32>
    %reduce_sum3A_553 = vector.multi_reduction <add>, %mul3A_551, %reduce_sum3A_552 [1] : vector<512x16xf32> to vector<512xf32>
    %broadcast_in_dim3A_554 = vector.shape_cast %reduce_sum3A_553 : vector<512xf32> to vector<512x1xf32>
    %sqrt3A_555 = math.sqrt %broadcast_in_dim3A_554 : vector<512x1xf32>
    %get3A_556 = arith.constant 0 : index
    %get3A_557 = arith.constant 0 : index
    %get3A_558 = vector.load %arg3[%get3A_556, %get3A_557] : memref<64x64xf32, #tpu.memory_space<vmem>>, vector<64x64xf32>
    %dot_general3A_559 = arith.constant dense<0.000000e+00> : vector<512x64xf32>
    %dot_general3A_560 = tpu.matmul %get3A_549, %get3A_558, %dot_general3A_559 {dimension_numbers = #tpu.dot_dimension_numbers<[1], [0], [0], [1], [0, 0, 1, 1], [], []>, precision = #tpu.contract_precision<fp32>, transpose_lhs_hint = false} : vector<512x64xf32>, vector<64x64xf32>, vector<512x64xf32> -> vector<512x64xf32>
    %add3A_561 = arith.addf %dot_general3A_560, %add3A_10 : vector<512x64xf32>
    %get3A_562 = arith.constant 0 : index
    %get3A_563 = arith.constant 0 : index
    %get3A_564 = vector.load %arg5[%get3A_562, %get3A_563] : memref<1x64xf32, #tpu.memory_space<vmem>>, vector<1x64xf32>
    %mul3A_565 = vector.broadcast %sqrt3A_555 : vector<512x1xf32> to vector<512x64xf32>
    %mul3A_566 = vector.broadcast %get3A_564 : vector<1x64xf32> to vector<512x64xf32>
    %mul3A_567 = arith.mulf %mul3A_565, %mul3A_566 : vector<512x64xf32>
    %add3A_568 = arith.addf %add3A_561, %mul3A_567 : vector<512x64xf32>
    %logistic3A_569 = arith.negf %add3A_568 : vector<512x64xf32>
    %logistic3A_570 = math.exp %logistic3A_569 : vector<512x64xf32>
    %logistic3A_571 = arith.constant 1.000000e+00 : f32
    %logistic3A_572 = vector.broadcast %logistic3A_571 : f32 to vector<512x64xf32>
    %logistic3A_573 = arith.addf %logistic3A_572, %logistic3A_570 : vector<512x64xf32>
    %logistic3A_574 = arith.divf %logistic3A_572, %logistic3A_573 : vector<512x64xf32>
    %mul3A_575 = arith.mulf %add3A_568, %logistic3A_574 : vector<512x64xf32>
    %get3A_576 = arith.constant 0 : index
    %get3A_577 = arith.constant 0 : index
    %get3A_578 = vector.load %arg7[%get3A_576, %get3A_577] : memref<64x64xf32, #tpu.memory_space<vmem>>, vector<64x64xf32>
    %dot_general3A_579 = arith.constant dense<0.000000e+00> : vector<512x64xf32>
    %dot_general3A_580 = tpu.matmul %mul3A_575, %get3A_578, %dot_general3A_579 {dimension_numbers = #tpu.dot_dimension_numbers<[1], [0], [0], [1], [0, 0, 1, 1], [], []>, precision = #tpu.contract_precision<fp32>, transpose_lhs_hint = false} : vector<512x64xf32>, vector<64x64xf32>, vector<512x64xf32> -> vector<512x64xf32>
    %get3A_581 = arith.constant 0 : index
    %get3A_582 = arith.constant 0 : index
    %get3A_583 = vector.load %arg8[%get3A_581, %get3A_582] : memref<1x64xf32, #tpu.memory_space<vmem>>, vector<1x64xf32>
    %add3A_584 = vector.broadcast %get3A_583 : vector<1x64xf32> to vector<512x64xf32>
    %add3A_585 = arith.addf %dot_general3A_580, %add3A_584 : vector<512x64xf32>
    %logistic3A_586 = arith.negf %add3A_585 : vector<512x64xf32>
    %logistic3A_587 = math.exp %logistic3A_586 : vector<512x64xf32>
    %logistic3A_588 = arith.constant 1.000000e+00 : f32
    %logistic3A_589 = vector.broadcast %logistic3A_588 : f32 to vector<512x64xf32>
    %logistic3A_590 = arith.addf %logistic3A_589, %logistic3A_587 : vector<512x64xf32>
    %logistic3A_591 = arith.divf %logistic3A_589, %logistic3A_590 : vector<512x64xf32>
    %mul3A_592 = arith.mulf %add3A_585, %logistic3A_591 : vector<512x64xf32>
    %get3A_593 = arith.constant 0 : index
    %get3A_594 = arith.constant 0 : index
    %get3A_595 = vector.load %arg9[%get3A_593, %get3A_594] : memref<1x64xf32, #tpu.memory_space<vmem>>, vector<1x64xf32>
    %mul3A_596 = vector.broadcast %get3A_595 : vector<1x64xf32> to vector<512x64xf32>
    %mul3A_597 = arith.mulf %mul3A_592, %mul3A_596 : vector<512x64xf32>
    %reduce_sum3A_598 = arith.constant dense<0.000000e+00> : vector<512xf32>
    %reduce_sum3A_599 = vector.multi_reduction <add>, %mul3A_597, %reduce_sum3A_598 [1] : vector<512x64xf32> to vector<512xf32>
    %broadcast_in_dim3A_600 = vector.shape_cast %reduce_sum3A_599 : vector<512xf32> to vector<512x1xf32>
    %get3A_601 = arith.constant 0 : index
    %get3A_602 = arith.constant 0 : index
    %get3A_603 = vector.load %arg10[%get3A_601, %get3A_602] : memref<1x1xf32, #tpu.memory_space<vmem>>, vector<1x1xf32>
    %get3A_604 = vector.extract %get3A_603[0, 0] : f32 from vector<1x1xf32>
    %add3A_605 = vector.broadcast %get3A_604 : f32 to vector<512x1xf32>
    %add3A_606 = arith.addf %broadcast_in_dim3A_600, %add3A_605 : vector<512x1xf32>
    %add3A_607 = arith.constant 9.99999993E-9 : f32
    %add3A_608 = vector.broadcast %add3A_607 : f32 to vector<512x1xf32>
    %add3A_609 = arith.addf %sqrt3A_555, %add3A_608 : vector<512x1xf32>
    %div3A_610 = vector.broadcast %add3A_609 : vector<512x1xf32> to vector<512x16xf32>
    %div3A_611 = arith.divf %sub3A_550, %div3A_610 : vector<512x16xf32>
    %mul3A_612 = vector.broadcast %add3A_606 : vector<512x1xf32> to vector<512x16xf32>
    %mul3A_613 = arith.mulf %mul3A_612, %div3A_611 : vector<512x16xf32>
    %add3A_614 = arith.addf %add3A_538, %mul3A_613 : vector<512x16xf32>
    %add3A_615 = arith.addf %add3A_539, %mul3A_592 : vector<512x64xf32>
    %mul3A_616 = arith.constant 1.250000e-01 : f32
    %mul3A_617 = vector.broadcast %mul3A_616 : f32 to vector<512x64xf32>
    %mul3A_618 = arith.mulf %add3A_615, %mul3A_617 : vector<512x64xf32>
    %mul3A_619 = arith.constant 1.250000e-01 : f32
    %mul3A_620 = vector.broadcast %mul3A_619 : f32 to vector<512x16xf32>
    %mul3A_621 = arith.mulf %add3A_614, %mul3A_620 : vector<512x16xf32>
    %get3A_622 = arith.constant 0 : index
    %get3A_623 = arith.constant 0 : index
    %get3A_624 = vector.load %arg11[%get3A_622, %get3A_623] : memref<64x64xf32, #tpu.memory_space<vmem>>, vector<64x64xf32>
    %dot_general3A_625 = arith.constant dense<0.000000e+00> : vector<512x64xf32>
    %dot_general3A_626 = tpu.matmul %slice3A_2, %get3A_624, %dot_general3A_625 {dimension_numbers = #tpu.dot_dimension_numbers<[1], [0], [0], [1], [0, 0, 1, 1], [], []>, precision = #tpu.contract_precision<fp32>, transpose_lhs_hint = false} : vector<512x64xf32>, vector<64x64xf32>, vector<512x64xf32> -> vector<512x64xf32>
    %get3A_627 = arith.constant 0 : index
    %get3A_628 = arith.constant 0 : index
    %get3A_629 = vector.load %arg12[%get3A_627, %get3A_628] : memref<64x64xf32, #tpu.memory_space<vmem>>, vector<64x64xf32>
    %dot_general3A_630 = arith.constant dense<0.000000e+00> : vector<512x64xf32>
    %dot_general3A_631 = tpu.matmul %mul3A_618, %get3A_629, %dot_general3A_630 {dimension_numbers = #tpu.dot_dimension_numbers<[1], [0], [0], [1], [0, 0, 1, 1], [], []>, precision = #tpu.contract_precision<fp32>, transpose_lhs_hint = false} : vector<512x64xf32>, vector<64x64xf32>, vector<512x64xf32> -> vector<512x64xf32>
    %add3A_632 = arith.addf %dot_general3A_626, %dot_general3A_631 : vector<512x64xf32>
    %get3A_633 = arith.constant 0 : index
    %get3A_634 = arith.constant 0 : index
    %get3A_635 = vector.load %arg13[%get3A_633, %get3A_634] : memref<1x64xf32, #tpu.memory_space<vmem>>, vector<1x64xf32>
    %add3A_636 = vector.broadcast %get3A_635 : vector<1x64xf32> to vector<512x64xf32>
    %add3A_637 = arith.addf %add3A_632, %add3A_636 : vector<512x64xf32>
    %logistic3A_638 = arith.negf %add3A_637 : vector<512x64xf32>
    %logistic3A_639 = math.exp %logistic3A_638 : vector<512x64xf32>
    %logistic3A_640 = arith.constant 1.000000e+00 : f32
    %logistic3A_641 = vector.broadcast %logistic3A_640 : f32 to vector<512x64xf32>
    %logistic3A_642 = arith.addf %logistic3A_641, %logistic3A_639 : vector<512x64xf32>
    %logistic3A_643 = arith.divf %logistic3A_641, %logistic3A_642 : vector<512x64xf32>
    %mul3A_644 = arith.mulf %add3A_637, %logistic3A_643 : vector<512x64xf32>
    %get3A_645 = arith.constant 0 : index
    %get3A_646 = arith.constant 0 : index
    %get3A_647 = vector.load %arg14[%get3A_645, %get3A_646] : memref<64x64xf32, #tpu.memory_space<vmem>>, vector<64x64xf32>
    %dot_general3A_648 = arith.constant dense<0.000000e+00> : vector<512x64xf32>
    %dot_general3A_649 = tpu.matmul %mul3A_644, %get3A_647, %dot_general3A_648 {dimension_numbers = #tpu.dot_dimension_numbers<[1], [0], [0], [1], [0, 0, 1, 1], [], []>, precision = #tpu.contract_precision<fp32>, transpose_lhs_hint = false} : vector<512x64xf32>, vector<64x64xf32>, vector<512x64xf32> -> vector<512x64xf32>
    %add3A_650 = arith.addf %slice3A_2, %dot_general3A_649 : vector<512x64xf32>
    %get3A_651 = arith.constant 0 : index
    %get3A_652 = arith.constant 0 : index
    %get3A_653 = vector.load %arg15[%get3A_651, %get3A_652] : memref<1x64xf32, #tpu.memory_space<vmem>>, vector<1x64xf32>
    %add3A_654 = vector.broadcast %get3A_653 : vector<1x64xf32> to vector<512x64xf32>
    %add3A_655 = arith.addf %add3A_650, %add3A_654 : vector<512x64xf32>
    %add3A_656 = arith.addf %slice3A, %mul3A_621 : vector<512x16xf32>
    %broadcast_in_dim3A_657 = arith.constant 0.000000e+00 : f32
    %broadcast_in_dim3A_658 = vector.broadcast %broadcast_in_dim3A_657 : f32 to vector<512x48xf32>
    %concatenate3A = tpu.concatenate %add3A_656, %add3A_655, %broadcast_in_dim3A_658 in 1 : vector<512x16xf32>, vector<512x64xf32>, vector<512x48xf32> -> vector<512x128xf32>
    %swap3A = arith.constant 0 : index
    %swap3A_659 = arith.constant 0 : index
    %swap3A_660 = vector.load %arg16[%swap3A, %swap3A_659] : memref<512x128xf32, #tpu.memory_space<vmem>>, vector<512x128xf32>
    tpu.vector_store %arg16[%swap3A, %swap3A_659], %concatenate3A {strides = array<i32>} : memref<512x128xf32, #tpu.memory_space<vmem>>, vector<512x128xf32>,
    return
  }
  func.func @transform_0(%arg0: i32) -> (i32, i32, i32) {
    %c0_i32 = arith.constant 0 : i32
    %c0_i32_0 = arith.constant 0 : i32
    %c0_i32_1 = arith.constant 0 : i32
    return %c0_i32, %arg0, %c0_i32_0 : i32, i32, i32
  }
  func.func @transform_1(%arg0: i32) -> (i32, i32) {
    %add3A = arith.constant 9 : i32
    %add3A_0 = arith.addi %add3A, %arg0 : i32
    %c0_i32 = arith.constant 0 : i32
    %c0_i32_1 = arith.constant 0 : i32
    return %add3A_0, %c0_i32 : i32, i32
  }
  func.func @transform_2(%arg0: i32) -> (i32, i32) {
    %c0_i32 = arith.constant 0 : i32
    %c0_i32_0 = arith.constant 0 : i32
    %c0_i32_1 = arith.constant 0 : i32
    return %c0_i32, %c0_i32_0 : i32, i32
  }
  func.func @transform_3(%arg0: i32) -> (i32, i32) {
    %c0_i32 = arith.constant 0 : i32
    %c0_i32_0 = arith.constant 0 : i32
    %c0_i32_1 = arith.constant 0 : i32
    return %c0_i32, %c0_i32_0 : i32, i32
  }
  func.func @transform_4(%arg0: i32) -> (i32, i32) {
    %c0_i32 = arith.constant 0 : i32
    %c0_i32_0 = arith.constant 0 : i32
    %c0_i32_1 = arith.constant 0 : i32
    return %c0_i32, %c0_i32_0 : i32, i32
  }
  func.func @transform_5(%arg0: i32) -> (i32, i32) {
    %c0_i32 = arith.constant 0 : i32
    %c0_i32_0 = arith.constant 0 : i32
    %c0_i32_1 = arith.constant 0 : i32
    return %c0_i32, %c0_i32_0 : i32, i32
  }
  func.func @transform_6(%arg0: i32) -> (i32, i32) {
    %c0_i32 = arith.constant 0 : i32
    %c0_i32_0 = arith.constant 0 : i32
    %c0_i32_1 = arith.constant 0 : i32
    return %c0_i32, %c0_i32_0 : i32, i32
  }
  func.func @transform_7(%arg0: i32) -> (i32, i32) {
    %c0_i32 = arith.constant 0 : i32
    %c0_i32_0 = arith.constant 0 : i32
    %c0_i32_1 = arith.constant 0 : i32
    return %c0_i32, %c0_i32_0 : i32, i32
  }
  func.func @transform_8(%arg0: i32) -> (i32, i32) {
    %c0_i32 = arith.constant 0 : i32
    %c0_i32_0 = arith.constant 0 : i32
    %c0_i32_1 = arith.constant 0 : i32
    return %c0_i32, %c0_i32_0 : i32, i32
  }
  func.func @transform_9(%arg0: i32) -> (i32, i32) {
    %c0_i32 = arith.constant 0 : i32
    %c0_i32_0 = arith.constant 0 : i32
    %c0_i32_1 = arith.constant 0 : i32
    return %c0_i32, %c0_i32_0 : i32, i32
  }
  func.func @transform_10(%arg0: i32) -> (i32, i32) {
    %c0_i32 = arith.constant 0 : i32
    %c0_i32_0 = arith.constant 0 : i32
    %c0_i32_1 = arith.constant 0 : i32
    return %c0_i32, %c0_i32_0 : i32, i32
  }
  func.func @transform_11(%arg0: i32) -> (i32, i32) {
    %c0_i32 = arith.constant 0 : i32
    %c0_i32_0 = arith.constant 0 : i32
    %c0_i32_1 = arith.constant 0 : i32
    return %c0_i32, %c0_i32_0 : i32, i32
  }
  func.func @transform_12(%arg0: i32) -> (i32, i32) {
    %c0_i32 = arith.constant 0 : i32
    %c0_i32_0 = arith.constant 0 : i32
    %c0_i32_1 = arith.constant 0 : i32
    return %c0_i32, %c0_i32_0 : i32, i32
  }
  func.func @transform_13(%arg0: i32) -> (i32, i32) {
    %c0_i32 = arith.constant 0 : i32
    %c0_i32_0 = arith.constant 0 : i32
    %c0_i32_1 = arith.constant 0 : i32
    return %c0_i32, %c0_i32_0 : i32, i32
  }
  func.func @transform_14(%arg0: i32) -> (i32, i32) {
    %c0_i32 = arith.constant 0 : i32
    %c0_i32_0 = arith.constant 0 : i32
    %c0_i32_1 = arith.constant 0 : i32
    return %c0_i32, %c0_i32_0 : i32, i32
  }
  func.func @transform_15(%arg0: i32) -> (i32, i32) {
    %c0_i32 = arith.constant 0 : i32
    %c0_i32_0 = arith.constant 0 : i32
    return %arg0, %c0_i32 : i32, i32
  }
}

module attributes {stable_mosaic.version = 14 : i64} {
  func.func @_layer_body(%arg0: i32, %arg1: memref<8x512x128xf32, #tpu.memory_space<vmem>>, %arg2: memref<512x128xf32, #tpu.memory_space<vmem>>, %arg3: memref<64x64xf32, #tpu.memory_space<vmem>>, %arg4: memref<64x64xf32, #tpu.memory_space<vmem>>, %arg5: memref<1x64xf32, #tpu.memory_space<vmem>>, %arg6: memref<1x64xf32, #tpu.memory_space<vmem>>, %arg7: memref<64x64xf32, #tpu.memory_space<vmem>>, %arg8: memref<1x64xf32, #tpu.memory_space<vmem>>, %arg9: memref<1x64xf32, #tpu.memory_space<vmem>>, %arg10: memref<1x1xf32, #tpu.memory_space<vmem>>, %arg11: memref<64x64xf32, #tpu.memory_space<vmem>>, %arg12: memref<64x64xf32, #tpu.memory_space<vmem>>, %arg13: memref<1x64xf32, #tpu.memory_space<vmem>>, %arg14: memref<64x64xf32, #tpu.memory_space<vmem>>, %arg15: memref<1x64xf32, #tpu.memory_space<vmem>>, %arg16: memref<512x128xf32, #tpu.memory_space<vmem>>) attributes {dimension_semantics = [#tpu.dimension_semantics<arbitrary>], iteration_bounds = array<i64: 9>, scalar_prefetch = 0 : i64, scratch_operands = 0 : i64, tpu.core_type = #tpu.core_type<tc>, window_params = [{transform_indices = @transform_0, window_bounds = array<i64: 8, 512, 128>}, {transform_indices = @transform_1, window_bounds = array<i64: 512, 128>}, {pipeline_mode = #tpu.pipeline_mode<synchronous>, transform_indices = @transform_2, window_bounds = array<i64: 64, 64>}, {pipeline_mode = #tpu.pipeline_mode<synchronous>, transform_indices = @transform_3, window_bounds = array<i64: 64, 64>}, {pipeline_mode = #tpu.pipeline_mode<synchronous>, transform_indices = @transform_4, window_bounds = array<i64: 1, 64>}, {pipeline_mode = #tpu.pipeline_mode<synchronous>, transform_indices = @transform_5, window_bounds = array<i64: 1, 64>}, {pipeline_mode = #tpu.pipeline_mode<synchronous>, transform_indices = @transform_6, window_bounds = array<i64: 64, 64>}, {pipeline_mode = #tpu.pipeline_mode<synchronous>, transform_indices = @transform_7, window_bounds = array<i64: 1, 64>}, {pipeline_mode = #tpu.pipeline_mode<synchronous>, transform_indices = @transform_8, window_bounds = array<i64: 1, 64>}, {pipeline_mode = #tpu.pipeline_mode<synchronous>, transform_indices = @transform_9, window_bounds = array<i64: 1, 1>}, {pipeline_mode = #tpu.pipeline_mode<synchronous>, transform_indices = @transform_10, window_bounds = array<i64: 64, 64>}, {pipeline_mode = #tpu.pipeline_mode<synchronous>, transform_indices = @transform_11, window_bounds = array<i64: 64, 64>}, {pipeline_mode = #tpu.pipeline_mode<synchronous>, transform_indices = @transform_12, window_bounds = array<i64: 1, 64>}, {pipeline_mode = #tpu.pipeline_mode<synchronous>, transform_indices = @transform_13, window_bounds = array<i64: 64, 64>}, {pipeline_mode = #tpu.pipeline_mode<synchronous>, transform_indices = @transform_14, window_bounds = array<i64: 1, 64>}, {transform_indices = @transform_15, window_bounds = array<i64: 512, 128>}]} {
    %get3A = arith.constant 0 : index
    %get3A_0 = arith.constant 0 : index
    %get3A_1 = vector.load %arg2[%get3A, %get3A_0] : memref<512x128xf32, #tpu.memory_space<vmem>>, vector<512x128xf32>
    %slice3A = vector.extract_strided_slice %get3A_1 {offsets = [0, 0], sizes = [512, 16], strides = [1, 1]} : vector<512x128xf32> to vector<512x16xf32>
    %slice3A_2 = vector.extract_strided_slice %get3A_1 {offsets = [0, 16], sizes = [512, 64], strides = [1, 1]} : vector<512x128xf32> to vector<512x64xf32>
    %get3A_3 = arith.constant 0 : index
    %get3A_4 = arith.constant 0 : index
    %get3A_5 = vector.load %arg4[%get3A_3, %get3A_4] : memref<64x64xf32, #tpu.memory_space<vmem>>, vector<64x64xf32>
    %dot_general3A = arith.constant dense<0.000000e+00> : vector<512x64xf32>
    %dot_general3A_6 = tpu.matmul %slice3A_2, %get3A_5, %dot_general3A {dimension_numbers = #tpu.dot_dimension_numbers<[1], [0], [0], [1], [0, 0, 1, 1], [], []>, precision = #tpu.contract_precision<fp32>, transpose_lhs_hint = false} : vector<512x64xf32>, vector<64x64xf32>, vector<512x64xf32> -> vector<512x64xf32>
    %get3A_7 = arith.constant 0 : index
    %get3A_8 = arith.constant 0 : index
    %get3A_9 = vector.load %arg6[%get3A_7, %get3A_8] : memref<1x64xf32, #tpu.memory_space<vmem>>, vector<1x64xf32>
    %add3A = vector.broadcast %get3A_9 : vector<1x64xf32> to vector<512x64xf32>
    %add3A_10 = arith.addf %dot_general3A_6, %add3A : vector<512x64xf32>
    %broadcast_in_dim3A = arith.constant 0.000000e+00 : f32
    %broadcast_in_dim3A_11 = vector.broadcast %broadcast_in_dim3A : f32 to vector<512x64xf32>
    %broadcast_in_dim3A_12 = arith.constant 0.000000e+00 : f32
    %broadcast_in_dim3A_13 = vector.broadcast %broadcast_in_dim3A_12 : f32 to vector<512x16xf32>
    %get3A_14 = arith.constant 0 : index
    %get3A_15 = arith.constant 0 : index
    %get3A_16 = arith.constant 0 : index
    %get3A_17 = vector.load %arg1[%get3A_14, %get3A_15, %get3A_16] : memref<8x512x128xf32, #tpu.memory_space<vmem>>, vector<1x512x16xf32>
    %get3A_18 = vector.shape_cast %get3A_17 : vector<1x512x16xf32> to vector<512x16xf32>
    %get3A_19 = arith.constant 0 : index
    %get3A_20 = arith.constant 0 : index
    %get3A_21 = arith.constant 16 : index
    %get3A_22 = vector.load %arg1[%get3A_19, %get3A_20, %get3A_21] : memref<8x512x128xf32, #tpu.memory_space<vmem>>, vector<1x512x64xf32>
    %get3A_23 = vector.shape_cast %get3A_22 : vector<1x512x64xf32> to vector<512x64xf32>
    %sub3A = arith.subf %get3A_18, %slice3A : vector<512x16xf32>
    %mul3A = arith.mulf %sub3A, %sub3A : vector<512x16xf32>
    %reduce_sum3A = arith.constant dense<0.000000e+00> : vector<512xf32>
    %reduce_sum3A_24 = vector.multi_reduction <add>, %mul3A, %reduce_sum3A [1] : vector<512x16xf32> to vector<512xf32>
    %broadcast_in_dim3A_25 = vector.shape_cast %reduce_sum3A_24 : vector<512xf32> to vector<512x1xf32>
    %sqrt3A = math.sqrt %broadcast_in_dim3A_25 : vector<512x1xf32>
    %get3A_26 = arith.constant 0 : index
    %get3A_27 = arith.constant 0 : index
    %get3A_28 = vector.load %arg3[%get3A_26, %get3A_27] : memref<64x64xf32, #tpu.memory_space<vmem>>, vector<64x64xf32>
    %dot_general3A_29 = arith.constant dense<0.000000e+00> : vector<512x64xf32>
    %dot_general3A_30 = tpu.matmul %get3A_23, %get3A_28, %dot_general3A_29 {dimension_numbers = #tpu.dot_dimension_numbers<[1], [0], [0], [1], [0, 0, 1, 1], [], []>, precision = #tpu.contract_precision<fp32>, transpose_lhs_hint = false} : vector<512x64xf32>, vector<64x64xf32>, vector<512x64xf32> -> vector<512x64xf32>
    %add3A_31 = arith.addf %dot_general3A_30, %add3A_10 : vector<512x64xf32>
    %get3A_32 = arith.constant 0 : index
    %get3A_33 = arith.constant 0 : index
    %get3A_34 = vector.load %arg5[%get3A_32, %get3A_33] : memref<1x64xf32, #tpu.memory_space<vmem>>, vector<1x64xf32>
    %mul3A_35 = vector.broadcast %sqrt3A : vector<512x1xf32> to vector<512x64xf32>
    %mul3A_36 = vector.broadcast %get3A_34 : vector<1x64xf32> to vector<512x64xf32>
    %mul3A_37 = arith.mulf %mul3A_35, %mul3A_36 : vector<512x64xf32>
    %add3A_38 = arith.addf %add3A_31, %mul3A_37 : vector<512x64xf32>
    %logistic3A = arith.negf %add3A_38 : vector<512x64xf32>
    %logistic3A_39 = math.exp %logistic3A : vector<512x64xf32>
    %logistic3A_40 = arith.constant 1.000000e+00 : f32
    %logistic3A_41 = vector.broadcast %logistic3A_40 : f32 to vector<512x64xf32>
    %logistic3A_42 = arith.addf %logistic3A_41, %logistic3A_39 : vector<512x64xf32>
    %logistic3A_43 = arith.divf %logistic3A_41, %logistic3A_42 : vector<512x64xf32>
    %mul3A_44 = arith.mulf %add3A_38, %logistic3A_43 : vector<512x64xf32>
    %get3A_45 = arith.constant 0 : index
    %get3A_46 = arith.constant 0 : index
    %get3A_47 = vector.load %arg7[%get3A_45, %get3A_46] : memref<64x64xf32, #tpu.memory_space<vmem>>, vector<64x64xf32>
    %dot_general3A_48 = arith.constant dense<0.000000e+00> : vector<512x64xf32>
    %dot_general3A_49 = tpu.matmul %mul3A_44, %get3A_47, %dot_general3A_48 {dimension_numbers = #tpu.dot_dimension_numbers<[1], [0], [0], [1], [0, 0, 1, 1], [], []>, precision = #tpu.contract_precision<fp32>, transpose_lhs_hint = false} : vector<512x64xf32>, vector<64x64xf32>, vector<512x64xf32> -> vector<512x64xf32>
    %get3A_50 = arith.constant 0 : index
    %get3A_51 = arith.constant 0 : index
    %get3A_52 = vector.load %arg8[%get3A_50, %get3A_51] : memref<1x64xf32, #tpu.memory_space<vmem>>, vector<1x64xf32>
    %add3A_53 = vector.broadcast %get3A_52 : vector<1x64xf32> to vector<512x64xf32>
    %add3A_54 = arith.addf %dot_general3A_49, %add3A_53 : vector<512x64xf32>
    %logistic3A_55 = arith.negf %add3A_54 : vector<512x64xf32>
    %logistic3A_56 = math.exp %logistic3A_55 : vector<512x64xf32>
    %logistic3A_57 = arith.constant 1.000000e+00 : f32
    %logistic3A_58 = vector.broadcast %logistic3A_57 : f32 to vector<512x64xf32>
    %logistic3A_59 = arith.addf %logistic3A_58, %logistic3A_56 : vector<512x64xf32>
    %logistic3A_60 = arith.divf %logistic3A_58, %logistic3A_59 : vector<512x64xf32>
    %mul3A_61 = arith.mulf %add3A_54, %logistic3A_60 : vector<512x64xf32>
    %get3A_62 = arith.constant 0 : index
    %get3A_63 = arith.constant 0 : index
    %get3A_64 = vector.load %arg9[%get3A_62, %get3A_63] : memref<1x64xf32, #tpu.memory_space<vmem>>, vector<1x64xf32>
    %mul3A_65 = vector.broadcast %get3A_64 : vector<1x64xf32> to vector<512x64xf32>
    %mul3A_66 = arith.mulf %mul3A_61, %mul3A_65 : vector<512x64xf32>
    %reduce_sum3A_67 = arith.constant dense<0.000000e+00> : vector<512xf32>
    %reduce_sum3A_68 = vector.multi_reduction <add>, %mul3A_66, %reduce_sum3A_67 [1] : vector<512x64xf32> to vector<512xf32>
    %broadcast_in_dim3A_69 = vector.shape_cast %reduce_sum3A_68 : vector<512xf32> to vector<512x1xf32>
    %get3A_70 = arith.constant 0 : index
    %get3A_71 = arith.constant 0 : index
    %get3A_72 = vector.load %arg10[%get3A_70, %get3A_71] : memref<1x1xf32, #tpu.memory_space<vmem>>, vector<1x1xf32>
    %get3A_73 = vector.extract %get3A_72[0, 0] : f32 from vector<1x1xf32>
    %add3A_74 = vector.broadcast %get3A_73 : f32 to vector<512x1xf32>
    %add3A_75 = arith.addf %broadcast_in_dim3A_69, %add3A_74 : vector<512x1xf32>
    %add3A_76 = arith.constant 9.99999993E-9 : f32
    %add3A_77 = vector.broadcast %add3A_76 : f32 to vector<512x1xf32>
    %add3A_78 = arith.addf %sqrt3A, %add3A_77 : vector<512x1xf32>
    %div3A = vector.broadcast %add3A_78 : vector<512x1xf32> to vector<512x16xf32>
    %div3A_79 = arith.divf %sub3A, %div3A : vector<512x16xf32>
    %mul3A_80 = vector.broadcast %add3A_75 : vector<512x1xf32> to vector<512x16xf32>
    %mul3A_81 = arith.mulf %mul3A_80, %div3A_79 : vector<512x16xf32>
    %add3A_82 = arith.addf %broadcast_in_dim3A_13, %mul3A_81 : vector<512x16xf32>
    %add3A_83 = arith.addf %broadcast_in_dim3A_11, %mul3A_61 : vector<512x64xf32>
    %get3A_84 = arith.constant 1 : index
    %get3A_85 = arith.constant 0 : index
    %get3A_86 = arith.constant 0 : index
    %get3A_87 = vector.load %arg1[%get3A_84, %get3A_85, %get3A_86] : memref<8x512x128xf32, #tpu.memory_space<vmem>>, vector<1x512x16xf32>
    %get3A_88 = vector.shape_cast %get3A_87 : vector<1x512x16xf32> to vector<512x16xf32>
    %get3A_89 = arith.constant 1 : index
    %get3A_90 = arith.constant 0 : index
    %get3A_91 = arith.constant 16 : index
    %get3A_92 = vector.load %arg1[%get3A_89, %get3A_90, %get3A_91] : memref<8x512x128xf32, #tpu.memory_space<vmem>>, vector<1x512x64xf32>
    %get3A_93 = vector.shape_cast %get3A_92 : vector<1x512x64xf32> to vector<512x64xf32>
    %sub3A_94 = arith.subf %get3A_88, %slice3A : vector<512x16xf32>
    %mul3A_95 = arith.mulf %sub3A_94, %sub3A_94 : vector<512x16xf32>
    %reduce_sum3A_96 = arith.constant dense<0.000000e+00> : vector<512xf32>
    %reduce_sum3A_97 = vector.multi_reduction <add>, %mul3A_95, %reduce_sum3A_96 [1] : vector<512x16xf32> to vector<512xf32>
    %broadcast_in_dim3A_98 = vector.shape_cast %reduce_sum3A_97 : vector<512xf32> to vector<512x1xf32>
    %sqrt3A_99 = math.sqrt %broadcast_in_dim3A_98 : vector<512x1xf32>
    %get3A_100 = arith.constant 0 : index
    %get3A_101 = arith.constant 0 : index
    %get3A_102 = vector.load %arg3[%get3A_100, %get3A_101] : memref<64x64xf32, #tpu.memory_space<vmem>>, vector<64x64xf32>
    %dot_general3A_103 = arith.constant dense<0.000000e+00> : vector<512x64xf32>
    %dot_general3A_104 = tpu.matmul %get3A_93, %get3A_102, %dot_general3A_103 {dimension_numbers = #tpu.dot_dimension_numbers<[1], [0], [0], [1], [0, 0, 1, 1], [], []>, precision = #tpu.contract_precision<fp32>, transpose_lhs_hint = false} : vector<512x64xf32>, vector<64x64xf32>, vector<512x64xf32> -> vector<512x64xf32>
    %add3A_105 = arith.addf %dot_general3A_104, %add3A_10 : vector<512x64xf32>
    %get3A_106 = arith.constant 0 : index
    %get3A_107 = arith.constant 0 : index
    %get3A_108 = vector.load %arg5[%get3A_106, %get3A_107] : memref<1x64xf32, #tpu.memory_space<vmem>>, vector<1x64xf32>
    %mul3A_109 = vector.broadcast %sqrt3A_99 : vector<512x1xf32> to vector<512x64xf32>
    %mul3A_110 = vector.broadcast %get3A_108 : vector<1x64xf32> to vector<512x64xf32>
    %mul3A_111 = arith.mulf %mul3A_109, %mul3A_110 : vector<512x64xf32>
    %add3A_112 = arith.addf %add3A_105, %mul3A_111 : vector<512x64xf32>
    %logistic3A_113 = arith.negf %add3A_112 : vector<512x64xf32>
    %logistic3A_114 = math.exp %logistic3A_113 : vector<512x64xf32>
    %logistic3A_115 = arith.constant 1.000000e+00 : f32
    %logistic3A_116 = vector.broadcast %logistic3A_115 : f32 to vector<512x64xf32>
    %logistic3A_117 = arith.addf %logistic3A_116, %logistic3A_114 : vector<512x64xf32>
    %logistic3A_118 = arith.divf %logistic3A_116, %logistic3A_117 : vector<512x64xf32>
    %mul3A_119 = arith.mulf %add3A_112, %logistic3A_118 : vector<512x64xf32>
    %get3A_120 = arith.constant 0 : index
    %get3A_121 = arith.constant 0 : index
    %get3A_122 = vector.load %arg7[%get3A_120, %get3A_121] : memref<64x64xf32, #tpu.memory_space<vmem>>, vector<64x64xf32>
    %dot_general3A_123 = arith.constant dense<0.000000e+00> : vector<512x64xf32>
    %dot_general3A_124 = tpu.matmul %mul3A_119, %get3A_122, %dot_general3A_123 {dimension_numbers = #tpu.dot_dimension_numbers<[1], [0], [0], [1], [0, 0, 1, 1], [], []>, precision = #tpu.contract_precision<fp32>, transpose_lhs_hint = false} : vector<512x64xf32>, vector<64x64xf32>, vector<512x64xf32> -> vector<512x64xf32>
    %get3A_125 = arith.constant 0 : index
    %get3A_126 = arith.constant 0 : index
    %get3A_127 = vector.load %arg8[%get3A_125, %get3A_126] : memref<1x64xf32, #tpu.memory_space<vmem>>, vector<1x64xf32>
    %add3A_128 = vector.broadcast %get3A_127 : vector<1x64xf32> to vector<512x64xf32>
    %add3A_129 = arith.addf %dot_general3A_124, %add3A_128 : vector<512x64xf32>
    %logistic3A_130 = arith.negf %add3A_129 : vector<512x64xf32>
    %logistic3A_131 = math.exp %logistic3A_130 : vector<512x64xf32>
    %logistic3A_132 = arith.constant 1.000000e+00 : f32
    %logistic3A_133 = vector.broadcast %logistic3A_132 : f32 to vector<512x64xf32>
    %logistic3A_134 = arith.addf %logistic3A_133, %logistic3A_131 : vector<512x64xf32>
    %logistic3A_135 = arith.divf %logistic3A_133, %logistic3A_134 : vector<512x64xf32>
    %mul3A_136 = arith.mulf %add3A_129, %logistic3A_135 : vector<512x64xf32>
    %get3A_137 = arith.constant 0 : index
    %get3A_138 = arith.constant 0 : index
    %get3A_139 = vector.load %arg9[%get3A_137, %get3A_138] : memref<1x64xf32, #tpu.memory_space<vmem>>, vector<1x64xf32>
    %mul3A_140 = vector.broadcast %get3A_139 : vector<1x64xf32> to vector<512x64xf32>
    %mul3A_141 = arith.mulf %mul3A_136, %mul3A_140 : vector<512x64xf32>
    %reduce_sum3A_142 = arith.constant dense<0.000000e+00> : vector<512xf32>
    %reduce_sum3A_143 = vector.multi_reduction <add>, %mul3A_141, %reduce_sum3A_142 [1] : vector<512x64xf32> to vector<512xf32>
    %broadcast_in_dim3A_144 = vector.shape_cast %reduce_sum3A_143 : vector<512xf32> to vector<512x1xf32>
    %get3A_145 = arith.constant 0 : index
    %get3A_146 = arith.constant 0 : index
    %get3A_147 = vector.load %arg10[%get3A_145, %get3A_146] : memref<1x1xf32, #tpu.memory_space<vmem>>, vector<1x1xf32>
    %get3A_148 = vector.extract %get3A_147[0, 0] : f32 from vector<1x1xf32>
    %add3A_149 = vector.broadcast %get3A_148 : f32 to vector<512x1xf32>
    %add3A_150 = arith.addf %broadcast_in_dim3A_144, %add3A_149 : vector<512x1xf32>
    %add3A_151 = arith.constant 9.99999993E-9 : f32
    %add3A_152 = vector.broadcast %add3A_151 : f32 to vector<512x1xf32>
    %add3A_153 = arith.addf %sqrt3A_99, %add3A_152 : vector<512x1xf32>
    %div3A_154 = vector.broadcast %add3A_153 : vector<512x1xf32> to vector<512x16xf32>
    %div3A_155 = arith.divf %sub3A_94, %div3A_154 : vector<512x16xf32>
    %mul3A_156 = vector.broadcast %add3A_150 : vector<512x1xf32> to vector<512x16xf32>
    %mul3A_157 = arith.mulf %mul3A_156, %div3A_155 : vector<512x16xf32>
    %add3A_158 = arith.addf %add3A_82, %mul3A_157 : vector<512x16xf32>
    %add3A_159 = arith.addf %add3A_83, %mul3A_136 : vector<512x64xf32>
    %get3A_160 = arith.constant 2 : index
    %get3A_161 = arith.constant 0 : index
    %get3A_162 = arith.constant 0 : index
    %get3A_163 = vector.load %arg1[%get3A_160, %get3A_161, %get3A_162] : memref<8x512x128xf32, #tpu.memory_space<vmem>>, vector<1x512x16xf32>
    %get3A_164 = vector.shape_cast %get3A_163 : vector<1x512x16xf32> to vector<512x16xf32>
    %get3A_165 = arith.constant 2 : index
    %get3A_166 = arith.constant 0 : index
    %get3A_167 = arith.constant 16 : index
    %get3A_168 = vector.load %arg1[%get3A_165, %get3A_166, %get3A_167] : memref<8x512x128xf32, #tpu.memory_space<vmem>>, vector<1x512x64xf32>
    %get3A_169 = vector.shape_cast %get3A_168 : vector<1x512x64xf32> to vector<512x64xf32>
    %sub3A_170 = arith.subf %get3A_164, %slice3A : vector<512x16xf32>
    %mul3A_171 = arith.mulf %sub3A_170, %sub3A_170 : vector<512x16xf32>
    %reduce_sum3A_172 = arith.constant dense<0.000000e+00> : vector<512xf32>
    %reduce_sum3A_173 = vector.multi_reduction <add>, %mul3A_171, %reduce_sum3A_172 [1] : vector<512x16xf32> to vector<512xf32>
    %broadcast_in_dim3A_174 = vector.shape_cast %reduce_sum3A_173 : vector<512xf32> to vector<512x1xf32>
    %sqrt3A_175 = math.sqrt %broadcast_in_dim3A_174 : vector<512x1xf32>
    %get3A_176 = arith.constant 0 : index
    %get3A_177 = arith.constant 0 : index
    %get3A_178 = vector.load %arg3[%get3A_176, %get3A_177] : memref<64x64xf32, #tpu.memory_space<vmem>>, vector<64x64xf32>
    %dot_general3A_179 = arith.constant dense<0.000000e+00> : vector<512x64xf32>
    %dot_general3A_180 = tpu.matmul %get3A_169, %get3A_178, %dot_general3A_179 {dimension_numbers = #tpu.dot_dimension_numbers<[1], [0], [0], [1], [0, 0, 1, 1], [], []>, precision = #tpu.contract_precision<fp32>, transpose_lhs_hint = false} : vector<512x64xf32>, vector<64x64xf32>, vector<512x64xf32> -> vector<512x64xf32>
    %add3A_181 = arith.addf %dot_general3A_180, %add3A_10 : vector<512x64xf32>
    %get3A_182 = arith.constant 0 : index
    %get3A_183 = arith.constant 0 : index
    %get3A_184 = vector.load %arg5[%get3A_182, %get3A_183] : memref<1x64xf32, #tpu.memory_space<vmem>>, vector<1x64xf32>
    %mul3A_185 = vector.broadcast %sqrt3A_175 : vector<512x1xf32> to vector<512x64xf32>
    %mul3A_186 = vector.broadcast %get3A_184 : vector<1x64xf32> to vector<512x64xf32>
    %mul3A_187 = arith.mulf %mul3A_185, %mul3A_186 : vector<512x64xf32>
    %add3A_188 = arith.addf %add3A_181, %mul3A_187 : vector<512x64xf32>
    %logistic3A_189 = arith.negf %add3A_188 : vector<512x64xf32>
    %logistic3A_190 = math.exp %logistic3A_189 : vector<512x64xf32>
    %logistic3A_191 = arith.constant 1.000000e+00 : f32
    %logistic3A_192 = vector.broadcast %logistic3A_191 : f32 to vector<512x64xf32>
    %logistic3A_193 = arith.addf %logistic3A_192, %logistic3A_190 : vector<512x64xf32>
    %logistic3A_194 = arith.divf %logistic3A_192, %logistic3A_193 : vector<512x64xf32>
    %mul3A_195 = arith.mulf %add3A_188, %logistic3A_194 : vector<512x64xf32>
    %get3A_196 = arith.constant 0 : index
    %get3A_197 = arith.constant 0 : index
    %get3A_198 = vector.load %arg7[%get3A_196, %get3A_197] : memref<64x64xf32, #tpu.memory_space<vmem>>, vector<64x64xf32>
    %dot_general3A_199 = arith.constant dense<0.000000e+00> : vector<512x64xf32>
    %dot_general3A_200 = tpu.matmul %mul3A_195, %get3A_198, %dot_general3A_199 {dimension_numbers = #tpu.dot_dimension_numbers<[1], [0], [0], [1], [0, 0, 1, 1], [], []>, precision = #tpu.contract_precision<fp32>, transpose_lhs_hint = false} : vector<512x64xf32>, vector<64x64xf32>, vector<512x64xf32> -> vector<512x64xf32>
    %get3A_201 = arith.constant 0 : index
    %get3A_202 = arith.constant 0 : index
    %get3A_203 = vector.load %arg8[%get3A_201, %get3A_202] : memref<1x64xf32, #tpu.memory_space<vmem>>, vector<1x64xf32>
    %add3A_204 = vector.broadcast %get3A_203 : vector<1x64xf32> to vector<512x64xf32>
    %add3A_205 = arith.addf %dot_general3A_200, %add3A_204 : vector<512x64xf32>
    %logistic3A_206 = arith.negf %add3A_205 : vector<512x64xf32>
    %logistic3A_207 = math.exp %logistic3A_206 : vector<512x64xf32>
    %logistic3A_208 = arith.constant 1.000000e+00 : f32
    %logistic3A_209 = vector.broadcast %logistic3A_208 : f32 to vector<512x64xf32>
    %logistic3A_210 = arith.addf %logistic3A_209, %logistic3A_207 : vector<512x64xf32>
    %logistic3A_211 = arith.divf %logistic3A_209, %logistic3A_210 : vector<512x64xf32>
    %mul3A_212 = arith.mulf %add3A_205, %logistic3A_211 : vector<512x64xf32>
    %get3A_213 = arith.constant 0 : index
    %get3A_214 = arith.constant 0 : index
    %get3A_215 = vector.load %arg9[%get3A_213, %get3A_214] : memref<1x64xf32, #tpu.memory_space<vmem>>, vector<1x64xf32>
    %mul3A_216 = vector.broadcast %get3A_215 : vector<1x64xf32> to vector<512x64xf32>
    %mul3A_217 = arith.mulf %mul3A_212, %mul3A_216 : vector<512x64xf32>
    %reduce_sum3A_218 = arith.constant dense<0.000000e+00> : vector<512xf32>
    %reduce_sum3A_219 = vector.multi_reduction <add>, %mul3A_217, %reduce_sum3A_218 [1] : vector<512x64xf32> to vector<512xf32>
    %broadcast_in_dim3A_220 = vector.shape_cast %reduce_sum3A_219 : vector<512xf32> to vector<512x1xf32>
    %get3A_221 = arith.constant 0 : index
    %get3A_222 = arith.constant 0 : index
    %get3A_223 = vector.load %arg10[%get3A_221, %get3A_222] : memref<1x1xf32, #tpu.memory_space<vmem>>, vector<1x1xf32>
    %get3A_224 = vector.extract %get3A_223[0, 0] : f32 from vector<1x1xf32>
    %add3A_225 = vector.broadcast %get3A_224 : f32 to vector<512x1xf32>
    %add3A_226 = arith.addf %broadcast_in_dim3A_220, %add3A_225 : vector<512x1xf32>
    %add3A_227 = arith.constant 9.99999993E-9 : f32
    %add3A_228 = vector.broadcast %add3A_227 : f32 to vector<512x1xf32>
    %add3A_229 = arith.addf %sqrt3A_175, %add3A_228 : vector<512x1xf32>
    %div3A_230 = vector.broadcast %add3A_229 : vector<512x1xf32> to vector<512x16xf32>
    %div3A_231 = arith.divf %sub3A_170, %div3A_230 : vector<512x16xf32>
    %mul3A_232 = vector.broadcast %add3A_226 : vector<512x1xf32> to vector<512x16xf32>
    %mul3A_233 = arith.mulf %mul3A_232, %div3A_231 : vector<512x16xf32>
    %add3A_234 = arith.addf %add3A_158, %mul3A_233 : vector<512x16xf32>
    %add3A_235 = arith.addf %add3A_159, %mul3A_212 : vector<512x64xf32>
    %get3A_236 = arith.constant 3 : index
    %get3A_237 = arith.constant 0 : index
    %get3A_238 = arith.constant 0 : index
    %get3A_239 = vector.load %arg1[%get3A_236, %get3A_237, %get3A_238] : memref<8x512x128xf32, #tpu.memory_space<vmem>>, vector<1x512x16xf32>
    %get3A_240 = vector.shape_cast %get3A_239 : vector<1x512x16xf32> to vector<512x16xf32>
    %get3A_241 = arith.constant 3 : index
    %get3A_242 = arith.constant 0 : index
    %get3A_243 = arith.constant 16 : index
    %get3A_244 = vector.load %arg1[%get3A_241, %get3A_242, %get3A_243] : memref<8x512x128xf32, #tpu.memory_space<vmem>>, vector<1x512x64xf32>
    %get3A_245 = vector.shape_cast %get3A_244 : vector<1x512x64xf32> to vector<512x64xf32>
    %sub3A_246 = arith.subf %get3A_240, %slice3A : vector<512x16xf32>
    %mul3A_247 = arith.mulf %sub3A_246, %sub3A_246 : vector<512x16xf32>
    %reduce_sum3A_248 = arith.constant dense<0.000000e+00> : vector<512xf32>
    %reduce_sum3A_249 = vector.multi_reduction <add>, %mul3A_247, %reduce_sum3A_248 [1] : vector<512x16xf32> to vector<512xf32>
    %broadcast_in_dim3A_250 = vector.shape_cast %reduce_sum3A_249 : vector<512xf32> to vector<512x1xf32>
    %sqrt3A_251 = math.sqrt %broadcast_in_dim3A_250 : vector<512x1xf32>
    %get3A_252 = arith.constant 0 : index
    %get3A_253 = arith.constant 0 : index
    %get3A_254 = vector.load %arg3[%get3A_252, %get3A_253] : memref<64x64xf32, #tpu.memory_space<vmem>>, vector<64x64xf32>
    %dot_general3A_255 = arith.constant dense<0.000000e+00> : vector<512x64xf32>
    %dot_general3A_256 = tpu.matmul %get3A_245, %get3A_254, %dot_general3A_255 {dimension_numbers = #tpu.dot_dimension_numbers<[1], [0], [0], [1], [0, 0, 1, 1], [], []>, precision = #tpu.contract_precision<fp32>, transpose_lhs_hint = false} : vector<512x64xf32>, vector<64x64xf32>, vector<512x64xf32> -> vector<512x64xf32>
    %add3A_257 = arith.addf %dot_general3A_256, %add3A_10 : vector<512x64xf32>
    %get3A_258 = arith.constant 0 : index
    %get3A_259 = arith.constant 0 : index
    %get3A_260 = vector.load %arg5[%get3A_258, %get3A_259] : memref<1x64xf32, #tpu.memory_space<vmem>>, vector<1x64xf32>
    %mul3A_261 = vector.broadcast %sqrt3A_251 : vector<512x1xf32> to vector<512x64xf32>
    %mul3A_262 = vector.broadcast %get3A_260 : vector<1x64xf32> to vector<512x64xf32>
    %mul3A_263 = arith.mulf %mul3A_261, %mul3A_262 : vector<512x64xf32>
    %add3A_264 = arith.addf %add3A_257, %mul3A_263 : vector<512x64xf32>
    %logistic3A_265 = arith.negf %add3A_264 : vector<512x64xf32>
    %logistic3A_266 = math.exp %logistic3A_265 : vector<512x64xf32>
    %logistic3A_267 = arith.constant 1.000000e+00 : f32
    %logistic3A_268 = vector.broadcast %logistic3A_267 : f32 to vector<512x64xf32>
    %logistic3A_269 = arith.addf %logistic3A_268, %logistic3A_266 : vector<512x64xf32>
    %logistic3A_270 = arith.divf %logistic3A_268, %logistic3A_269 : vector<512x64xf32>
    %mul3A_271 = arith.mulf %add3A_264, %logistic3A_270 : vector<512x64xf32>
    %get3A_272 = arith.constant 0 : index
    %get3A_273 = arith.constant 0 : index
    %get3A_274 = vector.load %arg7[%get3A_272, %get3A_273] : memref<64x64xf32, #tpu.memory_space<vmem>>, vector<64x64xf32>
    %dot_general3A_275 = arith.constant dense<0.000000e+00> : vector<512x64xf32>
    %dot_general3A_276 = tpu.matmul %mul3A_271, %get3A_274, %dot_general3A_275 {dimension_numbers = #tpu.dot_dimension_numbers<[1], [0], [0], [1], [0, 0, 1, 1], [], []>, precision = #tpu.contract_precision<fp32>, transpose_lhs_hint = false} : vector<512x64xf32>, vector<64x64xf32>, vector<512x64xf32> -> vector<512x64xf32>
    %get3A_277 = arith.constant 0 : index
    %get3A_278 = arith.constant 0 : index
    %get3A_279 = vector.load %arg8[%get3A_277, %get3A_278] : memref<1x64xf32, #tpu.memory_space<vmem>>, vector<1x64xf32>
    %add3A_280 = vector.broadcast %get3A_279 : vector<1x64xf32> to vector<512x64xf32>
    %add3A_281 = arith.addf %dot_general3A_276, %add3A_280 : vector<512x64xf32>
    %logistic3A_282 = arith.negf %add3A_281 : vector<512x64xf32>
    %logistic3A_283 = math.exp %logistic3A_282 : vector<512x64xf32>
    %logistic3A_284 = arith.constant 1.000000e+00 : f32
    %logistic3A_285 = vector.broadcast %logistic3A_284 : f32 to vector<512x64xf32>
    %logistic3A_286 = arith.addf %logistic3A_285, %logistic3A_283 : vector<512x64xf32>
    %logistic3A_287 = arith.divf %logistic3A_285, %logistic3A_286 : vector<512x64xf32>
    %mul3A_288 = arith.mulf %add3A_281, %logistic3A_287 : vector<512x64xf32>
    %get3A_289 = arith.constant 0 : index
    %get3A_290 = arith.constant 0 : index
    %get3A_291 = vector.load %arg9[%get3A_289, %get3A_290] : memref<1x64xf32, #tpu.memory_space<vmem>>, vector<1x64xf32>
    %mul3A_292 = vector.broadcast %get3A_291 : vector<1x64xf32> to vector<512x64xf32>
    %mul3A_293 = arith.mulf %mul3A_288, %mul3A_292 : vector<512x64xf32>
    %reduce_sum3A_294 = arith.constant dense<0.000000e+00> : vector<512xf32>
    %reduce_sum3A_295 = vector.multi_reduction <add>, %mul3A_293, %reduce_sum3A_294 [1] : vector<512x64xf32> to vector<512xf32>
    %broadcast_in_dim3A_296 = vector.shape_cast %reduce_sum3A_295 : vector<512xf32> to vector<512x1xf32>
    %get3A_297 = arith.constant 0 : index
    %get3A_298 = arith.constant 0 : index
    %get3A_299 = vector.load %arg10[%get3A_297, %get3A_298] : memref<1x1xf32, #tpu.memory_space<vmem>>, vector<1x1xf32>
    %get3A_300 = vector.extract %get3A_299[0, 0] : f32 from vector<1x1xf32>
    %add3A_301 = vector.broadcast %get3A_300 : f32 to vector<512x1xf32>
    %add3A_302 = arith.addf %broadcast_in_dim3A_296, %add3A_301 : vector<512x1xf32>
    %add3A_303 = arith.constant 9.99999993E-9 : f32
    %add3A_304 = vector.broadcast %add3A_303 : f32 to vector<512x1xf32>
    %add3A_305 = arith.addf %sqrt3A_251, %add3A_304 : vector<512x1xf32>
    %div3A_306 = vector.broadcast %add3A_305 : vector<512x1xf32> to vector<512x16xf32>
    %div3A_307 = arith.divf %sub3A_246, %div3A_306 : vector<512x16xf32>
    %mul3A_308 = vector.broadcast %add3A_302 : vector<512x1xf32> to vector<512x16xf32>
    %mul3A_309 = arith.mulf %mul3A_308, %div3A_307 : vector<512x16xf32>
    %add3A_310 = arith.addf %add3A_234, %mul3A_309 : vector<512x16xf32>
    %add3A_311 = arith.addf %add3A_235, %mul3A_288 : vector<512x64xf32>
    %get3A_312 = arith.constant 4 : index
    %get3A_313 = arith.constant 0 : index
    %get3A_314 = arith.constant 0 : index
    %get3A_315 = vector.load %arg1[%get3A_312, %get3A_313, %get3A_314] : memref<8x512x128xf32, #tpu.memory_space<vmem>>, vector<1x512x16xf32>
    %get3A_316 = vector.shape_cast %get3A_315 : vector<1x512x16xf32> to vector<512x16xf32>
    %get3A_317 = arith.constant 4 : index
    %get3A_318 = arith.constant 0 : index
    %get3A_319 = arith.constant 16 : index
    %get3A_320 = vector.load %arg1[%get3A_317, %get3A_318, %get3A_319] : memref<8x512x128xf32, #tpu.memory_space<vmem>>, vector<1x512x64xf32>
    %get3A_321 = vector.shape_cast %get3A_320 : vector<1x512x64xf32> to vector<512x64xf32>
    %sub3A_322 = arith.subf %get3A_316, %slice3A : vector<512x16xf32>
    %mul3A_323 = arith.mulf %sub3A_322, %sub3A_322 : vector<512x16xf32>
    %reduce_sum3A_324 = arith.constant dense<0.000000e+00> : vector<512xf32>
    %reduce_sum3A_325 = vector.multi_reduction <add>, %mul3A_323, %reduce_sum3A_324 [1] : vector<512x16xf32> to vector<512xf32>
    %broadcast_in_dim3A_326 = vector.shape_cast %reduce_sum3A_325 : vector<512xf32> to vector<512x1xf32>
    %sqrt3A_327 = math.sqrt %broadcast_in_dim3A_326 : vector<512x1xf32>
    %get3A_328 = arith.constant 0 : index
    %get3A_329 = arith.constant 0 : index
    %get3A_330 = vector.load %arg3[%get3A_328, %get3A_329] : memref<64x64xf32, #tpu.memory_space<vmem>>, vector<64x64xf32>
    %dot_general3A_331 = arith.constant dense<0.000000e+00> : vector<512x64xf32>
    %dot_general3A_332 = tpu.matmul %get3A_321, %get3A_330, %dot_general3A_331 {dimension_numbers = #tpu.dot_dimension_numbers<[1], [0], [0], [1], [0, 0, 1, 1], [], []>, precision = #tpu.contract_precision<fp32>, transpose_lhs_hint = false} : vector<512x64xf32>, vector<64x64xf32>, vector<512x64xf32> -> vector<512x64xf32>
    %add3A_333 = arith.addf %dot_general3A_332, %add3A_10 : vector<512x64xf32>
    %get3A_334 = arith.constant 0 : index
    %get3A_335 = arith.constant 0 : index
    %get3A_336 = vector.load %arg5[%get3A_334, %get3A_335] : memref<1x64xf32, #tpu.memory_space<vmem>>, vector<1x64xf32>
    %mul3A_337 = vector.broadcast %sqrt3A_327 : vector<512x1xf32> to vector<512x64xf32>
    %mul3A_338 = vector.broadcast %get3A_336 : vector<1x64xf32> to vector<512x64xf32>
    %mul3A_339 = arith.mulf %mul3A_337, %mul3A_338 : vector<512x64xf32>
    %add3A_340 = arith.addf %add3A_333, %mul3A_339 : vector<512x64xf32>
    %logistic3A_341 = arith.negf %add3A_340 : vector<512x64xf32>
    %logistic3A_342 = math.exp %logistic3A_341 : vector<512x64xf32>
    %logistic3A_343 = arith.constant 1.000000e+00 : f32
    %logistic3A_344 = vector.broadcast %logistic3A_343 : f32 to vector<512x64xf32>
    %logistic3A_345 = arith.addf %logistic3A_344, %logistic3A_342 : vector<512x64xf32>
    %logistic3A_346 = arith.divf %logistic3A_344, %logistic3A_345 : vector<512x64xf32>
    %mul3A_347 = arith.mulf %add3A_340, %logistic3A_346 : vector<512x64xf32>
    %get3A_348 = arith.constant 0 : index
    %get3A_349 = arith.constant 0 : index
    %get3A_350 = vector.load %arg7[%get3A_348, %get3A_349] : memref<64x64xf32, #tpu.memory_space<vmem>>, vector<64x64xf32>
    %dot_general3A_351 = arith.constant dense<0.000000e+00> : vector<512x64xf32>
    %dot_general3A_352 = tpu.matmul %mul3A_347, %get3A_350, %dot_general3A_351 {dimension_numbers = #tpu.dot_dimension_numbers<[1], [0], [0], [1], [0, 0, 1, 1], [], []>, precision = #tpu.contract_precision<fp32>, transpose_lhs_hint = false} : vector<512x64xf32>, vector<64x64xf32>, vector<512x64xf32> -> vector<512x64xf32>
    %get3A_353 = arith.constant 0 : index
    %get3A_354 = arith.constant 0 : index
    %get3A_355 = vector.load %arg8[%get3A_353, %get3A_354] : memref<1x64xf32, #tpu.memory_space<vmem>>, vector<1x64xf32>
    %add3A_356 = vector.broadcast %get3A_355 : vector<1x64xf32> to vector<512x64xf32>
    %add3A_357 = arith.addf %dot_general3A_352, %add3A_356 : vector<512x64xf32>
    %logistic3A_358 = arith.negf %add3A_357 : vector<512x64xf32>
    %logistic3A_359 = math.exp %logistic3A_358 : vector<512x64xf32>
    %logistic3A_360 = arith.constant 1.000000e+00 : f32
    %logistic3A_361 = vector.broadcast %logistic3A_360 : f32 to vector<512x64xf32>
    %logistic3A_362 = arith.addf %logistic3A_361, %logistic3A_359 : vector<512x64xf32>
    %logistic3A_363 = arith.divf %logistic3A_361, %logistic3A_362 : vector<512x64xf32>
    %mul3A_364 = arith.mulf %add3A_357, %logistic3A_363 : vector<512x64xf32>
    %get3A_365 = arith.constant 0 : index
    %get3A_366 = arith.constant 0 : index
    %get3A_367 = vector.load %arg9[%get3A_365, %get3A_366] : memref<1x64xf32, #tpu.memory_space<vmem>>, vector<1x64xf32>
    %mul3A_368 = vector.broadcast %get3A_367 : vector<1x64xf32> to vector<512x64xf32>
    %mul3A_369 = arith.mulf %mul3A_364, %mul3A_368 : vector<512x64xf32>
    %reduce_sum3A_370 = arith.constant dense<0.000000e+00> : vector<512xf32>
    %reduce_sum3A_371 = vector.multi_reduction <add>, %mul3A_369, %reduce_sum3A_370 [1] : vector<512x64xf32> to vector<512xf32>
    %broadcast_in_dim3A_372 = vector.shape_cast %reduce_sum3A_371 : vector<512xf32> to vector<512x1xf32>
    %get3A_373 = arith.constant 0 : index
    %get3A_374 = arith.constant 0 : index
    %get3A_375 = vector.load %arg10[%get3A_373, %get3A_374] : memref<1x1xf32, #tpu.memory_space<vmem>>, vector<1x1xf32>
    %get3A_376 = vector.extract %get3A_375[0, 0] : f32 from vector<1x1xf32>
    %add3A_377 = vector.broadcast %get3A_376 : f32 to vector<512x1xf32>
    %add3A_378 = arith.addf %broadcast_in_dim3A_372, %add3A_377 : vector<512x1xf32>
    %add3A_379 = arith.constant 9.99999993E-9 : f32
    %add3A_380 = vector.broadcast %add3A_379 : f32 to vector<512x1xf32>
    %add3A_381 = arith.addf %sqrt3A_327, %add3A_380 : vector<512x1xf32>
    %div3A_382 = vector.broadcast %add3A_381 : vector<512x1xf32> to vector<512x16xf32>
    %div3A_383 = arith.divf %sub3A_322, %div3A_382 : vector<512x16xf32>
    %mul3A_384 = vector.broadcast %add3A_378 : vector<512x1xf32> to vector<512x16xf32>
    %mul3A_385 = arith.mulf %mul3A_384, %div3A_383 : vector<512x16xf32>
    %add3A_386 = arith.addf %add3A_310, %mul3A_385 : vector<512x16xf32>
    %add3A_387 = arith.addf %add3A_311, %mul3A_364 : vector<512x64xf32>
    %get3A_388 = arith.constant 5 : index
    %get3A_389 = arith.constant 0 : index
    %get3A_390 = arith.constant 0 : index
    %get3A_391 = vector.load %arg1[%get3A_388, %get3A_389, %get3A_390] : memref<8x512x128xf32, #tpu.memory_space<vmem>>, vector<1x512x16xf32>
    %get3A_392 = vector.shape_cast %get3A_391 : vector<1x512x16xf32> to vector<512x16xf32>
    %get3A_393 = arith.constant 5 : index
    %get3A_394 = arith.constant 0 : index
    %get3A_395 = arith.constant 16 : index
    %get3A_396 = vector.load %arg1[%get3A_393, %get3A_394, %get3A_395] : memref<8x512x128xf32, #tpu.memory_space<vmem>>, vector<1x512x64xf32>
    %get3A_397 = vector.shape_cast %get3A_396 : vector<1x512x64xf32> to vector<512x64xf32>
    %sub3A_398 = arith.subf %get3A_392, %slice3A : vector<512x16xf32>
    %mul3A_399 = arith.mulf %sub3A_398, %sub3A_398 : vector<512x16xf32>
    %reduce_sum3A_400 = arith.constant dense<0.000000e+00> : vector<512xf32>
    %reduce_sum3A_401 = vector.multi_reduction <add>, %mul3A_399, %reduce_sum3A_400 [1] : vector<512x16xf32> to vector<512xf32>
    %broadcast_in_dim3A_402 = vector.shape_cast %reduce_sum3A_401 : vector<512xf32> to vector<512x1xf32>
    %sqrt3A_403 = math.sqrt %broadcast_in_dim3A_402 : vector<512x1xf32>
    %get3A_404 = arith.constant 0 : index
    %get3A_405 = arith.constant 0 : index
    %get3A_406 = vector.load %arg3[%get3A_404, %get3A_405] : memref<64x64xf32, #tpu.memory_space<vmem>>, vector<64x64xf32>
    %dot_general3A_407 = arith.constant dense<0.000000e+00> : vector<512x64xf32>
    %dot_general3A_408 = tpu.matmul %get3A_397, %get3A_406, %dot_general3A_407 {dimension_numbers = #tpu.dot_dimension_numbers<[1], [0], [0], [1], [0, 0, 1, 1], [], []>, precision = #tpu.contract_precision<fp32>, transpose_lhs_hint = false} : vector<512x64xf32>, vector<64x64xf32>, vector<512x64xf32> -> vector<512x64xf32>
    %add3A_409 = arith.addf %dot_general3A_408, %add3A_10 : vector<512x64xf32>
    %get3A_410 = arith.constant 0 : index
    %get3A_411 = arith.constant 0 : index
    %get3A_412 = vector.load %arg5[%get3A_410, %get3A_411] : memref<1x64xf32, #tpu.memory_space<vmem>>, vector<1x64xf32>
    %mul3A_413 = vector.broadcast %sqrt3A_403 : vector<512x1xf32> to vector<512x64xf32>
    %mul3A_414 = vector.broadcast %get3A_412 : vector<1x64xf32> to vector<512x64xf32>
    %mul3A_415 = arith.mulf %mul3A_413, %mul3A_414 : vector<512x64xf32>
    %add3A_416 = arith.addf %add3A_409, %mul3A_415 : vector<512x64xf32>
    %logistic3A_417 = arith.negf %add3A_416 : vector<512x64xf32>
    %logistic3A_418 = math.exp %logistic3A_417 : vector<512x64xf32>
    %logistic3A_419 = arith.constant 1.000000e+00 : f32
    %logistic3A_420 = vector.broadcast %logistic3A_419 : f32 to vector<512x64xf32>
    %logistic3A_421 = arith.addf %logistic3A_420, %logistic3A_418 : vector<512x64xf32>
    %logistic3A_422 = arith.divf %logistic3A_420, %logistic3A_421 : vector<512x64xf32>
    %mul3A_423 = arith.mulf %add3A_416, %logistic3A_422 : vector<512x64xf32>
    %get3A_424 = arith.constant 0 : index
    %get3A_425 = arith.constant 0 : index
    %get3A_426 = vector.load %arg7[%get3A_424, %get3A_425] : memref<64x64xf32, #tpu.memory_space<vmem>>, vector<64x64xf32>
    %dot_general3A_427 = arith.constant dense<0.000000e+00> : vector<512x64xf32>
    %dot_general3A_428 = tpu.matmul %mul3A_423, %get3A_426, %dot_general3A_427 {dimension_numbers = #tpu.dot_dimension_numbers<[1], [0], [0], [1], [0, 0, 1, 1], [], []>, precision = #tpu.contract_precision<fp32>, transpose_lhs_hint = false} : vector<512x64xf32>, vector<64x64xf32>, vector<512x64xf32> -> vector<512x64xf32>
    %get3A_429 = arith.constant 0 : index
    %get3A_430 = arith.constant 0 : index
    %get3A_431 = vector.load %arg8[%get3A_429, %get3A_430] : memref<1x64xf32, #tpu.memory_space<vmem>>, vector<1x64xf32>
    %add3A_432 = vector.broadcast %get3A_431 : vector<1x64xf32> to vector<512x64xf32>
    %add3A_433 = arith.addf %dot_general3A_428, %add3A_432 : vector<512x64xf32>
    %logistic3A_434 = arith.negf %add3A_433 : vector<512x64xf32>
    %logistic3A_435 = math.exp %logistic3A_434 : vector<512x64xf32>
    %logistic3A_436 = arith.constant 1.000000e+00 : f32
    %logistic3A_437 = vector.broadcast %logistic3A_436 : f32 to vector<512x64xf32>
    %logistic3A_438 = arith.addf %logistic3A_437, %logistic3A_435 : vector<512x64xf32>
    %logistic3A_439 = arith.divf %logistic3A_437, %logistic3A_438 : vector<512x64xf32>
    %mul3A_440 = arith.mulf %add3A_433, %logistic3A_439 : vector<512x64xf32>
    %get3A_441 = arith.constant 0 : index
    %get3A_442 = arith.constant 0 : index
    %get3A_443 = vector.load %arg9[%get3A_441, %get3A_442] : memref<1x64xf32, #tpu.memory_space<vmem>>, vector<1x64xf32>
    %mul3A_444 = vector.broadcast %get3A_443 : vector<1x64xf32> to vector<512x64xf32>
    %mul3A_445 = arith.mulf %mul3A_440, %mul3A_444 : vector<512x64xf32>
    %reduce_sum3A_446 = arith.constant dense<0.000000e+00> : vector<512xf32>
    %reduce_sum3A_447 = vector.multi_reduction <add>, %mul3A_445, %reduce_sum3A_446 [1] : vector<512x64xf32> to vector<512xf32>
    %broadcast_in_dim3A_448 = vector.shape_cast %reduce_sum3A_447 : vector<512xf32> to vector<512x1xf32>
    %get3A_449 = arith.constant 0 : index
    %get3A_450 = arith.constant 0 : index
    %get3A_451 = vector.load %arg10[%get3A_449, %get3A_450] : memref<1x1xf32, #tpu.memory_space<vmem>>, vector<1x1xf32>
    %get3A_452 = vector.extract %get3A_451[0, 0] : f32 from vector<1x1xf32>
    %add3A_453 = vector.broadcast %get3A_452 : f32 to vector<512x1xf32>
    %add3A_454 = arith.addf %broadcast_in_dim3A_448, %add3A_453 : vector<512x1xf32>
    %add3A_455 = arith.constant 9.99999993E-9 : f32
    %add3A_456 = vector.broadcast %add3A_455 : f32 to vector<512x1xf32>
    %add3A_457 = arith.addf %sqrt3A_403, %add3A_456 : vector<512x1xf32>
    %div3A_458 = vector.broadcast %add3A_457 : vector<512x1xf32> to vector<512x16xf32>
    %div3A_459 = arith.divf %sub3A_398, %div3A_458 : vector<512x16xf32>
    %mul3A_460 = vector.broadcast %add3A_454 : vector<512x1xf32> to vector<512x16xf32>
    %mul3A_461 = arith.mulf %mul3A_460, %div3A_459 : vector<512x16xf32>
    %add3A_462 = arith.addf %add3A_386, %mul3A_461 : vector<512x16xf32>
    %add3A_463 = arith.addf %add3A_387, %mul3A_440 : vector<512x64xf32>
    %get3A_464 = arith.constant 6 : index
    %get3A_465 = arith.constant 0 : index
    %get3A_466 = arith.constant 0 : index
    %get3A_467 = vector.load %arg1[%get3A_464, %get3A_465, %get3A_466] : memref<8x512x128xf32, #tpu.memory_space<vmem>>, vector<1x512x16xf32>
    %get3A_468 = vector.shape_cast %get3A_467 : vector<1x512x16xf32> to vector<512x16xf32>
    %get3A_469 = arith.constant 6 : index
    %get3A_470 = arith.constant 0 : index
    %get3A_471 = arith.constant 16 : index
    %get3A_472 = vector.load %arg1[%get3A_469, %get3A_470, %get3A_471] : memref<8x512x128xf32, #tpu.memory_space<vmem>>, vector<1x512x64xf32>
    %get3A_473 = vector.shape_cast %get3A_472 : vector<1x512x64xf32> to vector<512x64xf32>
    %sub3A_474 = arith.subf %get3A_468, %slice3A : vector<512x16xf32>
    %mul3A_475 = arith.mulf %sub3A_474, %sub3A_474 : vector<512x16xf32>
    %reduce_sum3A_476 = arith.constant dense<0.000000e+00> : vector<512xf32>
    %reduce_sum3A_477 = vector.multi_reduction <add>, %mul3A_475, %reduce_sum3A_476 [1] : vector<512x16xf32> to vector<512xf32>
    %broadcast_in_dim3A_478 = vector.shape_cast %reduce_sum3A_477 : vector<512xf32> to vector<512x1xf32>
    %sqrt3A_479 = math.sqrt %broadcast_in_dim3A_478 : vector<512x1xf32>
    %get3A_480 = arith.constant 0 : index
    %get3A_481 = arith.constant 0 : index
    %get3A_482 = vector.load %arg3[%get3A_480, %get3A_481] : memref<64x64xf32, #tpu.memory_space<vmem>>, vector<64x64xf32>
    %dot_general3A_483 = arith.constant dense<0.000000e+00> : vector<512x64xf32>
    %dot_general3A_484 = tpu.matmul %get3A_473, %get3A_482, %dot_general3A_483 {dimension_numbers = #tpu.dot_dimension_numbers<[1], [0], [0], [1], [0, 0, 1, 1], [], []>, precision = #tpu.contract_precision<fp32>, transpose_lhs_hint = false} : vector<512x64xf32>, vector<64x64xf32>, vector<512x64xf32> -> vector<512x64xf32>
    %add3A_485 = arith.addf %dot_general3A_484, %add3A_10 : vector<512x64xf32>
    %get3A_486 = arith.constant 0 : index
    %get3A_487 = arith.constant 0 : index
    %get3A_488 = vector.load %arg5[%get3A_486, %get3A_487] : memref<1x64xf32, #tpu.memory_space<vmem>>, vector<1x64xf32>
    %mul3A_489 = vector.broadcast %sqrt3A_479 : vector<512x1xf32> to vector<512x64xf32>
    %mul3A_490 = vector.broadcast %get3A_488 : vector<1x64xf32> to vector<512x64xf32>
    %mul3A_491 = arith.mulf %mul3A_489, %mul3A_490 : vector<512x64xf32>
    %add3A_492 = arith.addf %add3A_485, %mul3A_491 : vector<512x64xf32>
    %logistic3A_493 = arith.negf %add3A_492 : vector<512x64xf32>
    %logistic3A_494 = math.exp %logistic3A_493 : vector<512x64xf32>
    %logistic3A_495 = arith.constant 1.000000e+00 : f32
    %logistic3A_496 = vector.broadcast %logistic3A_495 : f32 to vector<512x64xf32>
    %logistic3A_497 = arith.addf %logistic3A_496, %logistic3A_494 : vector<512x64xf32>
    %logistic3A_498 = arith.divf %logistic3A_496, %logistic3A_497 : vector<512x64xf32>
    %mul3A_499 = arith.mulf %add3A_492, %logistic3A_498 : vector<512x64xf32>
    %get3A_500 = arith.constant 0 : index
    %get3A_501 = arith.constant 0 : index
    %get3A_502 = vector.load %arg7[%get3A_500, %get3A_501] : memref<64x64xf32, #tpu.memory_space<vmem>>, vector<64x64xf32>
    %dot_general3A_503 = arith.constant dense<0.000000e+00> : vector<512x64xf32>
    %dot_general3A_504 = tpu.matmul %mul3A_499, %get3A_502, %dot_general3A_503 {dimension_numbers = #tpu.dot_dimension_numbers<[1], [0], [0], [1], [0, 0, 1, 1], [], []>, precision = #tpu.contract_precision<fp32>, transpose_lhs_hint = false} : vector<512x64xf32>, vector<64x64xf32>, vector<512x64xf32> -> vector<512x64xf32>
    %get3A_505 = arith.constant 0 : index
    %get3A_506 = arith.constant 0 : index
    %get3A_507 = vector.load %arg8[%get3A_505, %get3A_506] : memref<1x64xf32, #tpu.memory_space<vmem>>, vector<1x64xf32>
    %add3A_508 = vector.broadcast %get3A_507 : vector<1x64xf32> to vector<512x64xf32>
    %add3A_509 = arith.addf %dot_general3A_504, %add3A_508 : vector<512x64xf32>
    %logistic3A_510 = arith.negf %add3A_509 : vector<512x64xf32>
    %logistic3A_511 = math.exp %logistic3A_510 : vector<512x64xf32>
    %logistic3A_512 = arith.constant 1.000000e+00 : f32
    %logistic3A_513 = vector.broadcast %logistic3A_512 : f32 to vector<512x64xf32>
    %logistic3A_514 = arith.addf %logistic3A_513, %logistic3A_511 : vector<512x64xf32>
    %logistic3A_515 = arith.divf %logistic3A_513, %logistic3A_514 : vector<512x64xf32>
    %mul3A_516 = arith.mulf %add3A_509, %logistic3A_515 : vector<512x64xf32>
    %get3A_517 = arith.constant 0 : index
    %get3A_518 = arith.constant 0 : index
    %get3A_519 = vector.load %arg9[%get3A_517, %get3A_518] : memref<1x64xf32, #tpu.memory_space<vmem>>, vector<1x64xf32>
    %mul3A_520 = vector.broadcast %get3A_519 : vector<1x64xf32> to vector<512x64xf32>
    %mul3A_521 = arith.mulf %mul3A_516, %mul3A_520 : vector<512x64xf32>
    %reduce_sum3A_522 = arith.constant dense<0.000000e+00> : vector<512xf32>
    %reduce_sum3A_523 = vector.multi_reduction <add>, %mul3A_521, %reduce_sum3A_522 [1] : vector<512x64xf32> to vector<512xf32>
    %broadcast_in_dim3A_524 = vector.shape_cast %reduce_sum3A_523 : vector<512xf32> to vector<512x1xf32>
    %get3A_525 = arith.constant 0 : index
    %get3A_526 = arith.constant 0 : index
    %get3A_527 = vector.load %arg10[%get3A_525, %get3A_526] : memref<1x1xf32, #tpu.memory_space<vmem>>, vector<1x1xf32>
    %get3A_528 = vector.extract %get3A_527[0, 0] : f32 from vector<1x1xf32>
    %add3A_529 = vector.broadcast %get3A_528 : f32 to vector<512x1xf32>
    %add3A_530 = arith.addf %broadcast_in_dim3A_524, %add3A_529 : vector<512x1xf32>
    %add3A_531 = arith.constant 9.99999993E-9 : f32
    %add3A_532 = vector.broadcast %add3A_531 : f32 to vector<512x1xf32>
    %add3A_533 = arith.addf %sqrt3A_479, %add3A_532 : vector<512x1xf32>
    %div3A_534 = vector.broadcast %add3A_533 : vector<512x1xf32> to vector<512x16xf32>
    %div3A_535 = arith.divf %sub3A_474, %div3A_534 : vector<512x16xf32>
    %mul3A_536 = vector.broadcast %add3A_530 : vector<512x1xf32> to vector<512x16xf32>
    %mul3A_537 = arith.mulf %mul3A_536, %div3A_535 : vector<512x16xf32>
    %add3A_538 = arith.addf %add3A_462, %mul3A_537 : vector<512x16xf32>
    %add3A_539 = arith.addf %add3A_463, %mul3A_516 : vector<512x64xf32>
    %get3A_540 = arith.constant 7 : index
    %get3A_541 = arith.constant 0 : index
    %get3A_542 = arith.constant 0 : index
    %get3A_543 = vector.load %arg1[%get3A_540, %get3A_541, %get3A_542] : memref<8x512x128xf32, #tpu.memory_space<vmem>>, vector<1x512x16xf32>
    %get3A_544 = vector.shape_cast %get3A_543 : vector<1x512x16xf32> to vector<512x16xf32>
    %get3A_545 = arith.constant 7 : index
    %get3A_546 = arith.constant 0 : index
    %get3A_547 = arith.constant 16 : index
    %get3A_548 = vector.load %arg1[%get3A_545, %get3A_546, %get3A_547] : memref<8x512x128xf32, #tpu.memory_space<vmem>>, vector<1x512x64xf32>
    %get3A_549 = vector.shape_cast %get3A_548 : vector<1x512x64xf32> to vector<512x64xf32>
    %sub3A_550 = arith.subf %get3A_544, %slice3A : vector<512x16xf32>
    %mul3A_551 = arith.mulf %sub3A_550, %sub3A_550 : vector<512x16xf32>
    %reduce_sum3A_552 = arith.constant dense<0.000000e+00> : vector<512xf32>
    %reduce_sum3A_553 = vector.multi_reduction <add>, %mul3A_551, %reduce_sum3A_552 [1] : vector<512x16xf32> to vector<512xf32>
    %broadcast_in_dim3A_554 = vector.shape_cast %reduce_sum3A_553 : vector<512xf32> to vector<512x1xf32>
    %sqrt3A_555 = math.sqrt %broadcast_in_dim3A_554 : vector<512x1xf32>
    %get3A_556 = arith.constant 0 : index
    %get3A_557 = arith.constant 0 : index
    %get3A_558 = vector.load %arg3[%get3A_556, %get3A_557] : memref<64x64xf32, #tpu.memory_space<vmem>>, vector<64x64xf32>
    %dot_general3A_559 = arith.constant dense<0.000000e+00> : vector<512x64xf32>
    %dot_general3A_560 = tpu.matmul %get3A_549, %get3A_558, %dot_general3A_559 {dimension_numbers = #tpu.dot_dimension_numbers<[1], [0], [0], [1], [0, 0, 1, 1], [], []>, precision = #tpu.contract_precision<fp32>, transpose_lhs_hint = false} : vector<512x64xf32>, vector<64x64xf32>, vector<512x64xf32> -> vector<512x64xf32>
    %add3A_561 = arith.addf %dot_general3A_560, %add3A_10 : vector<512x64xf32>
    %get3A_562 = arith.constant 0 : index
    %get3A_563 = arith.constant 0 : index
    %get3A_564 = vector.load %arg5[%get3A_562, %get3A_563] : memref<1x64xf32, #tpu.memory_space<vmem>>, vector<1x64xf32>
    %mul3A_565 = vector.broadcast %sqrt3A_555 : vector<512x1xf32> to vector<512x64xf32>
    %mul3A_566 = vector.broadcast %get3A_564 : vector<1x64xf32> to vector<512x64xf32>
    %mul3A_567 = arith.mulf %mul3A_565, %mul3A_566 : vector<512x64xf32>
    %add3A_568 = arith.addf %add3A_561, %mul3A_567 : vector<512x64xf32>
    %logistic3A_569 = arith.negf %add3A_568 : vector<512x64xf32>
    %logistic3A_570 = math.exp %logistic3A_569 : vector<512x64xf32>
    %logistic3A_571 = arith.constant 1.000000e+00 : f32
    %logistic3A_572 = vector.broadcast %logistic3A_571 : f32 to vector<512x64xf32>
    %logistic3A_573 = arith.addf %logistic3A_572, %logistic3A_570 : vector<512x64xf32>
    %logistic3A_574 = arith.divf %logistic3A_572, %logistic3A_573 : vector<512x64xf32>
    %mul3A_575 = arith.mulf %add3A_568, %logistic3A_574 : vector<512x64xf32>
    %get3A_576 = arith.constant 0 : index
    %get3A_577 = arith.constant 0 : index
    %get3A_578 = vector.load %arg7[%get3A_576, %get3A_577] : memref<64x64xf32, #tpu.memory_space<vmem>>, vector<64x64xf32>
    %dot_general3A_579 = arith.constant dense<0.000000e+00> : vector<512x64xf32>
    %dot_general3A_580 = tpu.matmul %mul3A_575, %get3A_578, %dot_general3A_579 {dimension_numbers = #tpu.dot_dimension_numbers<[1], [0], [0], [1], [0, 0, 1, 1], [], []>, precision = #tpu.contract_precision<fp32>, transpose_lhs_hint = false} : vector<512x64xf32>, vector<64x64xf32>, vector<512x64xf32> -> vector<512x64xf32>
    %get3A_581 = arith.constant 0 : index
    %get3A_582 = arith.constant 0 : index
    %get3A_583 = vector.load %arg8[%get3A_581, %get3A_582] : memref<1x64xf32, #tpu.memory_space<vmem>>, vector<1x64xf32>
    %add3A_584 = vector.broadcast %get3A_583 : vector<1x64xf32> to vector<512x64xf32>
    %add3A_585 = arith.addf %dot_general3A_580, %add3A_584 : vector<512x64xf32>
    %logistic3A_586 = arith.negf %add3A_585 : vector<512x64xf32>
    %logistic3A_587 = math.exp %logistic3A_586 : vector<512x64xf32>
    %logistic3A_588 = arith.constant 1.000000e+00 : f32
    %logistic3A_589 = vector.broadcast %logistic3A_588 : f32 to vector<512x64xf32>
    %logistic3A_590 = arith.addf %logistic3A_589, %logistic3A_587 : vector<512x64xf32>
    %logistic3A_591 = arith.divf %logistic3A_589, %logistic3A_590 : vector<512x64xf32>
    %mul3A_592 = arith.mulf %add3A_585, %logistic3A_591 : vector<512x64xf32>
    %get3A_593 = arith.constant 0 : index
    %get3A_594 = arith.constant 0 : index
    %get3A_595 = vector.load %arg9[%get3A_593, %get3A_594] : memref<1x64xf32, #tpu.memory_space<vmem>>, vector<1x64xf32>
    %mul3A_596 = vector.broadcast %get3A_595 : vector<1x64xf32> to vector<512x64xf32>
    %mul3A_597 = arith.mulf %mul3A_592, %mul3A_596 : vector<512x64xf32>
    %reduce_sum3A_598 = arith.constant dense<0.000000e+00> : vector<512xf32>
    %reduce_sum3A_599 = vector.multi_reduction <add>, %mul3A_597, %reduce_sum3A_598 [1] : vector<512x64xf32> to vector<512xf32>
    %broadcast_in_dim3A_600 = vector.shape_cast %reduce_sum3A_599 : vector<512xf32> to vector<512x1xf32>
    %get3A_601 = arith.constant 0 : index
    %get3A_602 = arith.constant 0 : index
    %get3A_603 = vector.load %arg10[%get3A_601, %get3A_602] : memref<1x1xf32, #tpu.memory_space<vmem>>, vector<1x1xf32>
    %get3A_604 = vector.extract %get3A_603[0, 0] : f32 from vector<1x1xf32>
    %add3A_605 = vector.broadcast %get3A_604 : f32 to vector<512x1xf32>
    %add3A_606 = arith.addf %broadcast_in_dim3A_600, %add3A_605 : vector<512x1xf32>
    %add3A_607 = arith.constant 9.99999993E-9 : f32
    %add3A_608 = vector.broadcast %add3A_607 : f32 to vector<512x1xf32>
    %add3A_609 = arith.addf %sqrt3A_555, %add3A_608 : vector<512x1xf32>
    %div3A_610 = vector.broadcast %add3A_609 : vector<512x1xf32> to vector<512x16xf32>
    %div3A_611 = arith.divf %sub3A_550, %div3A_610 : vector<512x16xf32>
    %mul3A_612 = vector.broadcast %add3A_606 : vector<512x1xf32> to vector<512x16xf32>
    %mul3A_613 = arith.mulf %mul3A_612, %div3A_611 : vector<512x16xf32>
    %add3A_614 = arith.addf %add3A_538, %mul3A_613 : vector<512x16xf32>
    %add3A_615 = arith.addf %add3A_539, %mul3A_592 : vector<512x64xf32>
    %mul3A_616 = arith.constant 1.250000e-01 : f32
    %mul3A_617 = vector.broadcast %mul3A_616 : f32 to vector<512x64xf32>
    %mul3A_618 = arith.mulf %add3A_615, %mul3A_617 : vector<512x64xf32>
    %mul3A_619 = arith.constant 1.250000e-01 : f32
    %mul3A_620 = vector.broadcast %mul3A_619 : f32 to vector<512x16xf32>
    %mul3A_621 = arith.mulf %add3A_614, %mul3A_620 : vector<512x16xf32>
    %get3A_622 = arith.constant 0 : index
    %get3A_623 = arith.constant 0 : index
    %get3A_624 = vector.load %arg11[%get3A_622, %get3A_623] : memref<64x64xf32, #tpu.memory_space<vmem>>, vector<64x64xf32>
    %dot_general3A_625 = arith.constant dense<0.000000e+00> : vector<512x64xf32>
    %dot_general3A_626 = tpu.matmul %slice3A_2, %get3A_624, %dot_general3A_625 {dimension_numbers = #tpu.dot_dimension_numbers<[1], [0], [0], [1], [0, 0, 1, 1], [], []>, precision = #tpu.contract_precision<fp32>, transpose_lhs_hint = false} : vector<512x64xf32>, vector<64x64xf32>, vector<512x64xf32> -> vector<512x64xf32>
    %get3A_627 = arith.constant 0 : index
    %get3A_628 = arith.constant 0 : index
    %get3A_629 = vector.load %arg12[%get3A_627, %get3A_628] : memref<64x64xf32, #tpu.memory_space<vmem>>, vector<64x64xf32>
    %dot_general3A_630 = arith.constant dense<0.000000e+00> : vector<512x64xf32>
    %dot_general3A_631 = tpu.matmul %mul3A_618, %get3A_629, %dot_general3A_630 {dimension_numbers = #tpu.dot_dimension_numbers<[1], [0], [0], [1], [0, 0, 1, 1], [], []>, precision = #tpu.contract_precision<fp32>, transpose_lhs_hint = false} : vector<512x64xf32>, vector<64x64xf32>, vector<512x64xf32> -> vector<512x64xf32>
    %add3A_632 = arith.addf %dot_general3A_626, %dot_general3A_631 : vector<512x64xf32>
    %get3A_633 = arith.constant 0 : index
    %get3A_634 = arith.constant 0 : index
    %get3A_635 = vector.load %arg13[%get3A_633, %get3A_634] : memref<1x64xf32, #tpu.memory_space<vmem>>, vector<1x64xf32>
    %add3A_636 = vector.broadcast %get3A_635 : vector<1x64xf32> to vector<512x64xf32>
    %add3A_637 = arith.addf %add3A_632, %add3A_636 : vector<512x64xf32>
    %logistic3A_638 = arith.negf %add3A_637 : vector<512x64xf32>
    %logistic3A_639 = math.exp %logistic3A_638 : vector<512x64xf32>
    %logistic3A_640 = arith.constant 1.000000e+00 : f32
    %logistic3A_641 = vector.broadcast %logistic3A_640 : f32 to vector<512x64xf32>
    %logistic3A_642 = arith.addf %logistic3A_641, %logistic3A_639 : vector<512x64xf32>
    %logistic3A_643 = arith.divf %logistic3A_641, %logistic3A_642 : vector<512x64xf32>
    %mul3A_644 = arith.mulf %add3A_637, %logistic3A_643 : vector<512x64xf32>
    %get3A_645 = arith.constant 0 : index
    %get3A_646 = arith.constant 0 : index
    %get3A_647 = vector.load %arg14[%get3A_645, %get3A_646] : memref<64x64xf32, #tpu.memory_space<vmem>>, vector<64x64xf32>
    %dot_general3A_648 = arith.constant dense<0.000000e+00> : vector<512x64xf32>
    %dot_general3A_649 = tpu.matmul %mul3A_644, %get3A_647, %dot_general3A_648 {dimension_numbers = #tpu.dot_dimension_numbers<[1], [0], [0], [1], [0, 0, 1, 1], [], []>, precision = #tpu.contract_precision<fp32>, transpose_lhs_hint = false} : vector<512x64xf32>, vector<64x64xf32>, vector<512x64xf32> -> vector<512x64xf32>
    %add3A_650 = arith.addf %slice3A_2, %dot_general3A_649 : vector<512x64xf32>
    %get3A_651 = arith.constant 0 : index
    %get3A_652 = arith.constant 0 : index
    %get3A_653 = vector.load %arg15[%get3A_651, %get3A_652] : memref<1x64xf32, #tpu.memory_space<vmem>>, vector<1x64xf32>
    %add3A_654 = vector.broadcast %get3A_653 : vector<1x64xf32> to vector<512x64xf32>
    %add3A_655 = arith.addf %add3A_650, %add3A_654 : vector<512x64xf32>
    %add3A_656 = arith.addf %slice3A, %mul3A_621 : vector<512x16xf32>
    %broadcast_in_dim3A_657 = arith.constant 0.000000e+00 : f32
    %broadcast_in_dim3A_658 = vector.broadcast %broadcast_in_dim3A_657 : f32 to vector<512x48xf32>
    %concatenate3A = tpu.concatenate %add3A_656, %add3A_655, %broadcast_in_dim3A_658 in 1 : vector<512x16xf32>, vector<512x64xf32>, vector<512x48xf32> -> vector<512x128xf32>
    %swap3A = arith.constant 0 : index
    %swap3A_659 = arith.constant 0 : index
    %swap3A_660 = vector.load %arg16[%swap3A, %swap3A_659] : memref<512x128xf32, #tpu.memory_space<vmem>>, vector<512x128xf32>
    tpu.vector_store %arg16[%swap3A, %swap3A_659], %concatenate3A {strides = array<i32>} : memref<512x128xf32, #tpu.memory_space<vmem>>, vector<512x128xf32>,
    return
  }
  func.func @transform_0(%arg0: i32) -> (i32, i32, i32) {
    %c0_i32 = arith.constant 0 : i32
    %c0_i32_0 = arith.constant 0 : i32
    %c0_i32_1 = arith.constant 0 : i32
    return %c0_i32, %arg0, %c0_i32_0 : i32, i32, i32
  }
  func.func @transform_1(%arg0: i32) -> (i32, i32) {
    %add3A = arith.constant 0 : i32
    %add3A_0 = arith.addi %add3A, %arg0 : i32
    %c0_i32 = arith.constant 0 : i32
    %c0_i32_1 = arith.constant 0 : i32
    return %add3A_0, %c0_i32 : i32, i32
  }
  func.func @transform_2(%arg0: i32) -> (i32, i32) {
    %c0_i32 = arith.constant 0 : i32
    %c0_i32_0 = arith.constant 0 : i32
    %c0_i32_1 = arith.constant 0 : i32
    return %c0_i32, %c0_i32_0 : i32, i32
  }
  func.func @transform_3(%arg0: i32) -> (i32, i32) {
    %c0_i32 = arith.constant 0 : i32
    %c0_i32_0 = arith.constant 0 : i32
    %c0_i32_1 = arith.constant 0 : i32
    return %c0_i32, %c0_i32_0 : i32, i32
  }
  func.func @transform_4(%arg0: i32) -> (i32, i32) {
    %c0_i32 = arith.constant 0 : i32
    %c0_i32_0 = arith.constant 0 : i32
    %c0_i32_1 = arith.constant 0 : i32
    return %c0_i32, %c0_i32_0 : i32, i32
  }
  func.func @transform_5(%arg0: i32) -> (i32, i32) {
    %c0_i32 = arith.constant 0 : i32
    %c0_i32_0 = arith.constant 0 : i32
    %c0_i32_1 = arith.constant 0 : i32
    return %c0_i32, %c0_i32_0 : i32, i32
  }
  func.func @transform_6(%arg0: i32) -> (i32, i32) {
    %c0_i32 = arith.constant 0 : i32
    %c0_i32_0 = arith.constant 0 : i32
    %c0_i32_1 = arith.constant 0 : i32
    return %c0_i32, %c0_i32_0 : i32, i32
  }
  func.func @transform_7(%arg0: i32) -> (i32, i32) {
    %c0_i32 = arith.constant 0 : i32
    %c0_i32_0 = arith.constant 0 : i32
    %c0_i32_1 = arith.constant 0 : i32
    return %c0_i32, %c0_i32_0 : i32, i32
  }
  func.func @transform_8(%arg0: i32) -> (i32, i32) {
    %c0_i32 = arith.constant 0 : i32
    %c0_i32_0 = arith.constant 0 : i32
    %c0_i32_1 = arith.constant 0 : i32
    return %c0_i32, %c0_i32_0 : i32, i32
  }
  func.func @transform_9(%arg0: i32) -> (i32, i32) {
    %c0_i32 = arith.constant 0 : i32
    %c0_i32_0 = arith.constant 0 : i32
    %c0_i32_1 = arith.constant 0 : i32
    return %c0_i32, %c0_i32_0 : i32, i32
  }
  func.func @transform_10(%arg0: i32) -> (i32, i32) {
    %c0_i32 = arith.constant 0 : i32
    %c0_i32_0 = arith.constant 0 : i32
    %c0_i32_1 = arith.constant 0 : i32
    return %c0_i32, %c0_i32_0 : i32, i32
  }
  func.func @transform_11(%arg0: i32) -> (i32, i32) {
    %c0_i32 = arith.constant 0 : i32
    %c0_i32_0 = arith.constant 0 : i32
    %c0_i32_1 = arith.constant 0 : i32
    return %c0_i32, %c0_i32_0 : i32, i32
  }
  func.func @transform_12(%arg0: i32) -> (i32, i32) {
    %c0_i32 = arith.constant 0 : i32
    %c0_i32_0 = arith.constant 0 : i32
    %c0_i32_1 = arith.constant 0 : i32
    return %c0_i32, %c0_i32_0 : i32, i32
  }
  func.func @transform_13(%arg0: i32) -> (i32, i32) {
    %c0_i32 = arith.constant 0 : i32
    %c0_i32_0 = arith.constant 0 : i32
    %c0_i32_1 = arith.constant 0 : i32
    return %c0_i32, %c0_i32_0 : i32, i32
  }
  func.func @transform_14(%arg0: i32) -> (i32, i32) {
    %c0_i32 = arith.constant 0 : i32
    %c0_i32_0 = arith.constant 0 : i32
    %c0_i32_1 = arith.constant 0 : i32
    return %c0_i32, %c0_i32_0 : i32, i32
  }
  func.func @transform_15(%arg0: i32) -> (i32, i32) {
    %c0_i32 = arith.constant 0 : i32
    %c0_i32_0 = arith.constant 0 : i32
    return %arg0, %c0_i32 : i32, i32
  }
}

module attributes {stable_mosaic.version = 14 : i64} {
  func.func @_readout_body(%arg0: i32, %arg1: i32, %arg2: memref<512x128xf32, #tpu.memory_space<vmem>>, %arg3: memref<64x64xf32, #tpu.memory_space<vmem>>, %arg4: memref<1x64xf32, #tpu.memory_space<vmem>>, %arg5: memref<64x15xf32, #tpu.memory_space<vmem>>, %arg6: memref<1x15xf32, #tpu.memory_space<vmem>>, %arg7: memref<16x15xf32, #tpu.memory_space<vmem>>, %arg8: memref<512x15xf32, #tpu.memory_space<vmem>>) attributes {dimension_semantics = [#tpu.dimension_semantics<arbitrary>, #tpu.dimension_semantics<arbitrary>], iteration_bounds = array<i64: 2, 8>, scalar_prefetch = 0 : i64, scratch_operands = 0 : i64, tpu.core_type = #tpu.core_type<tc>, window_params = [{transform_indices = @transform_0, window_bounds = array<i64: 512, 128>}, {pipeline_mode = #tpu.pipeline_mode<synchronous>, transform_indices = @transform_1, window_bounds = array<i64: 64, 64>}, {pipeline_mode = #tpu.pipeline_mode<synchronous>, transform_indices = @transform_2, window_bounds = array<i64: 1, 64>}, {pipeline_mode = #tpu.pipeline_mode<synchronous>, transform_indices = @transform_3, window_bounds = array<i64: 64, 15>}, {pipeline_mode = #tpu.pipeline_mode<synchronous>, transform_indices = @transform_4, window_bounds = array<i64: 1, 15>}, {pipeline_mode = #tpu.pipeline_mode<synchronous>, transform_indices = @transform_5, window_bounds = array<i64: 16, 15>}, {transform_indices = @transform_6, window_bounds = array<i64: 512, 15>}]} {
    %get3A = arith.constant 0 : index
    %get3A_0 = arith.constant 0 : index
    %get3A_1 = vector.load %arg2[%get3A, %get3A_0] : memref<512x128xf32, #tpu.memory_space<vmem>>, vector<512x128xf32>
    %slice3A = vector.extract_strided_slice %get3A_1 {offsets = [0, 0], sizes = [512, 16], strides = [1, 1]} : vector<512x128xf32> to vector<512x16xf32>
    %slice3A_2 = vector.extract_strided_slice %get3A_1 {offsets = [0, 16], sizes = [512, 64], strides = [1, 1]} : vector<512x128xf32> to vector<512x64xf32>
    %get3A_3 = arith.constant 0 : index
    %get3A_4 = arith.constant 0 : index
    %get3A_5 = vector.load %arg3[%get3A_3, %get3A_4] : memref<64x64xf32, #tpu.memory_space<vmem>>, vector<64x64xf32>
    %dot_general3A = arith.constant dense<0.000000e+00> : vector<512x64xf32>
    %dot_general3A_6 = tpu.matmul %slice3A_2, %get3A_5, %dot_general3A {dimension_numbers = #tpu.dot_dimension_numbers<[1], [0], [0], [1], [0, 0, 1, 1], [], []>, precision = #tpu.contract_precision<fp32>, transpose_lhs_hint = false} : vector<512x64xf32>, vector<64x64xf32>, vector<512x64xf32> -> vector<512x64xf32>
    %get3A_7 = arith.constant 0 : index
    %get3A_8 = arith.constant 0 : index
    %get3A_9 = vector.load %arg4[%get3A_7, %get3A_8] : memref<1x64xf32, #tpu.memory_space<vmem>>, vector<1x64xf32>
    %add3A = vector.broadcast %get3A_9 : vector<1x64xf32> to vector<512x64xf32>
    %add3A_10 = arith.addf %dot_general3A_6, %add3A : vector<512x64xf32>
    %max3A = arith.constant 0.000000e+00 : f32
    %max3A_11 = vector.broadcast %max3A : f32 to vector<512x64xf32>
    %max3A_12 = arith.maximumf %add3A_10, %max3A_11 : vector<512x64xf32>
    %get3A_13 = arith.constant 0 : index
    %get3A_14 = arith.constant 0 : index
    %get3A_15 = vector.load %arg5[%get3A_13, %get3A_14] : memref<64x15xf32, #tpu.memory_space<vmem>>, vector<64x15xf32>
    %dot_general3A_16 = arith.constant dense<0.000000e+00> : vector<512x15xf32>
    %dot_general3A_17 = tpu.matmul %max3A_12, %get3A_15, %dot_general3A_16 {dimension_numbers = #tpu.dot_dimension_numbers<[1], [0], [0], [1], [0, 0, 1, 1], [], []>, precision = #tpu.contract_precision<fp32>, transpose_lhs_hint = false} : vector<512x64xf32>, vector<64x15xf32>, vector<512x15xf32> -> vector<512x15xf32>
    %get3A_18 = arith.constant 0 : index
    %get3A_19 = arith.constant 0 : index
    %get3A_20 = vector.load %arg6[%get3A_18, %get3A_19] : memref<1x15xf32, #tpu.memory_space<vmem>>, vector<1x15xf32>
    %add3A_21 = vector.broadcast %get3A_20 : vector<1x15xf32> to vector<512x15xf32>
    %add3A_22 = arith.addf %dot_general3A_17, %add3A_21 : vector<512x15xf32>
    %get3A_23 = arith.constant 0 : index
    %get3A_24 = arith.constant 0 : index
    %get3A_25 = vector.load %arg7[%get3A_23, %get3A_24] : memref<16x15xf32, #tpu.memory_space<vmem>>, vector<16x15xf32>
    %dot_general3A_26 = arith.constant dense<0.000000e+00> : vector<512x15xf32>
    %dot_general3A_27 = tpu.matmul %slice3A, %get3A_25, %dot_general3A_26 {dimension_numbers = #tpu.dot_dimension_numbers<[1], [0], [0], [1], [0, 0, 1, 1], [], []>, precision = #tpu.contract_precision<fp32>, transpose_lhs_hint = false} : vector<512x16xf32>, vector<16x15xf32>, vector<512x15xf32> -> vector<512x15xf32>
    %sub3A = arith.subf %dot_general3A_27, %add3A_22 : vector<512x15xf32>
    %swap3A = arith.constant 0 : index
    %swap3A_28 = arith.constant 0 : index
    %swap3A_29 = vector.load %arg8[%swap3A, %swap3A_28] : memref<512x15xf32, #tpu.memory_space<vmem>>, vector<512x15xf32>
    tpu.vector_store %arg8[%swap3A, %swap3A_28], %sub3A {strides = array<i32>} : memref<512x15xf32, #tpu.memory_space<vmem>>, vector<512x15xf32>,
    return
  }
  func.func @transform_0(%arg0: i32, %arg1: i32) -> (i32, i32) {
    %mul3A = arith.constant 9 : i32
    %mul3A_0 = arith.muli %arg0, %mul3A : i32
    %add3A = arith.addi %mul3A_0, %arg1 : i32
    %c0_i32 = arith.constant 0 : i32
    %c0_i32_1 = arith.constant 0 : i32
    return %add3A, %c0_i32 : i32, i32
  }
  func.func @transform_1(%arg0: i32, %arg1: i32) -> (i32, i32) {
    %c0_i32 = arith.constant 0 : i32
    %c0_i32_0 = arith.constant 0 : i32
    %c0_i32_1 = arith.constant 0 : i32
    return %c0_i32, %c0_i32_0 : i32, i32
  }
  func.func @transform_2(%arg0: i32, %arg1: i32) -> (i32, i32) {
    %c0_i32 = arith.constant 0 : i32
    %c0_i32_0 = arith.constant 0 : i32
    %c0_i32_1 = arith.constant 0 : i32
    return %c0_i32, %c0_i32_0 : i32, i32
  }
  func.func @transform_3(%arg0: i32, %arg1: i32) -> (i32, i32) {
    %c0_i32 = arith.constant 0 : i32
    %c0_i32_0 = arith.constant 0 : i32
    %c0_i32_1 = arith.constant 0 : i32
    return %c0_i32, %c0_i32_0 : i32, i32
  }
  func.func @transform_4(%arg0: i32, %arg1: i32) -> (i32, i32) {
    %c0_i32 = arith.constant 0 : i32
    %c0_i32_0 = arith.constant 0 : i32
    %c0_i32_1 = arith.constant 0 : i32
    return %c0_i32, %c0_i32_0 : i32, i32
  }
  func.func @transform_5(%arg0: i32, %arg1: i32) -> (i32, i32) {
    %c0_i32 = arith.constant 0 : i32
    %c0_i32_0 = arith.constant 0 : i32
    %c0_i32_1 = arith.constant 0 : i32
    return %c0_i32, %c0_i32_0 : i32, i32
  }
  func.func @transform_6(%arg0: i32, %arg1: i32) -> (i32, i32) {
    %mul3A = arith.constant 8 : i32
    %mul3A_0 = arith.muli %arg0, %mul3A : i32
    %add3A = arith.addi %mul3A_0, %arg1 : i32
    %c0_i32 = arith.constant 0 : i32
    %c0_i32_1 = arith.constant 0 : i32
    return %add3A, %c0_i32 : i32, i32
  }
}

</mosaic_0001>

<sc_bundles>
// kernel: kernel.17.cloned.1.call-start
scs
__scs_entry_jumppad:
0x0: {  	(pc) =	sbr.rel $0x88, $3  }
0x1: {  	(tag) =	ssettag $0x0;
	lr =	simm.s32 $0x1  }
0x2: {  	[smem:$0x3F91] =	sst lr;
	_ =	strace $0xD0000000  }
0x3: {  	_ = 	snop  }
0x4: {  	_ = 	snop  }
0x5: {  	_ = 	snop  }
0x6: {  	_ = 	snop  }
0x7: {  	_ = 	snop  }
__scs_overlays_trampoline_lowered:
0x8: {  	[smem:$0x3FA0] =	sst s0  }
0x9: {  	[smem:$0x3FA1] =	sst s1  }
0xa: {  	[smem:$0x3FA2] =	sst s2  }
0xb: {  	[smem:$0x3FA3] =	sst s3  }
0xc: {  	[smem:$0x3FA4] =	sst s4  }
0xd: {  	[smem:$0x3FA5] =	sst s5  }
0xe: {  	[smem:$0x3FA6] =	sst s6  }
0xf: {  	[smem:$0x3FA7] =	sst s7  }
0x10: {  	[smem:$0x3FA8] =	sst s8  }
0x11: {  	[smem:$0x3FA9] =	sst s9;
	s0 =	simm.s32 @!p0 $0x0  }
0x12: {  	s1 =	sld [smem:$0x3F8F];
	s0 =	simm.s32 @p0 $0x1  }
0x13: {  	[smem:$0x3FAA] =	sst s0;
	s0 =	simm.s32 @!p1 $0x0  }
0x14: {  	s2 =	sld [smem:$0x3F8E];
	s0 =	simm.s32 @p1 $0x1  }
0x15: {  	[smem:$0x3FAB] =	sst s0;
	s0 =	simm.s32 @!p2 $0x0  }
0x16: {  	s3 =	sld [smem:$0x3FDB];
	s0 =	simm.s32 @p2 $0x1  }
0x17: {  	s4 =	simm.s32 $0x1BF5;
	[smem:$0x3FAD] =	sst s0  }
0x18: {  	s0 =	sld [smem:$0x3F90];
	_ =	swait.ge [sflag:s4], $0x0  }
0x19: {  	s7 =	sld [smem:$0x3F91]  }
0x1a: {  	s8 =	sadd.s32 $0xFFFFE003, lr  }
0x1b: {  	s9 =	sadd.s32 $0xFFFFFEF7, lr;
	s5 =	simm.s32 $0xFFFFFFFF;
	p2 =	slt.u32 s8, $0xFFFFF086  }
0x1c: {  	p1 =	slt.u32 s9, $0xF7A;
	s5 =	simm.s32 @!p2 $0x0  }
0x1d: {  	s5 =	simm.s32 @p1 $0x1;
	p0 =	seq.s32 s7, s2  }
0x1e: {  	s7 =	smul.u32 @!p0 $0xF7A, s2;
	p2 =	seq.s32 @!p0 s5, $0x0  }
0x1f: {  	s9 =	smul.u32 $0xF7A, s1;
	s8 =	simm.s32 @!p0 $0x1BF5;
	p2 =	por !p2, p0  }
0x20: {  	[sflag:s8] =	ssyncset.s32 @!p0 $0xFFFFF086;
	s6 =	sadd.s32 @!p0 s3, s7;
	s7 =	simm.s32 @!p0 $0x108  }
0x21: {  	s3 =	sadd.s32 s3, s9;
	s6 =	sadd.s32 @!p0 $0x88, s6;
	s7 =	simm.s32 @p2 $0x1082  }
0x22: {  	[simem:s7], [sflag:s8] =	dma.local @!p0 [hbm:s6], $0xF7A  }
0x23: {  	s9 =	sor.u32 $0xD0000000, s2;
	s6 =	simm.s32 $0x108;
	_ =	swait.ge @!p0 [sflag:s8], $0x0  }
0x24: {  	s3 =	sadd.s32 $0x88, s3;
	s6 =	simm.s32 @!p1 $0x1082;
	[sflag:s4] =	ssyncset.s32 $0xFFFFF086  }
0x25: {  	[simem:s6], [sflag:s4] =	dma.local [hbm:s3], $0xF7A  }
0x26: {  	[smem:$0x3F91] =	sst s1;
	(tag) =	ssettag s2;
	_ =	strace s9  }
0x27: {  	s1 =	sld [smem:$0x3FA1]  }
0x28: {  	s2 =	sld [smem:$0x3FA2]  }
0x29: {  	s4 =	sld [smem:$0x3FA4]  }
0x2a: {  	p0 =	seq.s32 s5, $0x0;
	s5 =	sld [smem:$0x3FA5]  }
0x2b: {  	s6 =	sld [smem:$0x3FA6]  }
0x2c: {  	s7 =	sld [smem:$0x3FA7]  }
0x2d: {  	s3 =	simm.s32 $0x108;
	s8 =	sld [smem:$0x3FA8]  }
0x2e: {  	s3 =	simm.s32 @!p0 $0x1082;
	s9 =	sld [smem:$0x3FA9]  }
0x2f: {  	lr =	sadd.s32 s0, s3;
	s0 =	sld [smem:$0x3FA0]  }
0x30: {  	s3 =	sld [smem:$0x3FA3]  }
0x31: {  	[smem:$0x3FAC] =	sst s10  }
0x32: {  	s10 =	sld [smem:$0x3FAA];
	_ =	sdelay $0x3  }
0x33: {  	p0 =	seq.s32 s10, $0x1;
	s10 =	sld [smem:$0x3FAC];
	_ =	sdelay $0x3  }
0x34: {  	[smem:$0x3FAC] =	sst s10  }
0x35: {  	s10 =	sld [smem:$0x3FAB];
	_ =	sdelay $0x3  }
0x36: {  	p1 =	seq.s32 s10, $0x1;
	s10 =	sld [smem:$0x3FAC];
	_ =	sdelay $0x3  }
0x37: {  	[smem:$0x3FAC] =	sst s10  }
0x38: {  	s10 =	sld [smem:$0x3FAD]  }
0x39: {  	_ = 	snop;
	(pc) =	sbr.ind lr, $3  }
0x3a: {  	_ = 	snop  }
0x3b: {  	_ = 	snop  }
0x3c: {  	p2 =	seq.s32 s10, $0x1;
	s10 =	sld [smem:$0x3FAC]  }
0x3d: {  	_ =	shalt  }
0x3e: {  	_ =	shalt  }
0x3f: {  	_ =	shalt  }
0x40: {  	_ =	shalt  }
0x41: {  	_ =	shalt  }
0x42: {  	_ =	shalt  }
0x43: {  	_ =	shalt  }
0x44: {  	_ =	shalt  }
0x45: {  	_ =	shalt  }
0x46: {  	_ =	shalt  }
0x47: {  	_ =	shalt  }
0x48: {  	_ =	shalt  }
0x49: {  	_ =	shalt  }
0x4a: {  	_ =	shalt  }
0x4b: {  	_ =	shalt  }
0x4c: {  	_ =	shalt  }
0x4d: {  	_ =	shalt  }
0x4e: {  	_ =	shalt  }
0x4f: {  	_ =	shalt  }
0x50: {  	_ =	shalt  }
0x51: {  	_ =	shalt  }
0x52: {  	_ =	shalt  }
0x53: {  	_ =	shalt  }
0x54: {  	_ =	shalt  }
0x55: {  	_ =	shalt  }
0x56: {  	_ =	shalt  }
0x57: {  	_ =	shalt  }
0x58: {  	_ =	shalt  }
0x59: {  	_ =	shalt  }
0x5a: {  	_ =	shalt  }
0x5b: {  	_ =	shalt  }
0x5c: {  	_ =	shalt  }
0x5d: {  	_ =	shalt  }
0x5e: {  	_ =	shalt  }
0x5f: {  	_ =	shalt  }
0x60: {  	_ =	shalt  }
0x61: {  	_ =	shalt  }
0x62: {  	_ =	shalt  }
0x63: {  	_ =	shalt  }
0x64: {  	_ =	shalt  }
0x65: {  	_ =	shalt  }
0x66: {  	_ =	shalt  }
0x67: {  	_ =	shalt  }
0x68: {  	_ =	shalt  }
0x69: {  	_ =	shalt  }
0x6a: {  	_ =	shalt  }
0x6b: {  	_ =	shalt  }
0x6c: {  	_ =	shalt  }
0x6d: {  	_ =	shalt  }
0x6e: {  	_ =	shalt  }
0x6f: {  	_ =	shalt  }
0x70: {  	_ =	shalt  }
0x71: {  	_ =	shalt  }
0x72: {  	_ =	shalt  }
0x73: {  	_ =	shalt  }
0x74: {  	_ =	shalt  }
0x75: {  	_ =	shalt  }
0x76: {  	_ =	shalt  }
0x77: {  	_ =	shalt  }
0x78: {  	_ =	shalt  }
0x79: {  	_ =	shalt  }
0x7a: {  	_ =	shalt  }
0x7b: {  	_ =	shalt  }
0x7c: {  	_ =	shalt  }
0x7d: {  	_ =	shalt  }
0x7e: {  	_ =	shalt  }
0x7f: {  	_ =	shalt  }
0x80: {  	_ =	shalt  }
0x81: {  	_ =	shalt  }
0x82: {  	_ =	shalt  }
0x83: {  	_ =	shalt  }
0x84: {  	_ =	shalt  }
0x85: {  	_ =	shalt  }
0x86: {  	_ =	shalt  }
0x87: {  	_ =	shalt  }
.Lfunc_end0:
.L_simem_size_0:
called_computation_lowered:
.L_overlay_start_0:
0x88: {  	s2 =	sld [smem:$0x3FD9]  }
0x89: {  	s3 =	sld [smem:$0x3FFE];
	_ =	sdelay $0x1  }
0x8a: {  	s1 =	srdreg.scid  }
0x8b: {  	s0 =	sand.u32 $0x1, s1  }
0x8c: {  	s17 =	sshll.u32 s0, $0xA;
	s2 =	sadd.s32 s3, s2  }
0x8d: {  	s2 =	sadd.s32 s2, s17  }
0x8e: {  	[smem:$0x3FB8] =	sst s2  }
0x8f: {  	_ = 	snop  }
0x90: {  	(tm) =	ssettm $0x1  }
0x91: {  	s18 =	sld [smem:$0x3FFB];
	_ =	sdelay $0x3  }
0x92: {  	_ =	strace s18  }
0x93: {  	s2 =	sld [smem:$0x3FFC];
	_ =	sdelay $0x3  }
0x94: {  	_ =	strace s2  }
0x95: {  	s2 =	sld [smem:$0x3FFD];
	_ =	sdelay $0x3  }
0x96: {  	_ =	strace s2  }
0x97: {  	_ =	strace $0x8FFFFFFF  }
0x98: {  	s19 =	sld [smem:$0x3FDB];
	_ =	sdelay $0x1  }
0x99: {  	s20 =	simm.s32 $_scs_section_size  }
0x9a: {  	s4 =	simm.s32 $_size__tile_overlayer_lowered;
	s5 =	simm.s32 $_tile_overlayer_lowered  }
0x9b: {  	s6 =	simm.s32 $0x1BFF;
	s21 =	sshll.u32 s5, $0x1;
	s3 =	sadd.s32 s20, s19  }
0x9c: {  	s22 =	simm.s32 $0x0;
	s4 =	sshll.u32 s4, $0x1;
	s5 =	sadd.s32 s21, s3  }
0x9d: {  	[timem:s22], [sflag:s6] =	dma.local [hbm:s5], s4  }
0x9e: {  	_ =	swait.ge [sflag:s6], s4  }
0x9f: {  	s4 =	ssub.s32 $0x0, s4;
	[sflag:s6] =	ssyncset.done $0x0  }
0xa0: {  	[sflag:s6] =	ssyncadd.s32 s4;
	_ =	sdelay $0x1  }
0xa1: {  	s23 =	simm.s32 $0x1B8B  }
0xa2: {  	_ =	swait.ge [sflag:s23], $0x1  }
0xa3: {  	[sflag:s23] =	ssyncset.done $0x0  }
0xa4: {  	[sflag:s23] =	ssyncadd.s32 $0xFFFFFFFF  }
0xa5: {  	s4 =	sld [smem:$0x0]  }
0xa6: {  	s5 =	sand.u32 $0xFFFFFFFE, s1  }
0xa7: {  	p0 =	sne.s32 s1, s5  }
0xa8: {  	s5 =	sshll.u32 @p0 s5, $0xE  }
0xa9: {  	s5 =	sadd.s32 @p0 $0x11B8D, s5;
	s6 =	sshll.u32 @p0 s4, $0x11  }
0xaa: {  	s5 =	sor.u32 @p0 s6, s5  }
0xab: {  	[sflag:s5] =	ssyncadd.remote.s32 @p0 $0x1;
	_ =	sdelay $0x1  }
0xac: {  	s5 =	simm.s32 @p0 $0x1B8D  }
0xad: {  	_ =	swait.eq @p0 [sflag:s5], $0x1  }
0xae: {  	[sflag:s5] =	ssyncadd.s32 @p0 $0xFFFFFFFF  }
0xaf: {  	s6 =	sshll.u32 @!p0 s1, $0xE  }
0xb0: {  	s6 =	sor.u32 @!p0 $0x4000, s6;
	s5 =	simm.s32 @!p0 $0x1B8D  }
0xb1: {  	s4 =	sshll.u32 @!p0 s4, $0x11;
	s6 =	sadd.s32 @!p0 $0x11B8D, s6;
	_ =	swait.eq @!p0 [sflag:s5], $0x1  }
0xb2: {  	s4 =	sor.u32 @!p0 s4, s6;
	[sflag:s5] =	ssyncadd.s32 @!p0 $0xFFFFFFFF  }
0xb3: {  	s25 =	simm.s32 $0x1B8E;
	s24 =	sld [smem:$0x3FFE];
	[sflag:s4] =	ssyncadd.remote.s32 @!p0 $0x1  }
0xb4: {  	s26 =	simm.s32 $execute0_lowered;
	[smem:$0x3FD2] =	sst s25  }
0xb5: {  	s5 =	sshll.u32 s26, $0x1;
	_ =	strace $0x80000049;
	[dreg:$0x1] =	wrdreg $0xFFFFFFFF  }
0xb6: {  	s28 =	simm.s32 $_size_execute0_lowered;
	s3 =	sadd.s32 s3, s5;
	[dreg:$0x0] =	wrdreg $0x0  }
0xb7: {  	s5 =	sshll.u32 s28, $0x1;
	[dreg:$0x2] =	wrdreg s3  }
0xb8: {  	[dreg:$0x3] =	wrdreg s5  }
0xb9: {  	[dreg:$0x4] =	wrdreg $0xC0  }
0xba: {  	_ =	task [dreg:s22], $0x5FFFF  }
0xbb: {  	[dreg:$0x1] =	wrdreg $0xFFFFFFFF  }
0xbc: {  	[dreg:$0x0] =	wrdreg $0x60  }
0xbd: {  	[dreg:$0x2] =	wrdreg s24  }
0xbe: {  	[dreg:$0x3] =	wrdreg $0x9  }
0xbf: {  	_ =	task.clear_ibuf [dreg:s22], $0x4FFFF;
	_ =	strace $0x90000049  }
0xc0: {  	s29 =	simm.s32 $0x9;
	_ =	strace $0x8000004B  }
0xc1: {  	_ =	swait.ge [sflag:s29], $0x1  }
0xc2: {  	[sflag:s29] =	ssyncadd.s32 $0xFFFFFFFF  }
0xc3: {  	_ =	strace $0x9000004B  }
0xc4: {  	_ =	sfence  }
0xc5: {  	s30 =	sld [smem:$0x0];
	_ =	sdelay $0x2  }
0xc6: {  	s31 =	sshll.u32 s1, $0xD;
	s1 =	sshrl.u32 s1, $0x2  }
0xc7: {  	s4 =	sand.u32 $0x4000, s31;
	s1 =	sadd.s32 s1, s30  }
0xc8: {  	s0 =	sor.u32 s4, s0;
	s1 =	sshll.u32 s1, $0x11  }
0xc9: {  	s0 =	sor.u32 s1, s0  }
0xca: {  	s0 =	sadd.s32 $0x8F2B, s0  }
0xcb: {  	[sflag:s0] =	ssyncadd.remote.s32 $0x1  }
0xcc: {  	_ =	sfence.sel $0xFFFF  }
0xcd: {  	[dreg:$0x0] =	wrdreg $0xFFFFFFFF;
	(pc) =	sbr.abs _section_cstart, $3  }
0xce: {  	[dreg:$0x1] =	wrdreg $0xFFFFFFFF  }
0xcf: {  	_ =	task.clear_ibuf [dreg:s22], $0x2FFFF;
	_ =	strace $0x9FFFFFFF  }
0xd0: {  	(tm) =	ssettm $0x7FFFFFFF  }
0xd1: {  	_ =	shalt  }
tec
execute0_lowered:
.L_overlay_start_1:
0x0: {  	(tag) =	ssettag $0x1  }
0x1: {  	s1 =	srdreg.scid;
	s0 =	stileid.u32  }
0x2: {  	s14 =	sand.u32 $0x1, s1;
	s30 =	sshll.u32 s0, $0x1  }
0x3: {  	s11 =	sor.u32 s14, s30  }
0x4: {  	s10 =	rddreg [dreg:$0x0];
	s3 =	smul.u32 $0x90, s11  }
0x5: {  	s2 =	simm.s32 $0x0;
	s1 =	rddreg [dreg:$0x1]  }
0x6: {  	[smem:$0x7FF] =	sst s2;
	s3 =	sadd.s32 s3, s10  }
0x7: {  	_ =	strace $0x8000004A;
	s4 =	sadd.s32 $0xB9000, s3;
	s3 =	simm.s32 $0x3  }
0x8: {  	[tilespmem:s2], [sflag:$0x3] =	stream.linear.gather [hbm4b:s4+s2], $0x480, $0x38;
	[tilespmem:$0x18480] =	vst v63  }
0x9: {  	_ =	swait.ge [sflag:s3], $0x480  }
0xa: {  	s6 =	simm.s32 $0x180;
	[sflag:s3] =	ssyncset.done $0x0  }
0xb: {  	s7 =	simm.s32 $0x480;
	s5 =	sadd.s32 $0x5000, s10;
	[sflag:s3] =	ssyncadd.s32 $0xFFFFFB80  }
0xc: {  	[tilespmem:s7], [sflag:$0x1] =	stream.indirect.gather [hbm4b:s5+s6], $0x80, s2, s6, $0xb8;
	[tilespmem:$0x18480] =	vst v63  }
0xd: {  	s8 =	simm.s32 $0xC480;
	s9 =	simm.s32 $0x1  }
0xe: {  	[tilespmem:s8], [sflag:$0x2] =	stream.indirect.gather [hbm4b:s5+s6], $0x80, s6, s6, $0xb8;
	[tilespmem:$0x18480] =	vst v63  }
0xf: {  	s12 =	smul.u32 $0x4800, s11;
	_ =	swait.ge [sflag:s9], $0xC000  }
0x10: {  	s13 =	sadd.s32 $0xBA200, s10;
	[sflag:s9] =	ssyncset.done $0x0  }
0x11: {  	s10 =	sadd.s32 s13, s12;
	[sflag:s9] =	ssyncadd.s32 $0xFFFF4000  }
0x12: {  	[hbm4b:s10+s2] =	stream.linear.scatter [tilespmem:s7], [sflag:$0x3], $0xC000, $0x38;
	[tilespmem:$0x18480] =	vst v63  }
0x13: {  	_ =	swait.ge [sflag:s3], $0xC000  }
0x14: {  	s15 =	smul.u32 $0x24000, s11;
	[sflag:s3] =	ssyncset.done $0x0  }
0x15: {  	s11 =	simm.s32 $0x300;
	s12 =	simm.s32 $0x2;
	[sflag:s3] =	ssyncadd.s32 $0xFFFF4000  }
0x16: {  	[tilespmem:s7], [sflag:$0x1] =	stream.indirect.gather [hbm4b:s5+s6], $0x80, s11, s6, $0xb8;
	[tilespmem:$0x18480] =	vst v63  }
0x17: {  	s15 =	sshrl.u32 s15, $0x3;
	_ =	swait.ge [sflag:s12], $0xC000  }
0x18: {  	s15 =	sadd.s32 s13, s15;
	[sflag:s12] =	ssyncset.done $0x0  }
0x19: {  	s14 =	ssub.s32 $0x2, s14;
	s13 =	sadd.s32 $0x1800, s15;
	[sflag:s12] =	ssyncadd.s32 $0xFFFF4000  }
0x1a: {  	[hbm4b:s13+s2] =	stream.linear.scatter [tilespmem:s8], [sflag:$0x3], $0xC000, $0x38;
	[tilespmem:$0x18480] =	vst v63  }
0x1b: {  	s16 =	sshrl.u32 s14, $0x1;
	_ =	swait.ge [sflag:s3], $0xC000  }
0x1c: {  	s16 =	ssub.s32 s14, s16;
	[sflag:s3] =	ssyncset.done $0x0  }
0x1d: {  	s31 =	smax.u32 s16, $0x1;
	[sflag:s3] =	ssyncadd.s32 $0xFFFF4000  }
0x1e: {  	p0 =	sne.s32 s31, $0x1;
	_ =	swait.ge [sflag:s9], $0xC000  }
.Ltmp0:
0x1f: {  	[sflag:s9] =	ssyncset.done $0x0;
	(pc) =	sbr.rel @!p0 .LBB2_2-.Ltmp0, $4  }
0x20: {  	s14 =	sadd.s32 $0x3000, s15;
	[sflag:s9] =	ssyncadd.s32 $0xFFFF4000  }
0x21: {  	[hbm4b:s14+s2] =	stream.linear.scatter [tilespmem:s7], [sflag:$0x3], $0xC000, $0x38;
	[tilespmem:$0x18480] =	vst v63  }
0x22: {  	_ =	swait.ge [sflag:s3], $0xC000  }
0x23: {  	s15 =	sadd.s32 $0xFFFFFFFF, s31;
	[sflag:s3] =	ssyncset.done $0x0  }
.LBB2_1:
0x24: {  	p0 =	sne.s32 s15, $0x1;
	s15 =	sadd.s32 $0xFFFFFFFF, s15;
	[sflag:s3] =	ssyncadd.s32 $0xFFFF4000  }
0x25: {  	[tilespmem:s2], [sflag:$0x3] =	stream.linear.gather [hbm4b:s4+s2], $0x480, $0x38;
	[tilespmem:$0x18480] =	vst v63  }
0x26: {  	_ =	swait.ge [sflag:s3], $0x480  }
0x27: {  	[sflag:s3] =	ssyncset.done $0x0  }
0x28: {  	[sflag:s3] =	ssyncadd.s32 $0xFFFFFB80  }
0x29: {  	[tilespmem:s7], [sflag:$0x1] =	stream.indirect.gather [hbm4b:s5+s6], $0x80, s2, s6, $0xb8;
	[tilespmem:$0x18480] =	vst v63  }
0x2a: {  	_ = 	snop  }
0x2b: {  	[tilespmem:s8], [sflag:$0x2] =	stream.indirect.gather [hbm4b:s5+s6], $0x80, s6, s6, $0xb8;
	[tilespmem:$0x18480] =	vst v63  }
0x2c: {  	_ =	swait.ge [sflag:s9], $0xC000  }
0x2d: {  	[sflag:s9] =	ssyncset.done $0x0  }
0x2e: {  	[sflag:s9] =	ssyncadd.s32 $0xFFFF4000  }
0x2f: {  	[hbm4b:s10+s2] =	stream.linear.scatter [tilespmem:s7], [sflag:$0x3], $0xC000, $0x38;
	[tilespmem:$0x18480] =	vst v63  }
0x30: {  	_ =	swait.ge [sflag:s3], $0xC000  }
0x31: {  	[sflag:s3] =	ssyncset.done $0x0  }
0x32: {  	[sflag:s3] =	ssyncadd.s32 $0xFFFF4000  }
0x33: {  	[tilespmem:s7], [sflag:$0x1] =	stream.indirect.gather [hbm4b:s5+s6], $0x80, s11, s6, $0xb8;
	[tilespmem:$0x18480] =	vst v63  }
0x34: {  	_ =	swait.ge [sflag:s12], $0xC000  }
0x35: {  	[sflag:s12] =	ssyncset.done $0x0  }
0x36: {  	[sflag:s12] =	ssyncadd.s32 $0xFFFF4000  }
0x37: {  	[hbm4b:s13+s2] =	stream.linear.scatter [tilespmem:s8], [sflag:$0x3], $0xC000, $0x38;
	[tilespmem:$0x18480] =	vst v63  }
0x38: {  	_ =	swait.ge [sflag:s3], $0xC000  }
0x39: {  	[sflag:s3] =	ssyncset.done $0x0  }
0x3a: {  	[sflag:s3] =	ssyncadd.s32 $0xFFFF4000  }
0x3b: {  	_ =	swait.ge [sflag:s9], $0xC000  }
.Ltmp1:
0x3c: {  	[sflag:s9] =	ssyncset.done $0x0;
	(pc) =	sbr.rel @p0 .LBB2_1-.Ltmp1, $4  }
0x3d: {  	[sflag:s9] =	ssyncadd.s32 $0xFFFF4000  }
0x3e: {  	[hbm4b:s14+s2] =	stream.linear.scatter [tilespmem:s7], [sflag:$0x3], $0xC000, $0x38;
	[tilespmem:$0x18480] =	vst v63  }
0x3f: {  	_ =	swait.ge [sflag:s3], $0xC000  }
0x40: {  	[sflag:s3] =	ssyncset.done $0x0  }
.LBB2_2:
0x41: {  	[sflag:s3] =	ssyncadd.s32 $0xFFFF4000  }
0x42: {  	_ =	sfence.sel $0x180000  }
0x43: {  	[bflag:$0x0] =	sbarrier.arrive $0xFFFF  }
0x44: {  	p0 =	sne.s32 s0, $0x0;
	_ =	strace $0x9000004A  }
0x45: {  	s0 =	sadd.s32 @!p0 $0x100000, s1;
	[bflag:$0x2] =	sbarrier.arrive $0xFFFF  }
0x46: {  	[sflag:s0] =	ssyncadd.tile.s32 @!p0 $0x1;
	_ =	shalt  }
.Lfunc_end2:
_tile_overlayer_lowered:
.L_overlay_start_2:
0x47: {  	(tag) =	ssettag $0x2  }
0x48: {  	s0 =	rddreg [dreg:$0x0];
	s2 =	stileid.u32  }
0x49: {  	s1 =	rddreg [dreg:$0x1];
	p0 =	sne.s32 s2, $0x0  }
0x4a: {  	s3 =	rddreg [dreg:$0x2];
	[bflag:$0x3] =	sbarrier.arrive $0xFFFF;
	s2 =	simm.s32 @!p0 $0x1C03  }
0x4b: {  	[timem:s3], [sflag:s2] =	dma.local @!p0 [hbm:s0], s1  }
0x4c: {  	s0 =	simm.s32 @!p0 $0x3  }
0x4d: {  	_ =	swait.ge @!p0 [sflag:s0], s1  }
0x4e: {  	s1 =	ssub.s32 @!p0 $0x0, s1;
	[sflag:s0] =	ssyncset.done @!p0 $0x0  }
0x4f: {  	[sflag:s0] =	ssyncadd.s32 @!p0 s1  }
0x50: {  	[bflag:$0x3] =	sbarrier.arrive $0xFFFF  }
0x51: {  	_ =	shalt  }

// kernel: kernel.20.cloned.1.call-start
scs
__scs_entry_jumppad:
0x0: {  	(pc) =	sbr.rel $0x88, $3  }
0x1: {  	(tag) =	ssettag $0x0;
	lr =	simm.s32 $0x1  }
0x2: {  	[smem:$0x3F91] =	sst lr;
	_ =	strace $0xD0000000  }
0x3: {  	_ = 	snop  }
0x4: {  	_ = 	snop  }
0x5: {  	_ = 	snop  }
0x6: {  	_ = 	snop  }
0x7: {  	_ = 	snop  }
__scs_overlays_trampoline_lowered:
0x8: {  	[smem:$0x3FA0] =	sst s0  }
0x9: {  	[smem:$0x3FA1] =	sst s1  }
0xa: {  	[smem:$0x3FA2] =	sst s2  }
0xb: {  	[smem:$0x3FA3] =	sst s3  }
0xc: {  	[smem:$0x3FA4] =	sst s4  }
0xd: {  	[smem:$0x3FA5] =	sst s5  }
0xe: {  	[smem:$0x3FA6] =	sst s6  }
0xf: {  	[smem:$0x3FA7] =	sst s7  }
0x10: {  	[smem:$0x3FA8] =	sst s8  }
0x11: {  	[smem:$0x3FA9] =	sst s9;
	s0 =	simm.s32 @!p0 $0x0  }
0x12: {  	s1 =	sld [smem:$0x3F8F];
	s0 =	simm.s32 @p0 $0x1  }
0x13: {  	[smem:$0x3FAA] =	sst s0;
	s0 =	simm.s32 @!p1 $0x0  }
0x14: {  	s2 =	sld [smem:$0x3F8E];
	s0 =	simm.s32 @p1 $0x1  }
0x15: {  	[smem:$0x3FAB] =	sst s0;
	s0 =	simm.s32 @!p2 $0x0  }
0x16: {  	s3 =	sld [smem:$0x3FDB];
	s0 =	simm.s32 @p2 $0x1  }
0x17: {  	s4 =	simm.s32 $0x1BF5;
	[smem:$0x3FAD] =	sst s0  }
0x18: {  	s0 =	sld [smem:$0x3F90];
	_ =	swait.ge [sflag:s4], $0x0  }
0x19: {  	s7 =	sld [smem:$0x3F91]  }
0x1a: {  	s8 =	sadd.s32 $0xFFFFE003, lr  }
0x1b: {  	s9 =	sadd.s32 $0xFFFFFEF7, lr;
	s5 =	simm.s32 $0xFFFFFFFF;
	p2 =	slt.u32 s8, $0xFFFFF086  }
0x1c: {  	p1 =	slt.u32 s9, $0xF7A;
	s5 =	simm.s32 @!p2 $0x0  }
0x1d: {  	s5 =	simm.s32 @p1 $0x1;
	p0 =	seq.s32 s7, s2  }
0x1e: {  	s7 =	smul.u32 @!p0 $0xF7A, s2;
	p2 =	seq.s32 @!p0 s5, $0x0  }
0x1f: {  	s9 =	smul.u32 $0xF7A, s1;
	s8 =	simm.s32 @!p0 $0x1BF5;
	p2 =	por !p2, p0  }
0x20: {  	[sflag:s8] =	ssyncset.s32 @!p0 $0xFFFFF086;
	s6 =	sadd.s32 @!p0 s3, s7;
	s7 =	simm.s32 @!p0 $0x108  }
0x21: {  	s3 =	sadd.s32 s3, s9;
	s6 =	sadd.s32 @!p0 $0x88, s6;
	s7 =	simm.s32 @p2 $0x1082  }
0x22: {  	[simem:s7], [sflag:s8] =	dma.local @!p0 [hbm:s6], $0xF7A  }
0x23: {  	s9 =	sor.u32 $0xD0000000, s2;
	s6 =	simm.s32 $0x108;
	_ =	swait.ge @!p0 [sflag:s8], $0x0  }
0x24: {  	s3 =	sadd.s32 $0x88, s3;
	s6 =	simm.s32 @!p1 $0x1082;
	[sflag:s4] =	ssyncset.s32 $0xFFFFF086  }
0x25: {  	[simem:s6], [sflag:s4] =	dma.local [hbm:s3], $0xF7A  }
0x26: {  	[smem:$0x3F91] =	sst s1;
	(tag) =	ssettag s2;
	_ =	strace s9  }
0x27: {  	s1 =	sld [smem:$0x3FA1]  }
0x28: {  	s2 =	sld [smem:$0x3FA2]  }
0x29: {  	s4 =	sld [smem:$0x3FA4]  }
0x2a: {  	p0 =	seq.s32 s5, $0x0;
	s5 =	sld [smem:$0x3FA5]  }
0x2b: {  	s6 =	sld [smem:$0x3FA6]  }
0x2c: {  	s7 =	sld [smem:$0x3FA7]  }
0x2d: {  	s3 =	simm.s32 $0x108;
	s8 =	sld [smem:$0x3FA8]  }
0x2e: {  	s3 =	simm.s32 @!p0 $0x1082;
	s9 =	sld [smem:$0x3FA9]  }
0x2f: {  	lr =	sadd.s32 s0, s3;
	s0 =	sld [smem:$0x3FA0]  }
0x30: {  	s3 =	sld [smem:$0x3FA3]  }
0x31: {  	[smem:$0x3FAC] =	sst s10  }
0x32: {  	s10 =	sld [smem:$0x3FAA];
	_ =	sdelay $0x3  }
0x33: {  	p0 =	seq.s32 s10, $0x1;
	s10 =	sld [smem:$0x3FAC];
	_ =	sdelay $0x3  }
0x34: {  	[smem:$0x3FAC] =	sst s10  }
0x35: {  	s10 =	sld [smem:$0x3FAB];
	_ =	sdelay $0x3  }
0x36: {  	p1 =	seq.s32 s10, $0x1;
	s10 =	sld [smem:$0x3FAC];
	_ =	sdelay $0x3  }
0x37: {  	[smem:$0x3FAC] =	sst s10  }
0x38: {  	s10 =	sld [smem:$0x3FAD]  }
0x39: {  	_ = 	snop;
	(pc) =	sbr.ind lr, $3  }
0x3a: {  	_ = 	snop  }
0x3b: {  	_ = 	snop  }
0x3c: {  	p2 =	seq.s32 s10, $0x1;
	s10 =	sld [smem:$0x3FAC]  }
0x3d: {  	_ =	shalt  }
0x3e: {  	_ =	shalt  }
0x3f: {  	_ =	shalt  }
0x40: {  	_ =	shalt  }
0x41: {  	_ =	shalt  }
0x42: {  	_ =	shalt  }
0x43: {  	_ =	shalt  }
0x44: {  	_ =	shalt  }
0x45: {  	_ =	shalt  }
0x46: {  	_ =	shalt  }
0x47: {  	_ =	shalt  }
0x48: {  	_ =	shalt  }
0x49: {  	_ =	shalt  }
0x4a: {  	_ =	shalt  }
0x4b: {  	_ =	shalt  }
0x4c: {  	_ =	shalt  }
0x4d: {  	_ =	shalt  }
0x4e: {  	_ =	shalt  }
0x4f: {  	_ =	shalt  }
0x50: {  	_ =	shalt  }
0x51: {  	_ =	shalt  }
0x52: {  	_ =	shalt  }
0x53: {  	_ =	shalt  }
0x54: {  	_ =	shalt  }
0x55: {  	_ =	shalt  }
0x56: {  	_ =	shalt  }
0x57: {  	_ =	shalt  }
0x58: {  	_ =	shalt  }
0x59: {  	_ =	shalt  }
0x5a: {  	_ =	shalt  }
0x5b: {  	_ =	shalt  }
0x5c: {  	_ =	shalt  }
0x5d: {  	_ =	shalt  }
0x5e: {  	_ =	shalt  }
0x5f: {  	_ =	shalt  }
0x60: {  	_ =	shalt  }
0x61: {  	_ =	shalt  }
0x62: {  	_ =	shalt  }
0x63: {  	_ =	shalt  }
0x64: {  	_ =	shalt  }
0x65: {  	_ =	shalt  }
0x66: {  	_ =	shalt  }
0x67: {  	_ =	shalt  }
0x68: {  	_ =	shalt  }
0x69: {  	_ =	shalt  }
0x6a: {  	_ =	shalt  }
0x6b: {  	_ =	shalt  }
0x6c: {  	_ =	shalt  }
0x6d: {  	_ =	shalt  }
0x6e: {  	_ =	shalt  }
0x6f: {  	_ =	shalt  }
0x70: {  	_ =	shalt  }
0x71: {  	_ =	shalt  }
0x72: {  	_ =	shalt  }
0x73: {  	_ =	shalt  }
0x74: {  	_ =	shalt  }
0x75: {  	_ =	shalt  }
0x76: {  	_ =	shalt  }
0x77: {  	_ =	shalt  }
0x78: {  	_ =	shalt  }
0x79: {  	_ =	shalt  }
0x7a: {  	_ =	shalt  }
0x7b: {  	_ =	shalt  }
0x7c: {  	_ =	shalt  }
0x7d: {  	_ =	shalt  }
0x7e: {  	_ =	shalt  }
0x7f: {  	_ =	shalt  }
0x80: {  	_ =	shalt  }
0x81: {  	_ =	shalt  }
0x82: {  	_ =	shalt  }
0x83: {  	_ =	shalt  }
0x84: {  	_ =	shalt  }
0x85: {  	_ =	shalt  }
0x86: {  	_ =	shalt  }
0x87: {  	_ =	shalt  }
.Lfunc_end0:
.L_simem_size_0:
called_computation.1_lowered:
.L_overlay_start_0:
0x88: {  	s2 =	sld [smem:$0x3FD9]  }
0x89: {  	s3 =	sld [smem:$0x3FFE];
	_ =	sdelay $0x1  }
0x8a: {  	s1 =	srdreg.scid  }
0x8b: {  	s0 =	sand.u32 $0x1, s1  }
0x8c: {  	s17 =	sshll.u32 s0, $0xA;
	s2 =	sadd.s32 s3, s2  }
0x8d: {  	s2 =	sadd.s32 s2, s17  }
0x8e: {  	[smem:$0x3FB8] =	sst s2  }
0x8f: {  	_ = 	snop  }
0x90: {  	s2 =	sld [smem:$0x3FD0];
	(tm) =	ssettm $0x1  }
0x91: {  	s18 =	sld [smem:$0x3FFB];
	_ =	sdelay $0x3  }
0x92: {  	_ =	strace s18  }
0x93: {  	s3 =	sld [smem:$0x3FFC];
	_ =	sdelay $0x3  }
0x94: {  	_ =	strace s3  }
0x95: {  	s3 =	sld [smem:$0x3FFD];
	_ =	sdelay $0x3  }
0x96: {  	_ =	strace s3  }
0x97: {  	_ =	strace $0x8FFFFFFF  }
0x98: {  	s19 =	sld [smem:$0x3FDB];
	_ =	sdelay $0x1  }
0x99: {  	s4 =	simm.s32 $_scs_section_size  }
0x9a: {  	s5 =	simm.s32 $_size__tile_overlayer_lowered;
	s6 =	simm.s32 $_tile_overlayer_lowered  }
0x9b: {  	s22 =	simm.s32 $0x1BFF;
	s21 =	sshll.u32 s6, $0x1;
	s3 =	sadd.s32 s4, s19  }
0x9c: {  	s7 =	simm.s32 $0x0;
	s20 =	sshll.u32 s5, $0x1;
	s5 =	sadd.s32 s21, s3  }
0x9d: {  	[timem:s7], [sflag:s22] =	dma.local [hbm:s5], s20  }
0x9e: {  	_ =	swait.ge [sflag:s22], s20  }
0x9f: {  	s4 =	ssub.s32 $0x0, s20;
	[sflag:s22] =	ssyncset.done $0x0  }
0xa0: {  	[sflag:s22] =	ssyncadd.s32 s4;
	_ =	sdelay $0x1  }
0xa1: {  	s23 =	simm.s32 $0x1B8B  }
0xa2: {  	_ =	swait.ge [sflag:s23], $0x1  }
0xa3: {  	[sflag:s23] =	ssyncset.done $0x0  }
0xa4: {  	s25 =	simm.s32 $0x1B8E;
	s24 =	sld [smem:$0x3FFE];
	[sflag:s23] =	ssyncadd.s32 $0xFFFFFFFF  }
0xa5: {  	s26 =	simm.s32 $execute0_lowered;
	[smem:$0x3FD2] =	sst s25  }
0xa6: {  	s5 =	sshll.u32 s26, $0x1;
	_ =	strace $0x80000046;
	[dreg:$0x1] =	wrdreg $0xFFFFFFFF  }
0xa7: {  	s28 =	simm.s32 $_size_execute0_lowered;
	s3 =	sadd.s32 s3, s5;
	[dreg:$0x0] =	wrdreg $0x0  }
0xa8: {  	s5 =	sshll.u32 s28, $0x1;
	[dreg:$0x2] =	wrdreg s3  }
0xa9: {  	[dreg:$0x3] =	wrdreg s5  }
0xaa: {  	[dreg:$0x4] =	wrdreg $0xC0  }
0xab: {  	_ =	task [dreg:s7], $0x5FFFF  }
0xac: {  	[dreg:$0x1] =	wrdreg $0xFFFFFFFF  }
0xad: {  	[dreg:$0x0] =	wrdreg $0x60  }
0xae: {  	[dreg:$0x2] =	wrdreg s24  }
0xaf: {  	[dreg:$0x3] =	wrdreg s2  }
0xb0: {  	[dreg:$0x4] =	wrdreg $0xA  }
0xb1: {  	_ =	task.clear_ibuf [dreg:s7], $0x5FFFF;
	_ =	strace $0x90000046  }
0xb2: {  	s29 =	simm.s32 $0xA;
	_ =	strace $0x80000048  }
0xb3: {  	_ =	swait.ge [sflag:s29], $0x1  }
0xb4: {  	[sflag:s29] =	ssyncadd.s32 $0xFFFFFFFF  }
0xb5: {  	_ =	strace $0x90000048  }
0xb6: {  	_ =	sfence  }
0xb7: {  	s30 =	sld [smem:$0x0];
	_ =	sdelay $0x2  }
0xb8: {  	s31 =	sshll.u32 s1, $0xD;
	s1 =	sshrl.u32 s1, $0x2  }
0xb9: {  	s3 =	sand.u32 $0x4000, s31;
	s1 =	sadd.s32 s1, s30  }
0xba: {  	s0 =	sor.u32 s3, s0;
	s1 =	sshll.u32 s1, $0x11  }
0xbb: {  	s0 =	sor.u32 s1, s0  }
0xbc: {  	s0 =	sadd.s32 $0x8F2B, s0  }
0xbd: {  	[sflag:s0] =	ssyncadd.remote.s32 $0x1  }
0xbe: {  	_ =	sfence.sel $0xFFFF  }
0xbf: {  	[dreg:$0x0] =	wrdreg $0xFFFFFFFF;
	(pc) =	sbr.abs _section_cstart, $3  }
0xc0: {  	[dreg:$0x1] =	wrdreg $0xFFFFFFFF  }
0xc1: {  	_ =	task.clear_ibuf [dreg:s7], $0x2FFFF;
	_ =	strace $0x9FFFFFFF  }
0xc2: {  	(tm) =	ssettm $0x7FFFFFFF  }
0xc3: {  	_ =	shalt  }
tec
execute0_lowered:
.L_overlay_start_1:
0x0: {  	(tag) =	ssettag $0x1  }
0x1: {  	s1 =	srdreg.scid;
	s0 =	stileid.u32  }
0x2: {  	s10 =	rddreg [dreg:$0x0];
	s14 =	sand.u32 $0x1, s1;
	s30 =	sshll.u32 s0, $0x1  }
0x3: {  	s3 =	rddreg [dreg:$0x1];
	s11 =	sor.u32 s14, s30  }
0x4: {  	s2 =	simm.s32 $0x0;
	s1 =	rddreg [dreg:$0x2];
	s4 =	smul.u32 $0x90, s11  }
0x5: {  	[smem:$0x7FF] =	sst s2  }
0x6: {  	_ =	strace $0x80000047;
	s4 =	sadd.s32 s3, s4;
	s3 =	simm.s32 $0x3  }
0x7: {  	[tilespmem:s2], [sflag:$0x3] =	stream.linear.gather [hbm4b:s4+s2], $0x480, $0x38;
	[tilespmem:$0x18480] =	vst v63  }
0x8: {  	_ =	swait.ge [sflag:s3], $0x480  }
0x9: {  	s6 =	simm.s32 $0x180;
	[sflag:s3] =	ssyncset.done $0x0  }
0xa: {  	s7 =	simm.s32 $0x480;
	s5 =	sadd.s32 $0x5000, s10;
	[sflag:s3] =	ssyncadd.s32 $0xFFFFFB80  }
0xb: {  	[tilespmem:s7], [sflag:$0x1] =	stream.indirect.gather [hbm4b:s5+s6], $0x80, s2, s6, $0xb8;
	[tilespmem:$0x18480] =	vst v63  }
0xc: {  	s8 =	simm.s32 $0xC480;
	s9 =	simm.s32 $0x1  }
0xd: {  	[tilespmem:s8], [sflag:$0x2] =	stream.indirect.gather [hbm4b:s5+s6], $0x80, s6, s6, $0xb8;
	[tilespmem:$0x18480] =	vst v63  }
0xe: {  	s12 =	smul.u32 $0x4800, s11;
	_ =	swait.ge [sflag:s9], $0xC000  }
0xf: {  	s13 =	sadd.s32 $0x29000, s10;
	[sflag:s9] =	ssyncset.done $0x0  }
0x10: {  	s10 =	sadd.s32 s13, s12;
	[sflag:s9] =	ssyncadd.s32 $0xFFFF4000  }
0x11: {  	[hbm4b:s10+s2] =	stream.linear.scatter [tilespmem:s7], [sflag:$0x3], $0xC000, $0x38;
	[tilespmem:$0x18480] =	vst v63  }
0x12: {  	_ =	swait.ge [sflag:s3], $0xC000  }
0x13: {  	s15 =	smul.u32 $0x24000, s11;
	[sflag:s3] =	ssyncset.done $0x0  }
0x14: {  	s11 =	simm.s32 $0x300;
	s12 =	simm.s32 $0x2;
	[sflag:s3] =	ssyncadd.s32 $0xFFFF4000  }
0x15: {  	[tilespmem:s7], [sflag:$0x1] =	stream.indirect.gather [hbm4b:s5+s6], $0x80, s11, s6, $0xb8;
	[tilespmem:$0x18480] =	vst v63  }
0x16: {  	s15 =	sshrl.u32 s15, $0x3;
	_ =	swait.ge [sflag:s12], $0xC000  }
0x17: {  	s15 =	sadd.s32 s13, s15;
	[sflag:s12] =	ssyncset.done $0x0  }
0x18: {  	s14 =	ssub.s32 $0x2, s14;
	s13 =	sadd.s32 $0x1800, s15;
	[sflag:s12] =	ssyncadd.s32 $0xFFFF4000  }
0x19: {  	[hbm4b:s13+s2] =	stream.linear.scatter [tilespmem:s8], [sflag:$0x3], $0xC000, $0x38;
	[tilespmem:$0x18480] =	vst v63  }
0x1a: {  	s16 =	sshrl.u32 s14, $0x1;
	_ =	swait.ge [sflag:s3], $0xC000  }
0x1b: {  	s16 =	ssub.s32 s14, s16;
	[sflag:s3] =	ssyncset.done $0x0  }
0x1c: {  	s31 =	smax.u32 s16, $0x1;
	[sflag:s3] =	ssyncadd.s32 $0xFFFF4000  }
0x1d: {  	p0 =	sne.s32 s31, $0x1;
	_ =	swait.ge [sflag:s9], $0xC000  }
.Ltmp0:
0x1e: {  	[sflag:s9] =	ssyncset.done $0x0;
	(pc) =	sbr.rel @!p0 .LBB2_2-.Ltmp0, $4  }
0x1f: {  	s14 =	sadd.s32 $0x3000, s15;
	[sflag:s9] =	ssyncadd.s32 $0xFFFF4000  }
0x20: {  	[hbm4b:s14+s2] =	stream.linear.scatter [tilespmem:s7], [sflag:$0x3], $0xC000, $0x38;
	[tilespmem:$0x18480] =	vst v63  }
0x21: {  	_ =	swait.ge [sflag:s3], $0xC000  }
0x22: {  	s15 =	sadd.s32 $0xFFFFFFFF, s31;
	[sflag:s3] =	ssyncset.done $0x0  }
.LBB2_1:
0x23: {  	p0 =	sne.s32 s15, $0x1;
	s15 =	sadd.s32 $0xFFFFFFFF, s15;
	[sflag:s3] =	ssyncadd.s32 $0xFFFF4000  }
0x24: {  	[tilespmem:s2], [sflag:$0x3] =	stream.linear.gather [hbm4b:s4+s2], $0x480, $0x38;
	[tilespmem:$0x18480] =	vst v63  }
0x25: {  	_ =	swait.ge [sflag:s3], $0x480  }
0x26: {  	[sflag:s3] =	ssyncset.done $0x0  }
0x27: {  	[sflag:s3] =	ssyncadd.s32 $0xFFFFFB80  }
0x28: {  	[tilespmem:s7], [sflag:$0x1] =	stream.indirect.gather [hbm4b:s5+s6], $0x80, s2, s6, $0xb8;
	[tilespmem:$0x18480] =	vst v63  }
0x29: {  	_ = 	snop  }
0x2a: {  	[tilespmem:s8], [sflag:$0x2] =	stream.indirect.gather [hbm4b:s5+s6], $0x80, s6, s6, $0xb8;
	[tilespmem:$0x18480] =	vst v63  }
0x2b: {  	_ =	swait.ge [sflag:s9], $0xC000  }
0x2c: {  	[sflag:s9] =	ssyncset.done $0x0  }
0x2d: {  	[sflag:s9] =	ssyncadd.s32 $0xFFFF4000  }
0x2e: {  	[hbm4b:s10+s2] =	stream.linear.scatter [tilespmem:s7], [sflag:$0x3], $0xC000, $0x38;
	[tilespmem:$0x18480] =	vst v63  }
0x2f: {  	_ =	swait.ge [sflag:s3], $0xC000  }
0x30: {  	[sflag:s3] =	ssyncset.done $0x0  }
0x31: {  	[sflag:s3] =	ssyncadd.s32 $0xFFFF4000  }
0x32: {  	[tilespmem:s7], [sflag:$0x1] =	stream.indirect.gather [hbm4b:s5+s6], $0x80, s11, s6, $0xb8;
	[tilespmem:$0x18480] =	vst v63  }
0x33: {  	_ =	swait.ge [sflag:s12], $0xC000  }
0x34: {  	[sflag:s12] =	ssyncset.done $0x0  }
0x35: {  	[sflag:s12] =	ssyncadd.s32 $0xFFFF4000  }
0x36: {  	[hbm4b:s13+s2] =	stream.linear.scatter [tilespmem:s8], [sflag:$0x3], $0xC000, $0x38;
	[tilespmem:$0x18480] =	vst v63  }
0x37: {  	_ =	swait.ge [sflag:s3], $0xC000  }
0x38: {  	[sflag:s3] =	ssyncset.done $0x0  }
0x39: {  	[sflag:s3] =	ssyncadd.s32 $0xFFFF4000  }
0x3a: {  	_ =	swait.ge [sflag:s9], $0xC000  }
.Ltmp1:
0x3b: {  	[sflag:s9] =	ssyncset.done $0x0;
	(pc) =	sbr.rel @p0 .LBB2_1-.Ltmp1, $4  }
0x3c: {  	[sflag:s9] =	ssyncadd.s32 $0xFFFF4000  }
0x3d: {  	[hbm4b:s14+s2] =	stream.linear.scatter [tilespmem:s7], [sflag:$0x3], $0xC000, $0x38;
	[tilespmem:$0x18480] =	vst v63  }
0x3e: {  	_ =	swait.ge [sflag:s3], $0xC000  }
0x3f: {  	[sflag:s3] =	ssyncset.done $0x0  }
.LBB2_2:
0x40: {  	[sflag:s3] =	ssyncadd.s32 $0xFFFF4000  }
0x41: {  	_ =	sfence.sel $0x180000  }
0x42: {  	[bflag:$0x0] =	sbarrier.arrive $0xFFFF  }
0x43: {  	p0 =	sne.s32 s0, $0x0;
	_ =	strace $0x90000047  }
0x44: {  	s0 =	sadd.s32 @!p0 $0x100000, s1;
	[bflag:$0x2] =	sbarrier.arrive $0xFFFF  }
0x45: {  	[sflag:s0] =	ssyncadd.tile.s32 @!p0 $0x1;
	_ =	shalt  }
.Lfunc_end2:
_tile_overlayer_lowered:
.L_overlay_start_2:
0x46: {  	(tag) =	ssettag $0x2  }
0x47: {  	s0 =	rddreg [dreg:$0x0];
	s2 =	stileid.u32  }
0x48: {  	s1 =	rddreg [dreg:$0x1];
	p0 =	sne.s32 s2, $0x0  }
0x49: {  	s3 =	rddreg [dreg:$0x2];
	[bflag:$0x3] =	sbarrier.arrive $0xFFFF;
	s2 =	simm.s32 @!p0 $0x1C03  }
0x4a: {  	[timem:s3], [sflag:s2] =	dma.local @!p0 [hbm:s0], s1  }
0x4b: {  	s0 =	simm.s32 @!p0 $0x3  }
0x4c: {  	_ =	swait.ge @!p0 [sflag:s0], s1  }
0x4d: {  	s1 =	ssub.s32 @!p0 $0x0, s1;
	[sflag:s0] =	ssyncset.done @!p0 $0x0  }
0x4e: {  	[sflag:s0] =	ssyncadd.s32 @!p0 s1  }
0x4f: {  	[bflag:$0x3] =	sbarrier.arrive $0xFFFF  }
0x50: {  	_ =	shalt  }

// kernel: kernel.23.cloned.1.call-start
scs
__scs_entry_jumppad:
0x0: {  	(pc) =	sbr.rel $0x88, $3  }
0x1: {  	(tag) =	ssettag $0x0;
	lr =	simm.s32 $0x1  }
0x2: {  	[smem:$0x3F91] =	sst lr;
	_ =	strace $0xD0000000  }
0x3: {  	_ = 	snop  }
0x4: {  	_ = 	snop  }
0x5: {  	_ = 	snop  }
0x6: {  	_ = 	snop  }
0x7: {  	_ = 	snop  }
__scs_overlays_trampoline_lowered:
0x8: {  	[smem:$0x3FA0] =	sst s0  }
0x9: {  	[smem:$0x3FA1] =	sst s1  }
0xa: {  	[smem:$0x3FA2] =	sst s2  }
0xb: {  	[smem:$0x3FA3] =	sst s3  }
0xc: {  	[smem:$0x3FA4] =	sst s4  }
0xd: {  	[smem:$0x3FA5] =	sst s5  }
0xe: {  	[smem:$0x3FA6] =	sst s6  }
0xf: {  	[smem:$0x3FA7] =	sst s7  }
0x10: {  	[smem:$0x3FA8] =	sst s8  }
0x11: {  	[smem:$0x3FA9] =	sst s9;
	s0 =	simm.s32 @!p0 $0x0  }
0x12: {  	s1 =	sld [smem:$0x3F8F];
	s0 =	simm.s32 @p0 $0x1  }
0x13: {  	[smem:$0x3FAA] =	sst s0;
	s0 =	simm.s32 @!p1 $0x0  }
0x14: {  	s2 =	sld [smem:$0x3F8E];
	s0 =	simm.s32 @p1 $0x1  }
0x15: {  	[smem:$0x3FAB] =	sst s0;
	s0 =	simm.s32 @!p2 $0x0  }
0x16: {  	s3 =	sld [smem:$0x3FDB];
	s0 =	simm.s32 @p2 $0x1  }
0x17: {  	s4 =	simm.s32 $0x1BF5;
	[smem:$0x3FAD] =	sst s0  }
0x18: {  	s0 =	sld [smem:$0x3F90];
	_ =	swait.ge [sflag:s4], $0x0  }
0x19: {  	s7 =	sld [smem:$0x3F91]  }
0x1a: {  	s8 =	sadd.s32 $0xFFFFE003, lr  }
0x1b: {  	s9 =	sadd.s32 $0xFFFFFEF7, lr;
	s5 =	simm.s32 $0xFFFFFFFF;
	p2 =	slt.u32 s8, $0xFFFFF086  }
0x1c: {  	p1 =	slt.u32 s9, $0xF7A;
	s5 =	simm.s32 @!p2 $0x0  }
0x1d: {  	s5 =	simm.s32 @p1 $0x1;
	p0 =	seq.s32 s7, s2  }
0x1e: {  	s7 =	smul.u32 @!p0 $0xF7A, s2;
	p2 =	seq.s32 @!p0 s5, $0x0  }
0x1f: {  	s9 =	smul.u32 $0xF7A, s1;
	s8 =	simm.s32 @!p0 $0x1BF5;
	p2 =	por !p2, p0  }
0x20: {  	[sflag:s8] =	ssyncset.s32 @!p0 $0xFFFFF086;
	s6 =	sadd.s32 @!p0 s3, s7;
	s7 =	simm.s32 @!p0 $0x108  }
0x21: {  	s3 =	sadd.s32 s3, s9;
	s6 =	sadd.s32 @!p0 $0x88, s6;
	s7 =	simm.s32 @p2 $0x1082  }
0x22: {  	[simem:s7], [sflag:s8] =	dma.local @!p0 [hbm:s6], $0xF7A  }
0x23: {  	s9 =	sor.u32 $0xD0000000, s2;
	s6 =	simm.s32 $0x108;
	_ =	swait.ge @!p0 [sflag:s8], $0x0  }
0x24: {  	s3 =	sadd.s32 $0x88, s3;
	s6 =	simm.s32 @!p1 $0x1082;
	[sflag:s4] =	ssyncset.s32 $0xFFFFF086  }
0x25: {  	[simem:s6], [sflag:s4] =	dma.local [hbm:s3], $0xF7A  }
0x26: {  	[smem:$0x3F91] =	sst s1;
	(tag) =	ssettag s2;
	_ =	strace s9  }
0x27: {  	s1 =	sld [smem:$0x3FA1]  }
0x28: {  	s2 =	sld [smem:$0x3FA2]  }
0x29: {  	s4 =	sld [smem:$0x3FA4]  }
0x2a: {  	p0 =	seq.s32 s5, $0x0;
	s5 =	sld [smem:$0x3FA5]  }
0x2b: {  	s6 =	sld [smem:$0x3FA6]  }
0x2c: {  	s7 =	sld [smem:$0x3FA7]  }
0x2d: {  	s3 =	simm.s32 $0x108;
	s8 =	sld [smem:$0x3FA8]  }
0x2e: {  	s3 =	simm.s32 @!p0 $0x1082;
	s9 =	sld [smem:$0x3FA9]  }
0x2f: {  	lr =	sadd.s32 s0, s3;
	s0 =	sld [smem:$0x3FA0]  }
0x30: {  	s3 =	sld [smem:$0x3FA3]  }
0x31: {  	[smem:$0x3FAC] =	sst s10  }
0x32: {  	s10 =	sld [smem:$0x3FAA];
	_ =	sdelay $0x3  }
0x33: {  	p0 =	seq.s32 s10, $0x1;
	s10 =	sld [smem:$0x3FAC];
	_ =	sdelay $0x3  }
0x34: {  	[smem:$0x3FAC] =	sst s10  }
0x35: {  	s10 =	sld [smem:$0x3FAB];
	_ =	sdelay $0x3  }
0x36: {  	p1 =	seq.s32 s10, $0x1;
	s10 =	sld [smem:$0x3FAC];
	_ =	sdelay $0x3  }
0x37: {  	[smem:$0x3FAC] =	sst s10  }
0x38: {  	s10 =	sld [smem:$0x3FAD]  }
0x39: {  	_ = 	snop;
	(pc) =	sbr.ind lr, $3  }
0x3a: {  	_ = 	snop  }
0x3b: {  	_ = 	snop  }
0x3c: {  	p2 =	seq.s32 s10, $0x1;
	s10 =	sld [smem:$0x3FAC]  }
0x3d: {  	_ =	shalt  }
0x3e: {  	_ =	shalt  }
0x3f: {  	_ =	shalt  }
0x40: {  	_ =	shalt  }
0x41: {  	_ =	shalt  }
0x42: {  	_ =	shalt  }
0x43: {  	_ =	shalt  }
0x44: {  	_ =	shalt  }
0x45: {  	_ =	shalt  }
0x46: {  	_ =	shalt  }
0x47: {  	_ =	shalt  }
0x48: {  	_ =	shalt  }
0x49: {  	_ =	shalt  }
0x4a: {  	_ =	shalt  }
0x4b: {  	_ =	shalt  }
0x4c: {  	_ =	shalt  }
0x4d: {  	_ =	shalt  }
0x4e: {  	_ =	shalt  }
0x4f: {  	_ =	shalt  }
0x50: {  	_ =	shalt  }
0x51: {  	_ =	shalt  }
0x52: {  	_ =	shalt  }
0x53: {  	_ =	shalt  }
0x54: {  	_ =	shalt  }
0x55: {  	_ =	shalt  }
0x56: {  	_ =	shalt  }
0x57: {  	_ =	shalt  }
0x58: {  	_ =	shalt  }
0x59: {  	_ =	shalt  }
0x5a: {  	_ =	shalt  }
0x5b: {  	_ =	shalt  }
0x5c: {  	_ =	shalt  }
0x5d: {  	_ =	shalt  }
0x5e: {  	_ =	shalt  }
0x5f: {  	_ =	shalt  }
0x60: {  	_ =	shalt  }
0x61: {  	_ =	shalt  }
0x62: {  	_ =	shalt  }
0x63: {  	_ =	shalt  }
0x64: {  	_ =	shalt  }
0x65: {  	_ =	shalt  }
0x66: {  	_ =	shalt  }
0x67: {  	_ =	shalt  }
0x68: {  	_ =	shalt  }
0x69: {  	_ =	shalt  }
0x6a: {  	_ =	shalt  }
0x6b: {  	_ =	shalt  }
0x6c: {  	_ =	shalt  }
0x6d: {  	_ =	shalt  }
0x6e: {  	_ =	shalt  }
0x6f: {  	_ =	shalt  }
0x70: {  	_ =	shalt  }
0x71: {  	_ =	shalt  }
0x72: {  	_ =	shalt  }
0x73: {  	_ =	shalt  }
0x74: {  	_ =	shalt  }
0x75: {  	_ =	shalt  }
0x76: {  	_ =	shalt  }
0x77: {  	_ =	shalt  }
0x78: {  	_ =	shalt  }
0x79: {  	_ =	shalt  }
0x7a: {  	_ =	shalt  }
0x7b: {  	_ =	shalt  }
0x7c: {  	_ =	shalt  }
0x7d: {  	_ =	shalt  }
0x7e: {  	_ =	shalt  }
0x7f: {  	_ =	shalt  }
0x80: {  	_ =	shalt  }
0x81: {  	_ =	shalt  }
0x82: {  	_ =	shalt  }
0x83: {  	_ =	shalt  }
0x84: {  	_ =	shalt  }
0x85: {  	_ =	shalt  }
0x86: {  	_ =	shalt  }
0x87: {  	_ =	shalt  }
.Lfunc_end0:
.L_simem_size_0:
called_computation.2_lowered:
.L_overlay_start_0:
0x88: {  	s2 =	sld [smem:$0x3FD9]  }
0x89: {  	s3 =	sld [smem:$0x3FFE];
	_ =	sdelay $0x1  }
0x8a: {  	s1 =	srdreg.scid  }
0x8b: {  	s0 =	sand.u32 $0x1, s1  }
0x8c: {  	s17 =	sshll.u32 s0, $0xA;
	s2 =	sadd.s32 s3, s2  }
0x8d: {  	s2 =	sadd.s32 s2, s17  }
0x8e: {  	[smem:$0x3FB8] =	sst s2  }
0x8f: {  	_ = 	snop  }
0x90: {  	(tm) =	ssettm $0x1  }
0x91: {  	s18 =	sld [smem:$0x3FFB];
	_ =	sdelay $0x3  }
0x92: {  	_ =	strace s18  }
0x93: {  	s2 =	sld [smem:$0x3FFC];
	_ =	sdelay $0x3  }
0x94: {  	_ =	strace s2  }
0x95: {  	s2 =	sld [smem:$0x3FFD];
	_ =	sdelay $0x3  }
0x96: {  	_ =	strace s2  }
0x97: {  	_ =	strace $0x8FFFFFFF  }
0x98: {  	s19 =	sld [smem:$0x3FDB];
	_ =	sdelay $0x1  }
0x99: {  	s20 =	simm.s32 $_scs_section_size  }
0x9a: {  	s4 =	simm.s32 $_size__tile_overlayer_lowered;
	s5 =	simm.s32 $_tile_overlayer_lowered  }
0x9b: {  	s6 =	simm.s32 $0x1BFF;
	s21 =	sshll.u32 s5, $0x1;
	s3 =	sadd.s32 s20, s19  }
0x9c: {  	s22 =	simm.s32 $0x0;
	s4 =	sshll.u32 s4, $0x1;
	s5 =	sadd.s32 s21, s3  }
0x9d: {  	[timem:s22], [sflag:s6] =	dma.local [hbm:s5], s4  }
0x9e: {  	_ =	swait.ge [sflag:s6], s4  }
0x9f: {  	s4 =	ssub.s32 $0x0, s4;
	[sflag:s6] =	ssyncset.done $0x0  }
0xa0: {  	[sflag:s6] =	ssyncadd.s32 s4;
	_ =	sdelay $0x1  }
0xa1: {  	s23 =	simm.s32 $0x1B8B  }
0xa2: {  	_ =	swait.ge [sflag:s23], $0x1  }
0xa3: {  	[sflag:s23] =	ssyncset.done $0x0  }
0xa4: {  	[sflag:s23] =	ssyncadd.s32 $0xFFFFFFFF  }
0xa5: {  	s4 =	sld [smem:$0x0]  }
0xa6: {  	s5 =	sand.u32 $0xFFFFFFFE, s1  }
0xa7: {  	p0 =	sne.s32 s1, s5  }
0xa8: {  	s5 =	sshll.u32 @p0 s5, $0xE  }
0xa9: {  	s5 =	sadd.s32 @p0 $0x11B8D, s5;
	s6 =	sshll.u32 @p0 s4, $0x11  }
0xaa: {  	s5 =	sor.u32 @p0 s6, s5  }
0xab: {  	[sflag:s5] =	ssyncadd.remote.s32 @p0 $0x1;
	_ =	sdelay $0x1  }
0xac: {  	s5 =	simm.s32 @p0 $0x1B8D  }
0xad: {  	_ =	swait.eq @p0 [sflag:s5], $0x1  }
0xae: {  	[sflag:s5] =	ssyncadd.s32 @p0 $0xFFFFFFFF  }
0xaf: {  	s6 =	sshll.u32 @!p0 s1, $0xE  }
0xb0: {  	s6 =	sor.u32 @!p0 $0x4000, s6;
	s5 =	simm.s32 @!p0 $0x1B8D  }
0xb1: {  	s4 =	sshll.u32 @!p0 s4, $0x11;
	s6 =	sadd.s32 @!p0 $0x11B8D, s6;
	_ =	swait.eq @!p0 [sflag:s5], $0x1  }
0xb2: {  	s4 =	sor.u32 @!p0 s4, s6;
	[sflag:s5] =	ssyncadd.s32 @!p0 $0xFFFFFFFF  }
0xb3: {  	s25 =	simm.s32 $0x1B8E;
	s24 =	sld [smem:$0x3FFE];
	[sflag:s4] =	ssyncadd.remote.s32 @!p0 $0x1  }
0xb4: {  	s26 =	simm.s32 $execute0_lowered;
	[smem:$0x3FD2] =	sst s25  }
0xb5: {  	s5 =	sshll.u32 s26, $0x1;
	_ =	strace $0x8000004F;
	[dreg:$0x1] =	wrdreg $0xFFFFFFFF  }
0xb6: {  	s28 =	simm.s32 $_size_execute0_lowered;
	s3 =	sadd.s32 s3, s5;
	[dreg:$0x0] =	wrdreg $0x0  }
0xb7: {  	s5 =	sshll.u32 s28, $0x1;
	[dreg:$0x2] =	wrdreg s3  }
0xb8: {  	[dreg:$0x3] =	wrdreg s5  }
0xb9: {  	[dreg:$0x4] =	wrdreg $0xC0  }
0xba: {  	_ =	task [dreg:s22], $0x5FFFF  }
0xbb: {  	[dreg:$0x1] =	wrdreg $0xFFFFFFFF  }
0xbc: {  	[dreg:$0x0] =	wrdreg $0x60  }
0xbd: {  	[dreg:$0x2] =	wrdreg s24  }
0xbe: {  	[dreg:$0x3] =	wrdreg $0x9  }
0xbf: {  	_ =	task.clear_ibuf [dreg:s22], $0x4FFFF;
	_ =	strace $0x9000004F  }
0xc0: {  	s29 =	simm.s32 $0x9;
	_ =	strace $0x80000051  }
0xc1: {  	_ =	swait.ge [sflag:s29], $0x1  }
0xc2: {  	[sflag:s29] =	ssyncadd.s32 $0xFFFFFFFF  }
0xc3: {  	_ =	strace $0x90000051  }
0xc4: {  	_ =	sfence  }
0xc5: {  	s30 =	sld [smem:$0x0];
	_ =	sdelay $0x2  }
0xc6: {  	s31 =	sshll.u32 s1, $0xD;
	s1 =	sshrl.u32 s1, $0x2  }
0xc7: {  	s4 =	sand.u32 $0x4000, s31;
	s1 =	sadd.s32 s1, s30  }
0xc8: {  	s0 =	sor.u32 s4, s0;
	s1 =	sshll.u32 s1, $0x11  }
0xc9: {  	s0 =	sor.u32 s1, s0  }
0xca: {  	s0 =	sadd.s32 $0x8F2B, s0  }
0xcb: {  	[sflag:s0] =	ssyncadd.remote.s32 $0x1  }
0xcc: {  	_ =	sfence.sel $0xFFFF  }
0xcd: {  	[dreg:$0x0] =	wrdreg $0xFFFFFFFF;
	(pc) =	sbr.abs _section_cstart, $3  }
0xce: {  	[dreg:$0x1] =	wrdreg $0xFFFFFFFF  }
0xcf: {  	_ =	task.clear_ibuf [dreg:s22], $0x2FFFF;
	_ =	strace $0x9FFFFFFF  }
0xd0: {  	(tm) =	ssettm $0x7FFFFFFF  }
0xd1: {  	_ =	shalt  }
tec
execute0_lowered:
.L_overlay_start_1:
0x0: {  	(tag) =	ssettag $0x1  }
0x1: {  	s1 =	srdreg.scid;
	s0 =	stileid.u32  }
0x2: {  	s14 =	sand.u32 $0x1, s1;
	s30 =	sshll.u32 s0, $0x1  }
0x3: {  	s11 =	sor.u32 s14, s30  }
0x4: {  	s10 =	rddreg [dreg:$0x0];
	s3 =	smul.u32 $0x90, s11  }
0x5: {  	s2 =	simm.s32 $0x0;
	s1 =	rddreg [dreg:$0x1]  }
0x6: {  	[smem:$0x7FF] =	sst s2;
	s3 =	sadd.s32 s3, s10  }
0x7: {  	_ =	strace $0x80000050;
	s4 =	sadd.s32 $0xB9000, s3;
	s3 =	simm.s32 $0x3  }
0x8: {  	[tilespmem:s2], [sflag:$0x3] =	stream.linear.gather [hbm4b:s4+s2], $0x480, $0x38;
	[tilespmem:$0x18480] =	vst v63  }
0x9: {  	_ =	swait.ge [sflag:s3], $0x480  }
0xa: {  	s6 =	simm.s32 $0x180;
	[sflag:s3] =	ssyncset.done $0x0  }
0xb: {  	s7 =	simm.s32 $0x480;
	s5 =	sadd.s32 $0xBA200, s10;
	[sflag:s3] =	ssyncadd.s32 $0xFFFFFB80  }
0xc: {  	[tilespmem:s7], [sflag:$0x1] =	stream.indirect.gather [hbm4b:s5+s6], $0x80, s2, s6, $0xb8;
	[tilespmem:$0x18480] =	vst v63  }
0xd: {  	s8 =	simm.s32 $0xC480;
	s9 =	simm.s32 $0x1  }
0xe: {  	[tilespmem:s8], [sflag:$0x2] =	stream.indirect.gather [hbm4b:s5+s6], $0x80, s6, s6, $0xb8;
	[tilespmem:$0x18480] =	vst v63  }
0xf: {  	s12 =	smul.u32 $0x4800, s11;
	_ =	swait.ge [sflag:s9], $0xC000  }
0x10: {  	s13 =	sadd.s32 $0x14A800, s10;
	[sflag:s9] =	ssyncset.done $0x0  }
0x11: {  	s10 =	sadd.s32 s13, s12;
	[sflag:s9] =	ssyncadd.s32 $0xFFFF4000  }
0x12: {  	[hbm4b:s10+s2] =	stream.linear.scatter [tilespmem:s7], [sflag:$0x3], $0xC000, $0x38;
	[tilespmem:$0x18480] =	vst v63  }
0x13: {  	_ =	swait.ge [sflag:s3], $0xC000  }
0x14: {  	s15 =	smul.u32 $0x24000, s11;
	[sflag:s3] =	ssyncset.done $0x0  }
0x15: {  	s11 =	simm.s32 $0x300;
	s12 =	simm.s32 $0x2;
	[sflag:s3] =	ssyncadd.s32 $0xFFFF4000  }
0x16: {  	[tilespmem:s7], [sflag:$0x1] =	stream.indirect.gather [hbm4b:s5+s6], $0x80, s11, s6, $0xb8;
	[tilespmem:$0x18480] =	vst v63  }
0x17: {  	s15 =	sshrl.u32 s15, $0x3;
	_ =	swait.ge [sflag:s12], $0xC000  }
0x18: {  	s15 =	sadd.s32 s13, s15;
	[sflag:s12] =	ssyncset.done $0x0  }
0x19: {  	s14 =	ssub.s32 $0x2, s14;
	s13 =	sadd.s32 $0x1800, s15;
	[sflag:s12] =	ssyncadd.s32 $0xFFFF4000  }
0x1a: {  	[hbm4b:s13+s2] =	stream.linear.scatter [tilespmem:s8], [sflag:$0x3], $0xC000, $0x38;
	[tilespmem:$0x18480] =	vst v63  }
0x1b: {  	s16 =	sshrl.u32 s14, $0x1;
	_ =	swait.ge [sflag:s3], $0xC000  }
0x1c: {  	s16 =	ssub.s32 s14, s16;
	[sflag:s3] =	ssyncset.done $0x0  }
0x1d: {  	s31 =	smax.u32 s16, $0x1;
	[sflag:s3] =	ssyncadd.s32 $0xFFFF4000  }
0x1e: {  	p0 =	sne.s32 s31, $0x1;
	_ =	swait.ge [sflag:s9], $0xC000  }
.Ltmp0:
0x1f: {  	[sflag:s9] =	ssyncset.done $0x0;
	(pc) =	sbr.rel @!p0 .LBB2_2-.Ltmp0, $4  }
0x20: {  	s14 =	sadd.s32 $0x3000, s15;
	[sflag:s9] =	ssyncadd.s32 $0xFFFF4000  }
0x21: {  	[hbm4b:s14+s2] =	stream.linear.scatter [tilespmem:s7], [sflag:$0x3], $0xC000, $0x38;
	[tilespmem:$0x18480] =	vst v63  }
0x22: {  	_ =	swait.ge [sflag:s3], $0xC000  }
0x23: {  	s15 =	sadd.s32 $0xFFFFFFFF, s31;
	[sflag:s3] =	ssyncset.done $0x0  }
.LBB2_1:
0x24: {  	p0 =	sne.s32 s15, $0x1;
	s15 =	sadd.s32 $0xFFFFFFFF, s15;
	[sflag:s3] =	ssyncadd.s32 $0xFFFF4000  }
0x25: {  	[tilespmem:s2], [sflag:$0x3] =	stream.linear.gather [hbm4b:s4+s2], $0x480, $0x38;
	[tilespmem:$0x18480] =	vst v63  }
0x26: {  	_ =	swait.ge [sflag:s3], $0x480  }
0x27: {  	[sflag:s3] =	ssyncset.done $0x0  }
0x28: {  	[sflag:s3] =	ssyncadd.s32 $0xFFFFFB80  }
0x29: {  	[tilespmem:s7], [sflag:$0x1] =	stream.indirect.gather [hbm4b:s5+s6], $0x80, s2, s6, $0xb8;
	[tilespmem:$0x18480] =	vst v63  }
0x2a: {  	_ = 	snop  }
0x2b: {  	[tilespmem:s8], [sflag:$0x2] =	stream.indirect.gather [hbm4b:s5+s6], $0x80, s6, s6, $0xb8;
	[tilespmem:$0x18480] =	vst v63  }
0x2c: {  	_ =	swait.ge [sflag:s9], $0xC000  }
0x2d: {  	[sflag:s9] =	ssyncset.done $0x0  }
0x2e: {  	[sflag:s9] =	ssyncadd.s32 $0xFFFF4000  }
0x2f: {  	[hbm4b:s10+s2] =	stream.linear.scatter [tilespmem:s7], [sflag:$0x3], $0xC000, $0x38;
	[tilespmem:$0x18480] =	vst v63  }
0x30: {  	_ =	swait.ge [sflag:s3], $0xC000  }
0x31: {  	[sflag:s3] =	ssyncset.done $0x0  }
0x32: {  	[sflag:s3] =	ssyncadd.s32 $0xFFFF4000  }
0x33: {  	[tilespmem:s7], [sflag:$0x1] =	stream.indirect.gather [hbm4b:s5+s6], $0x80, s11, s6, $0xb8;
	[tilespmem:$0x18480] =	vst v63  }
0x34: {  	_ =	swait.ge [sflag:s12], $0xC000  }
0x35: {  	[sflag:s12] =	ssyncset.done $0x0  }
0x36: {  	[sflag:s12] =	ssyncadd.s32 $0xFFFF4000  }
0x37: {  	[hbm4b:s13+s2] =	stream.linear.scatter [tilespmem:s8], [sflag:$0x3], $0xC000, $0x38;
	[tilespmem:$0x18480] =	vst v63  }
0x38: {  	_ =	swait.ge [sflag:s3], $0xC000  }
0x39: {  	[sflag:s3] =	ssyncset.done $0x0  }
0x3a: {  	[sflag:s3] =	ssyncadd.s32 $0xFFFF4000  }
0x3b: {  	_ =	swait.ge [sflag:s9], $0xC000  }
.Ltmp1:
0x3c: {  	[sflag:s9] =	ssyncset.done $0x0;
	(pc) =	sbr.rel @p0 .LBB2_1-.Ltmp1, $4  }
0x3d: {  	[sflag:s9] =	ssyncadd.s32 $0xFFFF4000  }
0x3e: {  	[hbm4b:s14+s2] =	stream.linear.scatter [tilespmem:s7], [sflag:$0x3], $0xC000, $0x38;
	[tilespmem:$0x18480] =	vst v63  }
0x3f: {  	_ =	swait.ge [sflag:s3], $0xC000  }
0x40: {  	[sflag:s3] =	ssyncset.done $0x0  }
.LBB2_2:
0x41: {  	[sflag:s3] =	ssyncadd.s32 $0xFFFF4000  }
0x42: {  	_ =	sfence.sel $0x180000  }
0x43: {  	[bflag:$0x0] =	sbarrier.arrive $0xFFFF  }
0x44: {  	p0 =	sne.s32 s0, $0x0;
	_ =	strace $0x90000050  }
0x45: {  	s0 =	sadd.s32 @!p0 $0x100000, s1;
	[bflag:$0x2] =	sbarrier.arrive $0xFFFF  }
0x46: {  	[sflag:s0] =	ssyncadd.tile.s32 @!p0 $0x1;
	_ =	shalt  }
.Lfunc_end2:
_tile_overlayer_lowered:
.L_overlay_start_2:
0x47: {  	(tag) =	ssettag $0x2  }
0x48: {  	s0 =	rddreg [dreg:$0x0];
	s2 =	stileid.u32  }
0x49: {  	s1 =	rddreg [dreg:$0x1];
	p0 =	sne.s32 s2, $0x0  }
0x4a: {  	s3 =	rddreg [dreg:$0x2];
	[bflag:$0x3] =	sbarrier.arrive $0xFFFF;
	s2 =	simm.s32 @!p0 $0x1C03  }
0x4b: {  	[timem:s3], [sflag:s2] =	dma.local @!p0 [hbm:s0], s1  }
0x4c: {  	s0 =	simm.s32 @!p0 $0x3  }
0x4d: {  	_ =	swait.ge @!p0 [sflag:s0], s1  }
0x4e: {  	s1 =	ssub.s32 @!p0 $0x0, s1;
	[sflag:s0] =	ssyncset.done @!p0 $0x0  }
0x4f: {  	[sflag:s0] =	ssyncadd.s32 @!p0 s1  }
0x50: {  	[bflag:$0x3] =	sbarrier.arrive $0xFFFF  }
0x51: {  	_ =	shalt  }

// kernel: kernel.26.cloned.1.call-start
scs
__scs_entry_jumppad:
0x0: {  	(pc) =	sbr.rel $0x88, $3  }
0x1: {  	(tag) =	ssettag $0x0;
	lr =	simm.s32 $0x1  }
0x2: {  	[smem:$0x3F91] =	sst lr;
	_ =	strace $0xD0000000  }
0x3: {  	_ = 	snop  }
0x4: {  	_ = 	snop  }
0x5: {  	_ = 	snop  }
0x6: {  	_ = 	snop  }
0x7: {  	_ = 	snop  }
__scs_overlays_trampoline_lowered:
0x8: {  	[smem:$0x3FA0] =	sst s0  }
0x9: {  	[smem:$0x3FA1] =	sst s1  }
0xa: {  	[smem:$0x3FA2] =	sst s2  }
0xb: {  	[smem:$0x3FA3] =	sst s3  }
0xc: {  	[smem:$0x3FA4] =	sst s4  }
0xd: {  	[smem:$0x3FA5] =	sst s5  }
0xe: {  	[smem:$0x3FA6] =	sst s6  }
0xf: {  	[smem:$0x3FA7] =	sst s7  }
0x10: {  	[smem:$0x3FA8] =	sst s8  }
0x11: {  	[smem:$0x3FA9] =	sst s9;
	s0 =	simm.s32 @!p0 $0x0  }
0x12: {  	s1 =	sld [smem:$0x3F8F];
	s0 =	simm.s32 @p0 $0x1  }
0x13: {  	[smem:$0x3FAA] =	sst s0;
	s0 =	simm.s32 @!p1 $0x0  }
0x14: {  	s2 =	sld [smem:$0x3F8E];
	s0 =	simm.s32 @p1 $0x1  }
0x15: {  	[smem:$0x3FAB] =	sst s0;
	s0 =	simm.s32 @!p2 $0x0  }
0x16: {  	s3 =	sld [smem:$0x3FDB];
	s0 =	simm.s32 @p2 $0x1  }
0x17: {  	s4 =	simm.s32 $0x1BF5;
	[smem:$0x3FAD] =	sst s0  }
0x18: {  	s0 =	sld [smem:$0x3F90];
	_ =	swait.ge [sflag:s4], $0x0  }
0x19: {  	s7 =	sld [smem:$0x3F91]  }
0x1a: {  	s8 =	sadd.s32 $0xFFFFE003, lr  }
0x1b: {  	s9 =	sadd.s32 $0xFFFFFEF7, lr;
	s5 =	simm.s32 $0xFFFFFFFF;
	p2 =	slt.u32 s8, $0xFFFFF086  }
0x1c: {  	p1 =	slt.u32 s9, $0xF7A;
	s5 =	simm.s32 @!p2 $0x0  }
0x1d: {  	s5 =	simm.s32 @p1 $0x1;
	p0 =	seq.s32 s7, s2  }
0x1e: {  	s7 =	smul.u32 @!p0 $0xF7A, s2;
	p2 =	seq.s32 @!p0 s5, $0x0  }
0x1f: {  	s9 =	smul.u32 $0xF7A, s1;
	s8 =	simm.s32 @!p0 $0x1BF5;
	p2 =	por !p2, p0  }
0x20: {  	[sflag:s8] =	ssyncset.s32 @!p0 $0xFFFFF086;
	s6 =	sadd.s32 @!p0 s3, s7;
	s7 =	simm.s32 @!p0 $0x108  }
0x21: {  	s3 =	sadd.s32 s3, s9;
	s6 =	sadd.s32 @!p0 $0x88, s6;
	s7 =	simm.s32 @p2 $0x1082  }
0x22: {  	[simem:s7], [sflag:s8] =	dma.local @!p0 [hbm:s6], $0xF7A  }
0x23: {  	s9 =	sor.u32 $0xD0000000, s2;
	s6 =	simm.s32 $0x108;
	_ =	swait.ge @!p0 [sflag:s8], $0x0  }
0x24: {  	s3 =	sadd.s32 $0x88, s3;
	s6 =	simm.s32 @!p1 $0x1082;
	[sflag:s4] =	ssyncset.s32 $0xFFFFF086  }
0x25: {  	[simem:s6], [sflag:s4] =	dma.local [hbm:s3], $0xF7A  }
0x26: {  	[smem:$0x3F91] =	sst s1;
	(tag) =	ssettag s2;
	_ =	strace s9  }
0x27: {  	s1 =	sld [smem:$0x3FA1]  }
0x28: {  	s2 =	sld [smem:$0x3FA2]  }
0x29: {  	s4 =	sld [smem:$0x3FA4]  }
0x2a: {  	p0 =	seq.s32 s5, $0x0;
	s5 =	sld [smem:$0x3FA5]  }
0x2b: {  	s6 =	sld [smem:$0x3FA6]  }
0x2c: {  	s7 =	sld [smem:$0x3FA7]  }
0x2d: {  	s3 =	simm.s32 $0x108;
	s8 =	sld [smem:$0x3FA8]  }
0x2e: {  	s3 =	simm.s32 @!p0 $0x1082;
	s9 =	sld [smem:$0x3FA9]  }
0x2f: {  	lr =	sadd.s32 s0, s3;
	s0 =	sld [smem:$0x3FA0]  }
0x30: {  	s3 =	sld [smem:$0x3FA3]  }
0x31: {  	[smem:$0x3FAC] =	sst s10  }
0x32: {  	s10 =	sld [smem:$0x3FAA];
	_ =	sdelay $0x3  }
0x33: {  	p0 =	seq.s32 s10, $0x1;
	s10 =	sld [smem:$0x3FAC];
	_ =	sdelay $0x3  }
0x34: {  	[smem:$0x3FAC] =	sst s10  }
0x35: {  	s10 =	sld [smem:$0x3FAB];
	_ =	sdelay $0x3  }
0x36: {  	p1 =	seq.s32 s10, $0x1;
	s10 =	sld [smem:$0x3FAC];
	_ =	sdelay $0x3  }
0x37: {  	[smem:$0x3FAC] =	sst s10  }
0x38: {  	s10 =	sld [smem:$0x3FAD]  }
0x39: {  	_ = 	snop;
	(pc) =	sbr.ind lr, $3  }
0x3a: {  	_ = 	snop  }
0x3b: {  	_ = 	snop  }
0x3c: {  	p2 =	seq.s32 s10, $0x1;
	s10 =	sld [smem:$0x3FAC]  }
0x3d: {  	_ =	shalt  }
0x3e: {  	_ =	shalt  }
0x3f: {  	_ =	shalt  }
0x40: {  	_ =	shalt  }
0x41: {  	_ =	shalt  }
0x42: {  	_ =	shalt  }
0x43: {  	_ =	shalt  }
0x44: {  	_ =	shalt  }
0x45: {  	_ =	shalt  }
0x46: {  	_ =	shalt  }
0x47: {  	_ =	shalt  }
0x48: {  	_ =	shalt  }
0x49: {  	_ =	shalt  }
0x4a: {  	_ =	shalt  }
0x4b: {  	_ =	shalt  }
0x4c: {  	_ =	shalt  }
0x4d: {  	_ =	shalt  }
0x4e: {  	_ =	shalt  }
0x4f: {  	_ =	shalt  }
0x50: {  	_ =	shalt  }
0x51: {  	_ =	shalt  }
0x52: {  	_ =	shalt  }
0x53: {  	_ =	shalt  }
0x54: {  	_ =	shalt  }
0x55: {  	_ =	shalt  }
0x56: {  	_ =	shalt  }
0x57: {  	_ =	shalt  }
0x58: {  	_ =	shalt  }
0x59: {  	_ =	shalt  }
0x5a: {  	_ =	shalt  }
0x5b: {  	_ =	shalt  }
0x5c: {  	_ =	shalt  }
0x5d: {  	_ =	shalt  }
0x5e: {  	_ =	shalt  }
0x5f: {  	_ =	shalt  }
0x60: {  	_ =	shalt  }
0x61: {  	_ =	shalt  }
0x62: {  	_ =	shalt  }
0x63: {  	_ =	shalt  }
0x64: {  	_ =	shalt  }
0x65: {  	_ =	shalt  }
0x66: {  	_ =	shalt  }
0x67: {  	_ =	shalt  }
0x68: {  	_ =	shalt  }
0x69: {  	_ =	shalt  }
0x6a: {  	_ =	shalt  }
0x6b: {  	_ =	shalt  }
0x6c: {  	_ =	shalt  }
0x6d: {  	_ =	shalt  }
0x6e: {  	_ =	shalt  }
0x6f: {  	_ =	shalt  }
0x70: {  	_ =	shalt  }
0x71: {  	_ =	shalt  }
0x72: {  	_ =	shalt  }
0x73: {  	_ =	shalt  }
0x74: {  	_ =	shalt  }
0x75: {  	_ =	shalt  }
0x76: {  	_ =	shalt  }
0x77: {  	_ =	shalt  }
0x78: {  	_ =	shalt  }
0x79: {  	_ =	shalt  }
0x7a: {  	_ =	shalt  }
0x7b: {  	_ =	shalt  }
0x7c: {  	_ =	shalt  }
0x7d: {  	_ =	shalt  }
0x7e: {  	_ =	shalt  }
0x7f: {  	_ =	shalt  }
0x80: {  	_ =	shalt  }
0x81: {  	_ =	shalt  }
0x82: {  	_ =	shalt  }
0x83: {  	_ =	shalt  }
0x84: {  	_ =	shalt  }
0x85: {  	_ =	shalt  }
0x86: {  	_ =	shalt  }
0x87: {  	_ =	shalt  }
.Lfunc_end0:
.L_simem_size_0:
called_computation.3_lowered:
.L_overlay_start_0:
0x88: {  	s2 =	sld [smem:$0x3FD9]  }
0x89: {  	s3 =	sld [smem:$0x3FFE];
	_ =	sdelay $0x1  }
0x8a: {  	s1 =	srdreg.scid  }
0x8b: {  	s0 =	sand.u32 $0x1, s1  }
0x8c: {  	s17 =	sshll.u32 s0, $0xA;
	s2 =	sadd.s32 s3, s2  }
0x8d: {  	s2 =	sadd.s32 s2, s17  }
0x8e: {  	[smem:$0x3FB8] =	sst s2  }
0x8f: {  	_ = 	snop  }
0x90: {  	s2 =	sld [smem:$0x3FD0];
	(tm) =	ssettm $0x1  }
0x91: {  	s18 =	sld [smem:$0x3FFB];
	_ =	sdelay $0x3  }
0x92: {  	_ =	strace s18  }
0x93: {  	s3 =	sld [smem:$0x3FFC];
	_ =	sdelay $0x3  }
0x94: {  	_ =	strace s3  }
0x95: {  	s3 =	sld [smem:$0x3FFD];
	_ =	sdelay $0x3  }
0x96: {  	_ =	strace s3  }
0x97: {  	_ =	strace $0x8FFFFFFF  }
0x98: {  	s19 =	sld [smem:$0x3FDB];
	_ =	sdelay $0x1  }
0x99: {  	s4 =	simm.s32 $_scs_section_size  }
0x9a: {  	s5 =	simm.s32 $_size__tile_overlayer_lowered;
	s6 =	simm.s32 $_tile_overlayer_lowered  }
0x9b: {  	s22 =	simm.s32 $0x1BFF;
	s21 =	sshll.u32 s6, $0x1;
	s3 =	sadd.s32 s4, s19  }
0x9c: {  	s7 =	simm.s32 $0x0;
	s20 =	sshll.u32 s5, $0x1;
	s5 =	sadd.s32 s21, s3  }
0x9d: {  	[timem:s7], [sflag:s22] =	dma.local [hbm:s5], s20  }
0x9e: {  	_ =	swait.ge [sflag:s22], s20  }
0x9f: {  	s4 =	ssub.s32 $0x0, s20;
	[sflag:s22] =	ssyncset.done $0x0  }
0xa0: {  	[sflag:s22] =	ssyncadd.s32 s4;
	_ =	sdelay $0x1  }
0xa1: {  	s23 =	simm.s32 $0x1B8B  }
0xa2: {  	_ =	swait.ge [sflag:s23], $0x1  }
0xa3: {  	[sflag:s23] =	ssyncset.done $0x0  }
0xa4: {  	s25 =	simm.s32 $0x1B8E;
	s24 =	sld [smem:$0x3FFE];
	[sflag:s23] =	ssyncadd.s32 $0xFFFFFFFF  }
0xa5: {  	s26 =	simm.s32 $execute0_lowered;
	[smem:$0x3FD2] =	sst s25  }
0xa6: {  	s5 =	sshll.u32 s26, $0x1;
	_ =	strace $0x8000004C;
	[dreg:$0x1] =	wrdreg $0xFFFFFFFF  }
0xa7: {  	s28 =	simm.s32 $_size_execute0_lowered;
	s3 =	sadd.s32 s3, s5;
	[dreg:$0x0] =	wrdreg $0x0  }
0xa8: {  	s5 =	sshll.u32 s28, $0x1;
	[dreg:$0x2] =	wrdreg s3  }
0xa9: {  	[dreg:$0x3] =	wrdreg s5  }
0xaa: {  	[dreg:$0x4] =	wrdreg $0xC0  }
0xab: {  	_ =	task [dreg:s7], $0x5FFFF  }
0xac: {  	[dreg:$0x1] =	wrdreg $0xFFFFFFFF  }
0xad: {  	[dreg:$0x0] =	wrdreg $0x60  }
0xae: {  	[dreg:$0x2] =	wrdreg s24  }
0xaf: {  	[dreg:$0x3] =	wrdreg s2  }
0xb0: {  	[dreg:$0x4] =	wrdreg $0xA  }
0xb1: {  	_ =	task.clear_ibuf [dreg:s7], $0x5FFFF;
	_ =	strace $0x9000004C  }
0xb2: {  	s29 =	simm.s32 $0xA;
	_ =	strace $0x8000004E  }
0xb3: {  	_ =	swait.ge [sflag:s29], $0x1  }
0xb4: {  	[sflag:s29] =	ssyncadd.s32 $0xFFFFFFFF  }
0xb5: {  	_ =	strace $0x9000004E  }
0xb6: {  	_ =	sfence  }
0xb7: {  	s30 =	sld [smem:$0x0];
	_ =	sdelay $0x2  }
0xb8: {  	s31 =	sshll.u32 s1, $0xD;
	s1 =	sshrl.u32 s1, $0x2  }
0xb9: {  	s3 =	sand.u32 $0x4000, s31;
	s1 =	sadd.s32 s1, s30  }
0xba: {  	s0 =	sor.u32 s3, s0;
	s1 =	sshll.u32 s1, $0x11  }
0xbb: {  	s0 =	sor.u32 s1, s0  }
0xbc: {  	s0 =	sadd.s32 $0x8F2B, s0  }
0xbd: {  	[sflag:s0] =	ssyncadd.remote.s32 $0x1  }
0xbe: {  	_ =	sfence.sel $0xFFFF  }
0xbf: {  	[dreg:$0x0] =	wrdreg $0xFFFFFFFF;
	(pc) =	sbr.abs _section_cstart, $3  }
0xc0: {  	[dreg:$0x1] =	wrdreg $0xFFFFFFFF  }
0xc1: {  	_ =	task.clear_ibuf [dreg:s7], $0x2FFFF;
	_ =	strace $0x9FFFFFFF  }
0xc2: {  	(tm) =	ssettm $0x7FFFFFFF  }
0xc3: {  	_ =	shalt  }
tec
execute0_lowered:
.L_overlay_start_1:
0x0: {  	(tag) =	ssettag $0x1  }
0x1: {  	s1 =	srdreg.scid;
	s0 =	stileid.u32  }
0x2: {  	s10 =	rddreg [dreg:$0x0];
	s14 =	sand.u32 $0x1, s1;
	s30 =	sshll.u32 s0, $0x1  }
0x3: {  	s3 =	rddreg [dreg:$0x1];
	s11 =	sor.u32 s14, s30  }
0x4: {  	s2 =	simm.s32 $0x0;
	s1 =	rddreg [dreg:$0x2];
	s4 =	smul.u32 $0x90, s11  }
0x5: {  	[smem:$0x7FF] =	sst s2  }
0x6: {  	_ =	strace $0x8000004D;
	s4 =	sadd.s32 s3, s4;
	s3 =	simm.s32 $0x3  }
0x7: {  	[tilespmem:s2], [sflag:$0x3] =	stream.linear.gather [hbm4b:s4+s2], $0x480, $0x38;
	[tilespmem:$0x18480] =	vst v63  }
0x8: {  	_ =	swait.ge [sflag:s3], $0x480  }
0x9: {  	s6 =	simm.s32 $0x180;
	[sflag:s3] =	ssyncset.done $0x0  }
0xa: {  	s7 =	simm.s32 $0x480;
	s5 =	sadd.s32 $0xBA200, s10;
	[sflag:s3] =	ssyncadd.s32 $0xFFFFFB80  }
0xb: {  	[tilespmem:s7], [sflag:$0x1] =	stream.indirect.gather [hbm4b:s5+s6], $0x80, s2, s6, $0xb8;
	[tilespmem:$0x18480] =	vst v63  }
0xc: {  	s8 =	simm.s32 $0xC480;
	s9 =	simm.s32 $0x1  }
0xd: {  	[tilespmem:s8], [sflag:$0x2] =	stream.indirect.gather [hbm4b:s5+s6], $0x80, s6, s6, $0xb8;
	[tilespmem:$0x18480] =	vst v63  }
0xe: {  	s12 =	smul.u32 $0x4800, s11;
	_ =	swait.ge [sflag:s9], $0xC000  }
0xf: {  	s13 =	sadd.s32 $0x5000, s10;
	[sflag:s9] =	ssyncset.done $0x0  }
0x10: {  	s10 =	sadd.s32 s13, s12;
	[sflag:s9] =	ssyncadd.s32 $0xFFFF4000  }
0x11: {  	[hbm4b:s10+s2] =	stream.linear.scatter [tilespmem:s7], [sflag:$0x3], $0xC000, $0x38;
	[tilespmem:$0x18480] =	vst v63  }
0x12: {  	_ =	swait.ge [sflag:s3], $0xC000  }
0x13: {  	s15 =	smul.u32 $0x24000, s11;
	[sflag:s3] =	ssyncset.done $0x0  }
0x14: {  	s11 =	simm.s32 $0x300;
	s12 =	simm.s32 $0x2;
	[sflag:s3] =	ssyncadd.s32 $0xFFFF4000  }
0x15: {  	[tilespmem:s7], [sflag:$0x1] =	stream.indirect.gather [hbm4b:s5+s6], $0x80, s11, s6, $0xb8;
	[tilespmem:$0x18480] =	vst v63  }
0x16: {  	s15 =	sshrl.u32 s15, $0x3;
	_ =	swait.ge [sflag:s12], $0xC000  }
0x17: {  	s15 =	sadd.s32 s13, s15;
	[sflag:s12] =	ssyncset.done $0x0  }
0x18: {  	s14 =	ssub.s32 $0x2, s14;
	s13 =	sadd.s32 $0x1800, s15;
	[sflag:s12] =	ssyncadd.s32 $0xFFFF4000  }
0x19: {  	[hbm4b:s13+s2] =	stream.linear.scatter [tilespmem:s8], [sflag:$0x3], $0xC000, $0x38;
	[tilespmem:$0x18480] =	vst v63  }
0x1a: {  	s16 =	sshrl.u32 s14, $0x1;
	_ =	swait.ge [sflag:s3], $0xC000  }
0x1b: {  	s16 =	ssub.s32 s14, s16;
	[sflag:s3] =	ssyncset.done $0x0  }
0x1c: {  	s31 =	smax.u32 s16, $0x1;
	[sflag:s3] =	ssyncadd.s32 $0xFFFF4000  }
0x1d: {  	p0 =	sne.s32 s31, $0x1;
	_ =	swait.ge [sflag:s9], $0xC000  }
.Ltmp0:
0x1e: {  	[sflag:s9] =	ssyncset.done $0x0;
	(pc) =	sbr.rel @!p0 .LBB2_2-.Ltmp0, $4  }
0x1f: {  	s14 =	sadd.s32 $0x3000, s15;
	[sflag:s9] =	ssyncadd.s32 $0xFFFF4000  }
0x20: {  	[hbm4b:s14+s2] =	stream.linear.scatter [tilespmem:s7], [sflag:$0x3], $0xC000, $0x38;
	[tilespmem:$0x18480] =	vst v63  }
0x21: {  	_ =	swait.ge [sflag:s3], $0xC000  }
0x22: {  	s15 =	sadd.s32 $0xFFFFFFFF, s31;
	[sflag:s3] =	ssyncset.done $0x0  }
.LBB2_1:
0x23: {  	p0 =	sne.s32 s15, $0x1;
	s15 =	sadd.s32 $0xFFFFFFFF, s15;
	[sflag:s3] =	ssyncadd.s32 $0xFFFF4000  }
0x24: {  	[tilespmem:s2], [sflag:$0x3] =	stream.linear.gather [hbm4b:s4+s2], $0x480, $0x38;
	[tilespmem:$0x18480] =	vst v63  }
0x25: {  	_ =	swait.ge [sflag:s3], $0x480  }
0x26: {  	[sflag:s3] =	ssyncset.done $0x0  }
0x27: {  	[sflag:s3] =	ssyncadd.s32 $0xFFFFFB80  }
0x28: {  	[tilespmem:s7], [sflag:$0x1] =	stream.indirect.gather [hbm4b:s5+s6], $0x80, s2, s6, $0xb8;
	[tilespmem:$0x18480] =	vst v63  }
0x29: {  	_ = 	snop  }
0x2a: {  	[tilespmem:s8], [sflag:$0x2] =	stream.indirect.gather [hbm4b:s5+s6], $0x80, s6, s6, $0xb8;
	[tilespmem:$0x18480] =	vst v63  }
0x2b: {  	_ =	swait.ge [sflag:s9], $0xC000  }
0x2c: {  	[sflag:s9] =	ssyncset.done $0x0  }
0x2d: {  	[sflag:s9] =	ssyncadd.s32 $0xFFFF4000  }
0x2e: {  	[hbm4b:s10+s2] =	stream.linear.scatter [tilespmem:s7], [sflag:$0x3], $0xC000, $0x38;
	[tilespmem:$0x18480] =	vst v63  }
0x2f: {  	_ =	swait.ge [sflag:s3], $0xC000  }
0x30: {  	[sflag:s3] =	ssyncset.done $0x0  }
0x31: {  	[sflag:s3] =	ssyncadd.s32 $0xFFFF4000  }
0x32: {  	[tilespmem:s7], [sflag:$0x1] =	stream.indirect.gather [hbm4b:s5+s6], $0x80, s11, s6, $0xb8;
	[tilespmem:$0x18480] =	vst v63  }
0x33: {  	_ =	swait.ge [sflag:s12], $0xC000  }
0x34: {  	[sflag:s12] =	ssyncset.done $0x0  }
0x35: {  	[sflag:s12] =	ssyncadd.s32 $0xFFFF4000  }
0x36: {  	[hbm4b:s13+s2] =	stream.linear.scatter [tilespmem:s8], [sflag:$0x3], $0xC000, $0x38;
	[tilespmem:$0x18480] =	vst v63  }
0x37: {  	_ =	swait.ge [sflag:s3], $0xC000  }
0x38: {  	[sflag:s3] =	ssyncset.done $0x0  }
0x39: {  	[sflag:s3] =	ssyncadd.s32 $0xFFFF4000  }
0x3a: {  	_ =	swait.ge [sflag:s9], $0xC000  }
.Ltmp1:
0x3b: {  	[sflag:s9] =	ssyncset.done $0x0;
	(pc) =	sbr.rel @p0 .LBB2_1-.Ltmp1, $4  }
0x3c: {  	[sflag:s9] =	ssyncadd.s32 $0xFFFF4000  }
0x3d: {  	[hbm4b:s14+s2] =	stream.linear.scatter [tilespmem:s7], [sflag:$0x3], $0xC000, $0x38;
	[tilespmem:$0x18480] =	vst v63  }
0x3e: {  	_ =	swait.ge [sflag:s3], $0xC000  }
0x3f: {  	[sflag:s3] =	ssyncset.done $0x0  }
.LBB2_2:
0x40: {  	[sflag:s3] =	ssyncadd.s32 $0xFFFF4000  }
0x41: {  	_ =	sfence.sel $0x180000  }
0x42: {  	[bflag:$0x0] =	sbarrier.arrive $0xFFFF  }
0x43: {  	p0 =	sne.s32 s0, $0x0;
	_ =	strace $0x9000004D  }
0x44: {  	s0 =	sadd.s32 @!p0 $0x100000, s1;
	[bflag:$0x2] =	sbarrier.arrive $0xFFFF  }
0x45: {  	[sflag:s0] =	ssyncadd.tile.s32 @!p0 $0x1;
	_ =	shalt  }
.Lfunc_end2:
_tile_overlayer_lowered:
.L_overlay_start_2:
0x46: {  	(tag) =	ssettag $0x2  }
0x47: {  	s0 =	rddreg [dreg:$0x0];
	s2 =	stileid.u32  }
0x48: {  	s1 =	rddreg [dreg:$0x1];
	p0 =	sne.s32 s2, $0x0  }
0x49: {  	s3 =	rddreg [dreg:$0x2];
	[bflag:$0x3] =	sbarrier.arrive $0xFFFF;
	s2 =	simm.s32 @!p0 $0x1C03  }
0x4a: {  	[timem:s3], [sflag:s2] =	dma.local @!p0 [hbm:s0], s1  }
0x4b: {  	s0 =	simm.s32 @!p0 $0x3  }
0x4c: {  	_ =	swait.ge @!p0 [sflag:s0], s1  }
0x4d: {  	s1 =	ssub.s32 @!p0 $0x0, s1;
	[sflag:s0] =	ssyncset.done @!p0 $0x0  }
0x4e: {  	[sflag:s0] =	ssyncadd.s32 @!p0 s1  }
0x4f: {  	[bflag:$0x3] =	sbarrier.arrive $0xFFFF  }
0x50: {  	_ =	shalt  }

// kernel: kernel.29.cloned.1.call-start
scs
__scs_entry_jumppad:
0x0: {  	(pc) =	sbr.rel $0x88, $3  }
0x1: {  	(tag) =	ssettag $0x0;
	lr =	simm.s32 $0x1  }
0x2: {  	[smem:$0x3F91] =	sst lr;
	_ =	strace $0xD0000000  }
0x3: {  	_ = 	snop  }
0x4: {  	_ = 	snop  }
0x5: {  	_ = 	snop  }
0x6: {  	_ = 	snop  }
0x7: {  	_ = 	snop  }
__scs_overlays_trampoline_lowered:
0x8: {  	[smem:$0x3FA0] =	sst s0  }
0x9: {  	[smem:$0x3FA1] =	sst s1  }
0xa: {  	[smem:$0x3FA2] =	sst s2  }
0xb: {  	[smem:$0x3FA3] =	sst s3  }
0xc: {  	[smem:$0x3FA4] =	sst s4  }
0xd: {  	[smem:$0x3FA5] =	sst s5  }
0xe: {  	[smem:$0x3FA6] =	sst s6  }
0xf: {  	[smem:$0x3FA7] =	sst s7  }
0x10: {  	[smem:$0x3FA8] =	sst s8  }
0x11: {  	[smem:$0x3FA9] =	sst s9;
	s0 =	simm.s32 @!p0 $0x0  }
0x12: {  	s1 =	sld [smem:$0x3F8F];
	s0 =	simm.s32 @p0 $0x1  }
0x13: {  	[smem:$0x3FAA] =	sst s0;
	s0 =	simm.s32 @!p1 $0x0  }
0x14: {  	s2 =	sld [smem:$0x3F8E];
	s0 =	simm.s32 @p1 $0x1  }
0x15: {  	[smem:$0x3FAB] =	sst s0;
	s0 =	simm.s32 @!p2 $0x0  }
0x16: {  	s3 =	sld [smem:$0x3FDB];
	s0 =	simm.s32 @p2 $0x1  }
0x17: {  	s4 =	simm.s32 $0x1BF5;
	[smem:$0x3FAD] =	sst s0  }
0x18: {  	s0 =	sld [smem:$0x3F90];
	_ =	swait.ge [sflag:s4], $0x0  }
0x19: {  	s7 =	sld [smem:$0x3F91]  }
0x1a: {  	s8 =	sadd.s32 $0xFFFFE003, lr  }
0x1b: {  	s9 =	sadd.s32 $0xFFFFFEF7, lr;
	s5 =	simm.s32 $0xFFFFFFFF;
	p2 =	slt.u32 s8, $0xFFFFF086  }
0x1c: {  	p1 =	slt.u32 s9, $0xF7A;
	s5 =	simm.s32 @!p2 $0x0  }
0x1d: {  	s5 =	simm.s32 @p1 $0x1;
	p0 =	seq.s32 s7, s2  }
0x1e: {  	s7 =	smul.u32 @!p0 $0xF7A, s2;
	p2 =	seq.s32 @!p0 s5, $0x0  }
0x1f: {  	s9 =	smul.u32 $0xF7A, s1;
	s8 =	simm.s32 @!p0 $0x1BF5;
	p2 =	por !p2, p0  }
0x20: {  	[sflag:s8] =	ssyncset.s32 @!p0 $0xFFFFF086;
	s6 =	sadd.s32 @!p0 s3, s7;
	s7 =	simm.s32 @!p0 $0x108  }
0x21: {  	s3 =	sadd.s32 s3, s9;
	s6 =	sadd.s32 @!p0 $0x88, s6;
	s7 =	simm.s32 @p2 $0x1082  }
0x22: {  	[simem:s7], [sflag:s8] =	dma.local @!p0 [hbm:s6], $0xF7A  }
0x23: {  	s9 =	sor.u32 $0xD0000000, s2;
	s6 =	simm.s32 $0x108;
	_ =	swait.ge @!p0 [sflag:s8], $0x0  }
0x24: {  	s3 =	sadd.s32 $0x88, s3;
	s6 =	simm.s32 @!p1 $0x1082;
	[sflag:s4] =	ssyncset.s32 $0xFFFFF086  }
0x25: {  	[simem:s6], [sflag:s4] =	dma.local [hbm:s3], $0xF7A  }
0x26: {  	[smem:$0x3F91] =	sst s1;
	(tag) =	ssettag s2;
	_ =	strace s9  }
0x27: {  	s1 =	sld [smem:$0x3FA1]  }
0x28: {  	s2 =	sld [smem:$0x3FA2]  }
0x29: {  	s4 =	sld [smem:$0x3FA4]  }
0x2a: {  	p0 =	seq.s32 s5, $0x0;
	s5 =	sld [smem:$0x3FA5]  }
0x2b: {  	s6 =	sld [smem:$0x3FA6]  }
0x2c: {  	s7 =	sld [smem:$0x3FA7]  }
0x2d: {  	s3 =	simm.s32 $0x108;
	s8 =	sld [smem:$0x3FA8]  }
0x2e: {  	s3 =	simm.s32 @!p0 $0x1082;
	s9 =	sld [smem:$0x3FA9]  }
0x2f: {  	lr =	sadd.s32 s0, s3;
	s0 =	sld [smem:$0x3FA0]  }
0x30: {  	s3 =	sld [smem:$0x3FA3]  }
0x31: {  	[smem:$0x3FAC] =	sst s10  }
0x32: {  	s10 =	sld [smem:$0x3FAA];
	_ =	sdelay $0x3  }
0x33: {  	p0 =	seq.s32 s10, $0x1;
	s10 =	sld [smem:$0x3FAC];
	_ =	sdelay $0x3  }
0x34: {  	[smem:$0x3FAC] =	sst s10  }
0x35: {  	s10 =	sld [smem:$0x3FAB];
	_ =	sdelay $0x3  }
0x36: {  	p1 =	seq.s32 s10, $0x1;
	s10 =	sld [smem:$0x3FAC];
	_ =	sdelay $0x3  }
0x37: {  	[smem:$0x3FAC] =	sst s10  }
0x38: {  	s10 =	sld [smem:$0x3FAD]  }
0x39: {  	_ = 	snop;
	(pc) =	sbr.ind lr, $3  }
0x3a: {  	_ = 	snop  }
0x3b: {  	_ = 	snop  }
0x3c: {  	p2 =	seq.s32 s10, $0x1;
	s10 =	sld [smem:$0x3FAC]  }
0x3d: {  	_ =	shalt  }
0x3e: {  	_ =	shalt  }
0x3f: {  	_ =	shalt  }
0x40: {  	_ =	shalt  }
0x41: {  	_ =	shalt  }
0x42: {  	_ =	shalt  }
0x43: {  	_ =	shalt  }
0x44: {  	_ =	shalt  }
0x45: {  	_ =	shalt  }
0x46: {  	_ =	shalt  }
0x47: {  	_ =	shalt  }
0x48: {  	_ =	shalt  }
0x49: {  	_ =	shalt  }
0x4a: {  	_ =	shalt  }
0x4b: {  	_ =	shalt  }
0x4c: {  	_ =	shalt  }
0x4d: {  	_ =	shalt  }
0x4e: {  	_ =	shalt  }
0x4f: {  	_ =	shalt  }
0x50: {  	_ =	shalt  }
0x51: {  	_ =	shalt  }
0x52: {  	_ =	shalt  }
0x53: {  	_ =	shalt  }
0x54: {  	_ =	shalt  }
0x55: {  	_ =	shalt  }
0x56: {  	_ =	shalt  }
0x57: {  	_ =	shalt  }
0x58: {  	_ =	shalt  }
0x59: {  	_ =	shalt  }
0x5a: {  	_ =	shalt  }
0x5b: {  	_ =	shalt  }
0x5c: {  	_ =	shalt  }
0x5d: {  	_ =	shalt  }
0x5e: {  	_ =	shalt  }
0x5f: {  	_ =	shalt  }
0x60: {  	_ =	shalt  }
0x61: {  	_ =	shalt  }
0x62: {  	_ =	shalt  }
0x63: {  	_ =	shalt  }
0x64: {  	_ =	shalt  }
0x65: {  	_ =	shalt  }
0x66: {  	_ =	shalt  }
0x67: {  	_ =	shalt  }
0x68: {  	_ =	shalt  }
0x69: {  	_ =	shalt  }
0x6a: {  	_ =	shalt  }
0x6b: {  	_ =	shalt  }
0x6c: {  	_ =	shalt  }
0x6d: {  	_ =	shalt  }
0x6e: {  	_ =	shalt  }
0x6f: {  	_ =	shalt  }
0x70: {  	_ =	shalt  }
0x71: {  	_ =	shalt  }
0x72: {  	_ =	shalt  }
0x73: {  	_ =	shalt  }
0x74: {  	_ =	shalt  }
0x75: {  	_ =	shalt  }
0x76: {  	_ =	shalt  }
0x77: {  	_ =	shalt  }
0x78: {  	_ =	shalt  }
0x79: {  	_ =	shalt  }
0x7a: {  	_ =	shalt  }
0x7b: {  	_ =	shalt  }
0x7c: {  	_ =	shalt  }
0x7d: {  	_ =	shalt  }
0x7e: {  	_ =	shalt  }
0x7f: {  	_ =	shalt  }
0x80: {  	_ =	shalt  }
0x81: {  	_ =	shalt  }
0x82: {  	_ =	shalt  }
0x83: {  	_ =	shalt  }
0x84: {  	_ =	shalt  }
0x85: {  	_ =	shalt  }
0x86: {  	_ =	shalt  }
0x87: {  	_ =	shalt  }
.Lfunc_end0:
.L_simem_size_0:
called_computation.4_lowered:
.L_overlay_start_0:
0x88: {  	s2 =	sld [smem:$0x3FD9]  }
0x89: {  	s3 =	sld [smem:$0x3FFE];
	_ =	sdelay $0x1  }
0x8a: {  	s1 =	srdreg.scid  }
0x8b: {  	s0 =	sand.u32 $0x1, s1  }
0x8c: {  	s17 =	sshll.u32 s0, $0xA;
	s2 =	sadd.s32 s3, s2  }
0x8d: {  	s2 =	sadd.s32 s2, s17  }
0x8e: {  	[smem:$0x3FB8] =	sst s2  }
0x8f: {  	_ = 	snop  }
0x90: {  	(tm) =	ssettm $0x1  }
0x91: {  	s18 =	sld [smem:$0x3FFB];
	_ =	sdelay $0x3  }
0x92: {  	_ =	strace s18  }
0x93: {  	s2 =	sld [smem:$0x3FFC];
	_ =	sdelay $0x3  }
0x94: {  	_ =	strace s2  }
0x95: {  	s2 =	sld [smem:$0x3FFD];
	_ =	sdelay $0x3  }
0x96: {  	_ =	strace s2  }
0x97: {  	_ =	strace $0x8FFFFFFF  }
0x98: {  	s19 =	sld [smem:$0x3FDB];
	_ =	sdelay $0x1  }
0x99: {  	s20 =	simm.s32 $_scs_section_size  }
0x9a: {  	s4 =	simm.s32 $_size__tile_overlayer_lowered;
	s5 =	simm.s32 $_tile_overlayer_lowered  }
0x9b: {  	s6 =	simm.s32 $0x1BFF;
	s21 =	sshll.u32 s5, $0x1;
	s3 =	sadd.s32 s20, s19  }
0x9c: {  	s22 =	simm.s32 $0x0;
	s4 =	sshll.u32 s4, $0x1;
	s5 =	sadd.s32 s21, s3  }
0x9d: {  	[timem:s22], [sflag:s6] =	dma.local [hbm:s5], s4  }
0x9e: {  	_ =	swait.ge [sflag:s6], s4  }
0x9f: {  	s4 =	ssub.s32 $0x0, s4;
	[sflag:s6] =	ssyncset.done $0x0  }
0xa0: {  	[sflag:s6] =	ssyncadd.s32 s4;
	_ =	sdelay $0x1  }
0xa1: {  	s23 =	simm.s32 $0x1B8B  }
0xa2: {  	_ =	swait.ge [sflag:s23], $0x1  }
0xa3: {  	[sflag:s23] =	ssyncset.done $0x0  }
0xa4: {  	[sflag:s23] =	ssyncadd.s32 $0xFFFFFFFF  }
0xa5: {  	s4 =	sld [smem:$0x0]  }
0xa6: {  	s5 =	sand.u32 $0xFFFFFFFE, s1  }
0xa7: {  	p0 =	sne.s32 s1, s5  }
0xa8: {  	s5 =	sshll.u32 @p0 s5, $0xE  }
0xa9: {  	s5 =	sadd.s32 @p0 $0x11B8D, s5;
	s6 =	sshll.u32 @p0 s4, $0x11  }
0xaa: {  	s5 =	sor.u32 @p0 s6, s5  }
0xab: {  	[sflag:s5] =	ssyncadd.remote.s32 @p0 $0x1;
	_ =	sdelay $0x1  }
0xac: {  	s5 =	simm.s32 @p0 $0x1B8D  }
0xad: {  	_ =	swait.eq @p0 [sflag:s5], $0x1  }
0xae: {  	[sflag:s5] =	ssyncadd.s32 @p0 $0xFFFFFFFF  }
0xaf: {  	s6 =	sshll.u32 @!p0 s1, $0xE  }
0xb0: {  	s6 =	sor.u32 @!p0 $0x4000, s6;
	s5 =	simm.s32 @!p0 $0x1B8D  }
0xb1: {  	s4 =	sshll.u32 @!p0 s4, $0x11;
	s6 =	sadd.s32 @!p0 $0x11B8D, s6;
	_ =	swait.eq @!p0 [sflag:s5], $0x1  }
0xb2: {  	s4 =	sor.u32 @!p0 s4, s6;
	[sflag:s5] =	ssyncadd.s32 @!p0 $0xFFFFFFFF  }
0xb3: {  	s25 =	simm.s32 $0x1B8E;
	s24 =	sld [smem:$0x3FFE];
	[sflag:s4] =	ssyncadd.remote.s32 @!p0 $0x1  }
0xb4: {  	s26 =	simm.s32 $execute0_lowered;
	[smem:$0x3FD2] =	sst s25  }
0xb5: {  	s5 =	sshll.u32 s26, $0x1;
	_ =	strace $0x80000055;
	[dreg:$0x1] =	wrdreg $0xFFFFFFFF  }
0xb6: {  	s28 =	simm.s32 $_size_execute0_lowered;
	s3 =	sadd.s32 s3, s5;
	[dreg:$0x0] =	wrdreg $0x0  }
0xb7: {  	s5 =	sshll.u32 s28, $0x1;
	[dreg:$0x2] =	wrdreg s3  }
0xb8: {  	[dreg:$0x3] =	wrdreg s5  }
0xb9: {  	[dreg:$0x4] =	wrdreg $0xC0  }
0xba: {  	_ =	task [dreg:s22], $0x5FFFF  }
0xbb: {  	[dreg:$0x1] =	wrdreg $0xFFFFFFFF  }
0xbc: {  	[dreg:$0x0] =	wrdreg $0x60  }
0xbd: {  	[dreg:$0x2] =	wrdreg s24  }
0xbe: {  	[dreg:$0x3] =	wrdreg $0x9  }
0xbf: {  	_ =	task.clear_ibuf [dreg:s22], $0x4FFFF;
	_ =	strace $0x90000055  }
0xc0: {  	s29 =	simm.s32 $0x9;
	_ =	strace $0x80000057  }
0xc1: {  	_ =	swait.ge [sflag:s29], $0x1  }
0xc2: {  	[sflag:s29] =	ssyncadd.s32 $0xFFFFFFFF  }
0xc3: {  	_ =	strace $0x90000057  }
0xc4: {  	_ =	sfence  }
0xc5: {  	s30 =	sld [smem:$0x0];
	_ =	sdelay $0x2  }
0xc6: {  	s31 =	sshll.u32 s1, $0xD;
	s1 =	sshrl.u32 s1, $0x2  }
0xc7: {  	s4 =	sand.u32 $0x4000, s31;
	s1 =	sadd.s32 s1, s30  }
0xc8: {  	s0 =	sor.u32 s4, s0;
	s1 =	sshll.u32 s1, $0x11  }
0xc9: {  	s0 =	sor.u32 s1, s0  }
0xca: {  	s0 =	sadd.s32 $0x8F2B, s0  }
0xcb: {  	[sflag:s0] =	ssyncadd.remote.s32 $0x1  }
0xcc: {  	_ =	sfence.sel $0xFFFF  }
0xcd: {  	[dreg:$0x0] =	wrdreg $0xFFFFFFFF;
	(pc) =	sbr.abs _section_cstart, $3  }
0xce: {  	[dreg:$0x1] =	wrdreg $0xFFFFFFFF  }
0xcf: {  	_ =	task.clear_ibuf [dreg:s22], $0x2FFFF;
	_ =	strace $0x9FFFFFFF  }
0xd0: {  	(tm) =	ssettm $0x7FFFFFFF  }
0xd1: {  	_ =	shalt  }
tec
execute0_lowered:
.L_overlay_start_1:
0x0: {  	(tag) =	ssettag $0x1  }
0x1: {  	s1 =	srdreg.scid;
	s0 =	stileid.u32  }
0x2: {  	s14 =	sand.u32 $0x1, s1;
	s30 =	sshll.u32 s0, $0x1  }
0x3: {  	s11 =	sor.u32 s14, s30  }
0x4: {  	s10 =	rddreg [dreg:$0x0];
	s3 =	smul.u32 $0x90, s11  }
0x5: {  	s2 =	simm.s32 $0x0;
	s1 =	rddreg [dreg:$0x1]  }
0x6: {  	[smem:$0x7FF] =	sst s2;
	s3 =	sadd.s32 s3, s10  }
0x7: {  	_ =	strace $0x80000056;
	s4 =	sadd.s32 $0xB9000, s3;
	s3 =	simm.s32 $0x3  }
0x8: {  	[tilespmem:s2], [sflag:$0x3] =	stream.linear.gather [hbm4b:s4+s2], $0x480, $0x38;
	[tilespmem:$0x18480] =	vst v63  }
0x9: {  	_ =	swait.ge [sflag:s3], $0x480  }
0xa: {  	s6 =	simm.s32 $0x180;
	[sflag:s3] =	ssyncset.done $0x0  }
0xb: {  	s7 =	simm.s32 $0x480;
	s5 =	sadd.s32 $0xBA200, s10;
	[sflag:s3] =	ssyncadd.s32 $0xFFFFFB80  }
0xc: {  	[tilespmem:s7], [sflag:$0x1] =	stream.indirect.gather [hbm4b:s5+s6], $0x80, s2, s6, $0xb8;
	[tilespmem:$0x18480] =	vst v63  }
0xd: {  	s8 =	simm.s32 $0xC480;
	s9 =	simm.s32 $0x1  }
0xe: {  	[tilespmem:s8], [sflag:$0x2] =	stream.indirect.gather [hbm4b:s5+s6], $0x80, s6, s6, $0xb8;
	[tilespmem:$0x18480] =	vst v63  }
0xf: {  	s12 =	smul.u32 $0x4800, s11;
	_ =	swait.ge [sflag:s9], $0xC000  }
0x10: {  	s13 =	sadd.s32 $0x14A800, s10;
	[sflag:s9] =	ssyncset.done $0x0  }
0x11: {  	s10 =	sadd.s32 s13, s12;
	[sflag:s9] =	ssyncadd.s32 $0xFFFF4000  }
0x12: {  	[hbm4b:s10+s2] =	stream.linear.scatter [tilespmem:s7], [sflag:$0x3], $0xC000, $0x38;
	[tilespmem:$0x18480] =	vst v63  }
0x13: {  	_ =	swait.ge [sflag:s3], $0xC000  }
0x14: {  	s15 =	smul.u32 $0x24000, s11;
	[sflag:s3] =	ssyncset.done $0x0  }
0x15: {  	s11 =	simm.s32 $0x300;
	s12 =	simm.s32 $0x2;
	[sflag:s3] =	ssyncadd.s32 $0xFFFF4000  }
0x16: {  	[tilespmem:s7], [sflag:$0x1] =	stream.indirect.gather [hbm4b:s5+s6], $0x80, s11, s6, $0xb8;
	[tilespmem:$0x18480] =	vst v63  }
0x17: {  	s15 =	sshrl.u32 s15, $0x3;
	_ =	swait.ge [sflag:s12], $0xC000  }
0x18: {  	s15 =	sadd.s32 s13, s15;
	[sflag:s12] =	ssyncset.done $0x0  }
0x19: {  	s14 =	ssub.s32 $0x2, s14;
	s13 =	sadd.s32 $0x1800, s15;
	[sflag:s12] =	ssyncadd.s32 $0xFFFF4000  }
0x1a: {  	[hbm4b:s13+s2] =	stream.linear.scatter [tilespmem:s8], [sflag:$0x3], $0xC000, $0x38;
	[tilespmem:$0x18480] =	vst v63  }
0x1b: {  	s16 =	sshrl.u32 s14, $0x1;
	_ =	swait.ge [sflag:s3], $0xC000  }
0x1c: {  	s16 =	ssub.s32 s14, s16;
	[sflag:s3] =	ssyncset.done $0x0  }
0x1d: {  	s31 =	smax.u32 s16, $0x1;
	[sflag:s3] =	ssyncadd.s32 $0xFFFF4000  }
0x1e: {  	p0 =	sne.s32 s31, $0x1;
	_ =	swait.ge [sflag:s9], $0xC000  }
.Ltmp0:
0x1f: {  	[sflag:s9] =	ssyncset.done $0x0;
	(pc) =	sbr.rel @!p0 .LBB2_2-.Ltmp0, $4  }
0x20: {  	s14 =	sadd.s32 $0x3000, s15;
	[sflag:s9] =	ssyncadd.s32 $0xFFFF4000  }
0x21: {  	[hbm4b:s14+s2] =	stream.linear.scatter [tilespmem:s7], [sflag:$0x3], $0xC000, $0x38;
	[tilespmem:$0x18480] =	vst v63  }
0x22: {  	_ =	swait.ge [sflag:s3], $0xC000  }
0x23: {  	s15 =	sadd.s32 $0xFFFFFFFF, s31;
	[sflag:s3] =	ssyncset.done $0x0  }
.LBB2_1:
0x24: {  	p0 =	sne.s32 s15, $0x1;
	s15 =	sadd.s32 $0xFFFFFFFF, s15;
	[sflag:s3] =	ssyncadd.s32 $0xFFFF4000  }
0x25: {  	[tilespmem:s2], [sflag:$0x3] =	stream.linear.gather [hbm4b:s4+s2], $0x480, $0x38;
	[tilespmem:$0x18480] =	vst v63  }
0x26: {  	_ =	swait.ge [sflag:s3], $0x480  }
0x27: {  	[sflag:s3] =	ssyncset.done $0x0  }
0x28: {  	[sflag:s3] =	ssyncadd.s32 $0xFFFFFB80  }
0x29: {  	[tilespmem:s7], [sflag:$0x1] =	stream.indirect.gather [hbm4b:s5+s6], $0x80, s2, s6, $0xb8;
	[tilespmem:$0x18480] =	vst v63  }
0x2a: {  	_ = 	snop  }
0x2b: {  	[tilespmem:s8], [sflag:$0x2] =	stream.indirect.gather [hbm4b:s5+s6], $0x80, s6, s6, $0xb8;
	[tilespmem:$0x18480] =	vst v63  }
0x2c: {  	_ =	swait.ge [sflag:s9], $0xC000  }
0x2d: {  	[sflag:s9] =	ssyncset.done $0x0  }
0x2e: {  	[sflag:s9] =	ssyncadd.s32 $0xFFFF4000  }
0x2f: {  	[hbm4b:s10+s2] =	stream.linear.scatter [tilespmem:s7], [sflag:$0x3], $0xC000, $0x38;
	[tilespmem:$0x18480] =	vst v63  }
0x30: {  	_ =	swait.ge [sflag:s3], $0xC000  }
0x31: {  	[sflag:s3] =	ssyncset.done $0x0  }
0x32: {  	[sflag:s3] =	ssyncadd.s32 $0xFFFF4000  }
0x33: {  	[tilespmem:s7], [sflag:$0x1] =	stream.indirect.gather [hbm4b:s5+s6], $0x80, s11, s6, $0xb8;
	[tilespmem:$0x18480] =	vst v63  }
0x34: {  	_ =	swait.ge [sflag:s12], $0xC000  }
0x35: {  	[sflag:s12] =	ssyncset.done $0x0  }
0x36: {  	[sflag:s12] =	ssyncadd.s32 $0xFFFF4000  }
0x37: {  	[hbm4b:s13+s2] =	stream.linear.scatter [tilespmem:s8], [sflag:$0x3], $0xC000, $0x38;
	[tilespmem:$0x18480] =	vst v63  }
0x38: {  	_ =	swait.ge [sflag:s3], $0xC000  }
0x39: {  	[sflag:s3] =	ssyncset.done $0x0  }
0x3a: {  	[sflag:s3] =	ssyncadd.s32 $0xFFFF4000  }
0x3b: {  	_ =	swait.ge [sflag:s9], $0xC000  }
.Ltmp1:
0x3c: {  	[sflag:s9] =	ssyncset.done $0x0;
	(pc) =	sbr.rel @p0 .LBB2_1-.Ltmp1, $4  }
0x3d: {  	[sflag:s9] =	ssyncadd.s32 $0xFFFF4000  }
0x3e: {  	[hbm4b:s14+s2] =	stream.linear.scatter [tilespmem:s7], [sflag:$0x3], $0xC000, $0x38;
	[tilespmem:$0x18480] =	vst v63  }
0x3f: {  	_ =	swait.ge [sflag:s3], $0xC000  }
0x40: {  	[sflag:s3] =	ssyncset.done $0x0  }
.LBB2_2:
0x41: {  	[sflag:s3] =	ssyncadd.s32 $0xFFFF4000  }
0x42: {  	_ =	sfence.sel $0x180000  }
0x43: {  	[bflag:$0x0] =	sbarrier.arrive $0xFFFF  }
0x44: {  	p0 =	sne.s32 s0, $0x0;
	_ =	strace $0x90000056  }
0x45: {  	s0 =	sadd.s32 @!p0 $0x100000, s1;
	[bflag:$0x2] =	sbarrier.arrive $0xFFFF  }
0x46: {  	[sflag:s0] =	ssyncadd.tile.s32 @!p0 $0x1;
	_ =	shalt  }
.Lfunc_end2:
_tile_overlayer_lowered:
.L_overlay_start_2:
0x47: {  	(tag) =	ssettag $0x2  }
0x48: {  	s0 =	rddreg [dreg:$0x0];
	s2 =	stileid.u32  }
0x49: {  	s1 =	rddreg [dreg:$0x1];
	p0 =	sne.s32 s2, $0x0  }
0x4a: {  	s3 =	rddreg [dreg:$0x2];
	[bflag:$0x3] =	sbarrier.arrive $0xFFFF;
	s2 =	simm.s32 @!p0 $0x1C03  }
0x4b: {  	[timem:s3], [sflag:s2] =	dma.local @!p0 [hbm:s0], s1  }
0x4c: {  	s0 =	simm.s32 @!p0 $0x3  }
0x4d: {  	_ =	swait.ge @!p0 [sflag:s0], s1  }
0x4e: {  	s1 =	ssub.s32 @!p0 $0x0, s1;
	[sflag:s0] =	ssyncset.done @!p0 $0x0  }
0x4f: {  	[sflag:s0] =	ssyncadd.s32 @!p0 s1  }
0x50: {  	[bflag:$0x3] =	sbarrier.arrive $0xFFFF  }
0x51: {  	_ =	shalt  }

// kernel: kernel.32.cloned.1.call-start
scs
__scs_entry_jumppad:
0x0: {  	(pc) =	sbr.rel $0x88, $3  }
0x1: {  	(tag) =	ssettag $0x0;
	lr =	simm.s32 $0x1  }
0x2: {  	[smem:$0x3F91] =	sst lr;
	_ =	strace $0xD0000000  }
0x3: {  	_ = 	snop  }
0x4: {  	_ = 	snop  }
0x5: {  	_ = 	snop  }
0x6: {  	_ = 	snop  }
0x7: {  	_ = 	snop  }
__scs_overlays_trampoline_lowered:
0x8: {  	[smem:$0x3FA0] =	sst s0  }
0x9: {  	[smem:$0x3FA1] =	sst s1  }
0xa: {  	[smem:$0x3FA2] =	sst s2  }
0xb: {  	[smem:$0x3FA3] =	sst s3  }
0xc: {  	[smem:$0x3FA4] =	sst s4  }
0xd: {  	[smem:$0x3FA5] =	sst s5  }
0xe: {  	[smem:$0x3FA6] =	sst s6  }
0xf: {  	[smem:$0x3FA7] =	sst s7  }
0x10: {  	[smem:$0x3FA8] =	sst s8  }
0x11: {  	[smem:$0x3FA9] =	sst s9;
	s0 =	simm.s32 @!p0 $0x0  }
0x12: {  	s1 =	sld [smem:$0x3F8F];
	s0 =	simm.s32 @p0 $0x1  }
0x13: {  	[smem:$0x3FAA] =	sst s0;
	s0 =	simm.s32 @!p1 $0x0  }
0x14: {  	s2 =	sld [smem:$0x3F8E];
	s0 =	simm.s32 @p1 $0x1  }
0x15: {  	[smem:$0x3FAB] =	sst s0;
	s0 =	simm.s32 @!p2 $0x0  }
0x16: {  	s3 =	sld [smem:$0x3FDB];
	s0 =	simm.s32 @p2 $0x1  }
0x17: {  	s4 =	simm.s32 $0x1BF5;
	[smem:$0x3FAD] =	sst s0  }
0x18: {  	s0 =	sld [smem:$0x3F90];
	_ =	swait.ge [sflag:s4], $0x0  }
0x19: {  	s7 =	sld [smem:$0x3F91]  }
0x1a: {  	s8 =	sadd.s32 $0xFFFFE003, lr  }
0x1b: {  	s9 =	sadd.s32 $0xFFFFFEF7, lr;
	s5 =	simm.s32 $0xFFFFFFFF;
	p2 =	slt.u32 s8, $0xFFFFF086  }
0x1c: {  	p1 =	slt.u32 s9, $0xF7A;
	s5 =	simm.s32 @!p2 $0x0  }
0x1d: {  	s5 =	simm.s32 @p1 $0x1;
	p0 =	seq.s32 s7, s2  }
0x1e: {  	s7 =	smul.u32 @!p0 $0xF7A, s2;
	p2 =	seq.s32 @!p0 s5, $0x0  }
0x1f: {  	s9 =	smul.u32 $0xF7A, s1;
	s8 =	simm.s32 @!p0 $0x1BF5;
	p2 =	por !p2, p0  }
0x20: {  	[sflag:s8] =	ssyncset.s32 @!p0 $0xFFFFF086;
	s6 =	sadd.s32 @!p0 s3, s7;
	s7 =	simm.s32 @!p0 $0x108  }
0x21: {  	s3 =	sadd.s32 s3, s9;
	s6 =	sadd.s32 @!p0 $0x88, s6;
	s7 =	simm.s32 @p2 $0x1082  }
0x22: {  	[simem:s7], [sflag:s8] =	dma.local @!p0 [hbm:s6], $0xF7A  }
0x23: {  	s9 =	sor.u32 $0xD0000000, s2;
	s6 =	simm.s32 $0x108;
	_ =	swait.ge @!p0 [sflag:s8], $0x0  }
0x24: {  	s3 =	sadd.s32 $0x88, s3;
	s6 =	simm.s32 @!p1 $0x1082;
	[sflag:s4] =	ssyncset.s32 $0xFFFFF086  }
0x25: {  	[simem:s6], [sflag:s4] =	dma.local [hbm:s3], $0xF7A  }
0x26: {  	[smem:$0x3F91] =	sst s1;
	(tag) =	ssettag s2;
	_ =	strace s9  }
0x27: {  	s1 =	sld [smem:$0x3FA1]  }
0x28: {  	s2 =	sld [smem:$0x3FA2]  }
0x29: {  	s4 =	sld [smem:$0x3FA4]  }
0x2a: {  	p0 =	seq.s32 s5, $0x0;
	s5 =	sld [smem:$0x3FA5]  }
0x2b: {  	s6 =	sld [smem:$0x3FA6]  }
0x2c: {  	s7 =	sld [smem:$0x3FA7]  }
0x2d: {  	s3 =	simm.s32 $0x108;
	s8 =	sld [smem:$0x3FA8]  }
0x2e: {  	s3 =	simm.s32 @!p0 $0x1082;
	s9 =	sld [smem:$0x3FA9]  }
0x2f: {  	lr =	sadd.s32 s0, s3;
	s0 =	sld [smem:$0x3FA0]  }
0x30: {  	s3 =	sld [smem:$0x3FA3]  }
0x31: {  	[smem:$0x3FAC] =	sst s10  }
0x32: {  	s10 =	sld [smem:$0x3FAA];
	_ =	sdelay $0x3  }
0x33: {  	p0 =	seq.s32 s10, $0x1;
	s10 =	sld [smem:$0x3FAC];
	_ =	sdelay $0x3  }
0x34: {  	[smem:$0x3FAC] =	sst s10  }
0x35: {  	s10 =	sld [smem:$0x3FAB];
	_ =	sdelay $0x3  }
0x36: {  	p1 =	seq.s32 s10, $0x1;
	s10 =	sld [smem:$0x3FAC];
	_ =	sdelay $0x3  }
0x37: {  	[smem:$0x3FAC] =	sst s10  }
0x38: {  	s10 =	sld [smem:$0x3FAD]  }
0x39: {  	_ = 	snop;
	(pc) =	sbr.ind lr, $3  }
0x3a: {  	_ = 	snop  }
0x3b: {  	_ = 	snop  }
0x3c: {  	p2 =	seq.s32 s10, $0x1;
	s10 =	sld [smem:$0x3FAC]  }
0x3d: {  	_ =	shalt  }
0x3e: {  	_ =	shalt  }
0x3f: {  	_ =	shalt  }
0x40: {  	_ =	shalt  }
0x41: {  	_ =	shalt  }
0x42: {  	_ =	shalt  }
0x43: {  	_ =	shalt  }
0x44: {  	_ =	shalt  }
0x45: {  	_ =	shalt  }
0x46: {  	_ =	shalt  }
0x47: {  	_ =	shalt  }
0x48: {  	_ =	shalt  }
0x49: {  	_ =	shalt  }
0x4a: {  	_ =	shalt  }
0x4b: {  	_ =	shalt  }
0x4c: {  	_ =	shalt  }
0x4d: {  	_ =	shalt  }
0x4e: {  	_ =	shalt  }
0x4f: {  	_ =	shalt  }
0x50: {  	_ =	shalt  }
0x51: {  	_ =	shalt  }
0x52: {  	_ =	shalt  }
0x53: {  	_ =	shalt  }
0x54: {  	_ =	shalt  }
0x55: {  	_ =	shalt  }
0x56: {  	_ =	shalt  }
0x57: {  	_ =	shalt  }
0x58: {  	_ =	shalt  }
0x59: {  	_ =	shalt  }
0x5a: {  	_ =	shalt  }
0x5b: {  	_ =	shalt  }
0x5c: {  	_ =	shalt  }
0x5d: {  	_ =	shalt  }
0x5e: {  	_ =	shalt  }
0x5f: {  	_ =	shalt  }
0x60: {  	_ =	shalt  }
0x61: {  	_ =	shalt  }
0x62: {  	_ =	shalt  }
0x63: {  	_ =	shalt  }
0x64: {  	_ =	shalt  }
0x65: {  	_ =	shalt  }
0x66: {  	_ =	shalt  }
0x67: {  	_ =	shalt  }
0x68: {  	_ =	shalt  }
0x69: {  	_ =	shalt  }
0x6a: {  	_ =	shalt  }
0x6b: {  	_ =	shalt  }
0x6c: {  	_ =	shalt  }
0x6d: {  	_ =	shalt  }
0x6e: {  	_ =	shalt  }
0x6f: {  	_ =	shalt  }
0x70: {  	_ =	shalt  }
0x71: {  	_ =	shalt  }
0x72: {  	_ =	shalt  }
0x73: {  	_ =	shalt  }
0x74: {  	_ =	shalt  }
0x75: {  	_ =	shalt  }
0x76: {  	_ =	shalt  }
0x77: {  	_ =	shalt  }
0x78: {  	_ =	shalt  }
0x79: {  	_ =	shalt  }
0x7a: {  	_ =	shalt  }
0x7b: {  	_ =	shalt  }
0x7c: {  	_ =	shalt  }
0x7d: {  	_ =	shalt  }
0x7e: {  	_ =	shalt  }
0x7f: {  	_ =	shalt  }
0x80: {  	_ =	shalt  }
0x81: {  	_ =	shalt  }
0x82: {  	_ =	shalt  }
0x83: {  	_ =	shalt  }
0x84: {  	_ =	shalt  }
0x85: {  	_ =	shalt  }
0x86: {  	_ =	shalt  }
0x87: {  	_ =	shalt  }
.Lfunc_end0:
.L_simem_size_0:
called_computation.5_lowered:
.L_overlay_start_0:
0x88: {  	s2 =	sld [smem:$0x3FD9]  }
0x89: {  	s3 =	sld [smem:$0x3FFE];
	_ =	sdelay $0x1  }
0x8a: {  	s1 =	srdreg.scid  }
0x8b: {  	s0 =	sand.u32 $0x1, s1  }
0x8c: {  	s17 =	sshll.u32 s0, $0xA;
	s2 =	sadd.s32 s3, s2  }
0x8d: {  	s2 =	sadd.s32 s2, s17  }
0x8e: {  	[smem:$0x3FB8] =	sst s2  }
0x8f: {  	_ = 	snop  }
0x90: {  	s2 =	sld [smem:$0x3FD0];
	(tm) =	ssettm $0x1  }
0x91: {  	s18 =	sld [smem:$0x3FFB];
	_ =	sdelay $0x3  }
0x92: {  	_ =	strace s18  }
0x93: {  	s3 =	sld [smem:$0x3FFC];
	_ =	sdelay $0x3  }
0x94: {  	_ =	strace s3  }
0x95: {  	s3 =	sld [smem:$0x3FFD];
	_ =	sdelay $0x3  }
0x96: {  	_ =	strace s3  }
0x97: {  	_ =	strace $0x8FFFFFFF  }
0x98: {  	s19 =	sld [smem:$0x3FDB];
	_ =	sdelay $0x1  }
0x99: {  	s4 =	simm.s32 $_scs_section_size  }
0x9a: {  	s5 =	simm.s32 $_size__tile_overlayer_lowered;
	s6 =	simm.s32 $_tile_overlayer_lowered  }
0x9b: {  	s22 =	simm.s32 $0x1BFF;
	s21 =	sshll.u32 s6, $0x1;
	s3 =	sadd.s32 s4, s19  }
0x9c: {  	s7 =	simm.s32 $0x0;
	s20 =	sshll.u32 s5, $0x1;
	s5 =	sadd.s32 s21, s3  }
0x9d: {  	[timem:s7], [sflag:s22] =	dma.local [hbm:s5], s20  }
0x9e: {  	_ =	swait.ge [sflag:s22], s20  }
0x9f: {  	s4 =	ssub.s32 $0x0, s20;
	[sflag:s22] =	ssyncset.done $0x0  }
0xa0: {  	[sflag:s22] =	ssyncadd.s32 s4;
	_ =	sdelay $0x1  }
0xa1: {  	s23 =	simm.s32 $0x1B8B  }
0xa2: {  	_ =	swait.ge [sflag:s23], $0x1  }
0xa3: {  	[sflag:s23] =	ssyncset.done $0x0  }
0xa4: {  	s25 =	simm.s32 $0x1B8E;
	s24 =	sld [smem:$0x3FFE];
	[sflag:s23] =	ssyncadd.s32 $0xFFFFFFFF  }
0xa5: {  	s26 =	simm.s32 $execute0_lowered;
	[smem:$0x3FD2] =	sst s25  }
0xa6: {  	s5 =	sshll.u32 s26, $0x1;
	_ =	strace $0x80000052;
	[dreg:$0x1] =	wrdreg $0xFFFFFFFF  }
0xa7: {  	s28 =	simm.s32 $_size_execute0_lowered;
	s3 =	sadd.s32 s3, s5;
	[dreg:$0x0] =	wrdreg $0x0  }
0xa8: {  	s5 =	sshll.u32 s28, $0x1;
	[dreg:$0x2] =	wrdreg s3  }
0xa9: {  	[dreg:$0x3] =	wrdreg s5  }
0xaa: {  	[dreg:$0x4] =	wrdreg $0xC0  }
0xab: {  	_ =	task [dreg:s7], $0x5FFFF  }
0xac: {  	[dreg:$0x1] =	wrdreg $0xFFFFFFFF  }
0xad: {  	[dreg:$0x0] =	wrdreg $0x60  }
0xae: {  	[dreg:$0x2] =	wrdreg s24  }
0xaf: {  	[dreg:$0x3] =	wrdreg s2  }
0xb0: {  	[dreg:$0x4] =	wrdreg $0xA  }
0xb1: {  	_ =	task.clear_ibuf [dreg:s7], $0x5FFFF;
	_ =	strace $0x90000052  }
0xb2: {  	s29 =	simm.s32 $0xA;
	_ =	strace $0x80000054  }
0xb3: {  	_ =	swait.ge [sflag:s29], $0x1  }
0xb4: {  	[sflag:s29] =	ssyncadd.s32 $0xFFFFFFFF  }
0xb5: {  	_ =	strace $0x90000054  }
0xb6: {  	_ =	sfence  }
0xb7: {  	s30 =	sld [smem:$0x0];
	_ =	sdelay $0x2  }
0xb8: {  	s31 =	sshll.u32 s1, $0xD;
	s1 =	sshrl.u32 s1, $0x2  }
0xb9: {  	s3 =	sand.u32 $0x4000, s31;
	s1 =	sadd.s32 s1, s30  }
0xba: {  	s0 =	sor.u32 s3, s0;
	s1 =	sshll.u32 s1, $0x11  }
0xbb: {  	s0 =	sor.u32 s1, s0  }
0xbc: {  	s0 =	sadd.s32 $0x8F2B, s0  }
0xbd: {  	[sflag:s0] =	ssyncadd.remote.s32 $0x1  }
0xbe: {  	_ =	sfence.sel $0xFFFF  }
0xbf: {  	[dreg:$0x0] =	wrdreg $0xFFFFFFFF;
	(pc) =	sbr.abs _section_cstart, $3  }
0xc0: {  	[dreg:$0x1] =	wrdreg $0xFFFFFFFF  }
0xc1: {  	_ =	task.clear_ibuf [dreg:s7], $0x2FFFF;
	_ =	strace $0x9FFFFFFF  }
0xc2: {  	(tm) =	ssettm $0x7FFFFFFF  }
0xc3: {  	_ =	shalt  }
tec
execute0_lowered:
.L_overlay_start_1:
0x0: {  	(tag) =	ssettag $0x1  }
0x1: {  	s1 =	srdreg.scid;
	s0 =	stileid.u32  }
0x2: {  	s10 =	rddreg [dreg:$0x0];
	s14 =	sand.u32 $0x1, s1;
	s30 =	sshll.u32 s0, $0x1  }
0x3: {  	s3 =	rddreg [dreg:$0x1];
	s11 =	sor.u32 s14, s30  }
0x4: {  	s2 =	simm.s32 $0x0;
	s1 =	rddreg [dreg:$0x2];
	s4 =	smul.u32 $0x90, s11  }
0x5: {  	[smem:$0x7FF] =	sst s2  }
0x6: {  	_ =	strace $0x80000053;
	s4 =	sadd.s32 s3, s4;
	s3 =	simm.s32 $0x3  }
0x7: {  	[tilespmem:s2], [sflag:$0x3] =	stream.linear.gather [hbm4b:s4+s2], $0x480, $0x38;
	[tilespmem:$0x18480] =	vst v63  }
0x8: {  	_ =	swait.ge [sflag:s3], $0x480  }
0x9: {  	s6 =	simm.s32 $0x180;
	[sflag:s3] =	ssyncset.done $0x0  }
0xa: {  	s7 =	simm.s32 $0x480;
	s5 =	sadd.s32 $0xBA200, s10;
	[sflag:s3] =	ssyncadd.s32 $0xFFFFFB80  }
0xb: {  	[tilespmem:s7], [sflag:$0x1] =	stream.indirect.gather [hbm4b:s5+s6], $0x80, s2, s6, $0xb8;
	[tilespmem:$0x18480] =	vst v63  }
0xc: {  	s8 =	simm.s32 $0xC480;
	s9 =	simm.s32 $0x1  }
0xd: {  	[tilespmem:s8], [sflag:$0x2] =	stream.indirect.gather [hbm4b:s5+s6], $0x80, s6, s6, $0xb8;
	[tilespmem:$0x18480] =	vst v63  }
0xe: {  	s12 =	smul.u32 $0x4800, s11;
	_ =	swait.ge [sflag:s9], $0xC000  }
0xf: {  	s13 =	sadd.s32 $0x5000, s10;
	[sflag:s9] =	ssyncset.done $0x0  }
0x10: {  	s10 =	sadd.s32 s13, s12;
	[sflag:s9] =	ssyncadd.s32 $0xFFFF4000  }
0x11: {  	[hbm4b:s10+s2] =	stream.linear.scatter [tilespmem:s7], [sflag:$0x3], $0xC000, $0x38;
	[tilespmem:$0x18480] =	vst v63  }
0x12: {  	_ =	swait.ge [sflag:s3], $0xC000  }
0x13: {  	s15 =	smul.u32 $0x24000, s11;
	[sflag:s3] =	ssyncset.done $0x0  }
0x14: {  	s11 =	simm.s32 $0x300;
	s12 =	simm.s32 $0x2;
	[sflag:s3] =	ssyncadd.s32 $0xFFFF4000  }
0x15: {  	[tilespmem:s7], [sflag:$0x1] =	stream.indirect.gather [hbm4b:s5+s6], $0x80, s11, s6, $0xb8;
	[tilespmem:$0x18480] =	vst v63  }
0x16: {  	s15 =	sshrl.u32 s15, $0x3;
	_ =	swait.ge [sflag:s12], $0xC000  }
0x17: {  	s15 =	sadd.s32 s13, s15;
	[sflag:s12] =	ssyncset.done $0x0  }
0x18: {  	s14 =	ssub.s32 $0x2, s14;
	s13 =	sadd.s32 $0x1800, s15;
	[sflag:s12] =	ssyncadd.s32 $0xFFFF4000  }
0x19: {  	[hbm4b:s13+s2] =	stream.linear.scatter [tilespmem:s8], [sflag:$0x3], $0xC000, $0x38;
	[tilespmem:$0x18480] =	vst v63  }
0x1a: {  	s16 =	sshrl.u32 s14, $0x1;
	_ =	swait.ge [sflag:s3], $0xC000  }
0x1b: {  	s16 =	ssub.s32 s14, s16;
	[sflag:s3] =	ssyncset.done $0x0  }
0x1c: {  	s31 =	smax.u32 s16, $0x1;
	[sflag:s3] =	ssyncadd.s32 $0xFFFF4000  }
0x1d: {  	p0 =	sne.s32 s31, $0x1;
	_ =	swait.ge [sflag:s9], $0xC000  }
.Ltmp0:
0x1e: {  	[sflag:s9] =	ssyncset.done $0x0;
	(pc) =	sbr.rel @!p0 .LBB2_2-.Ltmp0, $4  }
0x1f: {  	s14 =	sadd.s32 $0x3000, s15;
	[sflag:s9] =	ssyncadd.s32 $0xFFFF4000  }
0x20: {  	[hbm4b:s14+s2] =	stream.linear.scatter [tilespmem:s7], [sflag:$0x3], $0xC000, $0x38;
	[tilespmem:$0x18480] =	vst v63  }
0x21: {  	_ =	swait.ge [sflag:s3], $0xC000  }
0x22: {  	s15 =	sadd.s32 $0xFFFFFFFF, s31;
	[sflag:s3] =	ssyncset.done $0x0  }
.LBB2_1:
0x23: {  	p0 =	sne.s32 s15, $0x1;
	s15 =	sadd.s32 $0xFFFFFFFF, s15;
	[sflag:s3] =	ssyncadd.s32 $0xFFFF4000  }
0x24: {  	[tilespmem:s2], [sflag:$0x3] =	stream.linear.gather [hbm4b:s4+s2], $0x480, $0x38;
	[tilespmem:$0x18480] =	vst v63  }
0x25: {  	_ =	swait.ge [sflag:s3], $0x480  }
0x26: {  	[sflag:s3] =	ssyncset.done $0x0  }
0x27: {  	[sflag:s3] =	ssyncadd.s32 $0xFFFFFB80  }
0x28: {  	[tilespmem:s7], [sflag:$0x1] =	stream.indirect.gather [hbm4b:s5+s6], $0x80, s2, s6, $0xb8;
	[tilespmem:$0x18480] =	vst v63  }
0x29: {  	_ = 	snop  }
0x2a: {  	[tilespmem:s8], [sflag:$0x2] =	stream.indirect.gather [hbm4b:s5+s6], $0x80, s6, s6, $0xb8;
	[tilespmem:$0x18480] =	vst v63  }
0x2b: {  	_ =	swait.ge [sflag:s9], $0xC000  }
0x2c: {  	[sflag:s9] =	ssyncset.done $0x0  }
0x2d: {  	[sflag:s9] =	ssyncadd.s32 $0xFFFF4000  }
0x2e: {  	[hbm4b:s10+s2] =	stream.linear.scatter [tilespmem:s7], [sflag:$0x3], $0xC000, $0x38;
	[tilespmem:$0x18480] =	vst v63  }
0x2f: {  	_ =	swait.ge [sflag:s3], $0xC000  }
0x30: {  	[sflag:s3] =	ssyncset.done $0x0  }
0x31: {  	[sflag:s3] =	ssyncadd.s32 $0xFFFF4000  }
0x32: {  	[tilespmem:s7], [sflag:$0x1] =	stream.indirect.gather [hbm4b:s5+s6], $0x80, s11, s6, $0xb8;
	[tilespmem:$0x18480] =	vst v63  }
0x33: {  	_ =	swait.ge [sflag:s12], $0xC000  }
0x34: {  	[sflag:s12] =	ssyncset.done $0x0  }
0x35: {  	[sflag:s12] =	ssyncadd.s32 $0xFFFF4000  }
0x36: {  	[hbm4b:s13+s2] =	stream.linear.scatter [tilespmem:s8], [sflag:$0x3], $0xC000, $0x38;
	[tilespmem:$0x18480] =	vst v63  }
0x37: {  	_ =	swait.ge [sflag:s3], $0xC000  }
0x38: {  	[sflag:s3] =	ssyncset.done $0x0  }
0x39: {  	[sflag:s3] =	ssyncadd.s32 $0xFFFF4000  }
0x3a: {  	_ =	swait.ge [sflag:s9], $0xC000  }
.Ltmp1:
0x3b: {  	[sflag:s9] =	ssyncset.done $0x0;
	(pc) =	sbr.rel @p0 .LBB2_1-.Ltmp1, $4  }
0x3c: {  	[sflag:s9] =	ssyncadd.s32 $0xFFFF4000  }
0x3d: {  	[hbm4b:s14+s2] =	stream.linear.scatter [tilespmem:s7], [sflag:$0x3], $0xC000, $0x38;
	[tilespmem:$0x18480] =	vst v63  }
0x3e: {  	_ =	swait.ge [sflag:s3], $0xC000  }
0x3f: {  	[sflag:s3] =	ssyncset.done $0x0  }
.LBB2_2:
0x40: {  	[sflag:s3] =	ssyncadd.s32 $0xFFFF4000  }
0x41: {  	_ =	sfence.sel $0x180000  }
0x42: {  	[bflag:$0x0] =	sbarrier.arrive $0xFFFF  }
0x43: {  	p0 =	sne.s32 s0, $0x0;
	_ =	strace $0x90000053  }
0x44: {  	s0 =	sadd.s32 @!p0 $0x100000, s1;
	[bflag:$0x2] =	sbarrier.arrive $0xFFFF  }
0x45: {  	[sflag:s0] =	ssyncadd.tile.s32 @!p0 $0x1;
	_ =	shalt  }
.Lfunc_end2:
_tile_overlayer_lowered:
.L_overlay_start_2:
0x46: {  	(tag) =	ssettag $0x2  }
0x47: {  	s0 =	rddreg [dreg:$0x0];
	s2 =	stileid.u32  }
0x48: {  	s1 =	rddreg [dreg:$0x1];
	p0 =	sne.s32 s2, $0x0  }
0x49: {  	s3 =	rddreg [dreg:$0x2];
	[bflag:$0x3] =	sbarrier.arrive $0xFFFF;
	s2 =	simm.s32 @!p0 $0x1C03  }
0x4a: {  	[timem:s3], [sflag:s2] =	dma.local @!p0 [hbm:s0], s1  }
0x4b: {  	s0 =	simm.s32 @!p0 $0x3  }
0x4c: {  	_ =	swait.ge @!p0 [sflag:s0], s1  }
0x4d: {  	s1 =	ssub.s32 @!p0 $0x0, s1;
	[sflag:s0] =	ssyncset.done @!p0 $0x0  }
0x4e: {  	[sflag:s0] =	ssyncadd.s32 @!p0 s1  }
0x4f: {  	[bflag:$0x3] =	sbarrier.arrive $0xFFFF  }
0x50: {  	_ =	shalt  }

</sc_bundles>
